<compile_context>
chip_gen: v7x
topology: tpu7x:2x2x1
jax: 0.10.2.dev20260603
libtpu: 0.0.44.dev20260713+nightly
codegen_flags: <defaults>
</compile_context>

<pallas_src>
import functools

import jax
import jax.numpy as jnp
from jax import lax
from jax.experimental import pallas as pl
from jax.experimental.pallas import tpu as pltpu
from jax.experimental.pallas import tpu_sc as plsc

N = 10000
G = 16
D = 128
D_HID = 256
D_OUT = 64

N_PAD = 10240
E_PAD = 327680
CH = 128
NC, NS = 2, 16
NW = NC * NS
NCHUNK = E_PAD // CH
CPT = NCHUNK // NW

DEG_GRP = 8
RPT = N_PAD // NS

BLK = 2048
F32 = jnp.float32

_MESH = plsc.VectorSubcoreMesh(
    core_axis_name="c", subcore_axis_name="s", num_cores=NC, num_subcores=NS)



def _sc_deg_body(didx_hbm, ones_hbm, zeros_hbm, out_hbm, didx_v, ones_v, acc,
                 sem):
    c = lax.axis_index("c")
    s = lax.axis_index("s")
    wid = c * NS + s
    pltpu.sync_copy(zeros_hbm.at[pl.ds(s * RPT, RPT)],
                    acc.at[pl.ds(s * RPT, RPT)])
    pltpu.sync_copy(didx_hbm.at[pl.ds(wid * CPT, CPT)], didx_v)
    pltpu.sync_copy(ones_hbm, ones_v)
    plsc.subcore_barrier()

    def grp(gi, carry):
        base = gi * DEG_GRP
        for k in range(DEG_GRP):
            pltpu.sync_copy(ones_v, acc.at[didx_v.at[base + k]], add=True)
        return carry

    lax.fori_loop(0, CPT // DEG_GRP, grp, 0)
    plsc.subcore_barrier()
    pltpu.sync_copy(acc.at[pl.ds(s * RPT, RPT)],
                    out_hbm.at[c, pl.ds(s * RPT, RPT)])


_sc_deg = functools.partial(
    pl.kernel,
    out_type=jax.ShapeDtypeStruct((NC, N_PAD, D), F32),
    mesh=_MESH,
    scratch_types=[
        pltpu.VMEM((CPT, CH), jnp.int32),
        pltpu.VMEM((CH, D), F32),
        pltpu.VMEM_SHARED((N_PAD, D), F32),
        pltpu.SemaphoreType.DMA,
    ],
)(_sc_deg_body)


def _sc_scatter_body(g_hbm, sidx_hbm, didx_hbm, zeros_hbm, out_hbm,
                     sring, dring, buf0, buf1, acc, semA, semB, semI):
    c = lax.axis_index("c")
    s = lax.axis_index("s")
    base = (c * NS + s) * CPT

    pltpu.sync_copy(zeros_hbm.at[pl.ds(s * RPT, RPT)],
                    acc.at[pl.ds(s * RPT, RPT)])
    plsc.subcore_barrier()

    pltpu.sync_copy(sidx_hbm.at[pl.ds(base, 8)], sring)
    pltpu.sync_copy(didx_hbm.at[pl.ds(base, 8)], dring)
    pltpu.async_copy(g_hbm.at[sring.at[0]], buf0, semA)
    pltpu.async_copy(g_hbm.at[sring.at[1]], buf1, semB)
    pltpu.async_copy(sidx_hbm.at[base + 6], sring.at[6], semI)
    pltpu.async_copy(sidx_hbm.at[base + 7], sring.at[7], semI)
    pltpu.async_copy(didx_hbm.at[base + 6], dring.at[6], semI)
    pltpu.async_copy(didx_hbm.at[base + 7], dring.at[7], semI)

    def pair(j, carry):
        c0 = 2 * j
        for _ in range(4):
            pltpu.make_async_copy(didx_hbm.at[base], dring.at[0],
                                  semI).wait()
        pltpu.make_async_copy(g_hbm.at[sring.at[0]], buf0, semA).wait()
        pltpu.sync_copy(buf0, acc.at[dring.at[lax.rem(c0, 8)]], add=True)
        pltpu.async_copy(g_hbm.at[sring.at[lax.rem(c0 + 2, 8)]], buf0, semA)
        pltpu.async_copy(sidx_hbm.at[base + c0 + 8],
                         sring.at[lax.rem(c0, 8)], semI)
        pltpu.async_copy(didx_hbm.at[base + c0 + 8],
                         dring.at[lax.rem(c0, 8)], semI)
        c1 = c0 + 1
        pltpu.make_async_copy(g_hbm.at[sring.at[0]], buf1, semB).wait()
        pltpu.sync_copy(buf1, acc.at[dring.at[lax.rem(c1, 8)]], add=True)
        pltpu.async_copy(g_hbm.at[sring.at[lax.rem(c1 + 2, 8)]], buf1, semB)
        pltpu.async_copy(sidx_hbm.at[base + c1 + 8],
                         sring.at[lax.rem(c1, 8)], semI)
        pltpu.async_copy(didx_hbm.at[base + c1 + 8],
                         dring.at[lax.rem(c1, 8)], semI)
        return carry

    lax.fori_loop(0, CPT // 2 - 1, pair, 0)

    for _ in range(4):
        pltpu.make_async_copy(didx_hbm.at[base], dring.at[0], semI).wait()
    last = CPT - 2
    pltpu.make_async_copy(g_hbm.at[sring.at[0]], buf0, semA).wait()
    pltpu.sync_copy(buf0, acc.at[dring.at[lax.rem(last, 8)]], add=True)
    pltpu.make_async_copy(g_hbm.at[sring.at[0]], buf1, semB).wait()
    pltpu.sync_copy(buf1, acc.at[dring.at[lax.rem(last + 1, 8)]], add=True)

    plsc.subcore_barrier()
    pltpu.sync_copy(acc.at[pl.ds(s * RPT, RPT)],
                    out_hbm.at[c, pl.ds(s * RPT, RPT)])


_sc_scatter = functools.partial(
    pl.kernel,
    out_type=jax.ShapeDtypeStruct((NC, N_PAD, D), F32),
    mesh=_MESH,
    scratch_types=[
        pltpu.VMEM((8, CH), jnp.int32),
        pltpu.VMEM((8, CH), jnp.int32),
        pltpu.VMEM((CH, D), F32),
        pltpu.VMEM((CH, D), F32),
        pltpu.VMEM_SHARED((N_PAD, D), F32),
        pltpu.SemaphoreType.DMA,
        pltpu.SemaphoreType.DMA,
        pltpu.SemaphoreType.DMA,
    ],
)(_sc_scatter_body)



def _tc_prep_body(x_ref, degp_ref, w_ref, g_ref, dis_ref):
    degp = degp_ref[...]
    deg = degp[0, :, 0:1] + degp[1, :, 0:1] + 1.0
    dis = jnp.broadcast_to(lax.rsqrt(deg), (BLK, D))
    dis_ref[...] = dis
    g_ref[...] = dis * jnp.dot(x_ref[...], w_ref[...],
                               preferred_element_type=F32)


_tc_prep = pl.pallas_call(
    _tc_prep_body,
    grid=(N_PAD // BLK,),
    in_specs=[
        pl.BlockSpec((BLK, D), lambda i: (i, 0)),
        pl.BlockSpec((NC, BLK, D), lambda i: (0, i, 0)),
        pl.BlockSpec((D, D), lambda i: (0, 0)),
    ],
    out_specs=[
        pl.BlockSpec((BLK, D), lambda i: (i, 0)),
        pl.BlockSpec((BLK, D), lambda i: (i, 0)),
    ],
    out_shape=[
        jax.ShapeDtypeStruct((N_PAD, D), F32),
        jax.ShapeDtypeStruct((N_PAD, D), F32),
    ],
)


def _tc_mid_body(p_ref, gprev_ref, dis_ref, b_ref, w_ref, gnext_ref):
    p = p_ref[...]
    dis = dis_ref[...]
    acc = p[0] + p[1] + gprev_ref[...]
    t = jnp.maximum(dis * acc + b_ref[...], 0.0)
    gnext_ref[...] = dis * jnp.dot(t, w_ref[...], preferred_element_type=F32)


_tc_mid = pl.pallas_call(
    _tc_mid_body,
    grid=(N_PAD // BLK,),
    in_specs=[
        pl.BlockSpec((NC, BLK, D), lambda i: (0, i, 0)),
        pl.BlockSpec((BLK, D), lambda i: (i, 0)),
        pl.BlockSpec((BLK, D), lambda i: (i, 0)),
        pl.BlockSpec((1, D), lambda i: (0, 0)),
        pl.BlockSpec((D, D), lambda i: (0, 0)),
    ],
    out_specs=pl.BlockSpec((BLK, D), lambda i: (i, 0)),
    out_shape=jax.ShapeDtypeStruct((N_PAD, D), F32),
)


def _tc_final_body(p_ref, g2_ref, dis_ref, b_ref, batch_ref,
                   wd0_ref, bd0_ref, wd1_ref, bd1_ref, out_ref,
                   sums_ref, cnts_ref):
    i = pl.program_id(0)

    @pl.when(i == 0)
    def _():
        sums_ref[...] = jnp.zeros_like(sums_ref)
        cnts_ref[...] = jnp.zeros_like(cnts_ref)

    p = p_ref[...]
    h3 = jnp.maximum(dis_ref[...] * (p[0] + p[1] + g2_ref[...]) + b_ref[...],
                     0.0)
    grp_ids = lax.broadcasted_iota(jnp.int32, (BLK, G), 1)
    oh = (batch_ref[...] == grp_ids).astype(F32)
    dims = (((0,), (0,)), ((), ()))
    sums_ref[...] += lax.dot_general(oh, h3, dims,
                                     preferred_element_type=F32)
    cnts_ref[...] += lax.dot_general(oh, jnp.ones((BLK, D), F32), dims,
                                     preferred_element_type=F32)

    @pl.when(i == pl.num_programs(0) - 1)
    def _():
        pooled = sums_ref[...] / jnp.maximum(cnts_ref[...], 1.0)
        h = jnp.maximum(
            jnp.dot(pooled, wd0_ref[...], preferred_element_type=F32)
            + bd0_ref[...], 0.0)
        out_ref[...] = (jnp.dot(h, wd1_ref[...], preferred_element_type=F32)
                        + bd1_ref[...])


_tc_final = pl.pallas_call(
    _tc_final_body,
    grid=(N_PAD // BLK,),
    in_specs=[
        pl.BlockSpec((NC, BLK, D), lambda i: (0, i, 0)),
        pl.BlockSpec((BLK, D), lambda i: (i, 0)),
        pl.BlockSpec((BLK, D), lambda i: (i, 0)),
        pl.BlockSpec((1, D), lambda i: (0, 0)),
        pl.BlockSpec((BLK, 1), lambda i: (i, 0)),
        pl.BlockSpec((D, D_HID), lambda i: (0, 0)),
        pl.BlockSpec((1, D_HID), lambda i: (0, 0)),
        pl.BlockSpec((D_HID, D_OUT), lambda i: (0, 0)),
        pl.BlockSpec((1, D_OUT), lambda i: (0, 0)),
    ],
    out_specs=pl.BlockSpec((G, D_OUT), lambda i: (0, 0)),
    out_shape=jax.ShapeDtypeStruct((G, D_OUT), F32),
    scratch_shapes=[
        pltpu.VMEM((G, D), F32),
        pltpu.VMEM((G, D), F32),
    ],
)



def kernel(x, edge_index, batch, Wc0, bc0, Wc1, bc1, Wc2, bc2,
           Wd0, bd0, Wd1, bd1):
    src = edge_index[0].astype(jnp.int32)
    dst = edge_index[1].astype(jnp.int32)
    e = src.shape[0]
    dummy = jnp.full((E_PAD - e,), N, jnp.int32)
    guard = jnp.full((8 * CH,), N, jnp.int32)
    sidx = jnp.concatenate([src, dummy, guard]).reshape(NCHUNK + 8, CH)
    didx = jnp.concatenate([dst, dummy, guard]).reshape(NCHUNK + 8, CH)
    x_pad = jnp.concatenate(
        [x.astype(F32), jnp.zeros((N_PAD - N, D), F32)])
    batch2d = jnp.concatenate(
        [batch.astype(jnp.int32),
         jnp.full((N_PAD - N,), G, jnp.int32)]).reshape(N_PAD, 1)
    zeros128 = jnp.zeros((N_PAD, D), F32)
    ones128 = jnp.ones((CH, D), F32)

    degp = _sc_deg(didx, ones128, zeros128)
    g0, dis = _tc_prep(x_pad, degp, Wc0)
    p = _sc_scatter(g0, sidx, didx, zeros128)
    g1 = _tc_mid(p, g0, dis, bc0.reshape(1, D), Wc1)
    p = _sc_scatter(g1, sidx, didx, zeros128)
    g2 = _tc_mid(p, g1, dis, bc1.reshape(1, D), Wc2)
    p = _sc_scatter(g2, sidx, didx, zeros128)
    out = _tc_final(p, g2, dis, bc2.reshape(1, D), batch2d,
                    Wd0, bd0.reshape(1, D_HID), Wd1, bd1.reshape(1, D_OUT))
    return out

# --- scband reference (transcript-rebuilt; emitter-appended) ---
"""Pipeline reference for scband-graph-conv-network-20968030339470 (READ-ONLY COPY).

The authoritative reference and input builder live on the scoring server;
editing this copy changes nothing except your own understanding.
"""

import jax, jax.numpy as jnp
import numpy as np

N = 10000
E = 320000
G = 16
D_IN = 128
D_MODEL = 128
D_HID = 256
D_OUT = 64


def _init_linear(key, fan_in, fan_out):
    k1, k2 = jax.random.split(key)
    bound = 1.0 / np.sqrt(fan_in)
    W = jax.random.uniform(k1, (fan_in, fan_out), minval=-bound, maxval=bound, dtype=jnp.float32)
    b = jax.random.uniform(k2, (fan_out,), minval=-bound, maxval=bound, dtype=jnp.float32)
    return W, b


def setup_inputs(seed: int = 0):
    key = jax.random.key(seed)
    ks = jax.random.split(key, 8)
    x = jax.random.normal(ks[0], (N, D_IN), dtype=jnp.float32)
    edge_index = jax.random.randint(ks[1], (2, E), 0, N)
    batch = jnp.sort(jax.random.randint(ks[2], (N,), 0, G))
    Wc0, bc0 = _init_linear(ks[3], D_IN, D_MODEL)
    Wc1, bc1 = _init_linear(ks[4], D_MODEL, D_MODEL)
    Wc2, bc2 = _init_linear(ks[5], D_MODEL, D_MODEL)
    Wd0, bd0 = _init_linear(ks[6], D_MODEL, D_HID)
    Wd1, bd1 = _init_linear(ks[7], D_HID, D_OUT)
    return {"x": x, "edge_index": edge_index, "batch": batch,
            "Wc0": Wc0, "bc0": bc0, "Wc1": Wc1, "bc1": bc1, "Wc2": Wc2, "bc2": bc2,
            "Wd0": Wd0, "bd0": bd0, "Wd1": Wd1, "bd1": bd1}


def _gcn_conv(x, src, dst, W, b):
    # PyG GCNConv: symmetric gcn_norm with self loops, linear (no bias) before
    # propagation, scatter-add aggregation at dst, bias added after.
    h = x @ W
    loop = jnp.arange(N)
    s = jnp.concatenate([src, loop])
    d = jnp.concatenate([dst, loop])
    deg = jnp.zeros((N,), jnp.float32).at[d].add(1.0)
    dis = jnp.where(deg > 0, 1.0 / jnp.sqrt(deg), 0.0)
    norm = dis[s] * dis[d]
    msgs = h[s] * norm[:, None]
    out = jnp.zeros_like(h).at[d].add(msgs)
    return out + b


def reference(x, edge_index, batch, Wc0, bc0, Wc1, bc1, Wc2, bc2, Wd0, bd0, Wd1, bd1):
    src = edge_index[0]
    dst = edge_index[1]
    h = jax.nn.relu(_gcn_conv(x, src, dst, Wc0, bc0))
    h = jax.nn.relu(_gcn_conv(h, src, dst, Wc1, bc1))
    h = jax.nn.relu(_gcn_conv(h, src, dst, Wc2, bc2))
    sums = jax.ops.segment_sum(h, batch, num_segments=G)
    counts = jax.ops.segment_sum(jnp.ones((N,), jnp.float32), batch, num_segments=G)
    pooled = sums / jnp.maximum(counts, 1.0)[:, None]
    h = jax.nn.relu(pooled @ Wd0 + bd0)
    out = h @ Wd1 + bd1
    return out

if __name__ == "__main__":
    import jax
    _d = setup_inputs()
    print(jax.jit(kernel)(*tuple(_d.values())))

</pallas_src>

<mosaic_0001>
#map = affine_map<(d0, d1) -> (0, 0)>
#map1 = affine_map<(d0, d1) -> (0, 0, 0)>
module attributes {stable_mosaic.version = 14 : i64} {
  func.func @_sc_deg_body(%arg0: i32, %arg1: i32, %arg2: memref<2568x128xi32, #tpu.memory_space<hbm>>, %arg3: memref<128x128xf32, #tpu.memory_space<hbm>>, %arg4: memref<10240x128xf32, #tpu.memory_space<hbm>>, %arg5: memref<2x10240x128xf32, #tpu.memory_space<hbm>>, %arg6: memref<80x128xi32, #tpu.memory_space<vmem>>, %arg7: memref<128x128xf32, #tpu.memory_space<vmem>>, %arg8: memref<10240x128xf32, #tpu.memory_space<vmem_shared>>, %arg9: memref<!tpu.dma_semaphore, #tpu.memory_space<semaphore_mem>>) attributes {dimension_semantics = [#tpu.dimension_semantics<core_parallel>, #tpu.dimension_semantics<subcore_parallel>], iteration_bounds = array<i64: 2, 16>, scalar_prefetch = 0 : i64, scratch_operands = 4 : i64, tpu.core_type = #tpu.core_type<sc_vector_subcore>, window_params = [{transform_indices = #map}, {transform_indices = #map}, {transform_indices = #map}, {transform_indices = #map1}]} {
    %mul3A = arith.constant 16 : i32
    %mul3A_0 = arith.muli %arg0, %mul3A : i32
    %add3A = arith.addi %mul3A_0, %arg1 : i32
    %mul3A_1 = arith.constant 640 : i32
    %mul3A_2 = arith.muli %arg1, %mul3A_1 : i32
    %mul3A_3 = arith.constant 640 : i32
    %mul3A_4 = arith.muli %arg1, %mul3A_3 : i32
    "tpu.region"() ({
      %run_scoped3A = tpu.sem_alloc : memref<!tpu.dma_semaphore, #tpu.memory_space<semaphore_mem>>
      %dma_start3A = arith.constant 0 : i32
      %dma_start3A_17 = tpu.memref_slice %arg8[%mul3A_4, %dma_start3A] : memref<10240x128xf32, #tpu.memory_space<vmem_shared>> -> memref<640x128xf32, #tpu.memory_space<vmem_shared>>
      %dma_start3A_18 = arith.constant 0 : i32
      %dma_start3A_19 = tpu.memref_slice %arg4[%mul3A_2, %dma_start3A_18] : memref<10240x128xf32, #tpu.memory_space<hbm>> -> memref<640x128xf32, #tpu.memory_space<hbm>>
      tpu.enqueue_dma source(%dma_start3A_19 : memref<640x128xf32, #tpu.memory_space<hbm>>) target(%dma_start3A_17 : memref<640x128xf32, #tpu.memory_space<vmem_shared>>) target_semaphore(%run_scoped3A : memref<!tpu.dma_semaphore, #tpu.memory_space<semaphore_mem>>)
      %dma_wait3A = arith.constant 0 : i32
      %dma_wait3A_20 = tpu.memref_slice %arg8[%mul3A_4, %dma_wait3A] : memref<10240x128xf32, #tpu.memory_space<vmem_shared>> -> memref<640x128xf32, #tpu.memory_space<vmem_shared>>
      %dma_wait3A_21 = arith.constant 0 : i32
      %dma_wait3A_22 = tpu.memref_slice %arg4[%mul3A_2, %dma_wait3A_21] : memref<10240x128xf32, #tpu.memory_space<hbm>> -> memref<640x128xf32, #tpu.memory_space<hbm>>
      tpu.wait_dma2 semaphore(%run_scoped3A : memref<!tpu.dma_semaphore, #tpu.memory_space<semaphore_mem>>) src(%dma_wait3A_22 : memref<640x128xf32, #tpu.memory_space<hbm>>) dst(%dma_wait3A_20 : memref<640x128xf32, #tpu.memory_space<vmem_shared>>)
      tpu.yield
    }) : () -> ()
    %mul3A_5 = arith.constant 80 : i32
    %mul3A_6 = arith.muli %add3A, %mul3A_5 : i32
    "tpu.region"() ({
      %run_scoped3A = tpu.sem_alloc : memref<!tpu.dma_semaphore, #tpu.memory_space<semaphore_mem>>
      %dma_start3A = arith.constant 0 : i32
      %dma_start3A_17 = tpu.memref_slice %arg2[%mul3A_6, %dma_start3A] : memref<2568x128xi32, #tpu.memory_space<hbm>> -> memref<80x128xi32, #tpu.memory_space<hbm>>
      %dma_start3A_18 = arith.constant 0 : i32
      %dma_start3A_19 = tpu.memref_slice %arg2[%mul3A_6, %dma_start3A_18] : memref<2568x128xi32, #tpu.memory_space<hbm>> -> memref<80x128xi32, #tpu.memory_space<hbm>>
      tpu.enqueue_dma source(%dma_start3A_19 : memref<80x128xi32, #tpu.memory_space<hbm>>) target(%arg6 : memref<80x128xi32, #tpu.memory_space<vmem>>) target_semaphore(%run_scoped3A : memref<!tpu.dma_semaphore, #tpu.memory_space<semaphore_mem>>)
      %dma_wait3A = arith.constant 0 : i32
      %dma_wait3A_20 = tpu.memref_slice %arg2[%mul3A_6, %dma_wait3A] : memref<2568x128xi32, #tpu.memory_space<hbm>> -> memref<80x128xi32, #tpu.memory_space<hbm>>
      %dma_wait3A_21 = arith.constant 0 : i32
      %dma_wait3A_22 = tpu.memref_slice %arg2[%mul3A_6, %dma_wait3A_21] : memref<2568x128xi32, #tpu.memory_space<hbm>> -> memref<80x128xi32, #tpu.memory_space<hbm>>
      tpu.wait_dma2 semaphore(%run_scoped3A : memref<!tpu.dma_semaphore, #tpu.memory_space<semaphore_mem>>) src(%dma_wait3A_22 : memref<80x128xi32, #tpu.memory_space<hbm>>) dst(%arg6 : memref<80x128xi32, #tpu.memory_space<vmem>>)
      tpu.yield
    }) : () -> ()
    "tpu.region"() ({
      %run_scoped3A = tpu.sem_alloc : memref<!tpu.dma_semaphore, #tpu.memory_space<semaphore_mem>>
      tpu.enqueue_dma source(%arg3 : memref<128x128xf32, #tpu.memory_space<hbm>>) target(%arg7 : memref<128x128xf32, #tpu.memory_space<vmem>>) target_semaphore(%run_scoped3A : memref<!tpu.dma_semaphore, #tpu.memory_space<semaphore_mem>>)
      tpu.wait_dma2 semaphore(%run_scoped3A : memref<!tpu.dma_semaphore, #tpu.memory_space<semaphore_mem>>) src(%arg3 : memref<128x128xf32, #tpu.memory_space<hbm>>) dst(%arg7 : memref<128x128xf32, #tpu.memory_space<vmem>>)
      tpu.yield
    }) : () -> ()
    %barrier3A = arith.constant 0 : index
    tpu.barrier barrier_id(%barrier3A)
    %scan3A = arith.constant 0 : i32
    %scan3A_7 = arith.constant 0 : i32
    %scan3A_8 = arith.constant 10 : i32
    %scan3A_9 = arith.addi %scan3A_7, %scan3A_8 : i32
    %scan3A_10 = arith.constant 1 : i32
    scf.for %scan3A_17 = %scan3A_7 to %scan3A_9 step %scan3A_10  : i32 {
      %mul3A_18 = arith.constant 8 : i32
      %mul3A_19 = arith.muli %scan3A_17, %mul3A_18 : i32
      %add3A_20 = arith.constant 0 : i32
      %add3A_21 = arith.addi %mul3A_19, %add3A_20 : i32
      "tpu.region"() ({
        %run_scoped3A = tpu.sem_alloc : memref<!tpu.dma_semaphore, #tpu.memory_space<semaphore_mem>>
        %dma_start3A = arith.constant 0 : i32
        %dma_start3A_36 = tpu.memref_slice %arg6[%add3A_21, %dma_start3A] : memref<80x128xi32, #tpu.memory_space<vmem>> -> memref<1x128xi32, #tpu.memory_space<vmem>>
        %dma_start3A_37 = tpu.memref_squeeze %dma_start3A_36 : memref<1x128xi32, #tpu.memory_space<vmem>> -> memref<128xi32, #tpu.memory_space<vmem>>
        %dma_start3A_38 = arith.constant 0 : i32
        %dma_start3A_39 = arith.constant 0 : i32
        %dma_start3A_40 = tpu.memref_slice %arg8[%dma_start3A_38, %dma_start3A_39] : memref<10240x128xf32, #tpu.memory_space<vmem_shared>> -> memref<10240x128xf32, #tpu.memory_space<vmem_shared>>
        tpu.enqueue_indirect_dma source(%arg7 : memref<128x128xf32, #tpu.memory_space<vmem>>) target(%dma_start3A_40 : memref<10240x128xf32, #tpu.memory_space<vmem_shared>>) offsets(%dma_start3A_37 : memref<128xi32, #tpu.memory_space<vmem>>) semaphore(%run_scoped3A : memref<!tpu.dma_semaphore, #tpu.memory_space<semaphore_mem>>) {add = true}
        %dma_wait3A = arith.constant 0 : i32
        %dma_wait3A_41 = tpu.memref_slice %arg6[%add3A_21, %dma_wait3A] : memref<80x128xi32, #tpu.memory_space<vmem>> -> memref<1x128xi32, #tpu.memory_space<vmem>>
        %dma_wait3A_42 = tpu.memref_squeeze %dma_wait3A_41 : memref<1x128xi32, #tpu.memory_space<vmem>> -> memref<128xi32, #tpu.memory_space<vmem>>
        %dma_wait3A_43 = arith.constant 0 : i32
        %dma_wait3A_44 = arith.constant 0 : i32
        %dma_wait3A_45 = tpu.memref_slice %arg8[%dma_wait3A_43, %dma_wait3A_44] : memref<10240x128xf32, #tpu.memory_space<vmem_shared>> -> memref<10240x128xf32, #tpu.memory_space<vmem_shared>>
        tpu.wait_indirect_dma semaphore(%run_scoped3A : memref<!tpu.dma_semaphore, #tpu.memory_space<semaphore_mem>>) src(%arg7 : memref<128x128xf32, #tpu.memory_space<vmem>>) dst(%dma_wait3A_45 : memref<10240x128xf32, #tpu.memory_space<vmem_shared>>)
        tpu.yield
      }) : () -> ()
      %add3A_22 = arith.constant 1 : i32
      %add3A_23 = arith.addi %mul3A_19, %add3A_22 : i32
      "tpu.region"() ({
        %run_scoped3A = tpu.sem_alloc : memref<!tpu.dma_semaphore, #tpu.memory_space<semaphore_mem>>
        %dma_start3A = arith.constant 0 : i32
        %dma_start3A_36 = tpu.memref_slice %arg6[%add3A_23, %dma_start3A] : memref<80x128xi32, #tpu.memory_space<vmem>> -> memref<1x128xi32, #tpu.memory_space<vmem>>
        %dma_start3A_37 = tpu.memref_squeeze %dma_start3A_36 : memref<1x128xi32, #tpu.memory_space<vmem>> -> memref<128xi32, #tpu.memory_space<vmem>>
        %dma_start3A_38 = arith.constant 0 : i32
        %dma_start3A_39 = arith.constant 0 : i32
        %dma_start3A_40 = tpu.memref_slice %arg8[%dma_start3A_38, %dma_start3A_39] : memref<10240x128xf32, #tpu.memory_space<vmem_shared>> -> memref<10240x128xf32, #tpu.memory_space<vmem_shared>>
        tpu.enqueue_indirect_dma source(%arg7 : memref<128x128xf32, #tpu.memory_space<vmem>>) target(%dma_start3A_40 : memref<10240x128xf32, #tpu.memory_space<vmem_shared>>) offsets(%dma_start3A_37 : memref<128xi32, #tpu.memory_space<vmem>>) semaphore(%run_scoped3A : memref<!tpu.dma_semaphore, #tpu.memory_space<semaphore_mem>>) {add = true}
        %dma_wait3A = arith.constant 0 : i32
        %dma_wait3A_41 = tpu.memref_slice %arg6[%add3A_23, %dma_wait3A] : memref<80x128xi32, #tpu.memory_space<vmem>> -> memref<1x128xi32, #tpu.memory_space<vmem>>
        %dma_wait3A_42 = tpu.memref_squeeze %dma_wait3A_41 : memref<1x128xi32, #tpu.memory_space<vmem>> -> memref<128xi32, #tpu.memory_space<vmem>>
        %dma_wait3A_43 = arith.constant 0 : i32
        %dma_wait3A_44 = arith.constant 0 : i32
        %dma_wait3A_45 = tpu.memref_slice %arg8[%dma_wait3A_43, %dma_wait3A_44] : memref<10240x128xf32, #tpu.memory_space<vmem_shared>> -> memref<10240x128xf32, #tpu.memory_space<vmem_shared>>
        tpu.wait_indirect_dma semaphore(%run_scoped3A : memref<!tpu.dma_semaphore, #tpu.memory_space<semaphore_mem>>) src(%arg7 : memref<128x128xf32, #tpu.memory_space<vmem>>) dst(%dma_wait3A_45 : memref<10240x128xf32, #tpu.memory_space<vmem_shared>>)
        tpu.yield
      }) : () -> ()
      %add3A_24 = arith.constant 2 : i32
      %add3A_25 = arith.addi %mul3A_19, %add3A_24 : i32
      "tpu.region"() ({
        %run_scoped3A = tpu.sem_alloc : memref<!tpu.dma_semaphore, #tpu.memory_space<semaphore_mem>>
        %dma_start3A = arith.constant 0 : i32
        %dma_start3A_36 = tpu.memref_slice %arg6[%add3A_25, %dma_start3A] : memref<80x128xi32, #tpu.memory_space<vmem>> -> memref<1x128xi32, #tpu.memory_space<vmem>>
        %dma_start3A_37 = tpu.memref_squeeze %dma_start3A_36 : memref<1x128xi32, #tpu.memory_space<vmem>> -> memref<128xi32, #tpu.memory_space<vmem>>
        %dma_start3A_38 = arith.constant 0 : i32
        %dma_start3A_39 = arith.constant 0 : i32
        %dma_start3A_40 = tpu.memref_slice %arg8[%dma_start3A_38, %dma_start3A_39] : memref<10240x128xf32, #tpu.memory_space<vmem_shared>> -> memref<10240x128xf32, #tpu.memory_space<vmem_shared>>
        tpu.enqueue_indirect_dma source(%arg7 : memref<128x128xf32, #tpu.memory_space<vmem>>) target(%dma_start3A_40 : memref<10240x128xf32, #tpu.memory_space<vmem_shared>>) offsets(%dma_start3A_37 : memref<128xi32, #tpu.memory_space<vmem>>) semaphore(%run_scoped3A : memref<!tpu.dma_semaphore, #tpu.memory_space<semaphore_mem>>) {add = true}
        %dma_wait3A = arith.constant 0 : i32
        %dma_wait3A_41 = tpu.memref_slice %arg6[%add3A_25, %dma_wait3A] : memref<80x128xi32, #tpu.memory_space<vmem>> -> memref<1x128xi32, #tpu.memory_space<vmem>>
        %dma_wait3A_42 = tpu.memref_squeeze %dma_wait3A_41 : memref<1x128xi32, #tpu.memory_space<vmem>> -> memref<128xi32, #tpu.memory_space<vmem>>
        %dma_wait3A_43 = arith.constant 0 : i32
        %dma_wait3A_44 = arith.constant 0 : i32
        %dma_wait3A_45 = tpu.memref_slice %arg8[%dma_wait3A_43, %dma_wait3A_44] : memref<10240x128xf32, #tpu.memory_space<vmem_shared>> -> memref<10240x128xf32, #tpu.memory_space<vmem_shared>>
        tpu.wait_indirect_dma semaphore(%run_scoped3A : memref<!tpu.dma_semaphore, #tpu.memory_space<semaphore_mem>>) src(%arg7 : memref<128x128xf32, #tpu.memory_space<vmem>>) dst(%dma_wait3A_45 : memref<10240x128xf32, #tpu.memory_space<vmem_shared>>)
        tpu.yield
      }) : () -> ()
      %add3A_26 = arith.constant 3 : i32
      %add3A_27 = arith.addi %mul3A_19, %add3A_26 : i32
      "tpu.region"() ({
        %run_scoped3A = tpu.sem_alloc : memref<!tpu.dma_semaphore, #tpu.memory_space<semaphore_mem>>
        %dma_start3A = arith.constant 0 : i32
        %dma_start3A_36 = tpu.memref_slice %arg6[%add3A_27, %dma_start3A] : memref<80x128xi32, #tpu.memory_space<vmem>> -> memref<1x128xi32, #tpu.memory_space<vmem>>
        %dma_start3A_37 = tpu.memref_squeeze %dma_start3A_36 : memref<1x128xi32, #tpu.memory_space<vmem>> -> memref<128xi32, #tpu.memory_space<vmem>>
        %dma_start3A_38 = arith.constant 0 : i32
        %dma_start3A_39 = arith.constant 0 : i32
        %dma_start3A_40 = tpu.memref_slice %arg8[%dma_start3A_38, %dma_start3A_39] : memref<10240x128xf32, #tpu.memory_space<vmem_shared>> -> memref<10240x128xf32, #tpu.memory_space<vmem_shared>>
        tpu.enqueue_indirect_dma source(%arg7 : memref<128x128xf32, #tpu.memory_space<vmem>>) target(%dma_start3A_40 : memref<10240x128xf32, #tpu.memory_space<vmem_shared>>) offsets(%dma_start3A_37 : memref<128xi32, #tpu.memory_space<vmem>>) semaphore(%run_scoped3A : memref<!tpu.dma_semaphore, #tpu.memory_space<semaphore_mem>>) {add = true}
        %dma_wait3A = arith.constant 0 : i32
        %dma_wait3A_41 = tpu.memref_slice %arg6[%add3A_27, %dma_wait3A] : memref<80x128xi32, #tpu.memory_space<vmem>> -> memref<1x128xi32, #tpu.memory_space<vmem>>
        %dma_wait3A_42 = tpu.memref_squeeze %dma_wait3A_41 : memref<1x128xi32, #tpu.memory_space<vmem>> -> memref<128xi32, #tpu.memory_space<vmem>>
        %dma_wait3A_43 = arith.constant 0 : i32
        %dma_wait3A_44 = arith.constant 0 : i32
        %dma_wait3A_45 = tpu.memref_slice %arg8[%dma_wait3A_43, %dma_wait3A_44] : memref<10240x128xf32, #tpu.memory_space<vmem_shared>> -> memref<10240x128xf32, #tpu.memory_space<vmem_shared>>
        tpu.wait_indirect_dma semaphore(%run_scoped3A : memref<!tpu.dma_semaphore, #tpu.memory_space<semaphore_mem>>) src(%arg7 : memref<128x128xf32, #tpu.memory_space<vmem>>) dst(%dma_wait3A_45 : memref<10240x128xf32, #tpu.memory_space<vmem_shared>>)
        tpu.yield
      }) : () -> ()
      %add3A_28 = arith.constant 4 : i32
      %add3A_29 = arith.addi %mul3A_19, %add3A_28 : i32
      "tpu.region"() ({
        %run_scoped3A = tpu.sem_alloc : memref<!tpu.dma_semaphore, #tpu.memory_space<semaphore_mem>>
        %dma_start3A = arith.constant 0 : i32
        %dma_start3A_36 = tpu.memref_slice %arg6[%add3A_29, %dma_start3A] : memref<80x128xi32, #tpu.memory_space<vmem>> -> memref<1x128xi32, #tpu.memory_space<vmem>>
        %dma_start3A_37 = tpu.memref_squeeze %dma_start3A_36 : memref<1x128xi32, #tpu.memory_space<vmem>> -> memref<128xi32, #tpu.memory_space<vmem>>
        %dma_start3A_38 = arith.constant 0 : i32
        %dma_start3A_39 = arith.constant 0 : i32
        %dma_start3A_40 = tpu.memref_slice %arg8[%dma_start3A_38, %dma_start3A_39] : memref<10240x128xf32, #tpu.memory_space<vmem_shared>> -> memref<10240x128xf32, #tpu.memory_space<vmem_shared>>
        tpu.enqueue_indirect_dma source(%arg7 : memref<128x128xf32, #tpu.memory_space<vmem>>) target(%dma_start3A_40 : memref<10240x128xf32, #tpu.memory_space<vmem_shared>>) offsets(%dma_start3A_37 : memref<128xi32, #tpu.memory_space<vmem>>) semaphore(%run_scoped3A : memref<!tpu.dma_semaphore, #tpu.memory_space<semaphore_mem>>) {add = true}
        %dma_wait3A = arith.constant 0 : i32
        %dma_wait3A_41 = tpu.memref_slice %arg6[%add3A_29, %dma_wait3A] : memref<80x128xi32, #tpu.memory_space<vmem>> -> memref<1x128xi32, #tpu.memory_space<vmem>>
        %dma_wait3A_42 = tpu.memref_squeeze %dma_wait3A_41 : memref<1x128xi32, #tpu.memory_space<vmem>> -> memref<128xi32, #tpu.memory_space<vmem>>
        %dma_wait3A_43 = arith.constant 0 : i32
        %dma_wait3A_44 = arith.constant 0 : i32
        %dma_wait3A_45 = tpu.memref_slice %arg8[%dma_wait3A_43, %dma_wait3A_44] : memref<10240x128xf32, #tpu.memory_space<vmem_shared>> -> memref<10240x128xf32, #tpu.memory_space<vmem_shared>>
        tpu.wait_indirect_dma semaphore(%run_scoped3A : memref<!tpu.dma_semaphore, #tpu.memory_space<semaphore_mem>>) src(%arg7 : memref<128x128xf32, #tpu.memory_space<vmem>>) dst(%dma_wait3A_45 : memref<10240x128xf32, #tpu.memory_space<vmem_shared>>)
        tpu.yield
      }) : () -> ()
      %add3A_30 = arith.constant 5 : i32
      %add3A_31 = arith.addi %mul3A_19, %add3A_30 : i32
      "tpu.region"() ({
        %run_scoped3A = tpu.sem_alloc : memref<!tpu.dma_semaphore, #tpu.memory_space<semaphore_mem>>
        %dma_start3A = arith.constant 0 : i32
        %dma_start3A_36 = tpu.memref_slice %arg6[%add3A_31, %dma_start3A] : memref<80x128xi32, #tpu.memory_space<vmem>> -> memref<1x128xi32, #tpu.memory_space<vmem>>
        %dma_start3A_37 = tpu.memref_squeeze %dma_start3A_36 : memref<1x128xi32, #tpu.memory_space<vmem>> -> memref<128xi32, #tpu.memory_space<vmem>>
        %dma_start3A_38 = arith.constant 0 : i32
        %dma_start3A_39 = arith.constant 0 : i32
        %dma_start3A_40 = tpu.memref_slice %arg8[%dma_start3A_38, %dma_start3A_39] : memref<10240x128xf32, #tpu.memory_space<vmem_shared>> -> memref<10240x128xf32, #tpu.memory_space<vmem_shared>>
        tpu.enqueue_indirect_dma source(%arg7 : memref<128x128xf32, #tpu.memory_space<vmem>>) target(%dma_start3A_40 : memref<10240x128xf32, #tpu.memory_space<vmem_shared>>) offsets(%dma_start3A_37 : memref<128xi32, #tpu.memory_space<vmem>>) semaphore(%run_scoped3A : memref<!tpu.dma_semaphore, #tpu.memory_space<semaphore_mem>>) {add = true}
        %dma_wait3A = arith.constant 0 : i32
        %dma_wait3A_41 = tpu.memref_slice %arg6[%add3A_31, %dma_wait3A] : memref<80x128xi32, #tpu.memory_space<vmem>> -> memref<1x128xi32, #tpu.memory_space<vmem>>
        %dma_wait3A_42 = tpu.memref_squeeze %dma_wait3A_41 : memref<1x128xi32, #tpu.memory_space<vmem>> -> memref<128xi32, #tpu.memory_space<vmem>>
        %dma_wait3A_43 = arith.constant 0 : i32
        %dma_wait3A_44 = arith.constant 0 : i32
        %dma_wait3A_45 = tpu.memref_slice %arg8[%dma_wait3A_43, %dma_wait3A_44] : memref<10240x128xf32, #tpu.memory_space<vmem_shared>> -> memref<10240x128xf32, #tpu.memory_space<vmem_shared>>
        tpu.wait_indirect_dma semaphore(%run_scoped3A : memref<!tpu.dma_semaphore, #tpu.memory_space<semaphore_mem>>) src(%arg7 : memref<128x128xf32, #tpu.memory_space<vmem>>) dst(%dma_wait3A_45 : memref<10240x128xf32, #tpu.memory_space<vmem_shared>>)
        tpu.yield
      }) : () -> ()
      %add3A_32 = arith.constant 6 : i32
      %add3A_33 = arith.addi %mul3A_19, %add3A_32 : i32
      "tpu.region"() ({
        %run_scoped3A = tpu.sem_alloc : memref<!tpu.dma_semaphore, #tpu.memory_space<semaphore_mem>>
        %dma_start3A = arith.constant 0 : i32
        %dma_start3A_36 = tpu.memref_slice %arg6[%add3A_33, %dma_start3A] : memref<80x128xi32, #tpu.memory_space<vmem>> -> memref<1x128xi32, #tpu.memory_space<vmem>>
        %dma_start3A_37 = tpu.memref_squeeze %dma_start3A_36 : memref<1x128xi32, #tpu.memory_space<vmem>> -> memref<128xi32, #tpu.memory_space<vmem>>
        %dma_start3A_38 = arith.constant 0 : i32
        %dma_start3A_39 = arith.constant 0 : i32
        %dma_start3A_40 = tpu.memref_slice %arg8[%dma_start3A_38, %dma_start3A_39] : memref<10240x128xf32, #tpu.memory_space<vmem_shared>> -> memref<10240x128xf32, #tpu.memory_space<vmem_shared>>
        tpu.enqueue_indirect_dma source(%arg7 : memref<128x128xf32, #tpu.memory_space<vmem>>) target(%dma_start3A_40 : memref<10240x128xf32, #tpu.memory_space<vmem_shared>>) offsets(%dma_start3A_37 : memref<128xi32, #tpu.memory_space<vmem>>) semaphore(%run_scoped3A : memref<!tpu.dma_semaphore, #tpu.memory_space<semaphore_mem>>) {add = true}
        %dma_wait3A = arith.constant 0 : i32
        %dma_wait3A_41 = tpu.memref_slice %arg6[%add3A_33, %dma_wait3A] : memref<80x128xi32, #tpu.memory_space<vmem>> -> memref<1x128xi32, #tpu.memory_space<vmem>>
        %dma_wait3A_42 = tpu.memref_squeeze %dma_wait3A_41 : memref<1x128xi32, #tpu.memory_space<vmem>> -> memref<128xi32, #tpu.memory_space<vmem>>
        %dma_wait3A_43 = arith.constant 0 : i32
        %dma_wait3A_44 = arith.constant 0 : i32
        %dma_wait3A_45 = tpu.memref_slice %arg8[%dma_wait3A_43, %dma_wait3A_44] : memref<10240x128xf32, #tpu.memory_space<vmem_shared>> -> memref<10240x128xf32, #tpu.memory_space<vmem_shared>>
        tpu.wait_indirect_dma semaphore(%run_scoped3A : memref<!tpu.dma_semaphore, #tpu.memory_space<semaphore_mem>>) src(%arg7 : memref<128x128xf32, #tpu.memory_space<vmem>>) dst(%dma_wait3A_45 : memref<10240x128xf32, #tpu.memory_space<vmem_shared>>)
        tpu.yield
      }) : () -> ()
      %add3A_34 = arith.constant 7 : i32
      %add3A_35 = arith.addi %mul3A_19, %add3A_34 : i32
      "tpu.region"() ({
        %run_scoped3A = tpu.sem_alloc : memref<!tpu.dma_semaphore, #tpu.memory_space<semaphore_mem>>
        %dma_start3A = arith.constant 0 : i32
        %dma_start3A_36 = tpu.memref_slice %arg6[%add3A_35, %dma_start3A] : memref<80x128xi32, #tpu.memory_space<vmem>> -> memref<1x128xi32, #tpu.memory_space<vmem>>
        %dma_start3A_37 = tpu.memref_squeeze %dma_start3A_36 : memref<1x128xi32, #tpu.memory_space<vmem>> -> memref<128xi32, #tpu.memory_space<vmem>>
        %dma_start3A_38 = arith.constant 0 : i32
        %dma_start3A_39 = arith.constant 0 : i32
        %dma_start3A_40 = tpu.memref_slice %arg8[%dma_start3A_38, %dma_start3A_39] : memref<10240x128xf32, #tpu.memory_space<vmem_shared>> -> memref<10240x128xf32, #tpu.memory_space<vmem_shared>>
        tpu.enqueue_indirect_dma source(%arg7 : memref<128x128xf32, #tpu.memory_space<vmem>>) target(%dma_start3A_40 : memref<10240x128xf32, #tpu.memory_space<vmem_shared>>) offsets(%dma_start3A_37 : memref<128xi32, #tpu.memory_space<vmem>>) semaphore(%run_scoped3A : memref<!tpu.dma_semaphore, #tpu.memory_space<semaphore_mem>>) {add = true}
        %dma_wait3A = arith.constant 0 : i32
        %dma_wait3A_41 = tpu.memref_slice %arg6[%add3A_35, %dma_wait3A] : memref<80x128xi32, #tpu.memory_space<vmem>> -> memref<1x128xi32, #tpu.memory_space<vmem>>
        %dma_wait3A_42 = tpu.memref_squeeze %dma_wait3A_41 : memref<1x128xi32, #tpu.memory_space<vmem>> -> memref<128xi32, #tpu.memory_space<vmem>>
        %dma_wait3A_43 = arith.constant 0 : i32
        %dma_wait3A_44 = arith.constant 0 : i32
        %dma_wait3A_45 = tpu.memref_slice %arg8[%dma_wait3A_43, %dma_wait3A_44] : memref<10240x128xf32, #tpu.memory_space<vmem_shared>> -> memref<10240x128xf32, #tpu.memory_space<vmem_shared>>
        tpu.wait_indirect_dma semaphore(%run_scoped3A : memref<!tpu.dma_semaphore, #tpu.memory_space<semaphore_mem>>) src(%arg7 : memref<128x128xf32, #tpu.memory_space<vmem>>) dst(%dma_wait3A_45 : memref<10240x128xf32, #tpu.memory_space<vmem_shared>>)
        tpu.yield
      }) : () -> ()
    }
    %scan3A_11 = arith.constant 10 : i32
    %barrier3A_12 = arith.constant 0 : index
    tpu.barrier barrier_id(%barrier3A_12)
    %mul3A_13 = arith.constant 640 : i32
    %mul3A_14 = arith.muli %arg1, %mul3A_13 : i32
    %mul3A_15 = arith.constant 640 : i32
    %mul3A_16 = arith.muli %arg1, %mul3A_15 : i32
    "tpu.region"() ({
      %run_scoped3A = tpu.sem_alloc : memref<!tpu.dma_semaphore, #tpu.memory_space<semaphore_mem>>
      %dma_start3A = arith.constant 0 : i32
      %dma_start3A_17 = tpu.memref_slice %arg5[%arg0, %mul3A_16, %dma_start3A] : memref<2x10240x128xf32, #tpu.memory_space<hbm>> -> memref<1x640x128xf32, #tpu.memory_space<hbm>>
      %dma_start3A_18 = tpu.memref_squeeze %dma_start3A_17 : memref<1x640x128xf32, #tpu.memory_space<hbm>> -> memref<640x128xf32, #tpu.memory_space<hbm>>
      %dma_start3A_19 = arith.constant 0 : i32
      %dma_start3A_20 = tpu.memref_slice %arg8[%mul3A_14, %dma_start3A_19] : memref<10240x128xf32, #tpu.memory_space<vmem_shared>> -> memref<640x128xf32, #tpu.memory_space<vmem_shared>>
      tpu.enqueue_dma source(%dma_start3A_20 : memref<640x128xf32, #tpu.memory_space<vmem_shared>>) target(%dma_start3A_18 : memref<640x128xf32, #tpu.memory_space<hbm>>) target_semaphore(%run_scoped3A : memref<!tpu.dma_semaphore, #tpu.memory_space<semaphore_mem>>)
      %dma_wait3A = arith.constant 0 : i32
      %dma_wait3A_21 = tpu.memref_slice %arg5[%arg0, %mul3A_16, %dma_wait3A] : memref<2x10240x128xf32, #tpu.memory_space<hbm>> -> memref<1x640x128xf32, #tpu.memory_space<hbm>>
      %dma_wait3A_22 = tpu.memref_squeeze %dma_wait3A_21 : memref<1x640x128xf32, #tpu.memory_space<hbm>> -> memref<640x128xf32, #tpu.memory_space<hbm>>
      %dma_wait3A_23 = arith.constant 0 : i32
      %dma_wait3A_24 = tpu.memref_slice %arg8[%mul3A_14, %dma_wait3A_23] : memref<10240x128xf32, #tpu.memory_space<vmem_shared>> -> memref<640x128xf32, #tpu.memory_space<vmem_shared>>
      tpu.wait_dma2 semaphore(%run_scoped3A : memref<!tpu.dma_semaphore, #tpu.memory_space<semaphore_mem>>) src(%dma_wait3A_24 : memref<640x128xf32, #tpu.memory_space<vmem_shared>>) dst(%dma_wait3A_22 : memref<640x128xf32, #tpu.memory_space<hbm>>)
      tpu.yield
    }) : () -> ()
    return
  }
}

#map = affine_map<(d0, d1) -> (0, 0)>
#map1 = affine_map<(d0, d1) -> (0, 0, 0)>
module attributes {stable_mosaic.version = 14 : i64} {
  func.func @_sc_scatter_body(%arg0: i32, %arg1: i32, %arg2: memref<10240x128xf32, #tpu.memory_space<hbm>>, %arg3: memref<2568x128xi32, #tpu.memory_space<hbm>>, %arg4: memref<2568x128xi32, #tpu.memory_space<hbm>>, %arg5: memref<10240x128xf32, #tpu.memory_space<hbm>>, %arg6: memref<2x10240x128xf32, #tpu.memory_space<hbm>>, %arg7: memref<8x128xi32, #tpu.memory_space<vmem>>, %arg8: memref<8x128xi32, #tpu.memory_space<vmem>>, %arg9: memref<128x128xf32, #tpu.memory_space<vmem>>, %arg10: memref<128x128xf32, #tpu.memory_space<vmem>>, %arg11: memref<10240x128xf32, #tpu.memory_space<vmem_shared>>, %arg12: memref<!tpu.dma_semaphore, #tpu.memory_space<semaphore_mem>>, %arg13: memref<!tpu.dma_semaphore, #tpu.memory_space<semaphore_mem>>, %arg14: memref<!tpu.dma_semaphore, #tpu.memory_space<semaphore_mem>>) attributes {dimension_semantics = [#tpu.dimension_semantics<core_parallel>, #tpu.dimension_semantics<subcore_parallel>], iteration_bounds = array<i64: 2, 16>, scalar_prefetch = 0 : i64, scratch_operands = 8 : i64, tpu.core_type = #tpu.core_type<sc_vector_subcore>, window_params = [{transform_indices = #map}, {transform_indices = #map}, {transform_indices = #map}, {transform_indices = #map}, {transform_indices = #map1}]} {
    %mul3A = arith.constant 16 : i32
    %mul3A_0 = arith.muli %arg0, %mul3A : i32
    %add3A = arith.addi %mul3A_0, %arg1 : i32
    %mul3A_1 = arith.constant 80 : i32
    %mul3A_2 = arith.muli %add3A, %mul3A_1 : i32
    %mul3A_3 = arith.constant 640 : i32
    %mul3A_4 = arith.muli %arg1, %mul3A_3 : i32
    %mul3A_5 = arith.constant 640 : i32
    %mul3A_6 = arith.muli %arg1, %mul3A_5 : i32
    "tpu.region"() ({
      %run_scoped3A = tpu.sem_alloc : memref<!tpu.dma_semaphore, #tpu.memory_space<semaphore_mem>>
      %dma_start3A_160 = arith.constant 0 : i32
      %dma_start3A_161 = tpu.memref_slice %arg11[%mul3A_6, %dma_start3A_160] : memref<10240x128xf32, #tpu.memory_space<vmem_shared>> -> memref<640x128xf32, #tpu.memory_space<vmem_shared>>
      %dma_start3A_162 = arith.constant 0 : i32
      %dma_start3A_163 = tpu.memref_slice %arg5[%mul3A_4, %dma_start3A_162] : memref<10240x128xf32, #tpu.memory_space<hbm>> -> memref<640x128xf32, #tpu.memory_space<hbm>>
      tpu.enqueue_dma source(%dma_start3A_163 : memref<640x128xf32, #tpu.memory_space<hbm>>) target(%dma_start3A_161 : memref<640x128xf32, #tpu.memory_space<vmem_shared>>) target_semaphore(%run_scoped3A : memref<!tpu.dma_semaphore, #tpu.memory_space<semaphore_mem>>)
      %dma_wait3A_164 = arith.constant 0 : i32
      %dma_wait3A_165 = tpu.memref_slice %arg11[%mul3A_6, %dma_wait3A_164] : memref<10240x128xf32, #tpu.memory_space<vmem_shared>> -> memref<640x128xf32, #tpu.memory_space<vmem_shared>>
      %dma_wait3A_166 = arith.constant 0 : i32
      %dma_wait3A_167 = tpu.memref_slice %arg5[%mul3A_4, %dma_wait3A_166] : memref<10240x128xf32, #tpu.memory_space<hbm>> -> memref<640x128xf32, #tpu.memory_space<hbm>>
      tpu.wait_dma2 semaphore(%run_scoped3A : memref<!tpu.dma_semaphore, #tpu.memory_space<semaphore_mem>>) src(%dma_wait3A_167 : memref<640x128xf32, #tpu.memory_space<hbm>>) dst(%dma_wait3A_165 : memref<640x128xf32, #tpu.memory_space<vmem_shared>>)
      tpu.yield
    }) : () -> ()
    %barrier3A = arith.constant 0 : index
    tpu.barrier barrier_id(%barrier3A)
    "tpu.region"() ({
      %run_scoped3A = tpu.sem_alloc : memref<!tpu.dma_semaphore, #tpu.memory_space<semaphore_mem>>
      %dma_start3A_160 = arith.constant 0 : i32
      %dma_start3A_161 = tpu.memref_slice %arg3[%mul3A_2, %dma_start3A_160] : memref<2568x128xi32, #tpu.memory_space<hbm>> -> memref<8x128xi32, #tpu.memory_space<hbm>>
      %dma_start3A_162 = arith.constant 0 : i32
      %dma_start3A_163 = tpu.memref_slice %arg3[%mul3A_2, %dma_start3A_162] : memref<2568x128xi32, #tpu.memory_space<hbm>> -> memref<8x128xi32, #tpu.memory_space<hbm>>
      tpu.enqueue_dma source(%dma_start3A_163 : memref<8x128xi32, #tpu.memory_space<hbm>>) target(%arg7 : memref<8x128xi32, #tpu.memory_space<vmem>>) target_semaphore(%run_scoped3A : memref<!tpu.dma_semaphore, #tpu.memory_space<semaphore_mem>>)
      %dma_wait3A_164 = arith.constant 0 : i32
      %dma_wait3A_165 = tpu.memref_slice %arg3[%mul3A_2, %dma_wait3A_164] : memref<2568x128xi32, #tpu.memory_space<hbm>> -> memref<8x128xi32, #tpu.memory_space<hbm>>
      %dma_wait3A_166 = arith.constant 0 : i32
      %dma_wait3A_167 = tpu.memref_slice %arg3[%mul3A_2, %dma_wait3A_166] : memref<2568x128xi32, #tpu.memory_space<hbm>> -> memref<8x128xi32, #tpu.memory_space<hbm>>
      tpu.wait_dma2 semaphore(%run_scoped3A : memref<!tpu.dma_semaphore, #tpu.memory_space<semaphore_mem>>) src(%dma_wait3A_167 : memref<8x128xi32, #tpu.memory_space<hbm>>) dst(%arg7 : memref<8x128xi32, #tpu.memory_space<vmem>>)
      tpu.yield
    }) : () -> ()
    "tpu.region"() ({
      %run_scoped3A = tpu.sem_alloc : memref<!tpu.dma_semaphore, #tpu.memory_space<semaphore_mem>>
      %dma_start3A_160 = arith.constant 0 : i32
      %dma_start3A_161 = tpu.memref_slice %arg4[%mul3A_2, %dma_start3A_160] : memref<2568x128xi32, #tpu.memory_space<hbm>> -> memref<8x128xi32, #tpu.memory_space<hbm>>
      %dma_start3A_162 = arith.constant 0 : i32
      %dma_start3A_163 = tpu.memref_slice %arg4[%mul3A_2, %dma_start3A_162] : memref<2568x128xi32, #tpu.memory_space<hbm>> -> memref<8x128xi32, #tpu.memory_space<hbm>>
      tpu.enqueue_dma source(%dma_start3A_163 : memref<8x128xi32, #tpu.memory_space<hbm>>) target(%arg8 : memref<8x128xi32, #tpu.memory_space<vmem>>) target_semaphore(%run_scoped3A : memref<!tpu.dma_semaphore, #tpu.memory_space<semaphore_mem>>)
      %dma_wait3A_164 = arith.constant 0 : i32
      %dma_wait3A_165 = tpu.memref_slice %arg4[%mul3A_2, %dma_wait3A_164] : memref<2568x128xi32, #tpu.memory_space<hbm>> -> memref<8x128xi32, #tpu.memory_space<hbm>>
      %dma_wait3A_166 = arith.constant 0 : i32
      %dma_wait3A_167 = tpu.memref_slice %arg4[%mul3A_2, %dma_wait3A_166] : memref<2568x128xi32, #tpu.memory_space<hbm>> -> memref<8x128xi32, #tpu.memory_space<hbm>>
      tpu.wait_dma2 semaphore(%run_scoped3A : memref<!tpu.dma_semaphore, #tpu.memory_space<semaphore_mem>>) src(%dma_wait3A_167 : memref<8x128xi32, #tpu.memory_space<hbm>>) dst(%arg8 : memref<8x128xi32, #tpu.memory_space<vmem>>)
      tpu.yield
    }) : () -> ()
    %dma_start3A = arith.constant 0 : i32
    %dma_start3A_7 = arith.constant 0 : i32
    %dma_start3A_8 = tpu.memref_slice %arg7[%dma_start3A, %dma_start3A_7] : memref<8x128xi32, #tpu.memory_space<vmem>> -> memref<1x128xi32, #tpu.memory_space<vmem>>
    %dma_start3A_9 = tpu.memref_squeeze %dma_start3A_8 : memref<1x128xi32, #tpu.memory_space<vmem>> -> memref<128xi32, #tpu.memory_space<vmem>>
    %dma_start3A_10 = arith.constant 0 : i32
    %dma_start3A_11 = arith.constant 0 : i32
    %dma_start3A_12 = tpu.memref_slice %arg2[%dma_start3A_10, %dma_start3A_11] : memref<10240x128xf32, #tpu.memory_space<hbm>> -> memref<10240x128xf32, #tpu.memory_space<hbm>>
    tpu.enqueue_indirect_dma source(%dma_start3A_12 : memref<10240x128xf32, #tpu.memory_space<hbm>>) target(%arg9 : memref<128x128xf32, #tpu.memory_space<vmem>>) offsets(%dma_start3A_9 : memref<128xi32, #tpu.memory_space<vmem>>) semaphore(%arg12 : memref<!tpu.dma_semaphore, #tpu.memory_space<semaphore_mem>>)
    %dma_start3A_13 = arith.constant 1 : i32
    %dma_start3A_14 = arith.constant 0 : i32
    %dma_start3A_15 = tpu.memref_slice %arg7[%dma_start3A_13, %dma_start3A_14] : memref<8x128xi32, #tpu.memory_space<vmem>> -> memref<1x128xi32, #tpu.memory_space<vmem>>
    %dma_start3A_16 = tpu.memref_squeeze %dma_start3A_15 : memref<1x128xi32, #tpu.memory_space<vmem>> -> memref<128xi32, #tpu.memory_space<vmem>>
    %dma_start3A_17 = arith.constant 0 : i32
    %dma_start3A_18 = arith.constant 0 : i32
    %dma_start3A_19 = tpu.memref_slice %arg2[%dma_start3A_17, %dma_start3A_18] : memref<10240x128xf32, #tpu.memory_space<hbm>> -> memref<10240x128xf32, #tpu.memory_space<hbm>>
    tpu.enqueue_indirect_dma source(%dma_start3A_19 : memref<10240x128xf32, #tpu.memory_space<hbm>>) target(%arg10 : memref<128x128xf32, #tpu.memory_space<vmem>>) offsets(%dma_start3A_16 : memref<128xi32, #tpu.memory_space<vmem>>) semaphore(%arg13 : memref<!tpu.dma_semaphore, #tpu.memory_space<semaphore_mem>>)
    %add3A_20 = arith.constant 6 : i32
    %add3A_21 = arith.addi %mul3A_2, %add3A_20 : i32
    %dma_start3A_22 = arith.constant 6 : i32
    %dma_start3A_23 = arith.constant 0 : i32
    %dma_start3A_24 = tpu.memref_slice %arg7[%dma_start3A_22, %dma_start3A_23] : memref<8x128xi32, #tpu.memory_space<vmem>> -> memref<1x128xi32, #tpu.memory_space<vmem>>
    %dma_start3A_25 = tpu.memref_squeeze %dma_start3A_24 : memref<1x128xi32, #tpu.memory_space<vmem>> -> memref<128xi32, #tpu.memory_space<vmem>>
    %dma_start3A_26 = arith.constant 0 : i32
    %dma_start3A_27 = tpu.memref_slice %arg3[%add3A_21, %dma_start3A_26] : memref<2568x128xi32, #tpu.memory_space<hbm>> -> memref<1x128xi32, #tpu.memory_space<hbm>>
    %dma_start3A_28 = tpu.memref_squeeze %dma_start3A_27 : memref<1x128xi32, #tpu.memory_space<hbm>> -> memref<128xi32, #tpu.memory_space<hbm>>
    %dma_start3A_29 = arith.constant 0 : i32
    %dma_start3A_30 = tpu.memref_slice %arg7[%dma_start3A_22, %dma_start3A_29] : memref<8x128xi32, #tpu.memory_space<vmem>> -> memref<1x128xi32, #tpu.memory_space<vmem>>
    %dma_start3A_31 = tpu.memref_squeeze %dma_start3A_30 : memref<1x128xi32, #tpu.memory_space<vmem>> -> memref<128xi32, #tpu.memory_space<vmem>>
    %dma_start3A_32 = arith.constant 0 : i32
    %dma_start3A_33 = tpu.memref_slice %arg3[%add3A_21, %dma_start3A_32] : memref<2568x128xi32, #tpu.memory_space<hbm>> -> memref<1x128xi32, #tpu.memory_space<hbm>>
    %dma_start3A_34 = tpu.memref_squeeze %dma_start3A_33 : memref<1x128xi32, #tpu.memory_space<hbm>> -> memref<128xi32, #tpu.memory_space<hbm>>
    tpu.enqueue_dma source(%dma_start3A_34 : memref<128xi32, #tpu.memory_space<hbm>>) target(%dma_start3A_31 : memref<128xi32, #tpu.memory_space<vmem>>) target_semaphore(%arg14 : memref<!tpu.dma_semaphore, #tpu.memory_space<semaphore_mem>>)
    %add3A_35 = arith.constant 7 : i32
    %add3A_36 = arith.addi %mul3A_2, %add3A_35 : i32
    %dma_start3A_37 = arith.constant 7 : i32
    %dma_start3A_38 = arith.constant 0 : i32
    %dma_start3A_39 = tpu.memref_slice %arg7[%dma_start3A_37, %dma_start3A_38] : memref<8x128xi32, #tpu.memory_space<vmem>> -> memref<1x128xi32, #tpu.memory_space<vmem>>
    %dma_start3A_40 = tpu.memref_squeeze %dma_start3A_39 : memref<1x128xi32, #tpu.memory_space<vmem>> -> memref<128xi32, #tpu.memory_space<vmem>>
    %dma_start3A_41 = arith.constant 0 : i32
    %dma_start3A_42 = tpu.memref_slice %arg3[%add3A_36, %dma_start3A_41] : memref<2568x128xi32, #tpu.memory_space<hbm>> -> memref<1x128xi32, #tpu.memory_space<hbm>>
    %dma_start3A_43 = tpu.memref_squeeze %dma_start3A_42 : memref<1x128xi32, #tpu.memory_space<hbm>> -> memref<128xi32, #tpu.memory_space<hbm>>
    %dma_start3A_44 = arith.constant 0 : i32
    %dma_start3A_45 = tpu.memref_slice %arg7[%dma_start3A_37, %dma_start3A_44] : memref<8x128xi32, #tpu.memory_space<vmem>> -> memref<1x128xi32, #tpu.memory_space<vmem>>
    %dma_start3A_46 = tpu.memref_squeeze %dma_start3A_45 : memref<1x128xi32, #tpu.memory_space<vmem>> -> memref<128xi32, #tpu.memory_space<vmem>>
    %dma_start3A_47 = arith.constant 0 : i32
    %dma_start3A_48 = tpu.memref_slice %arg3[%add3A_36, %dma_start3A_47] : memref<2568x128xi32, #tpu.memory_space<hbm>> -> memref<1x128xi32, #tpu.memory_space<hbm>>
    %dma_start3A_49 = tpu.memref_squeeze %dma_start3A_48 : memref<1x128xi32, #tpu.memory_space<hbm>> -> memref<128xi32, #tpu.memory_space<hbm>>
    tpu.enqueue_dma source(%dma_start3A_49 : memref<128xi32, #tpu.memory_space<hbm>>) target(%dma_start3A_46 : memref<128xi32, #tpu.memory_space<vmem>>) target_semaphore(%arg14 : memref<!tpu.dma_semaphore, #tpu.memory_space<semaphore_mem>>)
    %add3A_50 = arith.constant 6 : i32
    %add3A_51 = arith.addi %mul3A_2, %add3A_50 : i32
    %dma_start3A_52 = arith.constant 6 : i32
    %dma_start3A_53 = arith.constant 0 : i32
    %dma_start3A_54 = tpu.memref_slice %arg8[%dma_start3A_52, %dma_start3A_53] : memref<8x128xi32, #tpu.memory_space<vmem>> -> memref<1x128xi32, #tpu.memory_space<vmem>>
    %dma_start3A_55 = tpu.memref_squeeze %dma_start3A_54 : memref<1x128xi32, #tpu.memory_space<vmem>> -> memref<128xi32, #tpu.memory_space<vmem>>
    %dma_start3A_56 = arith.constant 0 : i32
    %dma_start3A_57 = tpu.memref_slice %arg4[%add3A_51, %dma_start3A_56] : memref<2568x128xi32, #tpu.memory_space<hbm>> -> memref<1x128xi32, #tpu.memory_space<hbm>>
    %dma_start3A_58 = tpu.memref_squeeze %dma_start3A_57 : memref<1x128xi32, #tpu.memory_space<hbm>> -> memref<128xi32, #tpu.memory_space<hbm>>
    %dma_start3A_59 = arith.constant 0 : i32
    %dma_start3A_60 = tpu.memref_slice %arg8[%dma_start3A_52, %dma_start3A_59] : memref<8x128xi32, #tpu.memory_space<vmem>> -> memref<1x128xi32, #tpu.memory_space<vmem>>
    %dma_start3A_61 = tpu.memref_squeeze %dma_start3A_60 : memref<1x128xi32, #tpu.memory_space<vmem>> -> memref<128xi32, #tpu.memory_space<vmem>>
    %dma_start3A_62 = arith.constant 0 : i32
    %dma_start3A_63 = tpu.memref_slice %arg4[%add3A_51, %dma_start3A_62] : memref<2568x128xi32, #tpu.memory_space<hbm>> -> memref<1x128xi32, #tpu.memory_space<hbm>>
    %dma_start3A_64 = tpu.memref_squeeze %dma_start3A_63 : memref<1x128xi32, #tpu.memory_space<hbm>> -> memref<128xi32, #tpu.memory_space<hbm>>
    tpu.enqueue_dma source(%dma_start3A_64 : memref<128xi32, #tpu.memory_space<hbm>>) target(%dma_start3A_61 : memref<128xi32, #tpu.memory_space<vmem>>) target_semaphore(%arg14 : memref<!tpu.dma_semaphore, #tpu.memory_space<semaphore_mem>>)
    %add3A_65 = arith.constant 7 : i32
    %add3A_66 = arith.addi %mul3A_2, %add3A_65 : i32
    %dma_start3A_67 = arith.constant 7 : i32
    %dma_start3A_68 = arith.constant 0 : i32
    %dma_start3A_69 = tpu.memref_slice %arg8[%dma_start3A_67, %dma_start3A_68] : memref<8x128xi32, #tpu.memory_space<vmem>> -> memref<1x128xi32, #tpu.memory_space<vmem>>
    %dma_start3A_70 = tpu.memref_squeeze %dma_start3A_69 : memref<1x128xi32, #tpu.memory_space<vmem>> -> memref<128xi32, #tpu.memory_space<vmem>>
    %dma_start3A_71 = arith.constant 0 : i32
    %dma_start3A_72 = tpu.memref_slice %arg4[%add3A_66, %dma_start3A_71] : memref<2568x128xi32, #tpu.memory_space<hbm>> -> memref<1x128xi32, #tpu.memory_space<hbm>>
    %dma_start3A_73 = tpu.memref_squeeze %dma_start3A_72 : memref<1x128xi32, #tpu.memory_space<hbm>> -> memref<128xi32, #tpu.memory_space<hbm>>
    %dma_start3A_74 = arith.constant 0 : i32
    %dma_start3A_75 = tpu.memref_slice %arg8[%dma_start3A_67, %dma_start3A_74] : memref<8x128xi32, #tpu.memory_space<vmem>> -> memref<1x128xi32, #tpu.memory_space<vmem>>
    %dma_start3A_76 = tpu.memref_squeeze %dma_start3A_75 : memref<1x128xi32, #tpu.memory_space<vmem>> -> memref<128xi32, #tpu.memory_space<vmem>>
    %dma_start3A_77 = arith.constant 0 : i32
    %dma_start3A_78 = tpu.memref_slice %arg4[%add3A_66, %dma_start3A_77] : memref<2568x128xi32, #tpu.memory_space<hbm>> -> memref<1x128xi32, #tpu.memory_space<hbm>>
    %dma_start3A_79 = tpu.memref_squeeze %dma_start3A_78 : memref<1x128xi32, #tpu.memory_space<hbm>> -> memref<128xi32, #tpu.memory_space<hbm>>
    tpu.enqueue_dma source(%dma_start3A_79 : memref<128xi32, #tpu.memory_space<hbm>>) target(%dma_start3A_76 : memref<128xi32, #tpu.memory_space<vmem>>) target_semaphore(%arg14 : memref<!tpu.dma_semaphore, #tpu.memory_space<semaphore_mem>>)
    %scan3A = arith.constant 0 : i32
    %scan3A_80 = arith.constant 0 : i32
    %scan3A_81 = arith.constant 39 : i32
    %scan3A_82 = arith.addi %scan3A_80, %scan3A_81 : i32
    %scan3A_83 = arith.constant 1 : i32
    scf.for %scan3A_160 = %scan3A_80 to %scan3A_82 step %scan3A_83  : i32 {
      %mul3A_161 = arith.constant 2 : i32
      %mul3A_162 = arith.muli %mul3A_161, %scan3A_160 : i32
      %dma_wait3A_163 = arith.constant 0 : i32
      %dma_wait3A_164 = arith.constant 0 : i32
      %dma_wait3A_165 = tpu.memref_slice %arg8[%dma_wait3A_163, %dma_wait3A_164] : memref<8x128xi32, #tpu.memory_space<vmem>> -> memref<1x128xi32, #tpu.memory_space<vmem>>
      %dma_wait3A_166 = tpu.memref_squeeze %dma_wait3A_165 : memref<1x128xi32, #tpu.memory_space<vmem>> -> memref<128xi32, #tpu.memory_space<vmem>>
      %dma_wait3A_167 = arith.constant 0 : i32
      %dma_wait3A_168 = tpu.memref_slice %arg4[%mul3A_2, %dma_wait3A_167] : memref<2568x128xi32, #tpu.memory_space<hbm>> -> memref<1x128xi32, #tpu.memory_space<hbm>>
      %dma_wait3A_169 = tpu.memref_squeeze %dma_wait3A_168 : memref<1x128xi32, #tpu.memory_space<hbm>> -> memref<128xi32, #tpu.memory_space<hbm>>
      %dma_wait3A_170 = arith.constant 0 : i32
      %dma_wait3A_171 = tpu.memref_slice %arg8[%dma_wait3A_163, %dma_wait3A_170] : memref<8x128xi32, #tpu.memory_space<vmem>> -> memref<1x128xi32, #tpu.memory_space<vmem>>
      %dma_wait3A_172 = tpu.memref_squeeze %dma_wait3A_171 : memref<1x128xi32, #tpu.memory_space<vmem>> -> memref<128xi32, #tpu.memory_space<vmem>>
      %dma_wait3A_173 = arith.constant 0 : i32
      %dma_wait3A_174 = tpu.memref_slice %arg4[%mul3A_2, %dma_wait3A_173] : memref<2568x128xi32, #tpu.memory_space<hbm>> -> memref<1x128xi32, #tpu.memory_space<hbm>>
      %dma_wait3A_175 = tpu.memref_squeeze %dma_wait3A_174 : memref<1x128xi32, #tpu.memory_space<hbm>> -> memref<128xi32, #tpu.memory_space<hbm>>
      tpu.wait_dma2 semaphore(%arg14 : memref<!tpu.dma_semaphore, #tpu.memory_space<semaphore_mem>>) src(%dma_wait3A_175 : memref<128xi32, #tpu.memory_space<hbm>>) dst(%dma_wait3A_172 : memref<128xi32, #tpu.memory_space<vmem>>)
      %dma_wait3A_176 = arith.constant 0 : i32
      %dma_wait3A_177 = arith.constant 0 : i32
      %dma_wait3A_178 = tpu.memref_slice %arg8[%dma_wait3A_176, %dma_wait3A_177] : memref<8x128xi32, #tpu.memory_space<vmem>> -> memref<1x128xi32, #tpu.memory_space<vmem>>
      %dma_wait3A_179 = tpu.memref_squeeze %dma_wait3A_178 : memref<1x128xi32, #tpu.memory_space<vmem>> -> memref<128xi32, #tpu.memory_space<vmem>>
      %dma_wait3A_180 = arith.constant 0 : i32
      %dma_wait3A_181 = tpu.memref_slice %arg4[%mul3A_2, %dma_wait3A_180] : memref<2568x128xi32, #tpu.memory_space<hbm>> -> memref<1x128xi32, #tpu.memory_space<hbm>>
      %dma_wait3A_182 = tpu.memref_squeeze %dma_wait3A_181 : memref<1x128xi32, #tpu.memory_space<hbm>> -> memref<128xi32, #tpu.memory_space<hbm>>
      %dma_wait3A_183 = arith.constant 0 : i32
      %dma_wait3A_184 = tpu.memref_slice %arg8[%dma_wait3A_176, %dma_wait3A_183] : memref<8x128xi32, #tpu.memory_space<vmem>> -> memref<1x128xi32, #tpu.memory_space<vmem>>
      %dma_wait3A_185 = tpu.memref_squeeze %dma_wait3A_184 : memref<1x128xi32, #tpu.memory_space<vmem>> -> memref<128xi32, #tpu.memory_space<vmem>>
      %dma_wait3A_186 = arith.constant 0 : i32
      %dma_wait3A_187 = tpu.memref_slice %arg4[%mul3A_2, %dma_wait3A_186] : memref<2568x128xi32, #tpu.memory_space<hbm>> -> memref<1x128xi32, #tpu.memory_space<hbm>>
      %dma_wait3A_188 = tpu.memref_squeeze %dma_wait3A_187 : memref<1x128xi32, #tpu.memory_space<hbm>> -> memref<128xi32, #tpu.memory_space<hbm>>
      tpu.wait_dma2 semaphore(%arg14 : memref<!tpu.dma_semaphore, #tpu.memory_space<semaphore_mem>>) src(%dma_wait3A_188 : memref<128xi32, #tpu.memory_space<hbm>>) dst(%dma_wait3A_185 : memref<128xi32, #tpu.memory_space<vmem>>)
      %dma_wait3A_189 = arith.constant 0 : i32
      %dma_wait3A_190 = arith.constant 0 : i32
      %dma_wait3A_191 = tpu.memref_slice %arg8[%dma_wait3A_189, %dma_wait3A_190] : memref<8x128xi32, #tpu.memory_space<vmem>> -> memref<1x128xi32, #tpu.memory_space<vmem>>
      %dma_wait3A_192 = tpu.memref_squeeze %dma_wait3A_191 : memref<1x128xi32, #tpu.memory_space<vmem>> -> memref<128xi32, #tpu.memory_space<vmem>>
      %dma_wait3A_193 = arith.constant 0 : i32
      %dma_wait3A_194 = tpu.memref_slice %arg4[%mul3A_2, %dma_wait3A_193] : memref<2568x128xi32, #tpu.memory_space<hbm>> -> memref<1x128xi32, #tpu.memory_space<hbm>>
      %dma_wait3A_195 = tpu.memref_squeeze %dma_wait3A_194 : memref<1x128xi32, #tpu.memory_space<hbm>> -> memref<128xi32, #tpu.memory_space<hbm>>
      %dma_wait3A_196 = arith.constant 0 : i32
      %dma_wait3A_197 = tpu.memref_slice %arg8[%dma_wait3A_189, %dma_wait3A_196] : memref<8x128xi32, #tpu.memory_space<vmem>> -> memref<1x128xi32, #tpu.memory_space<vmem>>
      %dma_wait3A_198 = tpu.memref_squeeze %dma_wait3A_197 : memref<1x128xi32, #tpu.memory_space<vmem>> -> memref<128xi32, #tpu.memory_space<vmem>>
      %dma_wait3A_199 = arith.constant 0 : i32
      %dma_wait3A_200 = tpu.memref_slice %arg4[%mul3A_2, %dma_wait3A_199] : memref<2568x128xi32, #tpu.memory_space<hbm>> -> memref<1x128xi32, #tpu.memory_space<hbm>>
      %dma_wait3A_201 = tpu.memref_squeeze %dma_wait3A_200 : memref<1x128xi32, #tpu.memory_space<hbm>> -> memref<128xi32, #tpu.memory_space<hbm>>
      tpu.wait_dma2 semaphore(%arg14 : memref<!tpu.dma_semaphore, #tpu.memory_space<semaphore_mem>>) src(%dma_wait3A_201 : memref<128xi32, #tpu.memory_space<hbm>>) dst(%dma_wait3A_198 : memref<128xi32, #tpu.memory_space<vmem>>)
      %dma_wait3A_202 = arith.constant 0 : i32
      %dma_wait3A_203 = arith.constant 0 : i32
      %dma_wait3A_204 = tpu.memref_slice %arg8[%dma_wait3A_202, %dma_wait3A_203] : memref<8x128xi32, #tpu.memory_space<vmem>> -> memref<1x128xi32, #tpu.memory_space<vmem>>
      %dma_wait3A_205 = tpu.memref_squeeze %dma_wait3A_204 : memref<1x128xi32, #tpu.memory_space<vmem>> -> memref<128xi32, #tpu.memory_space<vmem>>
      %dma_wait3A_206 = arith.constant 0 : i32
      %dma_wait3A_207 = tpu.memref_slice %arg4[%mul3A_2, %dma_wait3A_206] : memref<2568x128xi32, #tpu.memory_space<hbm>> -> memref<1x128xi32, #tpu.memory_space<hbm>>
      %dma_wait3A_208 = tpu.memref_squeeze %dma_wait3A_207 : memref<1x128xi32, #tpu.memory_space<hbm>> -> memref<128xi32, #tpu.memory_space<hbm>>
      %dma_wait3A_209 = arith.constant 0 : i32
      %dma_wait3A_210 = tpu.memref_slice %arg8[%dma_wait3A_202, %dma_wait3A_209] : memref<8x128xi32, #tpu.memory_space<vmem>> -> memref<1x128xi32, #tpu.memory_space<vmem>>
      %dma_wait3A_211 = tpu.memref_squeeze %dma_wait3A_210 : memref<1x128xi32, #tpu.memory_space<vmem>> -> memref<128xi32, #tpu.memory_space<vmem>>
      %dma_wait3A_212 = arith.constant 0 : i32
      %dma_wait3A_213 = tpu.memref_slice %arg4[%mul3A_2, %dma_wait3A_212] : memref<2568x128xi32, #tpu.memory_space<hbm>> -> memref<1x128xi32, #tpu.memory_space<hbm>>
      %dma_wait3A_214 = tpu.memref_squeeze %dma_wait3A_213 : memref<1x128xi32, #tpu.memory_space<hbm>> -> memref<128xi32, #tpu.memory_space<hbm>>
      tpu.wait_dma2 semaphore(%arg14 : memref<!tpu.dma_semaphore, #tpu.memory_space<semaphore_mem>>) src(%dma_wait3A_214 : memref<128xi32, #tpu.memory_space<hbm>>) dst(%dma_wait3A_211 : memref<128xi32, #tpu.memory_space<vmem>>)
      %dma_wait3A_215 = arith.constant 0 : i32
      %dma_wait3A_216 = arith.constant 0 : i32
      %dma_wait3A_217 = tpu.memref_slice %arg7[%dma_wait3A_215, %dma_wait3A_216] : memref<8x128xi32, #tpu.memory_space<vmem>> -> memref<1x128xi32, #tpu.memory_space<vmem>>
      %dma_wait3A_218 = tpu.memref_squeeze %dma_wait3A_217 : memref<1x128xi32, #tpu.memory_space<vmem>> -> memref<128xi32, #tpu.memory_space<vmem>>
      %dma_wait3A_219 = arith.constant 0 : i32
      %dma_wait3A_220 = arith.constant 0 : i32
      %dma_wait3A_221 = tpu.memref_slice %arg2[%dma_wait3A_219, %dma_wait3A_220] : memref<10240x128xf32, #tpu.memory_space<hbm>> -> memref<10240x128xf32, #tpu.memory_space<hbm>>
      tpu.wait_indirect_dma semaphore(%arg12 : memref<!tpu.dma_semaphore, #tpu.memory_space<semaphore_mem>>) src(%dma_wait3A_221 : memref<10240x128xf32, #tpu.memory_space<hbm>>) dst(%arg9 : memref<128x128xf32, #tpu.memory_space<vmem>>)
      %rem3A_222 = arith.constant 8 : i32
      %rem3A_223 = arith.remsi %mul3A_162, %rem3A_222 : i32
      "tpu.region"() ({
        %run_scoped3A = tpu.sem_alloc : memref<!tpu.dma_semaphore, #tpu.memory_space<semaphore_mem>>
        %dma_start3A_323 = arith.constant 0 : i32
        %dma_start3A_324 = tpu.memref_slice %arg8[%rem3A_223, %dma_start3A_323] : memref<8x128xi32, #tpu.memory_space<vmem>> -> memref<1x128xi32, #tpu.memory_space<vmem>>
        %dma_start3A_325 = tpu.memref_squeeze %dma_start3A_324 : memref<1x128xi32, #tpu.memory_space<vmem>> -> memref<128xi32, #tpu.memory_space<vmem>>
        %dma_start3A_326 = arith.constant 0 : i32
        %dma_start3A_327 = arith.constant 0 : i32
        %dma_start3A_328 = tpu.memref_slice %arg11[%dma_start3A_326, %dma_start3A_327] : memref<10240x128xf32, #tpu.memory_space<vmem_shared>> -> memref<10240x128xf32, #tpu.memory_space<vmem_shared>>
        tpu.enqueue_indirect_dma source(%arg9 : memref<128x128xf32, #tpu.memory_space<vmem>>) target(%dma_start3A_328 : memref<10240x128xf32, #tpu.memory_space<vmem_shared>>) offsets(%dma_start3A_325 : memref<128xi32, #tpu.memory_space<vmem>>) semaphore(%run_scoped3A : memref<!tpu.dma_semaphore, #tpu.memory_space<semaphore_mem>>) {add = true}
        %dma_wait3A_329 = arith.constant 0 : i32
        %dma_wait3A_330 = tpu.memref_slice %arg8[%rem3A_223, %dma_wait3A_329] : memref<8x128xi32, #tpu.memory_space<vmem>> -> memref<1x128xi32, #tpu.memory_space<vmem>>
        %dma_wait3A_331 = tpu.memref_squeeze %dma_wait3A_330 : memref<1x128xi32, #tpu.memory_space<vmem>> -> memref<128xi32, #tpu.memory_space<vmem>>
        %dma_wait3A_332 = arith.constant 0 : i32
        %dma_wait3A_333 = arith.constant 0 : i32
        %dma_wait3A_334 = tpu.memref_slice %arg11[%dma_wait3A_332, %dma_wait3A_333] : memref<10240x128xf32, #tpu.memory_space<vmem_shared>> -> memref<10240x128xf32, #tpu.memory_space<vmem_shared>>
        tpu.wait_indirect_dma semaphore(%run_scoped3A : memref<!tpu.dma_semaphore, #tpu.memory_space<semaphore_mem>>) src(%arg9 : memref<128x128xf32, #tpu.memory_space<vmem>>) dst(%dma_wait3A_334 : memref<10240x128xf32, #tpu.memory_space<vmem_shared>>)
        tpu.yield
      }) : () -> ()
      %add3A_224 = arith.constant 2 : i32
      %add3A_225 = arith.addi %mul3A_162, %add3A_224 : i32
      %rem3A_226 = arith.constant 8 : i32
      %rem3A_227 = arith.remsi %add3A_225, %rem3A_226 : i32
      %dma_start3A_228 = arith.constant 0 : i32
      %dma_start3A_229 = tpu.memref_slice %arg7[%rem3A_227, %dma_start3A_228] : memref<8x128xi32, #tpu.memory_space<vmem>> -> memref<1x128xi32, #tpu.memory_space<vmem>>
      %dma_start3A_230 = tpu.memref_squeeze %dma_start3A_229 : memref<1x128xi32, #tpu.memory_space<vmem>> -> memref<128xi32, #tpu.memory_space<vmem>>
      %dma_start3A_231 = arith.constant 0 : i32
      %dma_start3A_232 = arith.constant 0 : i32
      %dma_start3A_233 = tpu.memref_slice %arg2[%dma_start3A_231, %dma_start3A_232] : memref<10240x128xf32, #tpu.memory_space<hbm>> -> memref<10240x128xf32, #tpu.memory_space<hbm>>
      tpu.enqueue_indirect_dma source(%dma_start3A_233 : memref<10240x128xf32, #tpu.memory_space<hbm>>) target(%arg9 : memref<128x128xf32, #tpu.memory_space<vmem>>) offsets(%dma_start3A_230 : memref<128xi32, #tpu.memory_space<vmem>>) semaphore(%arg12 : memref<!tpu.dma_semaphore, #tpu.memory_space<semaphore_mem>>)
      %add3A_234 = arith.addi %mul3A_2, %mul3A_162 : i32
      %add3A_235 = arith.constant 8 : i32
      %add3A_236 = arith.addi %add3A_234, %add3A_235 : i32
      %rem3A_237 = arith.constant 8 : i32
      %rem3A_238 = arith.remsi %mul3A_162, %rem3A_237 : i32
      %dma_start3A_239 = arith.constant 0 : i32
      %dma_start3A_240 = tpu.memref_slice %arg7[%rem3A_238, %dma_start3A_239] : memref<8x128xi32, #tpu.memory_space<vmem>> -> memref<1x128xi32, #tpu.memory_space<vmem>>
      %dma_start3A_241 = tpu.memref_squeeze %dma_start3A_240 : memref<1x128xi32, #tpu.memory_space<vmem>> -> memref<128xi32, #tpu.memory_space<vmem>>
      %dma_start3A_242 = arith.constant 0 : i32
      %dma_start3A_243 = tpu.memref_slice %arg3[%add3A_236, %dma_start3A_242] : memref<2568x128xi32, #tpu.memory_space<hbm>> -> memref<1x128xi32, #tpu.memory_space<hbm>>
      %dma_start3A_244 = tpu.memref_squeeze %dma_start3A_243 : memref<1x128xi32, #tpu.memory_space<hbm>> -> memref<128xi32, #tpu.memory_space<hbm>>
      %dma_start3A_245 = arith.constant 0 : i32
      %dma_start3A_246 = tpu.memref_slice %arg7[%rem3A_238, %dma_start3A_245] : memref<8x128xi32, #tpu.memory_space<vmem>> -> memref<1x128xi32, #tpu.memory_space<vmem>>
      %dma_start3A_247 = tpu.memref_squeeze %dma_start3A_246 : memref<1x128xi32, #tpu.memory_space<vmem>> -> memref<128xi32, #tpu.memory_space<vmem>>
      %dma_start3A_248 = arith.constant 0 : i32
      %dma_start3A_249 = tpu.memref_slice %arg3[%add3A_236, %dma_start3A_248] : memref<2568x128xi32, #tpu.memory_space<hbm>> -> memref<1x128xi32, #tpu.memory_space<hbm>>
      %dma_start3A_250 = tpu.memref_squeeze %dma_start3A_249 : memref<1x128xi32, #tpu.memory_space<hbm>> -> memref<128xi32, #tpu.memory_space<hbm>>
      tpu.enqueue_dma source(%dma_start3A_250 : memref<128xi32, #tpu.memory_space<hbm>>) target(%dma_start3A_247 : memref<128xi32, #tpu.memory_space<vmem>>) target_semaphore(%arg14 : memref<!tpu.dma_semaphore, #tpu.memory_space<semaphore_mem>>)
      %add3A_251 = arith.addi %mul3A_2, %mul3A_162 : i32
      %add3A_252 = arith.constant 8 : i32
      %add3A_253 = arith.addi %add3A_251, %add3A_252 : i32
      %rem3A_254 = arith.constant 8 : i32
      %rem3A_255 = arith.remsi %mul3A_162, %rem3A_254 : i32
      %dma_start3A_256 = arith.constant 0 : i32
      %dma_start3A_257 = tpu.memref_slice %arg8[%rem3A_255, %dma_start3A_256] : memref<8x128xi32, #tpu.memory_space<vmem>> -> memref<1x128xi32, #tpu.memory_space<vmem>>
      %dma_start3A_258 = tpu.memref_squeeze %dma_start3A_257 : memref<1x128xi32, #tpu.memory_space<vmem>> -> memref<128xi32, #tpu.memory_space<vmem>>
      %dma_start3A_259 = arith.constant 0 : i32
      %dma_start3A_260 = tpu.memref_slice %arg4[%add3A_253, %dma_start3A_259] : memref<2568x128xi32, #tpu.memory_space<hbm>> -> memref<1x128xi32, #tpu.memory_space<hbm>>
      %dma_start3A_261 = tpu.memref_squeeze %dma_start3A_260 : memref<1x128xi32, #tpu.memory_space<hbm>> -> memref<128xi32, #tpu.memory_space<hbm>>
      %dma_start3A_262 = arith.constant 0 : i32
      %dma_start3A_263 = tpu.memref_slice %arg8[%rem3A_255, %dma_start3A_262] : memref<8x128xi32, #tpu.memory_space<vmem>> -> memref<1x128xi32, #tpu.memory_space<vmem>>
      %dma_start3A_264 = tpu.memref_squeeze %dma_start3A_263 : memref<1x128xi32, #tpu.memory_space<vmem>> -> memref<128xi32, #tpu.memory_space<vmem>>
      %dma_start3A_265 = arith.constant 0 : i32
      %dma_start3A_266 = tpu.memref_slice %arg4[%add3A_253, %dma_start3A_265] : memref<2568x128xi32, #tpu.memory_space<hbm>> -> memref<1x128xi32, #tpu.memory_space<hbm>>
      %dma_start3A_267 = tpu.memref_squeeze %dma_start3A_266 : memref<1x128xi32, #tpu.memory_space<hbm>> -> memref<128xi32, #tpu.memory_space<hbm>>
      tpu.enqueue_dma source(%dma_start3A_267 : memref<128xi32, #tpu.memory_space<hbm>>) target(%dma_start3A_264 : memref<128xi32, #tpu.memory_space<vmem>>) target_semaphore(%arg14 : memref<!tpu.dma_semaphore, #tpu.memory_space<semaphore_mem>>)
      %add3A_268 = arith.constant 1 : i32
      %add3A_269 = arith.addi %mul3A_162, %add3A_268 : i32
      %dma_wait3A_270 = arith.constant 0 : i32
      %dma_wait3A_271 = arith.constant 0 : i32
      %dma_wait3A_272 = tpu.memref_slice %arg7[%dma_wait3A_270, %dma_wait3A_271] : memref<8x128xi32, #tpu.memory_space<vmem>> -> memref<1x128xi32, #tpu.memory_space<vmem>>
      %dma_wait3A_273 = tpu.memref_squeeze %dma_wait3A_272 : memref<1x128xi32, #tpu.memory_space<vmem>> -> memref<128xi32, #tpu.memory_space<vmem>>
      %dma_wait3A_274 = arith.constant 0 : i32
      %dma_wait3A_275 = arith.constant 0 : i32
      %dma_wait3A_276 = tpu.memref_slice %arg2[%dma_wait3A_274, %dma_wait3A_275] : memref<10240x128xf32, #tpu.memory_space<hbm>> -> memref<10240x128xf32, #tpu.memory_space<hbm>>
      tpu.wait_indirect_dma semaphore(%arg13 : memref<!tpu.dma_semaphore, #tpu.memory_space<semaphore_mem>>) src(%dma_wait3A_276 : memref<10240x128xf32, #tpu.memory_space<hbm>>) dst(%arg10 : memref<128x128xf32, #tpu.memory_space<vmem>>)
      %rem3A_277 = arith.constant 8 : i32
      %rem3A_278 = arith.remsi %add3A_269, %rem3A_277 : i32
      "tpu.region"() ({
        %run_scoped3A = tpu.sem_alloc : memref<!tpu.dma_semaphore, #tpu.memory_space<semaphore_mem>>
        %dma_start3A_323 = arith.constant 0 : i32
        %dma_start3A_324 = tpu.memref_slice %arg8[%rem3A_278, %dma_start3A_323] : memref<8x128xi32, #tpu.memory_space<vmem>> -> memref<1x128xi32, #tpu.memory_space<vmem>>
        %dma_start3A_325 = tpu.memref_squeeze %dma_start3A_324 : memref<1x128xi32, #tpu.memory_space<vmem>> -> memref<128xi32, #tpu.memory_space<vmem>>
        %dma_start3A_326 = arith.constant 0 : i32
        %dma_start3A_327 = arith.constant 0 : i32
        %dma_start3A_328 = tpu.memref_slice %arg11[%dma_start3A_326, %dma_start3A_327] : memref<10240x128xf32, #tpu.memory_space<vmem_shared>> -> memref<10240x128xf32, #tpu.memory_space<vmem_shared>>
        tpu.enqueue_indirect_dma source(%arg10 : memref<128x128xf32, #tpu.memory_space<vmem>>) target(%dma_start3A_328 : memref<10240x128xf32, #tpu.memory_space<vmem_shared>>) offsets(%dma_start3A_325 : memref<128xi32, #tpu.memory_space<vmem>>) semaphore(%run_scoped3A : memref<!tpu.dma_semaphore, #tpu.memory_space<semaphore_mem>>) {add = true}
        %dma_wait3A_329 = arith.constant 0 : i32
        %dma_wait3A_330 = tpu.memref_slice %arg8[%rem3A_278, %dma_wait3A_329] : memref<8x128xi32, #tpu.memory_space<vmem>> -> memref<1x128xi32, #tpu.memory_space<vmem>>
        %dma_wait3A_331 = tpu.memref_squeeze %dma_wait3A_330 : memref<1x128xi32, #tpu.memory_space<vmem>> -> memref<128xi32, #tpu.memory_space<vmem>>
        %dma_wait3A_332 = arith.constant 0 : i32
        %dma_wait3A_333 = arith.constant 0 : i32
        %dma_wait3A_334 = tpu.memref_slice %arg11[%dma_wait3A_332, %dma_wait3A_333] : memref<10240x128xf32, #tpu.memory_space<vmem_shared>> -> memref<10240x128xf32, #tpu.memory_space<vmem_shared>>
        tpu.wait_indirect_dma semaphore(%run_scoped3A : memref<!tpu.dma_semaphore, #tpu.memory_space<semaphore_mem>>) src(%arg10 : memref<128x128xf32, #tpu.memory_space<vmem>>) dst(%dma_wait3A_334 : memref<10240x128xf32, #tpu.memory_space<vmem_shared>>)
        tpu.yield
      }) : () -> ()
      %add3A_279 = arith.constant 2 : i32
      %add3A_280 = arith.addi %add3A_269, %add3A_279 : i32
      %rem3A_281 = arith.constant 8 : i32
      %rem3A_282 = arith.remsi %add3A_280, %rem3A_281 : i32
      %dma_start3A_283 = arith.constant 0 : i32
      %dma_start3A_284 = tpu.memref_slice %arg7[%rem3A_282, %dma_start3A_283] : memref<8x128xi32, #tpu.memory_space<vmem>> -> memref<1x128xi32, #tpu.memory_space<vmem>>
      %dma_start3A_285 = tpu.memref_squeeze %dma_start3A_284 : memref<1x128xi32, #tpu.memory_space<vmem>> -> memref<128xi32, #tpu.memory_space<vmem>>
      %dma_start3A_286 = arith.constant 0 : i32
      %dma_start3A_287 = arith.constant 0 : i32
      %dma_start3A_288 = tpu.memref_slice %arg2[%dma_start3A_286, %dma_start3A_287] : memref<10240x128xf32, #tpu.memory_space<hbm>> -> memref<10240x128xf32, #tpu.memory_space<hbm>>
      tpu.enqueue_indirect_dma source(%dma_start3A_288 : memref<10240x128xf32, #tpu.memory_space<hbm>>) target(%arg10 : memref<128x128xf32, #tpu.memory_space<vmem>>) offsets(%dma_start3A_285 : memref<128xi32, #tpu.memory_space<vmem>>) semaphore(%arg13 : memref<!tpu.dma_semaphore, #tpu.memory_space<semaphore_mem>>)
      %add3A_289 = arith.addi %mul3A_2, %add3A_269 : i32
      %add3A_290 = arith.constant 8 : i32
      %add3A_291 = arith.addi %add3A_289, %add3A_290 : i32
      %rem3A_292 = arith.constant 8 : i32
      %rem3A_293 = arith.remsi %add3A_269, %rem3A_292 : i32
      %dma_start3A_294 = arith.constant 0 : i32
      %dma_start3A_295 = tpu.memref_slice %arg7[%rem3A_293, %dma_start3A_294] : memref<8x128xi32, #tpu.memory_space<vmem>> -> memref<1x128xi32, #tpu.memory_space<vmem>>
      %dma_start3A_296 = tpu.memref_squeeze %dma_start3A_295 : memref<1x128xi32, #tpu.memory_space<vmem>> -> memref<128xi32, #tpu.memory_space<vmem>>
      %dma_start3A_297 = arith.constant 0 : i32
      %dma_start3A_298 = tpu.memref_slice %arg3[%add3A_291, %dma_start3A_297] : memref<2568x128xi32, #tpu.memory_space<hbm>> -> memref<1x128xi32, #tpu.memory_space<hbm>>
      %dma_start3A_299 = tpu.memref_squeeze %dma_start3A_298 : memref<1x128xi32, #tpu.memory_space<hbm>> -> memref<128xi32, #tpu.memory_space<hbm>>
      %dma_start3A_300 = arith.constant 0 : i32
      %dma_start3A_301 = tpu.memref_slice %arg7[%rem3A_293, %dma_start3A_300] : memref<8x128xi32, #tpu.memory_space<vmem>> -> memref<1x128xi32, #tpu.memory_space<vmem>>
      %dma_start3A_302 = tpu.memref_squeeze %dma_start3A_301 : memref<1x128xi32, #tpu.memory_space<vmem>> -> memref<128xi32, #tpu.memory_space<vmem>>
      %dma_start3A_303 = arith.constant 0 : i32
      %dma_start3A_304 = tpu.memref_slice %arg3[%add3A_291, %dma_start3A_303] : memref<2568x128xi32, #tpu.memory_space<hbm>> -> memref<1x128xi32, #tpu.memory_space<hbm>>
      %dma_start3A_305 = tpu.memref_squeeze %dma_start3A_304 : memref<1x128xi32, #tpu.memory_space<hbm>> -> memref<128xi32, #tpu.memory_space<hbm>>
      tpu.enqueue_dma source(%dma_start3A_305 : memref<128xi32, #tpu.memory_space<hbm>>) target(%dma_start3A_302 : memref<128xi32, #tpu.memory_space<vmem>>) target_semaphore(%arg14 : memref<!tpu.dma_semaphore, #tpu.memory_space<semaphore_mem>>)
      %add3A_306 = arith.addi %mul3A_2, %add3A_269 : i32
      %add3A_307 = arith.constant 8 : i32
      %add3A_308 = arith.addi %add3A_306, %add3A_307 : i32
      %rem3A_309 = arith.constant 8 : i32
      %rem3A_310 = arith.remsi %add3A_269, %rem3A_309 : i32
      %dma_start3A_311 = arith.constant 0 : i32
      %dma_start3A_312 = tpu.memref_slice %arg8[%rem3A_310, %dma_start3A_311] : memref<8x128xi32, #tpu.memory_space<vmem>> -> memref<1x128xi32, #tpu.memory_space<vmem>>
      %dma_start3A_313 = tpu.memref_squeeze %dma_start3A_312 : memref<1x128xi32, #tpu.memory_space<vmem>> -> memref<128xi32, #tpu.memory_space<vmem>>
      %dma_start3A_314 = arith.constant 0 : i32
      %dma_start3A_315 = tpu.memref_slice %arg4[%add3A_308, %dma_start3A_314] : memref<2568x128xi32, #tpu.memory_space<hbm>> -> memref<1x128xi32, #tpu.memory_space<hbm>>
      %dma_start3A_316 = tpu.memref_squeeze %dma_start3A_315 : memref<1x128xi32, #tpu.memory_space<hbm>> -> memref<128xi32, #tpu.memory_space<hbm>>
      %dma_start3A_317 = arith.constant 0 : i32
      %dma_start3A_318 = tpu.memref_slice %arg8[%rem3A_310, %dma_start3A_317] : memref<8x128xi32, #tpu.memory_space<vmem>> -> memref<1x128xi32, #tpu.memory_space<vmem>>
      %dma_start3A_319 = tpu.memref_squeeze %dma_start3A_318 : memref<1x128xi32, #tpu.memory_space<vmem>> -> memref<128xi32, #tpu.memory_space<vmem>>
      %dma_start3A_320 = arith.constant 0 : i32
      %dma_start3A_321 = tpu.memref_slice %arg4[%add3A_308, %dma_start3A_320] : memref<2568x128xi32, #tpu.memory_space<hbm>> -> memref<1x128xi32, #tpu.memory_space<hbm>>
      %dma_start3A_322 = tpu.memref_squeeze %dma_start3A_321 : memref<1x128xi32, #tpu.memory_space<hbm>> -> memref<128xi32, #tpu.memory_space<hbm>>
      tpu.enqueue_dma source(%dma_start3A_322 : memref<128xi32, #tpu.memory_space<hbm>>) target(%dma_start3A_319 : memref<128xi32, #tpu.memory_space<vmem>>) target_semaphore(%arg14 : memref<!tpu.dma_semaphore, #tpu.memory_space<semaphore_mem>>)
    }
    %scan3A_84 = arith.constant 39 : i32
    %dma_wait3A = arith.constant 0 : i32
    %dma_wait3A_85 = arith.constant 0 : i32
    %dma_wait3A_86 = tpu.memref_slice %arg8[%dma_wait3A, %dma_wait3A_85] : memref<8x128xi32, #tpu.memory_space<vmem>> -> memref<1x128xi32, #tpu.memory_space<vmem>>
    %dma_wait3A_87 = tpu.memref_squeeze %dma_wait3A_86 : memref<1x128xi32, #tpu.memory_space<vmem>> -> memref<128xi32, #tpu.memory_space<vmem>>
    %dma_wait3A_88 = arith.constant 0 : i32
    %dma_wait3A_89 = tpu.memref_slice %arg4[%mul3A_2, %dma_wait3A_88] : memref<2568x128xi32, #tpu.memory_space<hbm>> -> memref<1x128xi32, #tpu.memory_space<hbm>>
    %dma_wait3A_90 = tpu.memref_squeeze %dma_wait3A_89 : memref<1x128xi32, #tpu.memory_space<hbm>> -> memref<128xi32, #tpu.memory_space<hbm>>
    %dma_wait3A_91 = arith.constant 0 : i32
    %dma_wait3A_92 = tpu.memref_slice %arg8[%dma_wait3A, %dma_wait3A_91] : memref<8x128xi32, #tpu.memory_space<vmem>> -> memref<1x128xi32, #tpu.memory_space<vmem>>
    %dma_wait3A_93 = tpu.memref_squeeze %dma_wait3A_92 : memref<1x128xi32, #tpu.memory_space<vmem>> -> memref<128xi32, #tpu.memory_space<vmem>>
    %dma_wait3A_94 = arith.constant 0 : i32
    %dma_wait3A_95 = tpu.memref_slice %arg4[%mul3A_2, %dma_wait3A_94] : memref<2568x128xi32, #tpu.memory_space<hbm>> -> memref<1x128xi32, #tpu.memory_space<hbm>>
    %dma_wait3A_96 = tpu.memref_squeeze %dma_wait3A_95 : memref<1x128xi32, #tpu.memory_space<hbm>> -> memref<128xi32, #tpu.memory_space<hbm>>
    tpu.wait_dma2 semaphore(%arg14 : memref<!tpu.dma_semaphore, #tpu.memory_space<semaphore_mem>>) src(%dma_wait3A_96 : memref<128xi32, #tpu.memory_space<hbm>>) dst(%dma_wait3A_93 : memref<128xi32, #tpu.memory_space<vmem>>)
    %dma_wait3A_97 = arith.constant 0 : i32
    %dma_wait3A_98 = arith.constant 0 : i32
    %dma_wait3A_99 = tpu.memref_slice %arg8[%dma_wait3A_97, %dma_wait3A_98] : memref<8x128xi32, #tpu.memory_space<vmem>> -> memref<1x128xi32, #tpu.memory_space<vmem>>
    %dma_wait3A_100 = tpu.memref_squeeze %dma_wait3A_99 : memref<1x128xi32, #tpu.memory_space<vmem>> -> memref<128xi32, #tpu.memory_space<vmem>>
    %dma_wait3A_101 = arith.constant 0 : i32
    %dma_wait3A_102 = tpu.memref_slice %arg4[%mul3A_2, %dma_wait3A_101] : memref<2568x128xi32, #tpu.memory_space<hbm>> -> memref<1x128xi32, #tpu.memory_space<hbm>>
    %dma_wait3A_103 = tpu.memref_squeeze %dma_wait3A_102 : memref<1x128xi32, #tpu.memory_space<hbm>> -> memref<128xi32, #tpu.memory_space<hbm>>
    %dma_wait3A_104 = arith.constant 0 : i32
    %dma_wait3A_105 = tpu.memref_slice %arg8[%dma_wait3A_97, %dma_wait3A_104] : memref<8x128xi32, #tpu.memory_space<vmem>> -> memref<1x128xi32, #tpu.memory_space<vmem>>
    %dma_wait3A_106 = tpu.memref_squeeze %dma_wait3A_105 : memref<1x128xi32, #tpu.memory_space<vmem>> -> memref<128xi32, #tpu.memory_space<vmem>>
    %dma_wait3A_107 = arith.constant 0 : i32
    %dma_wait3A_108 = tpu.memref_slice %arg4[%mul3A_2, %dma_wait3A_107] : memref<2568x128xi32, #tpu.memory_space<hbm>> -> memref<1x128xi32, #tpu.memory_space<hbm>>
    %dma_wait3A_109 = tpu.memref_squeeze %dma_wait3A_108 : memref<1x128xi32, #tpu.memory_space<hbm>> -> memref<128xi32, #tpu.memory_space<hbm>>
    tpu.wait_dma2 semaphore(%arg14 : memref<!tpu.dma_semaphore, #tpu.memory_space<semaphore_mem>>) src(%dma_wait3A_109 : memref<128xi32, #tpu.memory_space<hbm>>) dst(%dma_wait3A_106 : memref<128xi32, #tpu.memory_space<vmem>>)
    %dma_wait3A_110 = arith.constant 0 : i32
    %dma_wait3A_111 = arith.constant 0 : i32
    %dma_wait3A_112 = tpu.memref_slice %arg8[%dma_wait3A_110, %dma_wait3A_111] : memref<8x128xi32, #tpu.memory_space<vmem>> -> memref<1x128xi32, #tpu.memory_space<vmem>>
    %dma_wait3A_113 = tpu.memref_squeeze %dma_wait3A_112 : memref<1x128xi32, #tpu.memory_space<vmem>> -> memref<128xi32, #tpu.memory_space<vmem>>
    %dma_wait3A_114 = arith.constant 0 : i32
    %dma_wait3A_115 = tpu.memref_slice %arg4[%mul3A_2, %dma_wait3A_114] : memref<2568x128xi32, #tpu.memory_space<hbm>> -> memref<1x128xi32, #tpu.memory_space<hbm>>
    %dma_wait3A_116 = tpu.memref_squeeze %dma_wait3A_115 : memref<1x128xi32, #tpu.memory_space<hbm>> -> memref<128xi32, #tpu.memory_space<hbm>>
    %dma_wait3A_117 = arith.constant 0 : i32
    %dma_wait3A_118 = tpu.memref_slice %arg8[%dma_wait3A_110, %dma_wait3A_117] : memref<8x128xi32, #tpu.memory_space<vmem>> -> memref<1x128xi32, #tpu.memory_space<vmem>>
    %dma_wait3A_119 = tpu.memref_squeeze %dma_wait3A_118 : memref<1x128xi32, #tpu.memory_space<vmem>> -> memref<128xi32, #tpu.memory_space<vmem>>
    %dma_wait3A_120 = arith.constant 0 : i32
    %dma_wait3A_121 = tpu.memref_slice %arg4[%mul3A_2, %dma_wait3A_120] : memref<2568x128xi32, #tpu.memory_space<hbm>> -> memref<1x128xi32, #tpu.memory_space<hbm>>
    %dma_wait3A_122 = tpu.memref_squeeze %dma_wait3A_121 : memref<1x128xi32, #tpu.memory_space<hbm>> -> memref<128xi32, #tpu.memory_space<hbm>>
    tpu.wait_dma2 semaphore(%arg14 : memref<!tpu.dma_semaphore, #tpu.memory_space<semaphore_mem>>) src(%dma_wait3A_122 : memref<128xi32, #tpu.memory_space<hbm>>) dst(%dma_wait3A_119 : memref<128xi32, #tpu.memory_space<vmem>>)
    %dma_wait3A_123 = arith.constant 0 : i32
    %dma_wait3A_124 = arith.constant 0 : i32
    %dma_wait3A_125 = tpu.memref_slice %arg8[%dma_wait3A_123, %dma_wait3A_124] : memref<8x128xi32, #tpu.memory_space<vmem>> -> memref<1x128xi32, #tpu.memory_space<vmem>>
    %dma_wait3A_126 = tpu.memref_squeeze %dma_wait3A_125 : memref<1x128xi32, #tpu.memory_space<vmem>> -> memref<128xi32, #tpu.memory_space<vmem>>
    %dma_wait3A_127 = arith.constant 0 : i32
    %dma_wait3A_128 = tpu.memref_slice %arg4[%mul3A_2, %dma_wait3A_127] : memref<2568x128xi32, #tpu.memory_space<hbm>> -> memref<1x128xi32, #tpu.memory_space<hbm>>
    %dma_wait3A_129 = tpu.memref_squeeze %dma_wait3A_128 : memref<1x128xi32, #tpu.memory_space<hbm>> -> memref<128xi32, #tpu.memory_space<hbm>>
    %dma_wait3A_130 = arith.constant 0 : i32
    %dma_wait3A_131 = tpu.memref_slice %arg8[%dma_wait3A_123, %dma_wait3A_130] : memref<8x128xi32, #tpu.memory_space<vmem>> -> memref<1x128xi32, #tpu.memory_space<vmem>>
    %dma_wait3A_132 = tpu.memref_squeeze %dma_wait3A_131 : memref<1x128xi32, #tpu.memory_space<vmem>> -> memref<128xi32, #tpu.memory_space<vmem>>
    %dma_wait3A_133 = arith.constant 0 : i32
    %dma_wait3A_134 = tpu.memref_slice %arg4[%mul3A_2, %dma_wait3A_133] : memref<2568x128xi32, #tpu.memory_space<hbm>> -> memref<1x128xi32, #tpu.memory_space<hbm>>
    %dma_wait3A_135 = tpu.memref_squeeze %dma_wait3A_134 : memref<1x128xi32, #tpu.memory_space<hbm>> -> memref<128xi32, #tpu.memory_space<hbm>>
    tpu.wait_dma2 semaphore(%arg14 : memref<!tpu.dma_semaphore, #tpu.memory_space<semaphore_mem>>) src(%dma_wait3A_135 : memref<128xi32, #tpu.memory_space<hbm>>) dst(%dma_wait3A_132 : memref<128xi32, #tpu.memory_space<vmem>>)
    %dma_wait3A_136 = arith.constant 0 : i32
    %dma_wait3A_137 = arith.constant 0 : i32
    %dma_wait3A_138 = tpu.memref_slice %arg7[%dma_wait3A_136, %dma_wait3A_137] : memref<8x128xi32, #tpu.memory_space<vmem>> -> memref<1x128xi32, #tpu.memory_space<vmem>>
    %dma_wait3A_139 = tpu.memref_squeeze %dma_wait3A_138 : memref<1x128xi32, #tpu.memory_space<vmem>> -> memref<128xi32, #tpu.memory_space<vmem>>
    %dma_wait3A_140 = arith.constant 0 : i32
    %dma_wait3A_141 = arith.constant 0 : i32
    %dma_wait3A_142 = tpu.memref_slice %arg2[%dma_wait3A_140, %dma_wait3A_141] : memref<10240x128xf32, #tpu.memory_space<hbm>> -> memref<10240x128xf32, #tpu.memory_space<hbm>>
    tpu.wait_indirect_dma semaphore(%arg12 : memref<!tpu.dma_semaphore, #tpu.memory_space<semaphore_mem>>) src(%dma_wait3A_142 : memref<10240x128xf32, #tpu.memory_space<hbm>>) dst(%arg9 : memref<128x128xf32, #tpu.memory_space<vmem>>)
    %rem3A = arith.constant 78 : i32
    %rem3A_143 = arith.constant 8 : i32
    %rem3A_144 = arith.remsi %rem3A, %rem3A_143 : i32
    "tpu.region"() ({
      %run_scoped3A = tpu.sem_alloc : memref<!tpu.dma_semaphore, #tpu.memory_space<semaphore_mem>>
      %dma_start3A_160 = arith.constant 0 : i32
      %dma_start3A_161 = tpu.memref_slice %arg8[%rem3A_144, %dma_start3A_160] : memref<8x128xi32, #tpu.memory_space<vmem>> -> memref<1x128xi32, #tpu.memory_space<vmem>>
      %dma_start3A_162 = tpu.memref_squeeze %dma_start3A_161 : memref<1x128xi32, #tpu.memory_space<vmem>> -> memref<128xi32, #tpu.memory_space<vmem>>
      %dma_start3A_163 = arith.constant 0 : i32
      %dma_start3A_164 = arith.constant 0 : i32
      %dma_start3A_165 = tpu.memref_slice %arg11[%dma_start3A_163, %dma_start3A_164] : memref<10240x128xf32, #tpu.memory_space<vmem_shared>> -> memref<10240x128xf32, #tpu.memory_space<vmem_shared>>
      tpu.enqueue_indirect_dma source(%arg9 : memref<128x128xf32, #tpu.memory_space<vmem>>) target(%dma_start3A_165 : memref<10240x128xf32, #tpu.memory_space<vmem_shared>>) offsets(%dma_start3A_162 : memref<128xi32, #tpu.memory_space<vmem>>) semaphore(%run_scoped3A : memref<!tpu.dma_semaphore, #tpu.memory_space<semaphore_mem>>) {add = true}
      %dma_wait3A_166 = arith.constant 0 : i32
      %dma_wait3A_167 = tpu.memref_slice %arg8[%rem3A_144, %dma_wait3A_166] : memref<8x128xi32, #tpu.memory_space<vmem>> -> memref<1x128xi32, #tpu.memory_space<vmem>>
      %dma_wait3A_168 = tpu.memref_squeeze %dma_wait3A_167 : memref<1x128xi32, #tpu.memory_space<vmem>> -> memref<128xi32, #tpu.memory_space<vmem>>
      %dma_wait3A_169 = arith.constant 0 : i32
      %dma_wait3A_170 = arith.constant 0 : i32
      %dma_wait3A_171 = tpu.memref_slice %arg11[%dma_wait3A_169, %dma_wait3A_170] : memref<10240x128xf32, #tpu.memory_space<vmem_shared>> -> memref<10240x128xf32, #tpu.memory_space<vmem_shared>>
      tpu.wait_indirect_dma semaphore(%run_scoped3A : memref<!tpu.dma_semaphore, #tpu.memory_space<semaphore_mem>>) src(%arg9 : memref<128x128xf32, #tpu.memory_space<vmem>>) dst(%dma_wait3A_171 : memref<10240x128xf32, #tpu.memory_space<vmem_shared>>)
      tpu.yield
    }) : () -> ()
    %dma_wait3A_145 = arith.constant 0 : i32
    %dma_wait3A_146 = arith.constant 0 : i32
    %dma_wait3A_147 = tpu.memref_slice %arg7[%dma_wait3A_145, %dma_wait3A_146] : memref<8x128xi32, #tpu.memory_space<vmem>> -> memref<1x128xi32, #tpu.memory_space<vmem>>
    %dma_wait3A_148 = tpu.memref_squeeze %dma_wait3A_147 : memref<1x128xi32, #tpu.memory_space<vmem>> -> memref<128xi32, #tpu.memory_space<vmem>>
    %dma_wait3A_149 = arith.constant 0 : i32
    %dma_wait3A_150 = arith.constant 0 : i32
    %dma_wait3A_151 = tpu.memref_slice %arg2[%dma_wait3A_149, %dma_wait3A_150] : memref<10240x128xf32, #tpu.memory_space<hbm>> -> memref<10240x128xf32, #tpu.memory_space<hbm>>
    tpu.wait_indirect_dma semaphore(%arg13 : memref<!tpu.dma_semaphore, #tpu.memory_space<semaphore_mem>>) src(%dma_wait3A_151 : memref<10240x128xf32, #tpu.memory_space<hbm>>) dst(%arg10 : memref<128x128xf32, #tpu.memory_space<vmem>>)
    %rem3A_152 = arith.constant 79 : i32
    %rem3A_153 = arith.constant 8 : i32
    %rem3A_154 = arith.remsi %rem3A_152, %rem3A_153 : i32
    "tpu.region"() ({
      %run_scoped3A = tpu.sem_alloc : memref<!tpu.dma_semaphore, #tpu.memory_space<semaphore_mem>>
      %dma_start3A_160 = arith.constant 0 : i32
      %dma_start3A_161 = tpu.memref_slice %arg8[%rem3A_154, %dma_start3A_160] : memref<8x128xi32, #tpu.memory_space<vmem>> -> memref<1x128xi32, #tpu.memory_space<vmem>>
      %dma_start3A_162 = tpu.memref_squeeze %dma_start3A_161 : memref<1x128xi32, #tpu.memory_space<vmem>> -> memref<128xi32, #tpu.memory_space<vmem>>
      %dma_start3A_163 = arith.constant 0 : i32
      %dma_start3A_164 = arith.constant 0 : i32
      %dma_start3A_165 = tpu.memref_slice %arg11[%dma_start3A_163, %dma_start3A_164] : memref<10240x128xf32, #tpu.memory_space<vmem_shared>> -> memref<10240x128xf32, #tpu.memory_space<vmem_shared>>
      tpu.enqueue_indirect_dma source(%arg10 : memref<128x128xf32, #tpu.memory_space<vmem>>) target(%dma_start3A_165 : memref<10240x128xf32, #tpu.memory_space<vmem_shared>>) offsets(%dma_start3A_162 : memref<128xi32, #tpu.memory_space<vmem>>) semaphore(%run_scoped3A : memref<!tpu.dma_semaphore, #tpu.memory_space<semaphore_mem>>) {add = true}
      %dma_wait3A_166 = arith.constant 0 : i32
      %dma_wait3A_167 = tpu.memref_slice %arg8[%rem3A_154, %dma_wait3A_166] : memref<8x128xi32, #tpu.memory_space<vmem>> -> memref<1x128xi32, #tpu.memory_space<vmem>>
      %dma_wait3A_168 = tpu.memref_squeeze %dma_wait3A_167 : memref<1x128xi32, #tpu.memory_space<vmem>> -> memref<128xi32, #tpu.memory_space<vmem>>
      %dma_wait3A_169 = arith.constant 0 : i32
      %dma_wait3A_170 = arith.constant 0 : i32
      %dma_wait3A_171 = tpu.memref_slice %arg11[%dma_wait3A_169, %dma_wait3A_170] : memref<10240x128xf32, #tpu.memory_space<vmem_shared>> -> memref<10240x128xf32, #tpu.memory_space<vmem_shared>>
      tpu.wait_indirect_dma semaphore(%run_scoped3A : memref<!tpu.dma_semaphore, #tpu.memory_space<semaphore_mem>>) src(%arg10 : memref<128x128xf32, #tpu.memory_space<vmem>>) dst(%dma_wait3A_171 : memref<10240x128xf32, #tpu.memory_space<vmem_shared>>)
      tpu.yield
    }) : () -> ()
    %barrier3A_155 = arith.constant 0 : index
    tpu.barrier barrier_id(%barrier3A_155)
    %mul3A_156 = arith.constant 640 : i32
    %mul3A_157 = arith.muli %arg1, %mul3A_156 : i32
    %mul3A_158 = arith.constant 640 : i32
    %mul3A_159 = arith.muli %arg1, %mul3A_158 : i32
    "tpu.region"() ({
      %run_scoped3A = tpu.sem_alloc : memref<!tpu.dma_semaphore, #tpu.memory_space<semaphore_mem>>
      %dma_start3A_160 = arith.constant 0 : i32
      %dma_start3A_161 = tpu.memref_slice %arg6[%arg0, %mul3A_159, %dma_start3A_160] : memref<2x10240x128xf32, #tpu.memory_space<hbm>> -> memref<1x640x128xf32, #tpu.memory_space<hbm>>
      %dma_start3A_162 = tpu.memref_squeeze %dma_start3A_161 : memref<1x640x128xf32, #tpu.memory_space<hbm>> -> memref<640x128xf32, #tpu.memory_space<hbm>>
      %dma_start3A_163 = arith.constant 0 : i32
      %dma_start3A_164 = tpu.memref_slice %arg11[%mul3A_157, %dma_start3A_163] : memref<10240x128xf32, #tpu.memory_space<vmem_shared>> -> memref<640x128xf32, #tpu.memory_space<vmem_shared>>
      tpu.enqueue_dma source(%dma_start3A_164 : memref<640x128xf32, #tpu.memory_space<vmem_shared>>) target(%dma_start3A_162 : memref<640x128xf32, #tpu.memory_space<hbm>>) target_semaphore(%run_scoped3A : memref<!tpu.dma_semaphore, #tpu.memory_space<semaphore_mem>>)
      %dma_wait3A_165 = arith.constant 0 : i32
      %dma_wait3A_166 = tpu.memref_slice %arg6[%arg0, %mul3A_159, %dma_wait3A_165] : memref<2x10240x128xf32, #tpu.memory_space<hbm>> -> memref<1x640x128xf32, #tpu.memory_space<hbm>>
      %dma_wait3A_167 = tpu.memref_squeeze %dma_wait3A_166 : memref<1x640x128xf32, #tpu.memory_space<hbm>> -> memref<640x128xf32, #tpu.memory_space<hbm>>
      %dma_wait3A_168 = arith.constant 0 : i32
      %dma_wait3A_169 = tpu.memref_slice %arg11[%mul3A_157, %dma_wait3A_168] : memref<10240x128xf32, #tpu.memory_space<vmem_shared>> -> memref<640x128xf32, #tpu.memory_space<vmem_shared>>
      tpu.wait_dma2 semaphore(%run_scoped3A : memref<!tpu.dma_semaphore, #tpu.memory_space<semaphore_mem>>) src(%dma_wait3A_169 : memref<640x128xf32, #tpu.memory_space<vmem_shared>>) dst(%dma_wait3A_167 : memref<640x128xf32, #tpu.memory_space<hbm>>)
      tpu.yield
    }) : () -> ()
    return
  }
}

#map = affine_map<(d0, d1) -> (0, 0)>
#map1 = affine_map<(d0, d1) -> (0, 0, 0)>
module attributes {stable_mosaic.version = 14 : i64} {
  func.func @_sc_scatter_body(%arg0: i32, %arg1: i32, %arg2: memref<10240x128xf32, #tpu.memory_space<hbm>>, %arg3: memref<2568x128xi32, #tpu.memory_space<hbm>>, %arg4: memref<2568x128xi32, #tpu.memory_space<hbm>>, %arg5: memref<10240x128xf32, #tpu.memory_space<hbm>>, %arg6: memref<2x10240x128xf32, #tpu.memory_space<hbm>>, %arg7: memref<8x128xi32, #tpu.memory_space<vmem>>, %arg8: memref<8x128xi32, #tpu.memory_space<vmem>>, %arg9: memref<128x128xf32, #tpu.memory_space<vmem>>, %arg10: memref<128x128xf32, #tpu.memory_space<vmem>>, %arg11: memref<10240x128xf32, #tpu.memory_space<vmem_shared>>, %arg12: memref<!tpu.dma_semaphore, #tpu.memory_space<semaphore_mem>>, %arg13: memref<!tpu.dma_semaphore, #tpu.memory_space<semaphore_mem>>, %arg14: memref<!tpu.dma_semaphore, #tpu.memory_space<semaphore_mem>>) attributes {dimension_semantics = [#tpu.dimension_semantics<core_parallel>, #tpu.dimension_semantics<subcore_parallel>], iteration_bounds = array<i64: 2, 16>, scalar_prefetch = 0 : i64, scratch_operands = 8 : i64, tpu.core_type = #tpu.core_type<sc_vector_subcore>, window_params = [{transform_indices = #map}, {transform_indices = #map}, {transform_indices = #map}, {transform_indices = #map}, {transform_indices = #map1}]} {
    %mul3A = arith.constant 16 : i32
    %mul3A_0 = arith.muli %arg0, %mul3A : i32
    %add3A = arith.addi %mul3A_0, %arg1 : i32
    %mul3A_1 = arith.constant 80 : i32
    %mul3A_2 = arith.muli %add3A, %mul3A_1 : i32
    %mul3A_3 = arith.constant 640 : i32
    %mul3A_4 = arith.muli %arg1, %mul3A_3 : i32
    %mul3A_5 = arith.constant 640 : i32
    %mul3A_6 = arith.muli %arg1, %mul3A_5 : i32
    "tpu.region"() ({
      %run_scoped3A = tpu.sem_alloc : memref<!tpu.dma_semaphore, #tpu.memory_space<semaphore_mem>>
      %dma_start3A_160 = arith.constant 0 : i32
      %dma_start3A_161 = tpu.memref_slice %arg11[%mul3A_6, %dma_start3A_160] : memref<10240x128xf32, #tpu.memory_space<vmem_shared>> -> memref<640x128xf32, #tpu.memory_space<vmem_shared>>
      %dma_start3A_162 = arith.constant 0 : i32
      %dma_start3A_163 = tpu.memref_slice %arg5[%mul3A_4, %dma_start3A_162] : memref<10240x128xf32, #tpu.memory_space<hbm>> -> memref<640x128xf32, #tpu.memory_space<hbm>>
      tpu.enqueue_dma source(%dma_start3A_163 : memref<640x128xf32, #tpu.memory_space<hbm>>) target(%dma_start3A_161 : memref<640x128xf32, #tpu.memory_space<vmem_shared>>) target_semaphore(%run_scoped3A : memref<!tpu.dma_semaphore, #tpu.memory_space<semaphore_mem>>)
      %dma_wait3A_164 = arith.constant 0 : i32
      %dma_wait3A_165 = tpu.memref_slice %arg11[%mul3A_6, %dma_wait3A_164] : memref<10240x128xf32, #tpu.memory_space<vmem_shared>> -> memref<640x128xf32, #tpu.memory_space<vmem_shared>>
      %dma_wait3A_166 = arith.constant 0 : i32
      %dma_wait3A_167 = tpu.memref_slice %arg5[%mul3A_4, %dma_wait3A_166] : memref<10240x128xf32, #tpu.memory_space<hbm>> -> memref<640x128xf32, #tpu.memory_space<hbm>>
      tpu.wait_dma2 semaphore(%run_scoped3A : memref<!tpu.dma_semaphore, #tpu.memory_space<semaphore_mem>>) src(%dma_wait3A_167 : memref<640x128xf32, #tpu.memory_space<hbm>>) dst(%dma_wait3A_165 : memref<640x128xf32, #tpu.memory_space<vmem_shared>>)
      tpu.yield
    }) : () -> ()
    %barrier3A = arith.constant 0 : index
    tpu.barrier barrier_id(%barrier3A)
    "tpu.region"() ({
      %run_scoped3A = tpu.sem_alloc : memref<!tpu.dma_semaphore, #tpu.memory_space<semaphore_mem>>
      %dma_start3A_160 = arith.constant 0 : i32
      %dma_start3A_161 = tpu.memref_slice %arg3[%mul3A_2, %dma_start3A_160] : memref<2568x128xi32, #tpu.memory_space<hbm>> -> memref<8x128xi32, #tpu.memory_space<hbm>>
      %dma_start3A_162 = arith.constant 0 : i32
      %dma_start3A_163 = tpu.memref_slice %arg3[%mul3A_2, %dma_start3A_162] : memref<2568x128xi32, #tpu.memory_space<hbm>> -> memref<8x128xi32, #tpu.memory_space<hbm>>
      tpu.enqueue_dma source(%dma_start3A_163 : memref<8x128xi32, #tpu.memory_space<hbm>>) target(%arg7 : memref<8x128xi32, #tpu.memory_space<vmem>>) target_semaphore(%run_scoped3A : memref<!tpu.dma_semaphore, #tpu.memory_space<semaphore_mem>>)
      %dma_wait3A_164 = arith.constant 0 : i32
      %dma_wait3A_165 = tpu.memref_slice %arg3[%mul3A_2, %dma_wait3A_164] : memref<2568x128xi32, #tpu.memory_space<hbm>> -> memref<8x128xi32, #tpu.memory_space<hbm>>
      %dma_wait3A_166 = arith.constant 0 : i32
      %dma_wait3A_167 = tpu.memref_slice %arg3[%mul3A_2, %dma_wait3A_166] : memref<2568x128xi32, #tpu.memory_space<hbm>> -> memref<8x128xi32, #tpu.memory_space<hbm>>
      tpu.wait_dma2 semaphore(%run_scoped3A : memref<!tpu.dma_semaphore, #tpu.memory_space<semaphore_mem>>) src(%dma_wait3A_167 : memref<8x128xi32, #tpu.memory_space<hbm>>) dst(%arg7 : memref<8x128xi32, #tpu.memory_space<vmem>>)
      tpu.yield
    }) : () -> ()
    "tpu.region"() ({
      %run_scoped3A = tpu.sem_alloc : memref<!tpu.dma_semaphore, #tpu.memory_space<semaphore_mem>>
      %dma_start3A_160 = arith.constant 0 : i32
      %dma_start3A_161 = tpu.memref_slice %arg4[%mul3A_2, %dma_start3A_160] : memref<2568x128xi32, #tpu.memory_space<hbm>> -> memref<8x128xi32, #tpu.memory_space<hbm>>
      %dma_start3A_162 = arith.constant 0 : i32
      %dma_start3A_163 = tpu.memref_slice %arg4[%mul3A_2, %dma_start3A_162] : memref<2568x128xi32, #tpu.memory_space<hbm>> -> memref<8x128xi32, #tpu.memory_space<hbm>>
      tpu.enqueue_dma source(%dma_start3A_163 : memref<8x128xi32, #tpu.memory_space<hbm>>) target(%arg8 : memref<8x128xi32, #tpu.memory_space<vmem>>) target_semaphore(%run_scoped3A : memref<!tpu.dma_semaphore, #tpu.memory_space<semaphore_mem>>)
      %dma_wait3A_164 = arith.constant 0 : i32
      %dma_wait3A_165 = tpu.memref_slice %arg4[%mul3A_2, %dma_wait3A_164] : memref<2568x128xi32, #tpu.memory_space<hbm>> -> memref<8x128xi32, #tpu.memory_space<hbm>>
      %dma_wait3A_166 = arith.constant 0 : i32
      %dma_wait3A_167 = tpu.memref_slice %arg4[%mul3A_2, %dma_wait3A_166] : memref<2568x128xi32, #tpu.memory_space<hbm>> -> memref<8x128xi32, #tpu.memory_space<hbm>>
      tpu.wait_dma2 semaphore(%run_scoped3A : memref<!tpu.dma_semaphore, #tpu.memory_space<semaphore_mem>>) src(%dma_wait3A_167 : memref<8x128xi32, #tpu.memory_space<hbm>>) dst(%arg8 : memref<8x128xi32, #tpu.memory_space<vmem>>)
      tpu.yield
    }) : () -> ()
    %dma_start3A = arith.constant 0 : i32
    %dma_start3A_7 = arith.constant 0 : i32
    %dma_start3A_8 = tpu.memref_slice %arg7[%dma_start3A, %dma_start3A_7] : memref<8x128xi32, #tpu.memory_space<vmem>> -> memref<1x128xi32, #tpu.memory_space<vmem>>
    %dma_start3A_9 = tpu.memref_squeeze %dma_start3A_8 : memref<1x128xi32, #tpu.memory_space<vmem>> -> memref<128xi32, #tpu.memory_space<vmem>>
    %dma_start3A_10 = arith.constant 0 : i32
    %dma_start3A_11 = arith.constant 0 : i32
    %dma_start3A_12 = tpu.memref_slice %arg2[%dma_start3A_10, %dma_start3A_11] : memref<10240x128xf32, #tpu.memory_space<hbm>> -> memref<10240x128xf32, #tpu.memory_space<hbm>>
    tpu.enqueue_indirect_dma source(%dma_start3A_12 : memref<10240x128xf32, #tpu.memory_space<hbm>>) target(%arg9 : memref<128x128xf32, #tpu.memory_space<vmem>>) offsets(%dma_start3A_9 : memref<128xi32, #tpu.memory_space<vmem>>) semaphore(%arg12 : memref<!tpu.dma_semaphore, #tpu.memory_space<semaphore_mem>>)
    %dma_start3A_13 = arith.constant 1 : i32
    %dma_start3A_14 = arith.constant 0 : i32
    %dma_start3A_15 = tpu.memref_slice %arg7[%dma_start3A_13, %dma_start3A_14] : memref<8x128xi32, #tpu.memory_space<vmem>> -> memref<1x128xi32, #tpu.memory_space<vmem>>
    %dma_start3A_16 = tpu.memref_squeeze %dma_start3A_15 : memref<1x128xi32, #tpu.memory_space<vmem>> -> memref<128xi32, #tpu.memory_space<vmem>>
    %dma_start3A_17 = arith.constant 0 : i32
    %dma_start3A_18 = arith.constant 0 : i32
    %dma_start3A_19 = tpu.memref_slice %arg2[%dma_start3A_17, %dma_start3A_18] : memref<10240x128xf32, #tpu.memory_space<hbm>> -> memref<10240x128xf32, #tpu.memory_space<hbm>>
    tpu.enqueue_indirect_dma source(%dma_start3A_19 : memref<10240x128xf32, #tpu.memory_space<hbm>>) target(%arg10 : memref<128x128xf32, #tpu.memory_space<vmem>>) offsets(%dma_start3A_16 : memref<128xi32, #tpu.memory_space<vmem>>) semaphore(%arg13 : memref<!tpu.dma_semaphore, #tpu.memory_space<semaphore_mem>>)
    %add3A_20 = arith.constant 6 : i32
    %add3A_21 = arith.addi %mul3A_2, %add3A_20 : i32
    %dma_start3A_22 = arith.constant 6 : i32
    %dma_start3A_23 = arith.constant 0 : i32
    %dma_start3A_24 = tpu.memref_slice %arg7[%dma_start3A_22, %dma_start3A_23] : memref<8x128xi32, #tpu.memory_space<vmem>> -> memref<1x128xi32, #tpu.memory_space<vmem>>
    %dma_start3A_25 = tpu.memref_squeeze %dma_start3A_24 : memref<1x128xi32, #tpu.memory_space<vmem>> -> memref<128xi32, #tpu.memory_space<vmem>>
    %dma_start3A_26 = arith.constant 0 : i32
    %dma_start3A_27 = tpu.memref_slice %arg3[%add3A_21, %dma_start3A_26] : memref<2568x128xi32, #tpu.memory_space<hbm>> -> memref<1x128xi32, #tpu.memory_space<hbm>>
    %dma_start3A_28 = tpu.memref_squeeze %dma_start3A_27 : memref<1x128xi32, #tpu.memory_space<hbm>> -> memref<128xi32, #tpu.memory_space<hbm>>
    %dma_start3A_29 = arith.constant 0 : i32
    %dma_start3A_30 = tpu.memref_slice %arg7[%dma_start3A_22, %dma_start3A_29] : memref<8x128xi32, #tpu.memory_space<vmem>> -> memref<1x128xi32, #tpu.memory_space<vmem>>
    %dma_start3A_31 = tpu.memref_squeeze %dma_start3A_30 : memref<1x128xi32, #tpu.memory_space<vmem>> -> memref<128xi32, #tpu.memory_space<vmem>>
    %dma_start3A_32 = arith.constant 0 : i32
    %dma_start3A_33 = tpu.memref_slice %arg3[%add3A_21, %dma_start3A_32] : memref<2568x128xi32, #tpu.memory_space<hbm>> -> memref<1x128xi32, #tpu.memory_space<hbm>>
    %dma_start3A_34 = tpu.memref_squeeze %dma_start3A_33 : memref<1x128xi32, #tpu.memory_space<hbm>> -> memref<128xi32, #tpu.memory_space<hbm>>
    tpu.enqueue_dma source(%dma_start3A_34 : memref<128xi32, #tpu.memory_space<hbm>>) target(%dma_start3A_31 : memref<128xi32, #tpu.memory_space<vmem>>) target_semaphore(%arg14 : memref<!tpu.dma_semaphore, #tpu.memory_space<semaphore_mem>>)
    %add3A_35 = arith.constant 7 : i32
    %add3A_36 = arith.addi %mul3A_2, %add3A_35 : i32
    %dma_start3A_37 = arith.constant 7 : i32
    %dma_start3A_38 = arith.constant 0 : i32
    %dma_start3A_39 = tpu.memref_slice %arg7[%dma_start3A_37, %dma_start3A_38] : memref<8x128xi32, #tpu.memory_space<vmem>> -> memref<1x128xi32, #tpu.memory_space<vmem>>
    %dma_start3A_40 = tpu.memref_squeeze %dma_start3A_39 : memref<1x128xi32, #tpu.memory_space<vmem>> -> memref<128xi32, #tpu.memory_space<vmem>>
    %dma_start3A_41 = arith.constant 0 : i32
    %dma_start3A_42 = tpu.memref_slice %arg3[%add3A_36, %dma_start3A_41] : memref<2568x128xi32, #tpu.memory_space<hbm>> -> memref<1x128xi32, #tpu.memory_space<hbm>>
    %dma_start3A_43 = tpu.memref_squeeze %dma_start3A_42 : memref<1x128xi32, #tpu.memory_space<hbm>> -> memref<128xi32, #tpu.memory_space<hbm>>
    %dma_start3A_44 = arith.constant 0 : i32
    %dma_start3A_45 = tpu.memref_slice %arg7[%dma_start3A_37, %dma_start3A_44] : memref<8x128xi32, #tpu.memory_space<vmem>> -> memref<1x128xi32, #tpu.memory_space<vmem>>
    %dma_start3A_46 = tpu.memref_squeeze %dma_start3A_45 : memref<1x128xi32, #tpu.memory_space<vmem>> -> memref<128xi32, #tpu.memory_space<vmem>>
    %dma_start3A_47 = arith.constant 0 : i32
    %dma_start3A_48 = tpu.memref_slice %arg3[%add3A_36, %dma_start3A_47] : memref<2568x128xi32, #tpu.memory_space<hbm>> -> memref<1x128xi32, #tpu.memory_space<hbm>>
    %dma_start3A_49 = tpu.memref_squeeze %dma_start3A_48 : memref<1x128xi32, #tpu.memory_space<hbm>> -> memref<128xi32, #tpu.memory_space<hbm>>
    tpu.enqueue_dma source(%dma_start3A_49 : memref<128xi32, #tpu.memory_space<hbm>>) target(%dma_start3A_46 : memref<128xi32, #tpu.memory_space<vmem>>) target_semaphore(%arg14 : memref<!tpu.dma_semaphore, #tpu.memory_space<semaphore_mem>>)
    %add3A_50 = arith.constant 6 : i32
    %add3A_51 = arith.addi %mul3A_2, %add3A_50 : i32
    %dma_start3A_52 = arith.constant 6 : i32
    %dma_start3A_53 = arith.constant 0 : i32
    %dma_start3A_54 = tpu.memref_slice %arg8[%dma_start3A_52, %dma_start3A_53] : memref<8x128xi32, #tpu.memory_space<vmem>> -> memref<1x128xi32, #tpu.memory_space<vmem>>
    %dma_start3A_55 = tpu.memref_squeeze %dma_start3A_54 : memref<1x128xi32, #tpu.memory_space<vmem>> -> memref<128xi32, #tpu.memory_space<vmem>>
    %dma_start3A_56 = arith.constant 0 : i32
    %dma_start3A_57 = tpu.memref_slice %arg4[%add3A_51, %dma_start3A_56] : memref<2568x128xi32, #tpu.memory_space<hbm>> -> memref<1x128xi32, #tpu.memory_space<hbm>>
    %dma_start3A_58 = tpu.memref_squeeze %dma_start3A_57 : memref<1x128xi32, #tpu.memory_space<hbm>> -> memref<128xi32, #tpu.memory_space<hbm>>
    %dma_start3A_59 = arith.constant 0 : i32
    %dma_start3A_60 = tpu.memref_slice %arg8[%dma_start3A_52, %dma_start3A_59] : memref<8x128xi32, #tpu.memory_space<vmem>> -> memref<1x128xi32, #tpu.memory_space<vmem>>
    %dma_start3A_61 = tpu.memref_squeeze %dma_start3A_60 : memref<1x128xi32, #tpu.memory_space<vmem>> -> memref<128xi32, #tpu.memory_space<vmem>>
    %dma_start3A_62 = arith.constant 0 : i32
    %dma_start3A_63 = tpu.memref_slice %arg4[%add3A_51, %dma_start3A_62] : memref<2568x128xi32, #tpu.memory_space<hbm>> -> memref<1x128xi32, #tpu.memory_space<hbm>>
    %dma_start3A_64 = tpu.memref_squeeze %dma_start3A_63 : memref<1x128xi32, #tpu.memory_space<hbm>> -> memref<128xi32, #tpu.memory_space<hbm>>
    tpu.enqueue_dma source(%dma_start3A_64 : memref<128xi32, #tpu.memory_space<hbm>>) target(%dma_start3A_61 : memref<128xi32, #tpu.memory_space<vmem>>) target_semaphore(%arg14 : memref<!tpu.dma_semaphore, #tpu.memory_space<semaphore_mem>>)
    %add3A_65 = arith.constant 7 : i32
    %add3A_66 = arith.addi %mul3A_2, %add3A_65 : i32
    %dma_start3A_67 = arith.constant 7 : i32
    %dma_start3A_68 = arith.constant 0 : i32
    %dma_start3A_69 = tpu.memref_slice %arg8[%dma_start3A_67, %dma_start3A_68] : memref<8x128xi32, #tpu.memory_space<vmem>> -> memref<1x128xi32, #tpu.memory_space<vmem>>
    %dma_start3A_70 = tpu.memref_squeeze %dma_start3A_69 : memref<1x128xi32, #tpu.memory_space<vmem>> -> memref<128xi32, #tpu.memory_space<vmem>>
    %dma_start3A_71 = arith.constant 0 : i32
    %dma_start3A_72 = tpu.memref_slice %arg4[%add3A_66, %dma_start3A_71] : memref<2568x128xi32, #tpu.memory_space<hbm>> -> memref<1x128xi32, #tpu.memory_space<hbm>>
    %dma_start3A_73 = tpu.memref_squeeze %dma_start3A_72 : memref<1x128xi32, #tpu.memory_space<hbm>> -> memref<128xi32, #tpu.memory_space<hbm>>
    %dma_start3A_74 = arith.constant 0 : i32
    %dma_start3A_75 = tpu.memref_slice %arg8[%dma_start3A_67, %dma_start3A_74] : memref<8x128xi32, #tpu.memory_space<vmem>> -> memref<1x128xi32, #tpu.memory_space<vmem>>
    %dma_start3A_76 = tpu.memref_squeeze %dma_start3A_75 : memref<1x128xi32, #tpu.memory_space<vmem>> -> memref<128xi32, #tpu.memory_space<vmem>>
    %dma_start3A_77 = arith.constant 0 : i32
    %dma_start3A_78 = tpu.memref_slice %arg4[%add3A_66, %dma_start3A_77] : memref<2568x128xi32, #tpu.memory_space<hbm>> -> memref<1x128xi32, #tpu.memory_space<hbm>>
    %dma_start3A_79 = tpu.memref_squeeze %dma_start3A_78 : memref<1x128xi32, #tpu.memory_space<hbm>> -> memref<128xi32, #tpu.memory_space<hbm>>
    tpu.enqueue_dma source(%dma_start3A_79 : memref<128xi32, #tpu.memory_space<hbm>>) target(%dma_start3A_76 : memref<128xi32, #tpu.memory_space<vmem>>) target_semaphore(%arg14 : memref<!tpu.dma_semaphore, #tpu.memory_space<semaphore_mem>>)
    %scan3A = arith.constant 0 : i32
    %scan3A_80 = arith.constant 0 : i32
    %scan3A_81 = arith.constant 39 : i32
    %scan3A_82 = arith.addi %scan3A_80, %scan3A_81 : i32
    %scan3A_83 = arith.constant 1 : i32
    scf.for %scan3A_160 = %scan3A_80 to %scan3A_82 step %scan3A_83  : i32 {
      %mul3A_161 = arith.constant 2 : i32
      %mul3A_162 = arith.muli %mul3A_161, %scan3A_160 : i32
      %dma_wait3A_163 = arith.constant 0 : i32
      %dma_wait3A_164 = arith.constant 0 : i32
      %dma_wait3A_165 = tpu.memref_slice %arg8[%dma_wait3A_163, %dma_wait3A_164] : memref<8x128xi32, #tpu.memory_space<vmem>> -> memref<1x128xi32, #tpu.memory_space<vmem>>
      %dma_wait3A_166 = tpu.memref_squeeze %dma_wait3A_165 : memref<1x128xi32, #tpu.memory_space<vmem>> -> memref<128xi32, #tpu.memory_space<vmem>>
      %dma_wait3A_167 = arith.constant 0 : i32
      %dma_wait3A_168 = tpu.memref_slice %arg4[%mul3A_2, %dma_wait3A_167] : memref<2568x128xi32, #tpu.memory_space<hbm>> -> memref<1x128xi32, #tpu.memory_space<hbm>>
      %dma_wait3A_169 = tpu.memref_squeeze %dma_wait3A_168 : memref<1x128xi32, #tpu.memory_space<hbm>> -> memref<128xi32, #tpu.memory_space<hbm>>
      %dma_wait3A_170 = arith.constant 0 : i32
      %dma_wait3A_171 = tpu.memref_slice %arg8[%dma_wait3A_163, %dma_wait3A_170] : memref<8x128xi32, #tpu.memory_space<vmem>> -> memref<1x128xi32, #tpu.memory_space<vmem>>
      %dma_wait3A_172 = tpu.memref_squeeze %dma_wait3A_171 : memref<1x128xi32, #tpu.memory_space<vmem>> -> memref<128xi32, #tpu.memory_space<vmem>>
      %dma_wait3A_173 = arith.constant 0 : i32
      %dma_wait3A_174 = tpu.memref_slice %arg4[%mul3A_2, %dma_wait3A_173] : memref<2568x128xi32, #tpu.memory_space<hbm>> -> memref<1x128xi32, #tpu.memory_space<hbm>>
      %dma_wait3A_175 = tpu.memref_squeeze %dma_wait3A_174 : memref<1x128xi32, #tpu.memory_space<hbm>> -> memref<128xi32, #tpu.memory_space<hbm>>
      tpu.wait_dma2 semaphore(%arg14 : memref<!tpu.dma_semaphore, #tpu.memory_space<semaphore_mem>>) src(%dma_wait3A_175 : memref<128xi32, #tpu.memory_space<hbm>>) dst(%dma_wait3A_172 : memref<128xi32, #tpu.memory_space<vmem>>)
      %dma_wait3A_176 = arith.constant 0 : i32
      %dma_wait3A_177 = arith.constant 0 : i32
      %dma_wait3A_178 = tpu.memref_slice %arg8[%dma_wait3A_176, %dma_wait3A_177] : memref<8x128xi32, #tpu.memory_space<vmem>> -> memref<1x128xi32, #tpu.memory_space<vmem>>
      %dma_wait3A_179 = tpu.memref_squeeze %dma_wait3A_178 : memref<1x128xi32, #tpu.memory_space<vmem>> -> memref<128xi32, #tpu.memory_space<vmem>>
      %dma_wait3A_180 = arith.constant 0 : i32
      %dma_wait3A_181 = tpu.memref_slice %arg4[%mul3A_2, %dma_wait3A_180] : memref<2568x128xi32, #tpu.memory_space<hbm>> -> memref<1x128xi32, #tpu.memory_space<hbm>>
      %dma_wait3A_182 = tpu.memref_squeeze %dma_wait3A_181 : memref<1x128xi32, #tpu.memory_space<hbm>> -> memref<128xi32, #tpu.memory_space<hbm>>
      %dma_wait3A_183 = arith.constant 0 : i32
      %dma_wait3A_184 = tpu.memref_slice %arg8[%dma_wait3A_176, %dma_wait3A_183] : memref<8x128xi32, #tpu.memory_space<vmem>> -> memref<1x128xi32, #tpu.memory_space<vmem>>
      %dma_wait3A_185 = tpu.memref_squeeze %dma_wait3A_184 : memref<1x128xi32, #tpu.memory_space<vmem>> -> memref<128xi32, #tpu.memory_space<vmem>>
      %dma_wait3A_186 = arith.constant 0 : i32
      %dma_wait3A_187 = tpu.memref_slice %arg4[%mul3A_2, %dma_wait3A_186] : memref<2568x128xi32, #tpu.memory_space<hbm>> -> memref<1x128xi32, #tpu.memory_space<hbm>>
      %dma_wait3A_188 = tpu.memref_squeeze %dma_wait3A_187 : memref<1x128xi32, #tpu.memory_space<hbm>> -> memref<128xi32, #tpu.memory_space<hbm>>
      tpu.wait_dma2 semaphore(%arg14 : memref<!tpu.dma_semaphore, #tpu.memory_space<semaphore_mem>>) src(%dma_wait3A_188 : memref<128xi32, #tpu.memory_space<hbm>>) dst(%dma_wait3A_185 : memref<128xi32, #tpu.memory_space<vmem>>)
      %dma_wait3A_189 = arith.constant 0 : i32
      %dma_wait3A_190 = arith.constant 0 : i32
      %dma_wait3A_191 = tpu.memref_slice %arg8[%dma_wait3A_189, %dma_wait3A_190] : memref<8x128xi32, #tpu.memory_space<vmem>> -> memref<1x128xi32, #tpu.memory_space<vmem>>
      %dma_wait3A_192 = tpu.memref_squeeze %dma_wait3A_191 : memref<1x128xi32, #tpu.memory_space<vmem>> -> memref<128xi32, #tpu.memory_space<vmem>>
      %dma_wait3A_193 = arith.constant 0 : i32
      %dma_wait3A_194 = tpu.memref_slice %arg4[%mul3A_2, %dma_wait3A_193] : memref<2568x128xi32, #tpu.memory_space<hbm>> -> memref<1x128xi32, #tpu.memory_space<hbm>>
      %dma_wait3A_195 = tpu.memref_squeeze %dma_wait3A_194 : memref<1x128xi32, #tpu.memory_space<hbm>> -> memref<128xi32, #tpu.memory_space<hbm>>
      %dma_wait3A_196 = arith.constant 0 : i32
      %dma_wait3A_197 = tpu.memref_slice %arg8[%dma_wait3A_189, %dma_wait3A_196] : memref<8x128xi32, #tpu.memory_space<vmem>> -> memref<1x128xi32, #tpu.memory_space<vmem>>
      %dma_wait3A_198 = tpu.memref_squeeze %dma_wait3A_197 : memref<1x128xi32, #tpu.memory_space<vmem>> -> memref<128xi32, #tpu.memory_space<vmem>>
      %dma_wait3A_199 = arith.constant 0 : i32
      %dma_wait3A_200 = tpu.memref_slice %arg4[%mul3A_2, %dma_wait3A_199] : memref<2568x128xi32, #tpu.memory_space<hbm>> -> memref<1x128xi32, #tpu.memory_space<hbm>>
      %dma_wait3A_201 = tpu.memref_squeeze %dma_wait3A_200 : memref<1x128xi32, #tpu.memory_space<hbm>> -> memref<128xi32, #tpu.memory_space<hbm>>
      tpu.wait_dma2 semaphore(%arg14 : memref<!tpu.dma_semaphore, #tpu.memory_space<semaphore_mem>>) src(%dma_wait3A_201 : memref<128xi32, #tpu.memory_space<hbm>>) dst(%dma_wait3A_198 : memref<128xi32, #tpu.memory_space<vmem>>)
      %dma_wait3A_202 = arith.constant 0 : i32
      %dma_wait3A_203 = arith.constant 0 : i32
      %dma_wait3A_204 = tpu.memref_slice %arg8[%dma_wait3A_202, %dma_wait3A_203] : memref<8x128xi32, #tpu.memory_space<vmem>> -> memref<1x128xi32, #tpu.memory_space<vmem>>
      %dma_wait3A_205 = tpu.memref_squeeze %dma_wait3A_204 : memref<1x128xi32, #tpu.memory_space<vmem>> -> memref<128xi32, #tpu.memory_space<vmem>>
      %dma_wait3A_206 = arith.constant 0 : i32
      %dma_wait3A_207 = tpu.memref_slice %arg4[%mul3A_2, %dma_wait3A_206] : memref<2568x128xi32, #tpu.memory_space<hbm>> -> memref<1x128xi32, #tpu.memory_space<hbm>>
      %dma_wait3A_208 = tpu.memref_squeeze %dma_wait3A_207 : memref<1x128xi32, #tpu.memory_space<hbm>> -> memref<128xi32, #tpu.memory_space<hbm>>
      %dma_wait3A_209 = arith.constant 0 : i32
      %dma_wait3A_210 = tpu.memref_slice %arg8[%dma_wait3A_202, %dma_wait3A_209] : memref<8x128xi32, #tpu.memory_space<vmem>> -> memref<1x128xi32, #tpu.memory_space<vmem>>
      %dma_wait3A_211 = tpu.memref_squeeze %dma_wait3A_210 : memref<1x128xi32, #tpu.memory_space<vmem>> -> memref<128xi32, #tpu.memory_space<vmem>>
      %dma_wait3A_212 = arith.constant 0 : i32
      %dma_wait3A_213 = tpu.memref_slice %arg4[%mul3A_2, %dma_wait3A_212] : memref<2568x128xi32, #tpu.memory_space<hbm>> -> memref<1x128xi32, #tpu.memory_space<hbm>>
      %dma_wait3A_214 = tpu.memref_squeeze %dma_wait3A_213 : memref<1x128xi32, #tpu.memory_space<hbm>> -> memref<128xi32, #tpu.memory_space<hbm>>
      tpu.wait_dma2 semaphore(%arg14 : memref<!tpu.dma_semaphore, #tpu.memory_space<semaphore_mem>>) src(%dma_wait3A_214 : memref<128xi32, #tpu.memory_space<hbm>>) dst(%dma_wait3A_211 : memref<128xi32, #tpu.memory_space<vmem>>)
      %dma_wait3A_215 = arith.constant 0 : i32
      %dma_wait3A_216 = arith.constant 0 : i32
      %dma_wait3A_217 = tpu.memref_slice %arg7[%dma_wait3A_215, %dma_wait3A_216] : memref<8x128xi32, #tpu.memory_space<vmem>> -> memref<1x128xi32, #tpu.memory_space<vmem>>
      %dma_wait3A_218 = tpu.memref_squeeze %dma_wait3A_217 : memref<1x128xi32, #tpu.memory_space<vmem>> -> memref<128xi32, #tpu.memory_space<vmem>>
      %dma_wait3A_219 = arith.constant 0 : i32
      %dma_wait3A_220 = arith.constant 0 : i32
      %dma_wait3A_221 = tpu.memref_slice %arg2[%dma_wait3A_219, %dma_wait3A_220] : memref<10240x128xf32, #tpu.memory_space<hbm>> -> memref<10240x128xf32, #tpu.memory_space<hbm>>
      tpu.wait_indirect_dma semaphore(%arg12 : memref<!tpu.dma_semaphore, #tpu.memory_space<semaphore_mem>>) src(%dma_wait3A_221 : memref<10240x128xf32, #tpu.memory_space<hbm>>) dst(%arg9 : memref<128x128xf32, #tpu.memory_space<vmem>>)
      %rem3A_222 = arith.constant 8 : i32
      %rem3A_223 = arith.remsi %mul3A_162, %rem3A_222 : i32
      "tpu.region"() ({
        %run_scoped3A = tpu.sem_alloc : memref<!tpu.dma_semaphore, #tpu.memory_space<semaphore_mem>>
        %dma_start3A_323 = arith.constant 0 : i32
        %dma_start3A_324 = tpu.memref_slice %arg8[%rem3A_223, %dma_start3A_323] : memref<8x128xi32, #tpu.memory_space<vmem>> -> memref<1x128xi32, #tpu.memory_space<vmem>>
        %dma_start3A_325 = tpu.memref_squeeze %dma_start3A_324 : memref<1x128xi32, #tpu.memory_space<vmem>> -> memref<128xi32, #tpu.memory_space<vmem>>
        %dma_start3A_326 = arith.constant 0 : i32
        %dma_start3A_327 = arith.constant 0 : i32
        %dma_start3A_328 = tpu.memref_slice %arg11[%dma_start3A_326, %dma_start3A_327] : memref<10240x128xf32, #tpu.memory_space<vmem_shared>> -> memref<10240x128xf32, #tpu.memory_space<vmem_shared>>
        tpu.enqueue_indirect_dma source(%arg9 : memref<128x128xf32, #tpu.memory_space<vmem>>) target(%dma_start3A_328 : memref<10240x128xf32, #tpu.memory_space<vmem_shared>>) offsets(%dma_start3A_325 : memref<128xi32, #tpu.memory_space<vmem>>) semaphore(%run_scoped3A : memref<!tpu.dma_semaphore, #tpu.memory_space<semaphore_mem>>) {add = true}
        %dma_wait3A_329 = arith.constant 0 : i32
        %dma_wait3A_330 = tpu.memref_slice %arg8[%rem3A_223, %dma_wait3A_329] : memref<8x128xi32, #tpu.memory_space<vmem>> -> memref<1x128xi32, #tpu.memory_space<vmem>>
        %dma_wait3A_331 = tpu.memref_squeeze %dma_wait3A_330 : memref<1x128xi32, #tpu.memory_space<vmem>> -> memref<128xi32, #tpu.memory_space<vmem>>
        %dma_wait3A_332 = arith.constant 0 : i32
        %dma_wait3A_333 = arith.constant 0 : i32
        %dma_wait3A_334 = tpu.memref_slice %arg11[%dma_wait3A_332, %dma_wait3A_333] : memref<10240x128xf32, #tpu.memory_space<vmem_shared>> -> memref<10240x128xf32, #tpu.memory_space<vmem_shared>>
        tpu.wait_indirect_dma semaphore(%run_scoped3A : memref<!tpu.dma_semaphore, #tpu.memory_space<semaphore_mem>>) src(%arg9 : memref<128x128xf32, #tpu.memory_space<vmem>>) dst(%dma_wait3A_334 : memref<10240x128xf32, #tpu.memory_space<vmem_shared>>)
        tpu.yield
      }) : () -> ()
      %add3A_224 = arith.constant 2 : i32
      %add3A_225 = arith.addi %mul3A_162, %add3A_224 : i32
      %rem3A_226 = arith.constant 8 : i32
      %rem3A_227 = arith.remsi %add3A_225, %rem3A_226 : i32
      %dma_start3A_228 = arith.constant 0 : i32
      %dma_start3A_229 = tpu.memref_slice %arg7[%rem3A_227, %dma_start3A_228] : memref<8x128xi32, #tpu.memory_space<vmem>> -> memref<1x128xi32, #tpu.memory_space<vmem>>
      %dma_start3A_230 = tpu.memref_squeeze %dma_start3A_229 : memref<1x128xi32, #tpu.memory_space<vmem>> -> memref<128xi32, #tpu.memory_space<vmem>>
      %dma_start3A_231 = arith.constant 0 : i32
      %dma_start3A_232 = arith.constant 0 : i32
      %dma_start3A_233 = tpu.memref_slice %arg2[%dma_start3A_231, %dma_start3A_232] : memref<10240x128xf32, #tpu.memory_space<hbm>> -> memref<10240x128xf32, #tpu.memory_space<hbm>>
      tpu.enqueue_indirect_dma source(%dma_start3A_233 : memref<10240x128xf32, #tpu.memory_space<hbm>>) target(%arg9 : memref<128x128xf32, #tpu.memory_space<vmem>>) offsets(%dma_start3A_230 : memref<128xi32, #tpu.memory_space<vmem>>) semaphore(%arg12 : memref<!tpu.dma_semaphore, #tpu.memory_space<semaphore_mem>>)
      %add3A_234 = arith.addi %mul3A_2, %mul3A_162 : i32
      %add3A_235 = arith.constant 8 : i32
      %add3A_236 = arith.addi %add3A_234, %add3A_235 : i32
      %rem3A_237 = arith.constant 8 : i32
      %rem3A_238 = arith.remsi %mul3A_162, %rem3A_237 : i32
      %dma_start3A_239 = arith.constant 0 : i32
      %dma_start3A_240 = tpu.memref_slice %arg7[%rem3A_238, %dma_start3A_239] : memref<8x128xi32, #tpu.memory_space<vmem>> -> memref<1x128xi32, #tpu.memory_space<vmem>>
      %dma_start3A_241 = tpu.memref_squeeze %dma_start3A_240 : memref<1x128xi32, #tpu.memory_space<vmem>> -> memref<128xi32, #tpu.memory_space<vmem>>
      %dma_start3A_242 = arith.constant 0 : i32
      %dma_start3A_243 = tpu.memref_slice %arg3[%add3A_236, %dma_start3A_242] : memref<2568x128xi32, #tpu.memory_space<hbm>> -> memref<1x128xi32, #tpu.memory_space<hbm>>
      %dma_start3A_244 = tpu.memref_squeeze %dma_start3A_243 : memref<1x128xi32, #tpu.memory_space<hbm>> -> memref<128xi32, #tpu.memory_space<hbm>>
      %dma_start3A_245 = arith.constant 0 : i32
      %dma_start3A_246 = tpu.memref_slice %arg7[%rem3A_238, %dma_start3A_245] : memref<8x128xi32, #tpu.memory_space<vmem>> -> memref<1x128xi32, #tpu.memory_space<vmem>>
      %dma_start3A_247 = tpu.memref_squeeze %dma_start3A_246 : memref<1x128xi32, #tpu.memory_space<vmem>> -> memref<128xi32, #tpu.memory_space<vmem>>
      %dma_start3A_248 = arith.constant 0 : i32
      %dma_start3A_249 = tpu.memref_slice %arg3[%add3A_236, %dma_start3A_248] : memref<2568x128xi32, #tpu.memory_space<hbm>> -> memref<1x128xi32, #tpu.memory_space<hbm>>
      %dma_start3A_250 = tpu.memref_squeeze %dma_start3A_249 : memref<1x128xi32, #tpu.memory_space<hbm>> -> memref<128xi32, #tpu.memory_space<hbm>>
      tpu.enqueue_dma source(%dma_start3A_250 : memref<128xi32, #tpu.memory_space<hbm>>) target(%dma_start3A_247 : memref<128xi32, #tpu.memory_space<vmem>>) target_semaphore(%arg14 : memref<!tpu.dma_semaphore, #tpu.memory_space<semaphore_mem>>)
      %add3A_251 = arith.addi %mul3A_2, %mul3A_162 : i32
      %add3A_252 = arith.constant 8 : i32
      %add3A_253 = arith.addi %add3A_251, %add3A_252 : i32
      %rem3A_254 = arith.constant 8 : i32
      %rem3A_255 = arith.remsi %mul3A_162, %rem3A_254 : i32
      %dma_start3A_256 = arith.constant 0 : i32
      %dma_start3A_257 = tpu.memref_slice %arg8[%rem3A_255, %dma_start3A_256] : memref<8x128xi32, #tpu.memory_space<vmem>> -> memref<1x128xi32, #tpu.memory_space<vmem>>
      %dma_start3A_258 = tpu.memref_squeeze %dma_start3A_257 : memref<1x128xi32, #tpu.memory_space<vmem>> -> memref<128xi32, #tpu.memory_space<vmem>>
      %dma_start3A_259 = arith.constant 0 : i32
      %dma_start3A_260 = tpu.memref_slice %arg4[%add3A_253, %dma_start3A_259] : memref<2568x128xi32, #tpu.memory_space<hbm>> -> memref<1x128xi32, #tpu.memory_space<hbm>>
      %dma_start3A_261 = tpu.memref_squeeze %dma_start3A_260 : memref<1x128xi32, #tpu.memory_space<hbm>> -> memref<128xi32, #tpu.memory_space<hbm>>
      %dma_start3A_262 = arith.constant 0 : i32
      %dma_start3A_263 = tpu.memref_slice %arg8[%rem3A_255, %dma_start3A_262] : memref<8x128xi32, #tpu.memory_space<vmem>> -> memref<1x128xi32, #tpu.memory_space<vmem>>
      %dma_start3A_264 = tpu.memref_squeeze %dma_start3A_263 : memref<1x128xi32, #tpu.memory_space<vmem>> -> memref<128xi32, #tpu.memory_space<vmem>>
      %dma_start3A_265 = arith.constant 0 : i32
      %dma_start3A_266 = tpu.memref_slice %arg4[%add3A_253, %dma_start3A_265] : memref<2568x128xi32, #tpu.memory_space<hbm>> -> memref<1x128xi32, #tpu.memory_space<hbm>>
      %dma_start3A_267 = tpu.memref_squeeze %dma_start3A_266 : memref<1x128xi32, #tpu.memory_space<hbm>> -> memref<128xi32, #tpu.memory_space<hbm>>
      tpu.enqueue_dma source(%dma_start3A_267 : memref<128xi32, #tpu.memory_space<hbm>>) target(%dma_start3A_264 : memref<128xi32, #tpu.memory_space<vmem>>) target_semaphore(%arg14 : memref<!tpu.dma_semaphore, #tpu.memory_space<semaphore_mem>>)
      %add3A_268 = arith.constant 1 : i32
      %add3A_269 = arith.addi %mul3A_162, %add3A_268 : i32
      %dma_wait3A_270 = arith.constant 0 : i32
      %dma_wait3A_271 = arith.constant 0 : i32
      %dma_wait3A_272 = tpu.memref_slice %arg7[%dma_wait3A_270, %dma_wait3A_271] : memref<8x128xi32, #tpu.memory_space<vmem>> -> memref<1x128xi32, #tpu.memory_space<vmem>>
      %dma_wait3A_273 = tpu.memref_squeeze %dma_wait3A_272 : memref<1x128xi32, #tpu.memory_space<vmem>> -> memref<128xi32, #tpu.memory_space<vmem>>
      %dma_wait3A_274 = arith.constant 0 : i32
      %dma_wait3A_275 = arith.constant 0 : i32
      %dma_wait3A_276 = tpu.memref_slice %arg2[%dma_wait3A_274, %dma_wait3A_275] : memref<10240x128xf32, #tpu.memory_space<hbm>> -> memref<10240x128xf32, #tpu.memory_space<hbm>>
      tpu.wait_indirect_dma semaphore(%arg13 : memref<!tpu.dma_semaphore, #tpu.memory_space<semaphore_mem>>) src(%dma_wait3A_276 : memref<10240x128xf32, #tpu.memory_space<hbm>>) dst(%arg10 : memref<128x128xf32, #tpu.memory_space<vmem>>)
      %rem3A_277 = arith.constant 8 : i32
      %rem3A_278 = arith.remsi %add3A_269, %rem3A_277 : i32
      "tpu.region"() ({
        %run_scoped3A = tpu.sem_alloc : memref<!tpu.dma_semaphore, #tpu.memory_space<semaphore_mem>>
        %dma_start3A_323 = arith.constant 0 : i32
        %dma_start3A_324 = tpu.memref_slice %arg8[%rem3A_278, %dma_start3A_323] : memref<8x128xi32, #tpu.memory_space<vmem>> -> memref<1x128xi32, #tpu.memory_space<vmem>>
        %dma_start3A_325 = tpu.memref_squeeze %dma_start3A_324 : memref<1x128xi32, #tpu.memory_space<vmem>> -> memref<128xi32, #tpu.memory_space<vmem>>
        %dma_start3A_326 = arith.constant 0 : i32
        %dma_start3A_327 = arith.constant 0 : i32
        %dma_start3A_328 = tpu.memref_slice %arg11[%dma_start3A_326, %dma_start3A_327] : memref<10240x128xf32, #tpu.memory_space<vmem_shared>> -> memref<10240x128xf32, #tpu.memory_space<vmem_shared>>
        tpu.enqueue_indirect_dma source(%arg10 : memref<128x128xf32, #tpu.memory_space<vmem>>) target(%dma_start3A_328 : memref<10240x128xf32, #tpu.memory_space<vmem_shared>>) offsets(%dma_start3A_325 : memref<128xi32, #tpu.memory_space<vmem>>) semaphore(%run_scoped3A : memref<!tpu.dma_semaphore, #tpu.memory_space<semaphore_mem>>) {add = true}
        %dma_wait3A_329 = arith.constant 0 : i32
        %dma_wait3A_330 = tpu.memref_slice %arg8[%rem3A_278, %dma_wait3A_329] : memref<8x128xi32, #tpu.memory_space<vmem>> -> memref<1x128xi32, #tpu.memory_space<vmem>>
        %dma_wait3A_331 = tpu.memref_squeeze %dma_wait3A_330 : memref<1x128xi32, #tpu.memory_space<vmem>> -> memref<128xi32, #tpu.memory_space<vmem>>
        %dma_wait3A_332 = arith.constant 0 : i32
        %dma_wait3A_333 = arith.constant 0 : i32
        %dma_wait3A_334 = tpu.memref_slice %arg11[%dma_wait3A_332, %dma_wait3A_333] : memref<10240x128xf32, #tpu.memory_space<vmem_shared>> -> memref<10240x128xf32, #tpu.memory_space<vmem_shared>>
        tpu.wait_indirect_dma semaphore(%run_scoped3A : memref<!tpu.dma_semaphore, #tpu.memory_space<semaphore_mem>>) src(%arg10 : memref<128x128xf32, #tpu.memory_space<vmem>>) dst(%dma_wait3A_334 : memref<10240x128xf32, #tpu.memory_space<vmem_shared>>)
        tpu.yield
      }) : () -> ()
      %add3A_279 = arith.constant 2 : i32
      %add3A_280 = arith.addi %add3A_269, %add3A_279 : i32
      %rem3A_281 = arith.constant 8 : i32
      %rem3A_282 = arith.remsi %add3A_280, %rem3A_281 : i32
      %dma_start3A_283 = arith.constant 0 : i32
      %dma_start3A_284 = tpu.memref_slice %arg7[%rem3A_282, %dma_start3A_283] : memref<8x128xi32, #tpu.memory_space<vmem>> -> memref<1x128xi32, #tpu.memory_space<vmem>>
      %dma_start3A_285 = tpu.memref_squeeze %dma_start3A_284 : memref<1x128xi32, #tpu.memory_space<vmem>> -> memref<128xi32, #tpu.memory_space<vmem>>
      %dma_start3A_286 = arith.constant 0 : i32
      %dma_start3A_287 = arith.constant 0 : i32
      %dma_start3A_288 = tpu.memref_slice %arg2[%dma_start3A_286, %dma_start3A_287] : memref<10240x128xf32, #tpu.memory_space<hbm>> -> memref<10240x128xf32, #tpu.memory_space<hbm>>
      tpu.enqueue_indirect_dma source(%dma_start3A_288 : memref<10240x128xf32, #tpu.memory_space<hbm>>) target(%arg10 : memref<128x128xf32, #tpu.memory_space<vmem>>) offsets(%dma_start3A_285 : memref<128xi32, #tpu.memory_space<vmem>>) semaphore(%arg13 : memref<!tpu.dma_semaphore, #tpu.memory_space<semaphore_mem>>)
      %add3A_289 = arith.addi %mul3A_2, %add3A_269 : i32
      %add3A_290 = arith.constant 8 : i32
      %add3A_291 = arith.addi %add3A_289, %add3A_290 : i32
      %rem3A_292 = arith.constant 8 : i32
      %rem3A_293 = arith.remsi %add3A_269, %rem3A_292 : i32
      %dma_start3A_294 = arith.constant 0 : i32
      %dma_start3A_295 = tpu.memref_slice %arg7[%rem3A_293, %dma_start3A_294] : memref<8x128xi32, #tpu.memory_space<vmem>> -> memref<1x128xi32, #tpu.memory_space<vmem>>
      %dma_start3A_296 = tpu.memref_squeeze %dma_start3A_295 : memref<1x128xi32, #tpu.memory_space<vmem>> -> memref<128xi32, #tpu.memory_space<vmem>>
      %dma_start3A_297 = arith.constant 0 : i32
      %dma_start3A_298 = tpu.memref_slice %arg3[%add3A_291, %dma_start3A_297] : memref<2568x128xi32, #tpu.memory_space<hbm>> -> memref<1x128xi32, #tpu.memory_space<hbm>>
      %dma_start3A_299 = tpu.memref_squeeze %dma_start3A_298 : memref<1x128xi32, #tpu.memory_space<hbm>> -> memref<128xi32, #tpu.memory_space<hbm>>
      %dma_start3A_300 = arith.constant 0 : i32
      %dma_start3A_301 = tpu.memref_slice %arg7[%rem3A_293, %dma_start3A_300] : memref<8x128xi32, #tpu.memory_space<vmem>> -> memref<1x128xi32, #tpu.memory_space<vmem>>
      %dma_start3A_302 = tpu.memref_squeeze %dma_start3A_301 : memref<1x128xi32, #tpu.memory_space<vmem>> -> memref<128xi32, #tpu.memory_space<vmem>>
      %dma_start3A_303 = arith.constant 0 : i32
      %dma_start3A_304 = tpu.memref_slice %arg3[%add3A_291, %dma_start3A_303] : memref<2568x128xi32, #tpu.memory_space<hbm>> -> memref<1x128xi32, #tpu.memory_space<hbm>>
      %dma_start3A_305 = tpu.memref_squeeze %dma_start3A_304 : memref<1x128xi32, #tpu.memory_space<hbm>> -> memref<128xi32, #tpu.memory_space<hbm>>
      tpu.enqueue_dma source(%dma_start3A_305 : memref<128xi32, #tpu.memory_space<hbm>>) target(%dma_start3A_302 : memref<128xi32, #tpu.memory_space<vmem>>) target_semaphore(%arg14 : memref<!tpu.dma_semaphore, #tpu.memory_space<semaphore_mem>>)
      %add3A_306 = arith.addi %mul3A_2, %add3A_269 : i32
      %add3A_307 = arith.constant 8 : i32
      %add3A_308 = arith.addi %add3A_306, %add3A_307 : i32
      %rem3A_309 = arith.constant 8 : i32
      %rem3A_310 = arith.remsi %add3A_269, %rem3A_309 : i32
      %dma_start3A_311 = arith.constant 0 : i32
      %dma_start3A_312 = tpu.memref_slice %arg8[%rem3A_310, %dma_start3A_311] : memref<8x128xi32, #tpu.memory_space<vmem>> -> memref<1x128xi32, #tpu.memory_space<vmem>>
      %dma_start3A_313 = tpu.memref_squeeze %dma_start3A_312 : memref<1x128xi32, #tpu.memory_space<vmem>> -> memref<128xi32, #tpu.memory_space<vmem>>
      %dma_start3A_314 = arith.constant 0 : i32
      %dma_start3A_315 = tpu.memref_slice %arg4[%add3A_308, %dma_start3A_314] : memref<2568x128xi32, #tpu.memory_space<hbm>> -> memref<1x128xi32, #tpu.memory_space<hbm>>
      %dma_start3A_316 = tpu.memref_squeeze %dma_start3A_315 : memref<1x128xi32, #tpu.memory_space<hbm>> -> memref<128xi32, #tpu.memory_space<hbm>>
      %dma_start3A_317 = arith.constant 0 : i32
      %dma_start3A_318 = tpu.memref_slice %arg8[%rem3A_310, %dma_start3A_317] : memref<8x128xi32, #tpu.memory_space<vmem>> -> memref<1x128xi32, #tpu.memory_space<vmem>>
      %dma_start3A_319 = tpu.memref_squeeze %dma_start3A_318 : memref<1x128xi32, #tpu.memory_space<vmem>> -> memref<128xi32, #tpu.memory_space<vmem>>
      %dma_start3A_320 = arith.constant 0 : i32
      %dma_start3A_321 = tpu.memref_slice %arg4[%add3A_308, %dma_start3A_320] : memref<2568x128xi32, #tpu.memory_space<hbm>> -> memref<1x128xi32, #tpu.memory_space<hbm>>
      %dma_start3A_322 = tpu.memref_squeeze %dma_start3A_321 : memref<1x128xi32, #tpu.memory_space<hbm>> -> memref<128xi32, #tpu.memory_space<hbm>>
      tpu.enqueue_dma source(%dma_start3A_322 : memref<128xi32, #tpu.memory_space<hbm>>) target(%dma_start3A_319 : memref<128xi32, #tpu.memory_space<vmem>>) target_semaphore(%arg14 : memref<!tpu.dma_semaphore, #tpu.memory_space<semaphore_mem>>)
    }
    %scan3A_84 = arith.constant 39 : i32
    %dma_wait3A = arith.constant 0 : i32
    %dma_wait3A_85 = arith.constant 0 : i32
    %dma_wait3A_86 = tpu.memref_slice %arg8[%dma_wait3A, %dma_wait3A_85] : memref<8x128xi32, #tpu.memory_space<vmem>> -> memref<1x128xi32, #tpu.memory_space<vmem>>
    %dma_wait3A_87 = tpu.memref_squeeze %dma_wait3A_86 : memref<1x128xi32, #tpu.memory_space<vmem>> -> memref<128xi32, #tpu.memory_space<vmem>>
    %dma_wait3A_88 = arith.constant 0 : i32
    %dma_wait3A_89 = tpu.memref_slice %arg4[%mul3A_2, %dma_wait3A_88] : memref<2568x128xi32, #tpu.memory_space<hbm>> -> memref<1x128xi32, #tpu.memory_space<hbm>>
    %dma_wait3A_90 = tpu.memref_squeeze %dma_wait3A_89 : memref<1x128xi32, #tpu.memory_space<hbm>> -> memref<128xi32, #tpu.memory_space<hbm>>
    %dma_wait3A_91 = arith.constant 0 : i32
    %dma_wait3A_92 = tpu.memref_slice %arg8[%dma_wait3A, %dma_wait3A_91] : memref<8x128xi32, #tpu.memory_space<vmem>> -> memref<1x128xi32, #tpu.memory_space<vmem>>
    %dma_wait3A_93 = tpu.memref_squeeze %dma_wait3A_92 : memref<1x128xi32, #tpu.memory_space<vmem>> -> memref<128xi32, #tpu.memory_space<vmem>>
    %dma_wait3A_94 = arith.constant 0 : i32
    %dma_wait3A_95 = tpu.memref_slice %arg4[%mul3A_2, %dma_wait3A_94] : memref<2568x128xi32, #tpu.memory_space<hbm>> -> memref<1x128xi32, #tpu.memory_space<hbm>>
    %dma_wait3A_96 = tpu.memref_squeeze %dma_wait3A_95 : memref<1x128xi32, #tpu.memory_space<hbm>> -> memref<128xi32, #tpu.memory_space<hbm>>
    tpu.wait_dma2 semaphore(%arg14 : memref<!tpu.dma_semaphore, #tpu.memory_space<semaphore_mem>>) src(%dma_wait3A_96 : memref<128xi32, #tpu.memory_space<hbm>>) dst(%dma_wait3A_93 : memref<128xi32, #tpu.memory_space<vmem>>)
    %dma_wait3A_97 = arith.constant 0 : i32
    %dma_wait3A_98 = arith.constant 0 : i32
    %dma_wait3A_99 = tpu.memref_slice %arg8[%dma_wait3A_97, %dma_wait3A_98] : memref<8x128xi32, #tpu.memory_space<vmem>> -> memref<1x128xi32, #tpu.memory_space<vmem>>
    %dma_wait3A_100 = tpu.memref_squeeze %dma_wait3A_99 : memref<1x128xi32, #tpu.memory_space<vmem>> -> memref<128xi32, #tpu.memory_space<vmem>>
    %dma_wait3A_101 = arith.constant 0 : i32
    %dma_wait3A_102 = tpu.memref_slice %arg4[%mul3A_2, %dma_wait3A_101] : memref<2568x128xi32, #tpu.memory_space<hbm>> -> memref<1x128xi32, #tpu.memory_space<hbm>>
    %dma_wait3A_103 = tpu.memref_squeeze %dma_wait3A_102 : memref<1x128xi32, #tpu.memory_space<hbm>> -> memref<128xi32, #tpu.memory_space<hbm>>
    %dma_wait3A_104 = arith.constant 0 : i32
    %dma_wait3A_105 = tpu.memref_slice %arg8[%dma_wait3A_97, %dma_wait3A_104] : memref<8x128xi32, #tpu.memory_space<vmem>> -> memref<1x128xi32, #tpu.memory_space<vmem>>
    %dma_wait3A_106 = tpu.memref_squeeze %dma_wait3A_105 : memref<1x128xi32, #tpu.memory_space<vmem>> -> memref<128xi32, #tpu.memory_space<vmem>>
    %dma_wait3A_107 = arith.constant 0 : i32
    %dma_wait3A_108 = tpu.memref_slice %arg4[%mul3A_2, %dma_wait3A_107] : memref<2568x128xi32, #tpu.memory_space<hbm>> -> memref<1x128xi32, #tpu.memory_space<hbm>>
    %dma_wait3A_109 = tpu.memref_squeeze %dma_wait3A_108 : memref<1x128xi32, #tpu.memory_space<hbm>> -> memref<128xi32, #tpu.memory_space<hbm>>
    tpu.wait_dma2 semaphore(%arg14 : memref<!tpu.dma_semaphore, #tpu.memory_space<semaphore_mem>>) src(%dma_wait3A_109 : memref<128xi32, #tpu.memory_space<hbm>>) dst(%dma_wait3A_106 : memref<128xi32, #tpu.memory_space<vmem>>)
    %dma_wait3A_110 = arith.constant 0 : i32
    %dma_wait3A_111 = arith.constant 0 : i32
    %dma_wait3A_112 = tpu.memref_slice %arg8[%dma_wait3A_110, %dma_wait3A_111] : memref<8x128xi32, #tpu.memory_space<vmem>> -> memref<1x128xi32, #tpu.memory_space<vmem>>
    %dma_wait3A_113 = tpu.memref_squeeze %dma_wait3A_112 : memref<1x128xi32, #tpu.memory_space<vmem>> -> memref<128xi32, #tpu.memory_space<vmem>>
    %dma_wait3A_114 = arith.constant 0 : i32
    %dma_wait3A_115 = tpu.memref_slice %arg4[%mul3A_2, %dma_wait3A_114] : memref<2568x128xi32, #tpu.memory_space<hbm>> -> memref<1x128xi32, #tpu.memory_space<hbm>>
    %dma_wait3A_116 = tpu.memref_squeeze %dma_wait3A_115 : memref<1x128xi32, #tpu.memory_space<hbm>> -> memref<128xi32, #tpu.memory_space<hbm>>
    %dma_wait3A_117 = arith.constant 0 : i32
    %dma_wait3A_118 = tpu.memref_slice %arg8[%dma_wait3A_110, %dma_wait3A_117] : memref<8x128xi32, #tpu.memory_space<vmem>> -> memref<1x128xi32, #tpu.memory_space<vmem>>
    %dma_wait3A_119 = tpu.memref_squeeze %dma_wait3A_118 : memref<1x128xi32, #tpu.memory_space<vmem>> -> memref<128xi32, #tpu.memory_space<vmem>>
    %dma_wait3A_120 = arith.constant 0 : i32
    %dma_wait3A_121 = tpu.memref_slice %arg4[%mul3A_2, %dma_wait3A_120] : memref<2568x128xi32, #tpu.memory_space<hbm>> -> memref<1x128xi32, #tpu.memory_space<hbm>>
    %dma_wait3A_122 = tpu.memref_squeeze %dma_wait3A_121 : memref<1x128xi32, #tpu.memory_space<hbm>> -> memref<128xi32, #tpu.memory_space<hbm>>
    tpu.wait_dma2 semaphore(%arg14 : memref<!tpu.dma_semaphore, #tpu.memory_space<semaphore_mem>>) src(%dma_wait3A_122 : memref<128xi32, #tpu.memory_space<hbm>>) dst(%dma_wait3A_119 : memref<128xi32, #tpu.memory_space<vmem>>)
    %dma_wait3A_123 = arith.constant 0 : i32
    %dma_wait3A_124 = arith.constant 0 : i32
    %dma_wait3A_125 = tpu.memref_slice %arg8[%dma_wait3A_123, %dma_wait3A_124] : memref<8x128xi32, #tpu.memory_space<vmem>> -> memref<1x128xi32, #tpu.memory_space<vmem>>
    %dma_wait3A_126 = tpu.memref_squeeze %dma_wait3A_125 : memref<1x128xi32, #tpu.memory_space<vmem>> -> memref<128xi32, #tpu.memory_space<vmem>>
    %dma_wait3A_127 = arith.constant 0 : i32
    %dma_wait3A_128 = tpu.memref_slice %arg4[%mul3A_2, %dma_wait3A_127] : memref<2568x128xi32, #tpu.memory_space<hbm>> -> memref<1x128xi32, #tpu.memory_space<hbm>>
    %dma_wait3A_129 = tpu.memref_squeeze %dma_wait3A_128 : memref<1x128xi32, #tpu.memory_space<hbm>> -> memref<128xi32, #tpu.memory_space<hbm>>
    %dma_wait3A_130 = arith.constant 0 : i32
    %dma_wait3A_131 = tpu.memref_slice %arg8[%dma_wait3A_123, %dma_wait3A_130] : memref<8x128xi32, #tpu.memory_space<vmem>> -> memref<1x128xi32, #tpu.memory_space<vmem>>
    %dma_wait3A_132 = tpu.memref_squeeze %dma_wait3A_131 : memref<1x128xi32, #tpu.memory_space<vmem>> -> memref<128xi32, #tpu.memory_space<vmem>>
    %dma_wait3A_133 = arith.constant 0 : i32
    %dma_wait3A_134 = tpu.memref_slice %arg4[%mul3A_2, %dma_wait3A_133] : memref<2568x128xi32, #tpu.memory_space<hbm>> -> memref<1x128xi32, #tpu.memory_space<hbm>>
    %dma_wait3A_135 = tpu.memref_squeeze %dma_wait3A_134 : memref<1x128xi32, #tpu.memory_space<hbm>> -> memref<128xi32, #tpu.memory_space<hbm>>
    tpu.wait_dma2 semaphore(%arg14 : memref<!tpu.dma_semaphore, #tpu.memory_space<semaphore_mem>>) src(%dma_wait3A_135 : memref<128xi32, #tpu.memory_space<hbm>>) dst(%dma_wait3A_132 : memref<128xi32, #tpu.memory_space<vmem>>)
    %dma_wait3A_136 = arith.constant 0 : i32
    %dma_wait3A_137 = arith.constant 0 : i32
    %dma_wait3A_138 = tpu.memref_slice %arg7[%dma_wait3A_136, %dma_wait3A_137] : memref<8x128xi32, #tpu.memory_space<vmem>> -> memref<1x128xi32, #tpu.memory_space<vmem>>
    %dma_wait3A_139 = tpu.memref_squeeze %dma_wait3A_138 : memref<1x128xi32, #tpu.memory_space<vmem>> -> memref<128xi32, #tpu.memory_space<vmem>>
    %dma_wait3A_140 = arith.constant 0 : i32
    %dma_wait3A_141 = arith.constant 0 : i32
    %dma_wait3A_142 = tpu.memref_slice %arg2[%dma_wait3A_140, %dma_wait3A_141] : memref<10240x128xf32, #tpu.memory_space<hbm>> -> memref<10240x128xf32, #tpu.memory_space<hbm>>
    tpu.wait_indirect_dma semaphore(%arg12 : memref<!tpu.dma_semaphore, #tpu.memory_space<semaphore_mem>>) src(%dma_wait3A_142 : memref<10240x128xf32, #tpu.memory_space<hbm>>) dst(%arg9 : memref<128x128xf32, #tpu.memory_space<vmem>>)
    %rem3A = arith.constant 78 : i32
    %rem3A_143 = arith.constant 8 : i32
    %rem3A_144 = arith.remsi %rem3A, %rem3A_143 : i32
    "tpu.region"() ({
      %run_scoped3A = tpu.sem_alloc : memref<!tpu.dma_semaphore, #tpu.memory_space<semaphore_mem>>
      %dma_start3A_160 = arith.constant 0 : i32
      %dma_start3A_161 = tpu.memref_slice %arg8[%rem3A_144, %dma_start3A_160] : memref<8x128xi32, #tpu.memory_space<vmem>> -> memref<1x128xi32, #tpu.memory_space<vmem>>
      %dma_start3A_162 = tpu.memref_squeeze %dma_start3A_161 : memref<1x128xi32, #tpu.memory_space<vmem>> -> memref<128xi32, #tpu.memory_space<vmem>>
      %dma_start3A_163 = arith.constant 0 : i32
      %dma_start3A_164 = arith.constant 0 : i32
      %dma_start3A_165 = tpu.memref_slice %arg11[%dma_start3A_163, %dma_start3A_164] : memref<10240x128xf32, #tpu.memory_space<vmem_shared>> -> memref<10240x128xf32, #tpu.memory_space<vmem_shared>>
      tpu.enqueue_indirect_dma source(%arg9 : memref<128x128xf32, #tpu.memory_space<vmem>>) target(%dma_start3A_165 : memref<10240x128xf32, #tpu.memory_space<vmem_shared>>) offsets(%dma_start3A_162 : memref<128xi32, #tpu.memory_space<vmem>>) semaphore(%run_scoped3A : memref<!tpu.dma_semaphore, #tpu.memory_space<semaphore_mem>>) {add = true}
      %dma_wait3A_166 = arith.constant 0 : i32
      %dma_wait3A_167 = tpu.memref_slice %arg8[%rem3A_144, %dma_wait3A_166] : memref<8x128xi32, #tpu.memory_space<vmem>> -> memref<1x128xi32, #tpu.memory_space<vmem>>
      %dma_wait3A_168 = tpu.memref_squeeze %dma_wait3A_167 : memref<1x128xi32, #tpu.memory_space<vmem>> -> memref<128xi32, #tpu.memory_space<vmem>>
      %dma_wait3A_169 = arith.constant 0 : i32
      %dma_wait3A_170 = arith.constant 0 : i32
      %dma_wait3A_171 = tpu.memref_slice %arg11[%dma_wait3A_169, %dma_wait3A_170] : memref<10240x128xf32, #tpu.memory_space<vmem_shared>> -> memref<10240x128xf32, #tpu.memory_space<vmem_shared>>
      tpu.wait_indirect_dma semaphore(%run_scoped3A : memref<!tpu.dma_semaphore, #tpu.memory_space<semaphore_mem>>) src(%arg9 : memref<128x128xf32, #tpu.memory_space<vmem>>) dst(%dma_wait3A_171 : memref<10240x128xf32, #tpu.memory_space<vmem_shared>>)
      tpu.yield
    }) : () -> ()
    %dma_wait3A_145 = arith.constant 0 : i32
    %dma_wait3A_146 = arith.constant 0 : i32
    %dma_wait3A_147 = tpu.memref_slice %arg7[%dma_wait3A_145, %dma_wait3A_146] : memref<8x128xi32, #tpu.memory_space<vmem>> -> memref<1x128xi32, #tpu.memory_space<vmem>>
    %dma_wait3A_148 = tpu.memref_squeeze %dma_wait3A_147 : memref<1x128xi32, #tpu.memory_space<vmem>> -> memref<128xi32, #tpu.memory_space<vmem>>
    %dma_wait3A_149 = arith.constant 0 : i32
    %dma_wait3A_150 = arith.constant 0 : i32
    %dma_wait3A_151 = tpu.memref_slice %arg2[%dma_wait3A_149, %dma_wait3A_150] : memref<10240x128xf32, #tpu.memory_space<hbm>> -> memref<10240x128xf32, #tpu.memory_space<hbm>>
    tpu.wait_indirect_dma semaphore(%arg13 : memref<!tpu.dma_semaphore, #tpu.memory_space<semaphore_mem>>) src(%dma_wait3A_151 : memref<10240x128xf32, #tpu.memory_space<hbm>>) dst(%arg10 : memref<128x128xf32, #tpu.memory_space<vmem>>)
    %rem3A_152 = arith.constant 79 : i32
    %rem3A_153 = arith.constant 8 : i32
    %rem3A_154 = arith.remsi %rem3A_152, %rem3A_153 : i32
    "tpu.region"() ({
      %run_scoped3A = tpu.sem_alloc : memref<!tpu.dma_semaphore, #tpu.memory_space<semaphore_mem>>
      %dma_start3A_160 = arith.constant 0 : i32
      %dma_start3A_161 = tpu.memref_slice %arg8[%rem3A_154, %dma_start3A_160] : memref<8x128xi32, #tpu.memory_space<vmem>> -> memref<1x128xi32, #tpu.memory_space<vmem>>
      %dma_start3A_162 = tpu.memref_squeeze %dma_start3A_161 : memref<1x128xi32, #tpu.memory_space<vmem>> -> memref<128xi32, #tpu.memory_space<vmem>>
      %dma_start3A_163 = arith.constant 0 : i32
      %dma_start3A_164 = arith.constant 0 : i32
      %dma_start3A_165 = tpu.memref_slice %arg11[%dma_start3A_163, %dma_start3A_164] : memref<10240x128xf32, #tpu.memory_space<vmem_shared>> -> memref<10240x128xf32, #tpu.memory_space<vmem_shared>>
      tpu.enqueue_indirect_dma source(%arg10 : memref<128x128xf32, #tpu.memory_space<vmem>>) target(%dma_start3A_165 : memref<10240x128xf32, #tpu.memory_space<vmem_shared>>) offsets(%dma_start3A_162 : memref<128xi32, #tpu.memory_space<vmem>>) semaphore(%run_scoped3A : memref<!tpu.dma_semaphore, #tpu.memory_space<semaphore_mem>>) {add = true}
      %dma_wait3A_166 = arith.constant 0 : i32
      %dma_wait3A_167 = tpu.memref_slice %arg8[%rem3A_154, %dma_wait3A_166] : memref<8x128xi32, #tpu.memory_space<vmem>> -> memref<1x128xi32, #tpu.memory_space<vmem>>
      %dma_wait3A_168 = tpu.memref_squeeze %dma_wait3A_167 : memref<1x128xi32, #tpu.memory_space<vmem>> -> memref<128xi32, #tpu.memory_space<vmem>>
      %dma_wait3A_169 = arith.constant 0 : i32
      %dma_wait3A_170 = arith.constant 0 : i32
      %dma_wait3A_171 = tpu.memref_slice %arg11[%dma_wait3A_169, %dma_wait3A_170] : memref<10240x128xf32, #tpu.memory_space<vmem_shared>> -> memref<10240x128xf32, #tpu.memory_space<vmem_shared>>
      tpu.wait_indirect_dma semaphore(%run_scoped3A : memref<!tpu.dma_semaphore, #tpu.memory_space<semaphore_mem>>) src(%arg10 : memref<128x128xf32, #tpu.memory_space<vmem>>) dst(%dma_wait3A_171 : memref<10240x128xf32, #tpu.memory_space<vmem_shared>>)
      tpu.yield
    }) : () -> ()
    %barrier3A_155 = arith.constant 0 : index
    tpu.barrier barrier_id(%barrier3A_155)
    %mul3A_156 = arith.constant 640 : i32
    %mul3A_157 = arith.muli %arg1, %mul3A_156 : i32
    %mul3A_158 = arith.constant 640 : i32
    %mul3A_159 = arith.muli %arg1, %mul3A_158 : i32
    "tpu.region"() ({
      %run_scoped3A = tpu.sem_alloc : memref<!tpu.dma_semaphore, #tpu.memory_space<semaphore_mem>>
      %dma_start3A_160 = arith.constant 0 : i32
      %dma_start3A_161 = tpu.memref_slice %arg6[%arg0, %mul3A_159, %dma_start3A_160] : memref<2x10240x128xf32, #tpu.memory_space<hbm>> -> memref<1x640x128xf32, #tpu.memory_space<hbm>>
      %dma_start3A_162 = tpu.memref_squeeze %dma_start3A_161 : memref<1x640x128xf32, #tpu.memory_space<hbm>> -> memref<640x128xf32, #tpu.memory_space<hbm>>
      %dma_start3A_163 = arith.constant 0 : i32
      %dma_start3A_164 = tpu.memref_slice %arg11[%mul3A_157, %dma_start3A_163] : memref<10240x128xf32, #tpu.memory_space<vmem_shared>> -> memref<640x128xf32, #tpu.memory_space<vmem_shared>>
      tpu.enqueue_dma source(%dma_start3A_164 : memref<640x128xf32, #tpu.memory_space<vmem_shared>>) target(%dma_start3A_162 : memref<640x128xf32, #tpu.memory_space<hbm>>) target_semaphore(%run_scoped3A : memref<!tpu.dma_semaphore, #tpu.memory_space<semaphore_mem>>)
      %dma_wait3A_165 = arith.constant 0 : i32
      %dma_wait3A_166 = tpu.memref_slice %arg6[%arg0, %mul3A_159, %dma_wait3A_165] : memref<2x10240x128xf32, #tpu.memory_space<hbm>> -> memref<1x640x128xf32, #tpu.memory_space<hbm>>
      %dma_wait3A_167 = tpu.memref_squeeze %dma_wait3A_166 : memref<1x640x128xf32, #tpu.memory_space<hbm>> -> memref<640x128xf32, #tpu.memory_space<hbm>>
      %dma_wait3A_168 = arith.constant 0 : i32
      %dma_wait3A_169 = tpu.memref_slice %arg11[%mul3A_157, %dma_wait3A_168] : memref<10240x128xf32, #tpu.memory_space<vmem_shared>> -> memref<640x128xf32, #tpu.memory_space<vmem_shared>>
      tpu.wait_dma2 semaphore(%run_scoped3A : memref<!tpu.dma_semaphore, #tpu.memory_space<semaphore_mem>>) src(%dma_wait3A_169 : memref<640x128xf32, #tpu.memory_space<vmem_shared>>) dst(%dma_wait3A_167 : memref<640x128xf32, #tpu.memory_space<hbm>>)
      tpu.yield
    }) : () -> ()
    return
  }
}

#map = affine_map<(d0, d1) -> (0, 0)>
#map1 = affine_map<(d0, d1) -> (0, 0, 0)>
module attributes {stable_mosaic.version = 14 : i64} {
  func.func @_sc_scatter_body(%arg0: i32, %arg1: i32, %arg2: memref<10240x128xf32, #tpu.memory_space<hbm>>, %arg3: memref<2568x128xi32, #tpu.memory_space<hbm>>, %arg4: memref<2568x128xi32, #tpu.memory_space<hbm>>, %arg5: memref<10240x128xf32, #tpu.memory_space<hbm>>, %arg6: memref<2x10240x128xf32, #tpu.memory_space<hbm>>, %arg7: memref<8x128xi32, #tpu.memory_space<vmem>>, %arg8: memref<8x128xi32, #tpu.memory_space<vmem>>, %arg9: memref<128x128xf32, #tpu.memory_space<vmem>>, %arg10: memref<128x128xf32, #tpu.memory_space<vmem>>, %arg11: memref<10240x128xf32, #tpu.memory_space<vmem_shared>>, %arg12: memref<!tpu.dma_semaphore, #tpu.memory_space<semaphore_mem>>, %arg13: memref<!tpu.dma_semaphore, #tpu.memory_space<semaphore_mem>>, %arg14: memref<!tpu.dma_semaphore, #tpu.memory_space<semaphore_mem>>) attributes {dimension_semantics = [#tpu.dimension_semantics<core_parallel>, #tpu.dimension_semantics<subcore_parallel>], iteration_bounds = array<i64: 2, 16>, scalar_prefetch = 0 : i64, scratch_operands = 8 : i64, tpu.core_type = #tpu.core_type<sc_vector_subcore>, window_params = [{transform_indices = #map}, {transform_indices = #map}, {transform_indices = #map}, {transform_indices = #map}, {transform_indices = #map1}]} {
    %mul3A = arith.constant 16 : i32
    %mul3A_0 = arith.muli %arg0, %mul3A : i32
    %add3A = arith.addi %mul3A_0, %arg1 : i32
    %mul3A_1 = arith.constant 80 : i32
    %mul3A_2 = arith.muli %add3A, %mul3A_1 : i32
    %mul3A_3 = arith.constant 640 : i32
    %mul3A_4 = arith.muli %arg1, %mul3A_3 : i32
    %mul3A_5 = arith.constant 640 : i32
    %mul3A_6 = arith.muli %arg1, %mul3A_5 : i32
    "tpu.region"() ({
      %run_scoped3A = tpu.sem_alloc : memref<!tpu.dma_semaphore, #tpu.memory_space<semaphore_mem>>
      %dma_start3A_160 = arith.constant 0 : i32
      %dma_start3A_161 = tpu.memref_slice %arg11[%mul3A_6, %dma_start3A_160] : memref<10240x128xf32, #tpu.memory_space<vmem_shared>> -> memref<640x128xf32, #tpu.memory_space<vmem_shared>>
      %dma_start3A_162 = arith.constant 0 : i32
      %dma_start3A_163 = tpu.memref_slice %arg5[%mul3A_4, %dma_start3A_162] : memref<10240x128xf32, #tpu.memory_space<hbm>> -> memref<640x128xf32, #tpu.memory_space<hbm>>
      tpu.enqueue_dma source(%dma_start3A_163 : memref<640x128xf32, #tpu.memory_space<hbm>>) target(%dma_start3A_161 : memref<640x128xf32, #tpu.memory_space<vmem_shared>>) target_semaphore(%run_scoped3A : memref<!tpu.dma_semaphore, #tpu.memory_space<semaphore_mem>>)
      %dma_wait3A_164 = arith.constant 0 : i32
      %dma_wait3A_165 = tpu.memref_slice %arg11[%mul3A_6, %dma_wait3A_164] : memref<10240x128xf32, #tpu.memory_space<vmem_shared>> -> memref<640x128xf32, #tpu.memory_space<vmem_shared>>
      %dma_wait3A_166 = arith.constant 0 : i32
      %dma_wait3A_167 = tpu.memref_slice %arg5[%mul3A_4, %dma_wait3A_166] : memref<10240x128xf32, #tpu.memory_space<hbm>> -> memref<640x128xf32, #tpu.memory_space<hbm>>
      tpu.wait_dma2 semaphore(%run_scoped3A : memref<!tpu.dma_semaphore, #tpu.memory_space<semaphore_mem>>) src(%dma_wait3A_167 : memref<640x128xf32, #tpu.memory_space<hbm>>) dst(%dma_wait3A_165 : memref<640x128xf32, #tpu.memory_space<vmem_shared>>)
      tpu.yield
    }) : () -> ()
    %barrier3A = arith.constant 0 : index
    tpu.barrier barrier_id(%barrier3A)
    "tpu.region"() ({
      %run_scoped3A = tpu.sem_alloc : memref<!tpu.dma_semaphore, #tpu.memory_space<semaphore_mem>>
      %dma_start3A_160 = arith.constant 0 : i32
      %dma_start3A_161 = tpu.memref_slice %arg3[%mul3A_2, %dma_start3A_160] : memref<2568x128xi32, #tpu.memory_space<hbm>> -> memref<8x128xi32, #tpu.memory_space<hbm>>
      %dma_start3A_162 = arith.constant 0 : i32
      %dma_start3A_163 = tpu.memref_slice %arg3[%mul3A_2, %dma_start3A_162] : memref<2568x128xi32, #tpu.memory_space<hbm>> -> memref<8x128xi32, #tpu.memory_space<hbm>>
      tpu.enqueue_dma source(%dma_start3A_163 : memref<8x128xi32, #tpu.memory_space<hbm>>) target(%arg7 : memref<8x128xi32, #tpu.memory_space<vmem>>) target_semaphore(%run_scoped3A : memref<!tpu.dma_semaphore, #tpu.memory_space<semaphore_mem>>)
      %dma_wait3A_164 = arith.constant 0 : i32
      %dma_wait3A_165 = tpu.memref_slice %arg3[%mul3A_2, %dma_wait3A_164] : memref<2568x128xi32, #tpu.memory_space<hbm>> -> memref<8x128xi32, #tpu.memory_space<hbm>>
      %dma_wait3A_166 = arith.constant 0 : i32
      %dma_wait3A_167 = tpu.memref_slice %arg3[%mul3A_2, %dma_wait3A_166] : memref<2568x128xi32, #tpu.memory_space<hbm>> -> memref<8x128xi32, #tpu.memory_space<hbm>>
      tpu.wait_dma2 semaphore(%run_scoped3A : memref<!tpu.dma_semaphore, #tpu.memory_space<semaphore_mem>>) src(%dma_wait3A_167 : memref<8x128xi32, #tpu.memory_space<hbm>>) dst(%arg7 : memref<8x128xi32, #tpu.memory_space<vmem>>)
      tpu.yield
    }) : () -> ()
    "tpu.region"() ({
      %run_scoped3A = tpu.sem_alloc : memref<!tpu.dma_semaphore, #tpu.memory_space<semaphore_mem>>
      %dma_start3A_160 = arith.constant 0 : i32
      %dma_start3A_161 = tpu.memref_slice %arg4[%mul3A_2, %dma_start3A_160] : memref<2568x128xi32, #tpu.memory_space<hbm>> -> memref<8x128xi32, #tpu.memory_space<hbm>>
      %dma_start3A_162 = arith.constant 0 : i32
      %dma_start3A_163 = tpu.memref_slice %arg4[%mul3A_2, %dma_start3A_162] : memref<2568x128xi32, #tpu.memory_space<hbm>> -> memref<8x128xi32, #tpu.memory_space<hbm>>
      tpu.enqueue_dma source(%dma_start3A_163 : memref<8x128xi32, #tpu.memory_space<hbm>>) target(%arg8 : memref<8x128xi32, #tpu.memory_space<vmem>>) target_semaphore(%run_scoped3A : memref<!tpu.dma_semaphore, #tpu.memory_space<semaphore_mem>>)
      %dma_wait3A_164 = arith.constant 0 : i32
      %dma_wait3A_165 = tpu.memref_slice %arg4[%mul3A_2, %dma_wait3A_164] : memref<2568x128xi32, #tpu.memory_space<hbm>> -> memref<8x128xi32, #tpu.memory_space<hbm>>
      %dma_wait3A_166 = arith.constant 0 : i32
      %dma_wait3A_167 = tpu.memref_slice %arg4[%mul3A_2, %dma_wait3A_166] : memref<2568x128xi32, #tpu.memory_space<hbm>> -> memref<8x128xi32, #tpu.memory_space<hbm>>
      tpu.wait_dma2 semaphore(%run_scoped3A : memref<!tpu.dma_semaphore, #tpu.memory_space<semaphore_mem>>) src(%dma_wait3A_167 : memref<8x128xi32, #tpu.memory_space<hbm>>) dst(%arg8 : memref<8x128xi32, #tpu.memory_space<vmem>>)
      tpu.yield
    }) : () -> ()
    %dma_start3A = arith.constant 0 : i32
    %dma_start3A_7 = arith.constant 0 : i32
    %dma_start3A_8 = tpu.memref_slice %arg7[%dma_start3A, %dma_start3A_7] : memref<8x128xi32, #tpu.memory_space<vmem>> -> memref<1x128xi32, #tpu.memory_space<vmem>>
    %dma_start3A_9 = tpu.memref_squeeze %dma_start3A_8 : memref<1x128xi32, #tpu.memory_space<vmem>> -> memref<128xi32, #tpu.memory_space<vmem>>
    %dma_start3A_10 = arith.constant 0 : i32
    %dma_start3A_11 = arith.constant 0 : i32
    %dma_start3A_12 = tpu.memref_slice %arg2[%dma_start3A_10, %dma_start3A_11] : memref<10240x128xf32, #tpu.memory_space<hbm>> -> memref<10240x128xf32, #tpu.memory_space<hbm>>
    tpu.enqueue_indirect_dma source(%dma_start3A_12 : memref<10240x128xf32, #tpu.memory_space<hbm>>) target(%arg9 : memref<128x128xf32, #tpu.memory_space<vmem>>) offsets(%dma_start3A_9 : memref<128xi32, #tpu.memory_space<vmem>>) semaphore(%arg12 : memref<!tpu.dma_semaphore, #tpu.memory_space<semaphore_mem>>)
    %dma_start3A_13 = arith.constant 1 : i32
    %dma_start3A_14 = arith.constant 0 : i32
    %dma_start3A_15 = tpu.memref_slice %arg7[%dma_start3A_13, %dma_start3A_14] : memref<8x128xi32, #tpu.memory_space<vmem>> -> memref<1x128xi32, #tpu.memory_space<vmem>>
    %dma_start3A_16 = tpu.memref_squeeze %dma_start3A_15 : memref<1x128xi32, #tpu.memory_space<vmem>> -> memref<128xi32, #tpu.memory_space<vmem>>
    %dma_start3A_17 = arith.constant 0 : i32
    %dma_start3A_18 = arith.constant 0 : i32
    %dma_start3A_19 = tpu.memref_slice %arg2[%dma_start3A_17, %dma_start3A_18] : memref<10240x128xf32, #tpu.memory_space<hbm>> -> memref<10240x128xf32, #tpu.memory_space<hbm>>
    tpu.enqueue_indirect_dma source(%dma_start3A_19 : memref<10240x128xf32, #tpu.memory_space<hbm>>) target(%arg10 : memref<128x128xf32, #tpu.memory_space<vmem>>) offsets(%dma_start3A_16 : memref<128xi32, #tpu.memory_space<vmem>>) semaphore(%arg13 : memref<!tpu.dma_semaphore, #tpu.memory_space<semaphore_mem>>)
    %add3A_20 = arith.constant 6 : i32
    %add3A_21 = arith.addi %mul3A_2, %add3A_20 : i32
    %dma_start3A_22 = arith.constant 6 : i32
    %dma_start3A_23 = arith.constant 0 : i32
    %dma_start3A_24 = tpu.memref_slice %arg7[%dma_start3A_22, %dma_start3A_23] : memref<8x128xi32, #tpu.memory_space<vmem>> -> memref<1x128xi32, #tpu.memory_space<vmem>>
    %dma_start3A_25 = tpu.memref_squeeze %dma_start3A_24 : memref<1x128xi32, #tpu.memory_space<vmem>> -> memref<128xi32, #tpu.memory_space<vmem>>
    %dma_start3A_26 = arith.constant 0 : i32
    %dma_start3A_27 = tpu.memref_slice %arg3[%add3A_21, %dma_start3A_26] : memref<2568x128xi32, #tpu.memory_space<hbm>> -> memref<1x128xi32, #tpu.memory_space<hbm>>
    %dma_start3A_28 = tpu.memref_squeeze %dma_start3A_27 : memref<1x128xi32, #tpu.memory_space<hbm>> -> memref<128xi32, #tpu.memory_space<hbm>>
    %dma_start3A_29 = arith.constant 0 : i32
    %dma_start3A_30 = tpu.memref_slice %arg7[%dma_start3A_22, %dma_start3A_29] : memref<8x128xi32, #tpu.memory_space<vmem>> -> memref<1x128xi32, #tpu.memory_space<vmem>>
    %dma_start3A_31 = tpu.memref_squeeze %dma_start3A_30 : memref<1x128xi32, #tpu.memory_space<vmem>> -> memref<128xi32, #tpu.memory_space<vmem>>
    %dma_start3A_32 = arith.constant 0 : i32
    %dma_start3A_33 = tpu.memref_slice %arg3[%add3A_21, %dma_start3A_32] : memref<2568x128xi32, #tpu.memory_space<hbm>> -> memref<1x128xi32, #tpu.memory_space<hbm>>
    %dma_start3A_34 = tpu.memref_squeeze %dma_start3A_33 : memref<1x128xi32, #tpu.memory_space<hbm>> -> memref<128xi32, #tpu.memory_space<hbm>>
    tpu.enqueue_dma source(%dma_start3A_34 : memref<128xi32, #tpu.memory_space<hbm>>) target(%dma_start3A_31 : memref<128xi32, #tpu.memory_space<vmem>>) target_semaphore(%arg14 : memref<!tpu.dma_semaphore, #tpu.memory_space<semaphore_mem>>)
    %add3A_35 = arith.constant 7 : i32
    %add3A_36 = arith.addi %mul3A_2, %add3A_35 : i32
    %dma_start3A_37 = arith.constant 7 : i32
    %dma_start3A_38 = arith.constant 0 : i32
    %dma_start3A_39 = tpu.memref_slice %arg7[%dma_start3A_37, %dma_start3A_38] : memref<8x128xi32, #tpu.memory_space<vmem>> -> memref<1x128xi32, #tpu.memory_space<vmem>>
    %dma_start3A_40 = tpu.memref_squeeze %dma_start3A_39 : memref<1x128xi32, #tpu.memory_space<vmem>> -> memref<128xi32, #tpu.memory_space<vmem>>
    %dma_start3A_41 = arith.constant 0 : i32
    %dma_start3A_42 = tpu.memref_slice %arg3[%add3A_36, %dma_start3A_41] : memref<2568x128xi32, #tpu.memory_space<hbm>> -> memref<1x128xi32, #tpu.memory_space<hbm>>
    %dma_start3A_43 = tpu.memref_squeeze %dma_start3A_42 : memref<1x128xi32, #tpu.memory_space<hbm>> -> memref<128xi32, #tpu.memory_space<hbm>>
    %dma_start3A_44 = arith.constant 0 : i32
    %dma_start3A_45 = tpu.memref_slice %arg7[%dma_start3A_37, %dma_start3A_44] : memref<8x128xi32, #tpu.memory_space<vmem>> -> memref<1x128xi32, #tpu.memory_space<vmem>>
    %dma_start3A_46 = tpu.memref_squeeze %dma_start3A_45 : memref<1x128xi32, #tpu.memory_space<vmem>> -> memref<128xi32, #tpu.memory_space<vmem>>
    %dma_start3A_47 = arith.constant 0 : i32
    %dma_start3A_48 = tpu.memref_slice %arg3[%add3A_36, %dma_start3A_47] : memref<2568x128xi32, #tpu.memory_space<hbm>> -> memref<1x128xi32, #tpu.memory_space<hbm>>
    %dma_start3A_49 = tpu.memref_squeeze %dma_start3A_48 : memref<1x128xi32, #tpu.memory_space<hbm>> -> memref<128xi32, #tpu.memory_space<hbm>>
    tpu.enqueue_dma source(%dma_start3A_49 : memref<128xi32, #tpu.memory_space<hbm>>) target(%dma_start3A_46 : memref<128xi32, #tpu.memory_space<vmem>>) target_semaphore(%arg14 : memref<!tpu.dma_semaphore, #tpu.memory_space<semaphore_mem>>)
    %add3A_50 = arith.constant 6 : i32
    %add3A_51 = arith.addi %mul3A_2, %add3A_50 : i32
    %dma_start3A_52 = arith.constant 6 : i32
    %dma_start3A_53 = arith.constant 0 : i32
    %dma_start3A_54 = tpu.memref_slice %arg8[%dma_start3A_52, %dma_start3A_53] : memref<8x128xi32, #tpu.memory_space<vmem>> -> memref<1x128xi32, #tpu.memory_space<vmem>>
    %dma_start3A_55 = tpu.memref_squeeze %dma_start3A_54 : memref<1x128xi32, #tpu.memory_space<vmem>> -> memref<128xi32, #tpu.memory_space<vmem>>
    %dma_start3A_56 = arith.constant 0 : i32
    %dma_start3A_57 = tpu.memref_slice %arg4[%add3A_51, %dma_start3A_56] : memref<2568x128xi32, #tpu.memory_space<hbm>> -> memref<1x128xi32, #tpu.memory_space<hbm>>
    %dma_start3A_58 = tpu.memref_squeeze %dma_start3A_57 : memref<1x128xi32, #tpu.memory_space<hbm>> -> memref<128xi32, #tpu.memory_space<hbm>>
    %dma_start3A_59 = arith.constant 0 : i32
    %dma_start3A_60 = tpu.memref_slice %arg8[%dma_start3A_52, %dma_start3A_59] : memref<8x128xi32, #tpu.memory_space<vmem>> -> memref<1x128xi32, #tpu.memory_space<vmem>>
    %dma_start3A_61 = tpu.memref_squeeze %dma_start3A_60 : memref<1x128xi32, #tpu.memory_space<vmem>> -> memref<128xi32, #tpu.memory_space<vmem>>
    %dma_start3A_62 = arith.constant 0 : i32
    %dma_start3A_63 = tpu.memref_slice %arg4[%add3A_51, %dma_start3A_62] : memref<2568x128xi32, #tpu.memory_space<hbm>> -> memref<1x128xi32, #tpu.memory_space<hbm>>
    %dma_start3A_64 = tpu.memref_squeeze %dma_start3A_63 : memref<1x128xi32, #tpu.memory_space<hbm>> -> memref<128xi32, #tpu.memory_space<hbm>>
    tpu.enqueue_dma source(%dma_start3A_64 : memref<128xi32, #tpu.memory_space<hbm>>) target(%dma_start3A_61 : memref<128xi32, #tpu.memory_space<vmem>>) target_semaphore(%arg14 : memref<!tpu.dma_semaphore, #tpu.memory_space<semaphore_mem>>)
    %add3A_65 = arith.constant 7 : i32
    %add3A_66 = arith.addi %mul3A_2, %add3A_65 : i32
    %dma_start3A_67 = arith.constant 7 : i32
    %dma_start3A_68 = arith.constant 0 : i32
    %dma_start3A_69 = tpu.memref_slice %arg8[%dma_start3A_67, %dma_start3A_68] : memref<8x128xi32, #tpu.memory_space<vmem>> -> memref<1x128xi32, #tpu.memory_space<vmem>>
    %dma_start3A_70 = tpu.memref_squeeze %dma_start3A_69 : memref<1x128xi32, #tpu.memory_space<vmem>> -> memref<128xi32, #tpu.memory_space<vmem>>
    %dma_start3A_71 = arith.constant 0 : i32
    %dma_start3A_72 = tpu.memref_slice %arg4[%add3A_66, %dma_start3A_71] : memref<2568x128xi32, #tpu.memory_space<hbm>> -> memref<1x128xi32, #tpu.memory_space<hbm>>
    %dma_start3A_73 = tpu.memref_squeeze %dma_start3A_72 : memref<1x128xi32, #tpu.memory_space<hbm>> -> memref<128xi32, #tpu.memory_space<hbm>>
    %dma_start3A_74 = arith.constant 0 : i32
    %dma_start3A_75 = tpu.memref_slice %arg8[%dma_start3A_67, %dma_start3A_74] : memref<8x128xi32, #tpu.memory_space<vmem>> -> memref<1x128xi32, #tpu.memory_space<vmem>>
    %dma_start3A_76 = tpu.memref_squeeze %dma_start3A_75 : memref<1x128xi32, #tpu.memory_space<vmem>> -> memref<128xi32, #tpu.memory_space<vmem>>
    %dma_start3A_77 = arith.constant 0 : i32
    %dma_start3A_78 = tpu.memref_slice %arg4[%add3A_66, %dma_start3A_77] : memref<2568x128xi32, #tpu.memory_space<hbm>> -> memref<1x128xi32, #tpu.memory_space<hbm>>
    %dma_start3A_79 = tpu.memref_squeeze %dma_start3A_78 : memref<1x128xi32, #tpu.memory_space<hbm>> -> memref<128xi32, #tpu.memory_space<hbm>>
    tpu.enqueue_dma source(%dma_start3A_79 : memref<128xi32, #tpu.memory_space<hbm>>) target(%dma_start3A_76 : memref<128xi32, #tpu.memory_space<vmem>>) target_semaphore(%arg14 : memref<!tpu.dma_semaphore, #tpu.memory_space<semaphore_mem>>)
    %scan3A = arith.constant 0 : i32
    %scan3A_80 = arith.constant 0 : i32
    %scan3A_81 = arith.constant 39 : i32
    %scan3A_82 = arith.addi %scan3A_80, %scan3A_81 : i32
    %scan3A_83 = arith.constant 1 : i32
    scf.for %scan3A_160 = %scan3A_80 to %scan3A_82 step %scan3A_83  : i32 {
      %mul3A_161 = arith.constant 2 : i32
      %mul3A_162 = arith.muli %mul3A_161, %scan3A_160 : i32
      %dma_wait3A_163 = arith.constant 0 : i32
      %dma_wait3A_164 = arith.constant 0 : i32
      %dma_wait3A_165 = tpu.memref_slice %arg8[%dma_wait3A_163, %dma_wait3A_164] : memref<8x128xi32, #tpu.memory_space<vmem>> -> memref<1x128xi32, #tpu.memory_space<vmem>>
      %dma_wait3A_166 = tpu.memref_squeeze %dma_wait3A_165 : memref<1x128xi32, #tpu.memory_space<vmem>> -> memref<128xi32, #tpu.memory_space<vmem>>
      %dma_wait3A_167 = arith.constant 0 : i32
      %dma_wait3A_168 = tpu.memref_slice %arg4[%mul3A_2, %dma_wait3A_167] : memref<2568x128xi32, #tpu.memory_space<hbm>> -> memref<1x128xi32, #tpu.memory_space<hbm>>
      %dma_wait3A_169 = tpu.memref_squeeze %dma_wait3A_168 : memref<1x128xi32, #tpu.memory_space<hbm>> -> memref<128xi32, #tpu.memory_space<hbm>>
      %dma_wait3A_170 = arith.constant 0 : i32
      %dma_wait3A_171 = tpu.memref_slice %arg8[%dma_wait3A_163, %dma_wait3A_170] : memref<8x128xi32, #tpu.memory_space<vmem>> -> memref<1x128xi32, #tpu.memory_space<vmem>>
      %dma_wait3A_172 = tpu.memref_squeeze %dma_wait3A_171 : memref<1x128xi32, #tpu.memory_space<vmem>> -> memref<128xi32, #tpu.memory_space<vmem>>
      %dma_wait3A_173 = arith.constant 0 : i32
      %dma_wait3A_174 = tpu.memref_slice %arg4[%mul3A_2, %dma_wait3A_173] : memref<2568x128xi32, #tpu.memory_space<hbm>> -> memref<1x128xi32, #tpu.memory_space<hbm>>
      %dma_wait3A_175 = tpu.memref_squeeze %dma_wait3A_174 : memref<1x128xi32, #tpu.memory_space<hbm>> -> memref<128xi32, #tpu.memory_space<hbm>>
      tpu.wait_dma2 semaphore(%arg14 : memref<!tpu.dma_semaphore, #tpu.memory_space<semaphore_mem>>) src(%dma_wait3A_175 : memref<128xi32, #tpu.memory_space<hbm>>) dst(%dma_wait3A_172 : memref<128xi32, #tpu.memory_space<vmem>>)
      %dma_wait3A_176 = arith.constant 0 : i32
      %dma_wait3A_177 = arith.constant 0 : i32
      %dma_wait3A_178 = tpu.memref_slice %arg8[%dma_wait3A_176, %dma_wait3A_177] : memref<8x128xi32, #tpu.memory_space<vmem>> -> memref<1x128xi32, #tpu.memory_space<vmem>>
      %dma_wait3A_179 = tpu.memref_squeeze %dma_wait3A_178 : memref<1x128xi32, #tpu.memory_space<vmem>> -> memref<128xi32, #tpu.memory_space<vmem>>
      %dma_wait3A_180 = arith.constant 0 : i32
      %dma_wait3A_181 = tpu.memref_slice %arg4[%mul3A_2, %dma_wait3A_180] : memref<2568x128xi32, #tpu.memory_space<hbm>> -> memref<1x128xi32, #tpu.memory_space<hbm>>
      %dma_wait3A_182 = tpu.memref_squeeze %dma_wait3A_181 : memref<1x128xi32, #tpu.memory_space<hbm>> -> memref<128xi32, #tpu.memory_space<hbm>>
      %dma_wait3A_183 = arith.constant 0 : i32
      %dma_wait3A_184 = tpu.memref_slice %arg8[%dma_wait3A_176, %dma_wait3A_183] : memref<8x128xi32, #tpu.memory_space<vmem>> -> memref<1x128xi32, #tpu.memory_space<vmem>>
      %dma_wait3A_185 = tpu.memref_squeeze %dma_wait3A_184 : memref<1x128xi32, #tpu.memory_space<vmem>> -> memref<128xi32, #tpu.memory_space<vmem>>
      %dma_wait3A_186 = arith.constant 0 : i32
      %dma_wait3A_187 = tpu.memref_slice %arg4[%mul3A_2, %dma_wait3A_186] : memref<2568x128xi32, #tpu.memory_space<hbm>> -> memref<1x128xi32, #tpu.memory_space<hbm>>
      %dma_wait3A_188 = tpu.memref_squeeze %dma_wait3A_187 : memref<1x128xi32, #tpu.memory_space<hbm>> -> memref<128xi32, #tpu.memory_space<hbm>>
      tpu.wait_dma2 semaphore(%arg14 : memref<!tpu.dma_semaphore, #tpu.memory_space<semaphore_mem>>) src(%dma_wait3A_188 : memref<128xi32, #tpu.memory_space<hbm>>) dst(%dma_wait3A_185 : memref<128xi32, #tpu.memory_space<vmem>>)
      %dma_wait3A_189 = arith.constant 0 : i32
      %dma_wait3A_190 = arith.constant 0 : i32
      %dma_wait3A_191 = tpu.memref_slice %arg8[%dma_wait3A_189, %dma_wait3A_190] : memref<8x128xi32, #tpu.memory_space<vmem>> -> memref<1x128xi32, #tpu.memory_space<vmem>>
      %dma_wait3A_192 = tpu.memref_squeeze %dma_wait3A_191 : memref<1x128xi32, #tpu.memory_space<vmem>> -> memref<128xi32, #tpu.memory_space<vmem>>
      %dma_wait3A_193 = arith.constant 0 : i32
      %dma_wait3A_194 = tpu.memref_slice %arg4[%mul3A_2, %dma_wait3A_193] : memref<2568x128xi32, #tpu.memory_space<hbm>> -> memref<1x128xi32, #tpu.memory_space<hbm>>
      %dma_wait3A_195 = tpu.memref_squeeze %dma_wait3A_194 : memref<1x128xi32, #tpu.memory_space<hbm>> -> memref<128xi32, #tpu.memory_space<hbm>>
      %dma_wait3A_196 = arith.constant 0 : i32
      %dma_wait3A_197 = tpu.memref_slice %arg8[%dma_wait3A_189, %dma_wait3A_196] : memref<8x128xi32, #tpu.memory_space<vmem>> -> memref<1x128xi32, #tpu.memory_space<vmem>>
      %dma_wait3A_198 = tpu.memref_squeeze %dma_wait3A_197 : memref<1x128xi32, #tpu.memory_space<vmem>> -> memref<128xi32, #tpu.memory_space<vmem>>
      %dma_wait3A_199 = arith.constant 0 : i32
      %dma_wait3A_200 = tpu.memref_slice %arg4[%mul3A_2, %dma_wait3A_199] : memref<2568x128xi32, #tpu.memory_space<hbm>> -> memref<1x128xi32, #tpu.memory_space<hbm>>
      %dma_wait3A_201 = tpu.memref_squeeze %dma_wait3A_200 : memref<1x128xi32, #tpu.memory_space<hbm>> -> memref<128xi32, #tpu.memory_space<hbm>>
      tpu.wait_dma2 semaphore(%arg14 : memref<!tpu.dma_semaphore, #tpu.memory_space<semaphore_mem>>) src(%dma_wait3A_201 : memref<128xi32, #tpu.memory_space<hbm>>) dst(%dma_wait3A_198 : memref<128xi32, #tpu.memory_space<vmem>>)
      %dma_wait3A_202 = arith.constant 0 : i32
      %dma_wait3A_203 = arith.constant 0 : i32
      %dma_wait3A_204 = tpu.memref_slice %arg8[%dma_wait3A_202, %dma_wait3A_203] : memref<8x128xi32, #tpu.memory_space<vmem>> -> memref<1x128xi32, #tpu.memory_space<vmem>>
      %dma_wait3A_205 = tpu.memref_squeeze %dma_wait3A_204 : memref<1x128xi32, #tpu.memory_space<vmem>> -> memref<128xi32, #tpu.memory_space<vmem>>
      %dma_wait3A_206 = arith.constant 0 : i32
      %dma_wait3A_207 = tpu.memref_slice %arg4[%mul3A_2, %dma_wait3A_206] : memref<2568x128xi32, #tpu.memory_space<hbm>> -> memref<1x128xi32, #tpu.memory_space<hbm>>
      %dma_wait3A_208 = tpu.memref_squeeze %dma_wait3A_207 : memref<1x128xi32, #tpu.memory_space<hbm>> -> memref<128xi32, #tpu.memory_space<hbm>>
      %dma_wait3A_209 = arith.constant 0 : i32
      %dma_wait3A_210 = tpu.memref_slice %arg8[%dma_wait3A_202, %dma_wait3A_209] : memref<8x128xi32, #tpu.memory_space<vmem>> -> memref<1x128xi32, #tpu.memory_space<vmem>>
      %dma_wait3A_211 = tpu.memref_squeeze %dma_wait3A_210 : memref<1x128xi32, #tpu.memory_space<vmem>> -> memref<128xi32, #tpu.memory_space<vmem>>
      %dma_wait3A_212 = arith.constant 0 : i32
      %dma_wait3A_213 = tpu.memref_slice %arg4[%mul3A_2, %dma_wait3A_212] : memref<2568x128xi32, #tpu.memory_space<hbm>> -> memref<1x128xi32, #tpu.memory_space<hbm>>
      %dma_wait3A_214 = tpu.memref_squeeze %dma_wait3A_213 : memref<1x128xi32, #tpu.memory_space<hbm>> -> memref<128xi32, #tpu.memory_space<hbm>>
      tpu.wait_dma2 semaphore(%arg14 : memref<!tpu.dma_semaphore, #tpu.memory_space<semaphore_mem>>) src(%dma_wait3A_214 : memref<128xi32, #tpu.memory_space<hbm>>) dst(%dma_wait3A_211 : memref<128xi32, #tpu.memory_space<vmem>>)
      %dma_wait3A_215 = arith.constant 0 : i32
      %dma_wait3A_216 = arith.constant 0 : i32
      %dma_wait3A_217 = tpu.memref_slice %arg7[%dma_wait3A_215, %dma_wait3A_216] : memref<8x128xi32, #tpu.memory_space<vmem>> -> memref<1x128xi32, #tpu.memory_space<vmem>>
      %dma_wait3A_218 = tpu.memref_squeeze %dma_wait3A_217 : memref<1x128xi32, #tpu.memory_space<vmem>> -> memref<128xi32, #tpu.memory_space<vmem>>
      %dma_wait3A_219 = arith.constant 0 : i32
      %dma_wait3A_220 = arith.constant 0 : i32
      %dma_wait3A_221 = tpu.memref_slice %arg2[%dma_wait3A_219, %dma_wait3A_220] : memref<10240x128xf32, #tpu.memory_space<hbm>> -> memref<10240x128xf32, #tpu.memory_space<hbm>>
      tpu.wait_indirect_dma semaphore(%arg12 : memref<!tpu.dma_semaphore, #tpu.memory_space<semaphore_mem>>) src(%dma_wait3A_221 : memref<10240x128xf32, #tpu.memory_space<hbm>>) dst(%arg9 : memref<128x128xf32, #tpu.memory_space<vmem>>)
      %rem3A_222 = arith.constant 8 : i32
      %rem3A_223 = arith.remsi %mul3A_162, %rem3A_222 : i32
      "tpu.region"() ({
        %run_scoped3A = tpu.sem_alloc : memref<!tpu.dma_semaphore, #tpu.memory_space<semaphore_mem>>
        %dma_start3A_323 = arith.constant 0 : i32
        %dma_start3A_324 = tpu.memref_slice %arg8[%rem3A_223, %dma_start3A_323] : memref<8x128xi32, #tpu.memory_space<vmem>> -> memref<1x128xi32, #tpu.memory_space<vmem>>
        %dma_start3A_325 = tpu.memref_squeeze %dma_start3A_324 : memref<1x128xi32, #tpu.memory_space<vmem>> -> memref<128xi32, #tpu.memory_space<vmem>>
        %dma_start3A_326 = arith.constant 0 : i32
        %dma_start3A_327 = arith.constant 0 : i32
        %dma_start3A_328 = tpu.memref_slice %arg11[%dma_start3A_326, %dma_start3A_327] : memref<10240x128xf32, #tpu.memory_space<vmem_shared>> -> memref<10240x128xf32, #tpu.memory_space<vmem_shared>>
        tpu.enqueue_indirect_dma source(%arg9 : memref<128x128xf32, #tpu.memory_space<vmem>>) target(%dma_start3A_328 : memref<10240x128xf32, #tpu.memory_space<vmem_shared>>) offsets(%dma_start3A_325 : memref<128xi32, #tpu.memory_space<vmem>>) semaphore(%run_scoped3A : memref<!tpu.dma_semaphore, #tpu.memory_space<semaphore_mem>>) {add = true}
        %dma_wait3A_329 = arith.constant 0 : i32
        %dma_wait3A_330 = tpu.memref_slice %arg8[%rem3A_223, %dma_wait3A_329] : memref<8x128xi32, #tpu.memory_space<vmem>> -> memref<1x128xi32, #tpu.memory_space<vmem>>
        %dma_wait3A_331 = tpu.memref_squeeze %dma_wait3A_330 : memref<1x128xi32, #tpu.memory_space<vmem>> -> memref<128xi32, #tpu.memory_space<vmem>>
        %dma_wait3A_332 = arith.constant 0 : i32
        %dma_wait3A_333 = arith.constant 0 : i32
        %dma_wait3A_334 = tpu.memref_slice %arg11[%dma_wait3A_332, %dma_wait3A_333] : memref<10240x128xf32, #tpu.memory_space<vmem_shared>> -> memref<10240x128xf32, #tpu.memory_space<vmem_shared>>
        tpu.wait_indirect_dma semaphore(%run_scoped3A : memref<!tpu.dma_semaphore, #tpu.memory_space<semaphore_mem>>) src(%arg9 : memref<128x128xf32, #tpu.memory_space<vmem>>) dst(%dma_wait3A_334 : memref<10240x128xf32, #tpu.memory_space<vmem_shared>>)
        tpu.yield
      }) : () -> ()
      %add3A_224 = arith.constant 2 : i32
      %add3A_225 = arith.addi %mul3A_162, %add3A_224 : i32
      %rem3A_226 = arith.constant 8 : i32
      %rem3A_227 = arith.remsi %add3A_225, %rem3A_226 : i32
      %dma_start3A_228 = arith.constant 0 : i32
      %dma_start3A_229 = tpu.memref_slice %arg7[%rem3A_227, %dma_start3A_228] : memref<8x128xi32, #tpu.memory_space<vmem>> -> memref<1x128xi32, #tpu.memory_space<vmem>>
      %dma_start3A_230 = tpu.memref_squeeze %dma_start3A_229 : memref<1x128xi32, #tpu.memory_space<vmem>> -> memref<128xi32, #tpu.memory_space<vmem>>
      %dma_start3A_231 = arith.constant 0 : i32
      %dma_start3A_232 = arith.constant 0 : i32
      %dma_start3A_233 = tpu.memref_slice %arg2[%dma_start3A_231, %dma_start3A_232] : memref<10240x128xf32, #tpu.memory_space<hbm>> -> memref<10240x128xf32, #tpu.memory_space<hbm>>
      tpu.enqueue_indirect_dma source(%dma_start3A_233 : memref<10240x128xf32, #tpu.memory_space<hbm>>) target(%arg9 : memref<128x128xf32, #tpu.memory_space<vmem>>) offsets(%dma_start3A_230 : memref<128xi32, #tpu.memory_space<vmem>>) semaphore(%arg12 : memref<!tpu.dma_semaphore, #tpu.memory_space<semaphore_mem>>)
      %add3A_234 = arith.addi %mul3A_2, %mul3A_162 : i32
      %add3A_235 = arith.constant 8 : i32
      %add3A_236 = arith.addi %add3A_234, %add3A_235 : i32
      %rem3A_237 = arith.constant 8 : i32
      %rem3A_238 = arith.remsi %mul3A_162, %rem3A_237 : i32
      %dma_start3A_239 = arith.constant 0 : i32
      %dma_start3A_240 = tpu.memref_slice %arg7[%rem3A_238, %dma_start3A_239] : memref<8x128xi32, #tpu.memory_space<vmem>> -> memref<1x128xi32, #tpu.memory_space<vmem>>
      %dma_start3A_241 = tpu.memref_squeeze %dma_start3A_240 : memref<1x128xi32, #tpu.memory_space<vmem>> -> memref<128xi32, #tpu.memory_space<vmem>>
      %dma_start3A_242 = arith.constant 0 : i32
      %dma_start3A_243 = tpu.memref_slice %arg3[%add3A_236, %dma_start3A_242] : memref<2568x128xi32, #tpu.memory_space<hbm>> -> memref<1x128xi32, #tpu.memory_space<hbm>>
      %dma_start3A_244 = tpu.memref_squeeze %dma_start3A_243 : memref<1x128xi32, #tpu.memory_space<hbm>> -> memref<128xi32, #tpu.memory_space<hbm>>
      %dma_start3A_245 = arith.constant 0 : i32
      %dma_start3A_246 = tpu.memref_slice %arg7[%rem3A_238, %dma_start3A_245] : memref<8x128xi32, #tpu.memory_space<vmem>> -> memref<1x128xi32, #tpu.memory_space<vmem>>
      %dma_start3A_247 = tpu.memref_squeeze %dma_start3A_246 : memref<1x128xi32, #tpu.memory_space<vmem>> -> memref<128xi32, #tpu.memory_space<vmem>>
      %dma_start3A_248 = arith.constant 0 : i32
      %dma_start3A_249 = tpu.memref_slice %arg3[%add3A_236, %dma_start3A_248] : memref<2568x128xi32, #tpu.memory_space<hbm>> -> memref<1x128xi32, #tpu.memory_space<hbm>>
      %dma_start3A_250 = tpu.memref_squeeze %dma_start3A_249 : memref<1x128xi32, #tpu.memory_space<hbm>> -> memref<128xi32, #tpu.memory_space<hbm>>
      tpu.enqueue_dma source(%dma_start3A_250 : memref<128xi32, #tpu.memory_space<hbm>>) target(%dma_start3A_247 : memref<128xi32, #tpu.memory_space<vmem>>) target_semaphore(%arg14 : memref<!tpu.dma_semaphore, #tpu.memory_space<semaphore_mem>>)
      %add3A_251 = arith.addi %mul3A_2, %mul3A_162 : i32
      %add3A_252 = arith.constant 8 : i32
      %add3A_253 = arith.addi %add3A_251, %add3A_252 : i32
      %rem3A_254 = arith.constant 8 : i32
      %rem3A_255 = arith.remsi %mul3A_162, %rem3A_254 : i32
      %dma_start3A_256 = arith.constant 0 : i32
      %dma_start3A_257 = tpu.memref_slice %arg8[%rem3A_255, %dma_start3A_256] : memref<8x128xi32, #tpu.memory_space<vmem>> -> memref<1x128xi32, #tpu.memory_space<vmem>>
      %dma_start3A_258 = tpu.memref_squeeze %dma_start3A_257 : memref<1x128xi32, #tpu.memory_space<vmem>> -> memref<128xi32, #tpu.memory_space<vmem>>
      %dma_start3A_259 = arith.constant 0 : i32
      %dma_start3A_260 = tpu.memref_slice %arg4[%add3A_253, %dma_start3A_259] : memref<2568x128xi32, #tpu.memory_space<hbm>> -> memref<1x128xi32, #tpu.memory_space<hbm>>
      %dma_start3A_261 = tpu.memref_squeeze %dma_start3A_260 : memref<1x128xi32, #tpu.memory_space<hbm>> -> memref<128xi32, #tpu.memory_space<hbm>>
      %dma_start3A_262 = arith.constant 0 : i32
      %dma_start3A_263 = tpu.memref_slice %arg8[%rem3A_255, %dma_start3A_262] : memref<8x128xi32, #tpu.memory_space<vmem>> -> memref<1x128xi32, #tpu.memory_space<vmem>>
      %dma_start3A_264 = tpu.memref_squeeze %dma_start3A_263 : memref<1x128xi32, #tpu.memory_space<vmem>> -> memref<128xi32, #tpu.memory_space<vmem>>
      %dma_start3A_265 = arith.constant 0 : i32
      %dma_start3A_266 = tpu.memref_slice %arg4[%add3A_253, %dma_start3A_265] : memref<2568x128xi32, #tpu.memory_space<hbm>> -> memref<1x128xi32, #tpu.memory_space<hbm>>
      %dma_start3A_267 = tpu.memref_squeeze %dma_start3A_266 : memref<1x128xi32, #tpu.memory_space<hbm>> -> memref<128xi32, #tpu.memory_space<hbm>>
      tpu.enqueue_dma source(%dma_start3A_267 : memref<128xi32, #tpu.memory_space<hbm>>) target(%dma_start3A_264 : memref<128xi32, #tpu.memory_space<vmem>>) target_semaphore(%arg14 : memref<!tpu.dma_semaphore, #tpu.memory_space<semaphore_mem>>)
      %add3A_268 = arith.constant 1 : i32
      %add3A_269 = arith.addi %mul3A_162, %add3A_268 : i32
      %dma_wait3A_270 = arith.constant 0 : i32
      %dma_wait3A_271 = arith.constant 0 : i32
      %dma_wait3A_272 = tpu.memref_slice %arg7[%dma_wait3A_270, %dma_wait3A_271] : memref<8x128xi32, #tpu.memory_space<vmem>> -> memref<1x128xi32, #tpu.memory_space<vmem>>
      %dma_wait3A_273 = tpu.memref_squeeze %dma_wait3A_272 : memref<1x128xi32, #tpu.memory_space<vmem>> -> memref<128xi32, #tpu.memory_space<vmem>>
      %dma_wait3A_274 = arith.constant 0 : i32
      %dma_wait3A_275 = arith.constant 0 : i32
      %dma_wait3A_276 = tpu.memref_slice %arg2[%dma_wait3A_274, %dma_wait3A_275] : memref<10240x128xf32, #tpu.memory_space<hbm>> -> memref<10240x128xf32, #tpu.memory_space<hbm>>
      tpu.wait_indirect_dma semaphore(%arg13 : memref<!tpu.dma_semaphore, #tpu.memory_space<semaphore_mem>>) src(%dma_wait3A_276 : memref<10240x128xf32, #tpu.memory_space<hbm>>) dst(%arg10 : memref<128x128xf32, #tpu.memory_space<vmem>>)
      %rem3A_277 = arith.constant 8 : i32
      %rem3A_278 = arith.remsi %add3A_269, %rem3A_277 : i32
      "tpu.region"() ({
        %run_scoped3A = tpu.sem_alloc : memref<!tpu.dma_semaphore, #tpu.memory_space<semaphore_mem>>
        %dma_start3A_323 = arith.constant 0 : i32
        %dma_start3A_324 = tpu.memref_slice %arg8[%rem3A_278, %dma_start3A_323] : memref<8x128xi32, #tpu.memory_space<vmem>> -> memref<1x128xi32, #tpu.memory_space<vmem>>
        %dma_start3A_325 = tpu.memref_squeeze %dma_start3A_324 : memref<1x128xi32, #tpu.memory_space<vmem>> -> memref<128xi32, #tpu.memory_space<vmem>>
        %dma_start3A_326 = arith.constant 0 : i32
        %dma_start3A_327 = arith.constant 0 : i32
        %dma_start3A_328 = tpu.memref_slice %arg11[%dma_start3A_326, %dma_start3A_327] : memref<10240x128xf32, #tpu.memory_space<vmem_shared>> -> memref<10240x128xf32, #tpu.memory_space<vmem_shared>>
        tpu.enqueue_indirect_dma source(%arg10 : memref<128x128xf32, #tpu.memory_space<vmem>>) target(%dma_start3A_328 : memref<10240x128xf32, #tpu.memory_space<vmem_shared>>) offsets(%dma_start3A_325 : memref<128xi32, #tpu.memory_space<vmem>>) semaphore(%run_scoped3A : memref<!tpu.dma_semaphore, #tpu.memory_space<semaphore_mem>>) {add = true}
        %dma_wait3A_329 = arith.constant 0 : i32
        %dma_wait3A_330 = tpu.memref_slice %arg8[%rem3A_278, %dma_wait3A_329] : memref<8x128xi32, #tpu.memory_space<vmem>> -> memref<1x128xi32, #tpu.memory_space<vmem>>
        %dma_wait3A_331 = tpu.memref_squeeze %dma_wait3A_330 : memref<1x128xi32, #tpu.memory_space<vmem>> -> memref<128xi32, #tpu.memory_space<vmem>>
        %dma_wait3A_332 = arith.constant 0 : i32
        %dma_wait3A_333 = arith.constant 0 : i32
        %dma_wait3A_334 = tpu.memref_slice %arg11[%dma_wait3A_332, %dma_wait3A_333] : memref<10240x128xf32, #tpu.memory_space<vmem_shared>> -> memref<10240x128xf32, #tpu.memory_space<vmem_shared>>
        tpu.wait_indirect_dma semaphore(%run_scoped3A : memref<!tpu.dma_semaphore, #tpu.memory_space<semaphore_mem>>) src(%arg10 : memref<128x128xf32, #tpu.memory_space<vmem>>) dst(%dma_wait3A_334 : memref<10240x128xf32, #tpu.memory_space<vmem_shared>>)
        tpu.yield
      }) : () -> ()
      %add3A_279 = arith.constant 2 : i32
      %add3A_280 = arith.addi %add3A_269, %add3A_279 : i32
      %rem3A_281 = arith.constant 8 : i32
      %rem3A_282 = arith.remsi %add3A_280, %rem3A_281 : i32
      %dma_start3A_283 = arith.constant 0 : i32
      %dma_start3A_284 = tpu.memref_slice %arg7[%rem3A_282, %dma_start3A_283] : memref<8x128xi32, #tpu.memory_space<vmem>> -> memref<1x128xi32, #tpu.memory_space<vmem>>
      %dma_start3A_285 = tpu.memref_squeeze %dma_start3A_284 : memref<1x128xi32, #tpu.memory_space<vmem>> -> memref<128xi32, #tpu.memory_space<vmem>>
      %dma_start3A_286 = arith.constant 0 : i32
      %dma_start3A_287 = arith.constant 0 : i32
      %dma_start3A_288 = tpu.memref_slice %arg2[%dma_start3A_286, %dma_start3A_287] : memref<10240x128xf32, #tpu.memory_space<hbm>> -> memref<10240x128xf32, #tpu.memory_space<hbm>>
      tpu.enqueue_indirect_dma source(%dma_start3A_288 : memref<10240x128xf32, #tpu.memory_space<hbm>>) target(%arg10 : memref<128x128xf32, #tpu.memory_space<vmem>>) offsets(%dma_start3A_285 : memref<128xi32, #tpu.memory_space<vmem>>) semaphore(%arg13 : memref<!tpu.dma_semaphore, #tpu.memory_space<semaphore_mem>>)
      %add3A_289 = arith.addi %mul3A_2, %add3A_269 : i32
      %add3A_290 = arith.constant 8 : i32
      %add3A_291 = arith.addi %add3A_289, %add3A_290 : i32
      %rem3A_292 = arith.constant 8 : i32
      %rem3A_293 = arith.remsi %add3A_269, %rem3A_292 : i32
      %dma_start3A_294 = arith.constant 0 : i32
      %dma_start3A_295 = tpu.memref_slice %arg7[%rem3A_293, %dma_start3A_294] : memref<8x128xi32, #tpu.memory_space<vmem>> -> memref<1x128xi32, #tpu.memory_space<vmem>>
      %dma_start3A_296 = tpu.memref_squeeze %dma_start3A_295 : memref<1x128xi32, #tpu.memory_space<vmem>> -> memref<128xi32, #tpu.memory_space<vmem>>
      %dma_start3A_297 = arith.constant 0 : i32
      %dma_start3A_298 = tpu.memref_slice %arg3[%add3A_291, %dma_start3A_297] : memref<2568x128xi32, #tpu.memory_space<hbm>> -> memref<1x128xi32, #tpu.memory_space<hbm>>
      %dma_start3A_299 = tpu.memref_squeeze %dma_start3A_298 : memref<1x128xi32, #tpu.memory_space<hbm>> -> memref<128xi32, #tpu.memory_space<hbm>>
      %dma_start3A_300 = arith.constant 0 : i32
      %dma_start3A_301 = tpu.memref_slice %arg7[%rem3A_293, %dma_start3A_300] : memref<8x128xi32, #tpu.memory_space<vmem>> -> memref<1x128xi32, #tpu.memory_space<vmem>>
      %dma_start3A_302 = tpu.memref_squeeze %dma_start3A_301 : memref<1x128xi32, #tpu.memory_space<vmem>> -> memref<128xi32, #tpu.memory_space<vmem>>
      %dma_start3A_303 = arith.constant 0 : i32
      %dma_start3A_304 = tpu.memref_slice %arg3[%add3A_291, %dma_start3A_303] : memref<2568x128xi32, #tpu.memory_space<hbm>> -> memref<1x128xi32, #tpu.memory_space<hbm>>
      %dma_start3A_305 = tpu.memref_squeeze %dma_start3A_304 : memref<1x128xi32, #tpu.memory_space<hbm>> -> memref<128xi32, #tpu.memory_space<hbm>>
      tpu.enqueue_dma source(%dma_start3A_305 : memref<128xi32, #tpu.memory_space<hbm>>) target(%dma_start3A_302 : memref<128xi32, #tpu.memory_space<vmem>>) target_semaphore(%arg14 : memref<!tpu.dma_semaphore, #tpu.memory_space<semaphore_mem>>)
      %add3A_306 = arith.addi %mul3A_2, %add3A_269 : i32
      %add3A_307 = arith.constant 8 : i32
      %add3A_308 = arith.addi %add3A_306, %add3A_307 : i32
      %rem3A_309 = arith.constant 8 : i32
      %rem3A_310 = arith.remsi %add3A_269, %rem3A_309 : i32
      %dma_start3A_311 = arith.constant 0 : i32
      %dma_start3A_312 = tpu.memref_slice %arg8[%rem3A_310, %dma_start3A_311] : memref<8x128xi32, #tpu.memory_space<vmem>> -> memref<1x128xi32, #tpu.memory_space<vmem>>
      %dma_start3A_313 = tpu.memref_squeeze %dma_start3A_312 : memref<1x128xi32, #tpu.memory_space<vmem>> -> memref<128xi32, #tpu.memory_space<vmem>>
      %dma_start3A_314 = arith.constant 0 : i32
      %dma_start3A_315 = tpu.memref_slice %arg4[%add3A_308, %dma_start3A_314] : memref<2568x128xi32, #tpu.memory_space<hbm>> -> memref<1x128xi32, #tpu.memory_space<hbm>>
      %dma_start3A_316 = tpu.memref_squeeze %dma_start3A_315 : memref<1x128xi32, #tpu.memory_space<hbm>> -> memref<128xi32, #tpu.memory_space<hbm>>
      %dma_start3A_317 = arith.constant 0 : i32
      %dma_start3A_318 = tpu.memref_slice %arg8[%rem3A_310, %dma_start3A_317] : memref<8x128xi32, #tpu.memory_space<vmem>> -> memref<1x128xi32, #tpu.memory_space<vmem>>
      %dma_start3A_319 = tpu.memref_squeeze %dma_start3A_318 : memref<1x128xi32, #tpu.memory_space<vmem>> -> memref<128xi32, #tpu.memory_space<vmem>>
      %dma_start3A_320 = arith.constant 0 : i32
      %dma_start3A_321 = tpu.memref_slice %arg4[%add3A_308, %dma_start3A_320] : memref<2568x128xi32, #tpu.memory_space<hbm>> -> memref<1x128xi32, #tpu.memory_space<hbm>>
      %dma_start3A_322 = tpu.memref_squeeze %dma_start3A_321 : memref<1x128xi32, #tpu.memory_space<hbm>> -> memref<128xi32, #tpu.memory_space<hbm>>
      tpu.enqueue_dma source(%dma_start3A_322 : memref<128xi32, #tpu.memory_space<hbm>>) target(%dma_start3A_319 : memref<128xi32, #tpu.memory_space<vmem>>) target_semaphore(%arg14 : memref<!tpu.dma_semaphore, #tpu.memory_space<semaphore_mem>>)
    }
    %scan3A_84 = arith.constant 39 : i32
    %dma_wait3A = arith.constant 0 : i32
    %dma_wait3A_85 = arith.constant 0 : i32
    %dma_wait3A_86 = tpu.memref_slice %arg8[%dma_wait3A, %dma_wait3A_85] : memref<8x128xi32, #tpu.memory_space<vmem>> -> memref<1x128xi32, #tpu.memory_space<vmem>>
    %dma_wait3A_87 = tpu.memref_squeeze %dma_wait3A_86 : memref<1x128xi32, #tpu.memory_space<vmem>> -> memref<128xi32, #tpu.memory_space<vmem>>
    %dma_wait3A_88 = arith.constant 0 : i32
    %dma_wait3A_89 = tpu.memref_slice %arg4[%mul3A_2, %dma_wait3A_88] : memref<2568x128xi32, #tpu.memory_space<hbm>> -> memref<1x128xi32, #tpu.memory_space<hbm>>
    %dma_wait3A_90 = tpu.memref_squeeze %dma_wait3A_89 : memref<1x128xi32, #tpu.memory_space<hbm>> -> memref<128xi32, #tpu.memory_space<hbm>>
    %dma_wait3A_91 = arith.constant 0 : i32
    %dma_wait3A_92 = tpu.memref_slice %arg8[%dma_wait3A, %dma_wait3A_91] : memref<8x128xi32, #tpu.memory_space<vmem>> -> memref<1x128xi32, #tpu.memory_space<vmem>>
    %dma_wait3A_93 = tpu.memref_squeeze %dma_wait3A_92 : memref<1x128xi32, #tpu.memory_space<vmem>> -> memref<128xi32, #tpu.memory_space<vmem>>
    %dma_wait3A_94 = arith.constant 0 : i32
    %dma_wait3A_95 = tpu.memref_slice %arg4[%mul3A_2, %dma_wait3A_94] : memref<2568x128xi32, #tpu.memory_space<hbm>> -> memref<1x128xi32, #tpu.memory_space<hbm>>
    %dma_wait3A_96 = tpu.memref_squeeze %dma_wait3A_95 : memref<1x128xi32, #tpu.memory_space<hbm>> -> memref<128xi32, #tpu.memory_space<hbm>>
    tpu.wait_dma2 semaphore(%arg14 : memref<!tpu.dma_semaphore, #tpu.memory_space<semaphore_mem>>) src(%dma_wait3A_96 : memref<128xi32, #tpu.memory_space<hbm>>) dst(%dma_wait3A_93 : memref<128xi32, #tpu.memory_space<vmem>>)
    %dma_wait3A_97 = arith.constant 0 : i32
    %dma_wait3A_98 = arith.constant 0 : i32
    %dma_wait3A_99 = tpu.memref_slice %arg8[%dma_wait3A_97, %dma_wait3A_98] : memref<8x128xi32, #tpu.memory_space<vmem>> -> memref<1x128xi32, #tpu.memory_space<vmem>>
    %dma_wait3A_100 = tpu.memref_squeeze %dma_wait3A_99 : memref<1x128xi32, #tpu.memory_space<vmem>> -> memref<128xi32, #tpu.memory_space<vmem>>
    %dma_wait3A_101 = arith.constant 0 : i32
    %dma_wait3A_102 = tpu.memref_slice %arg4[%mul3A_2, %dma_wait3A_101] : memref<2568x128xi32, #tpu.memory_space<hbm>> -> memref<1x128xi32, #tpu.memory_space<hbm>>
    %dma_wait3A_103 = tpu.memref_squeeze %dma_wait3A_102 : memref<1x128xi32, #tpu.memory_space<hbm>> -> memref<128xi32, #tpu.memory_space<hbm>>
    %dma_wait3A_104 = arith.constant 0 : i32
    %dma_wait3A_105 = tpu.memref_slice %arg8[%dma_wait3A_97, %dma_wait3A_104] : memref<8x128xi32, #tpu.memory_space<vmem>> -> memref<1x128xi32, #tpu.memory_space<vmem>>
    %dma_wait3A_106 = tpu.memref_squeeze %dma_wait3A_105 : memref<1x128xi32, #tpu.memory_space<vmem>> -> memref<128xi32, #tpu.memory_space<vmem>>
    %dma_wait3A_107 = arith.constant 0 : i32
    %dma_wait3A_108 = tpu.memref_slice %arg4[%mul3A_2, %dma_wait3A_107] : memref<2568x128xi32, #tpu.memory_space<hbm>> -> memref<1x128xi32, #tpu.memory_space<hbm>>
    %dma_wait3A_109 = tpu.memref_squeeze %dma_wait3A_108 : memref<1x128xi32, #tpu.memory_space<hbm>> -> memref<128xi32, #tpu.memory_space<hbm>>
    tpu.wait_dma2 semaphore(%arg14 : memref<!tpu.dma_semaphore, #tpu.memory_space<semaphore_mem>>) src(%dma_wait3A_109 : memref<128xi32, #tpu.memory_space<hbm>>) dst(%dma_wait3A_106 : memref<128xi32, #tpu.memory_space<vmem>>)
    %dma_wait3A_110 = arith.constant 0 : i32
    %dma_wait3A_111 = arith.constant 0 : i32
    %dma_wait3A_112 = tpu.memref_slice %arg8[%dma_wait3A_110, %dma_wait3A_111] : memref<8x128xi32, #tpu.memory_space<vmem>> -> memref<1x128xi32, #tpu.memory_space<vmem>>
    %dma_wait3A_113 = tpu.memref_squeeze %dma_wait3A_112 : memref<1x128xi32, #tpu.memory_space<vmem>> -> memref<128xi32, #tpu.memory_space<vmem>>
    %dma_wait3A_114 = arith.constant 0 : i32
    %dma_wait3A_115 = tpu.memref_slice %arg4[%mul3A_2, %dma_wait3A_114] : memref<2568x128xi32, #tpu.memory_space<hbm>> -> memref<1x128xi32, #tpu.memory_space<hbm>>
    %dma_wait3A_116 = tpu.memref_squeeze %dma_wait3A_115 : memref<1x128xi32, #tpu.memory_space<hbm>> -> memref<128xi32, #tpu.memory_space<hbm>>
    %dma_wait3A_117 = arith.constant 0 : i32
    %dma_wait3A_118 = tpu.memref_slice %arg8[%dma_wait3A_110, %dma_wait3A_117] : memref<8x128xi32, #tpu.memory_space<vmem>> -> memref<1x128xi32, #tpu.memory_space<vmem>>
    %dma_wait3A_119 = tpu.memref_squeeze %dma_wait3A_118 : memref<1x128xi32, #tpu.memory_space<vmem>> -> memref<128xi32, #tpu.memory_space<vmem>>
    %dma_wait3A_120 = arith.constant 0 : i32
    %dma_wait3A_121 = tpu.memref_slice %arg4[%mul3A_2, %dma_wait3A_120] : memref<2568x128xi32, #tpu.memory_space<hbm>> -> memref<1x128xi32, #tpu.memory_space<hbm>>
    %dma_wait3A_122 = tpu.memref_squeeze %dma_wait3A_121 : memref<1x128xi32, #tpu.memory_space<hbm>> -> memref<128xi32, #tpu.memory_space<hbm>>
    tpu.wait_dma2 semaphore(%arg14 : memref<!tpu.dma_semaphore, #tpu.memory_space<semaphore_mem>>) src(%dma_wait3A_122 : memref<128xi32, #tpu.memory_space<hbm>>) dst(%dma_wait3A_119 : memref<128xi32, #tpu.memory_space<vmem>>)
    %dma_wait3A_123 = arith.constant 0 : i32
    %dma_wait3A_124 = arith.constant 0 : i32
    %dma_wait3A_125 = tpu.memref_slice %arg8[%dma_wait3A_123, %dma_wait3A_124] : memref<8x128xi32, #tpu.memory_space<vmem>> -> memref<1x128xi32, #tpu.memory_space<vmem>>
    %dma_wait3A_126 = tpu.memref_squeeze %dma_wait3A_125 : memref<1x128xi32, #tpu.memory_space<vmem>> -> memref<128xi32, #tpu.memory_space<vmem>>
    %dma_wait3A_127 = arith.constant 0 : i32
    %dma_wait3A_128 = tpu.memref_slice %arg4[%mul3A_2, %dma_wait3A_127] : memref<2568x128xi32, #tpu.memory_space<hbm>> -> memref<1x128xi32, #tpu.memory_space<hbm>>
    %dma_wait3A_129 = tpu.memref_squeeze %dma_wait3A_128 : memref<1x128xi32, #tpu.memory_space<hbm>> -> memref<128xi32, #tpu.memory_space<hbm>>
    %dma_wait3A_130 = arith.constant 0 : i32
    %dma_wait3A_131 = tpu.memref_slice %arg8[%dma_wait3A_123, %dma_wait3A_130] : memref<8x128xi32, #tpu.memory_space<vmem>> -> memref<1x128xi32, #tpu.memory_space<vmem>>
    %dma_wait3A_132 = tpu.memref_squeeze %dma_wait3A_131 : memref<1x128xi32, #tpu.memory_space<vmem>> -> memref<128xi32, #tpu.memory_space<vmem>>
    %dma_wait3A_133 = arith.constant 0 : i32
    %dma_wait3A_134 = tpu.memref_slice %arg4[%mul3A_2, %dma_wait3A_133] : memref<2568x128xi32, #tpu.memory_space<hbm>> -> memref<1x128xi32, #tpu.memory_space<hbm>>
    %dma_wait3A_135 = tpu.memref_squeeze %dma_wait3A_134 : memref<1x128xi32, #tpu.memory_space<hbm>> -> memref<128xi32, #tpu.memory_space<hbm>>
    tpu.wait_dma2 semaphore(%arg14 : memref<!tpu.dma_semaphore, #tpu.memory_space<semaphore_mem>>) src(%dma_wait3A_135 : memref<128xi32, #tpu.memory_space<hbm>>) dst(%dma_wait3A_132 : memref<128xi32, #tpu.memory_space<vmem>>)
    %dma_wait3A_136 = arith.constant 0 : i32
    %dma_wait3A_137 = arith.constant 0 : i32
    %dma_wait3A_138 = tpu.memref_slice %arg7[%dma_wait3A_136, %dma_wait3A_137] : memref<8x128xi32, #tpu.memory_space<vmem>> -> memref<1x128xi32, #tpu.memory_space<vmem>>
    %dma_wait3A_139 = tpu.memref_squeeze %dma_wait3A_138 : memref<1x128xi32, #tpu.memory_space<vmem>> -> memref<128xi32, #tpu.memory_space<vmem>>
    %dma_wait3A_140 = arith.constant 0 : i32
    %dma_wait3A_141 = arith.constant 0 : i32
    %dma_wait3A_142 = tpu.memref_slice %arg2[%dma_wait3A_140, %dma_wait3A_141] : memref<10240x128xf32, #tpu.memory_space<hbm>> -> memref<10240x128xf32, #tpu.memory_space<hbm>>
    tpu.wait_indirect_dma semaphore(%arg12 : memref<!tpu.dma_semaphore, #tpu.memory_space<semaphore_mem>>) src(%dma_wait3A_142 : memref<10240x128xf32, #tpu.memory_space<hbm>>) dst(%arg9 : memref<128x128xf32, #tpu.memory_space<vmem>>)
    %rem3A = arith.constant 78 : i32
    %rem3A_143 = arith.constant 8 : i32
    %rem3A_144 = arith.remsi %rem3A, %rem3A_143 : i32
    "tpu.region"() ({
      %run_scoped3A = tpu.sem_alloc : memref<!tpu.dma_semaphore, #tpu.memory_space<semaphore_mem>>
      %dma_start3A_160 = arith.constant 0 : i32
      %dma_start3A_161 = tpu.memref_slice %arg8[%rem3A_144, %dma_start3A_160] : memref<8x128xi32, #tpu.memory_space<vmem>> -> memref<1x128xi32, #tpu.memory_space<vmem>>
      %dma_start3A_162 = tpu.memref_squeeze %dma_start3A_161 : memref<1x128xi32, #tpu.memory_space<vmem>> -> memref<128xi32, #tpu.memory_space<vmem>>
      %dma_start3A_163 = arith.constant 0 : i32
      %dma_start3A_164 = arith.constant 0 : i32
      %dma_start3A_165 = tpu.memref_slice %arg11[%dma_start3A_163, %dma_start3A_164] : memref<10240x128xf32, #tpu.memory_space<vmem_shared>> -> memref<10240x128xf32, #tpu.memory_space<vmem_shared>>
      tpu.enqueue_indirect_dma source(%arg9 : memref<128x128xf32, #tpu.memory_space<vmem>>) target(%dma_start3A_165 : memref<10240x128xf32, #tpu.memory_space<vmem_shared>>) offsets(%dma_start3A_162 : memref<128xi32, #tpu.memory_space<vmem>>) semaphore(%run_scoped3A : memref<!tpu.dma_semaphore, #tpu.memory_space<semaphore_mem>>) {add = true}
      %dma_wait3A_166 = arith.constant 0 : i32
      %dma_wait3A_167 = tpu.memref_slice %arg8[%rem3A_144, %dma_wait3A_166] : memref<8x128xi32, #tpu.memory_space<vmem>> -> memref<1x128xi32, #tpu.memory_space<vmem>>
      %dma_wait3A_168 = tpu.memref_squeeze %dma_wait3A_167 : memref<1x128xi32, #tpu.memory_space<vmem>> -> memref<128xi32, #tpu.memory_space<vmem>>
      %dma_wait3A_169 = arith.constant 0 : i32
      %dma_wait3A_170 = arith.constant 0 : i32
      %dma_wait3A_171 = tpu.memref_slice %arg11[%dma_wait3A_169, %dma_wait3A_170] : memref<10240x128xf32, #tpu.memory_space<vmem_shared>> -> memref<10240x128xf32, #tpu.memory_space<vmem_shared>>
      tpu.wait_indirect_dma semaphore(%run_scoped3A : memref<!tpu.dma_semaphore, #tpu.memory_space<semaphore_mem>>) src(%arg9 : memref<128x128xf32, #tpu.memory_space<vmem>>) dst(%dma_wait3A_171 : memref<10240x128xf32, #tpu.memory_space<vmem_shared>>)
      tpu.yield
    }) : () -> ()
    %dma_wait3A_145 = arith.constant 0 : i32
    %dma_wait3A_146 = arith.constant 0 : i32
    %dma_wait3A_147 = tpu.memref_slice %arg7[%dma_wait3A_145, %dma_wait3A_146] : memref<8x128xi32, #tpu.memory_space<vmem>> -> memref<1x128xi32, #tpu.memory_space<vmem>>
    %dma_wait3A_148 = tpu.memref_squeeze %dma_wait3A_147 : memref<1x128xi32, #tpu.memory_space<vmem>> -> memref<128xi32, #tpu.memory_space<vmem>>
    %dma_wait3A_149 = arith.constant 0 : i32
    %dma_wait3A_150 = arith.constant 0 : i32
    %dma_wait3A_151 = tpu.memref_slice %arg2[%dma_wait3A_149, %dma_wait3A_150] : memref<10240x128xf32, #tpu.memory_space<hbm>> -> memref<10240x128xf32, #tpu.memory_space<hbm>>
    tpu.wait_indirect_dma semaphore(%arg13 : memref<!tpu.dma_semaphore, #tpu.memory_space<semaphore_mem>>) src(%dma_wait3A_151 : memref<10240x128xf32, #tpu.memory_space<hbm>>) dst(%arg10 : memref<128x128xf32, #tpu.memory_space<vmem>>)
    %rem3A_152 = arith.constant 79 : i32
    %rem3A_153 = arith.constant 8 : i32
    %rem3A_154 = arith.remsi %rem3A_152, %rem3A_153 : i32
    "tpu.region"() ({
      %run_scoped3A = tpu.sem_alloc : memref<!tpu.dma_semaphore, #tpu.memory_space<semaphore_mem>>
      %dma_start3A_160 = arith.constant 0 : i32
      %dma_start3A_161 = tpu.memref_slice %arg8[%rem3A_154, %dma_start3A_160] : memref<8x128xi32, #tpu.memory_space<vmem>> -> memref<1x128xi32, #tpu.memory_space<vmem>>
      %dma_start3A_162 = tpu.memref_squeeze %dma_start3A_161 : memref<1x128xi32, #tpu.memory_space<vmem>> -> memref<128xi32, #tpu.memory_space<vmem>>
      %dma_start3A_163 = arith.constant 0 : i32
      %dma_start3A_164 = arith.constant 0 : i32
      %dma_start3A_165 = tpu.memref_slice %arg11[%dma_start3A_163, %dma_start3A_164] : memref<10240x128xf32, #tpu.memory_space<vmem_shared>> -> memref<10240x128xf32, #tpu.memory_space<vmem_shared>>
      tpu.enqueue_indirect_dma source(%arg10 : memref<128x128xf32, #tpu.memory_space<vmem>>) target(%dma_start3A_165 : memref<10240x128xf32, #tpu.memory_space<vmem_shared>>) offsets(%dma_start3A_162 : memref<128xi32, #tpu.memory_space<vmem>>) semaphore(%run_scoped3A : memref<!tpu.dma_semaphore, #tpu.memory_space<semaphore_mem>>) {add = true}
      %dma_wait3A_166 = arith.constant 0 : i32
      %dma_wait3A_167 = tpu.memref_slice %arg8[%rem3A_154, %dma_wait3A_166] : memref<8x128xi32, #tpu.memory_space<vmem>> -> memref<1x128xi32, #tpu.memory_space<vmem>>
      %dma_wait3A_168 = tpu.memref_squeeze %dma_wait3A_167 : memref<1x128xi32, #tpu.memory_space<vmem>> -> memref<128xi32, #tpu.memory_space<vmem>>
      %dma_wait3A_169 = arith.constant 0 : i32
      %dma_wait3A_170 = arith.constant 0 : i32
      %dma_wait3A_171 = tpu.memref_slice %arg11[%dma_wait3A_169, %dma_wait3A_170] : memref<10240x128xf32, #tpu.memory_space<vmem_shared>> -> memref<10240x128xf32, #tpu.memory_space<vmem_shared>>
      tpu.wait_indirect_dma semaphore(%run_scoped3A : memref<!tpu.dma_semaphore, #tpu.memory_space<semaphore_mem>>) src(%arg10 : memref<128x128xf32, #tpu.memory_space<vmem>>) dst(%dma_wait3A_171 : memref<10240x128xf32, #tpu.memory_space<vmem_shared>>)
      tpu.yield
    }) : () -> ()
    %barrier3A_155 = arith.constant 0 : index
    tpu.barrier barrier_id(%barrier3A_155)
    %mul3A_156 = arith.constant 640 : i32
    %mul3A_157 = arith.muli %arg1, %mul3A_156 : i32
    %mul3A_158 = arith.constant 640 : i32
    %mul3A_159 = arith.muli %arg1, %mul3A_158 : i32
    "tpu.region"() ({
      %run_scoped3A = tpu.sem_alloc : memref<!tpu.dma_semaphore, #tpu.memory_space<semaphore_mem>>
      %dma_start3A_160 = arith.constant 0 : i32
      %dma_start3A_161 = tpu.memref_slice %arg6[%arg0, %mul3A_159, %dma_start3A_160] : memref<2x10240x128xf32, #tpu.memory_space<hbm>> -> memref<1x640x128xf32, #tpu.memory_space<hbm>>
      %dma_start3A_162 = tpu.memref_squeeze %dma_start3A_161 : memref<1x640x128xf32, #tpu.memory_space<hbm>> -> memref<640x128xf32, #tpu.memory_space<hbm>>
      %dma_start3A_163 = arith.constant 0 : i32
      %dma_start3A_164 = tpu.memref_slice %arg11[%mul3A_157, %dma_start3A_163] : memref<10240x128xf32, #tpu.memory_space<vmem_shared>> -> memref<640x128xf32, #tpu.memory_space<vmem_shared>>
      tpu.enqueue_dma source(%dma_start3A_164 : memref<640x128xf32, #tpu.memory_space<vmem_shared>>) target(%dma_start3A_162 : memref<640x128xf32, #tpu.memory_space<hbm>>) target_semaphore(%run_scoped3A : memref<!tpu.dma_semaphore, #tpu.memory_space<semaphore_mem>>)
      %dma_wait3A_165 = arith.constant 0 : i32
      %dma_wait3A_166 = tpu.memref_slice %arg6[%arg0, %mul3A_159, %dma_wait3A_165] : memref<2x10240x128xf32, #tpu.memory_space<hbm>> -> memref<1x640x128xf32, #tpu.memory_space<hbm>>
      %dma_wait3A_167 = tpu.memref_squeeze %dma_wait3A_166 : memref<1x640x128xf32, #tpu.memory_space<hbm>> -> memref<640x128xf32, #tpu.memory_space<hbm>>
      %dma_wait3A_168 = arith.constant 0 : i32
      %dma_wait3A_169 = tpu.memref_slice %arg11[%mul3A_157, %dma_wait3A_168] : memref<10240x128xf32, #tpu.memory_space<vmem_shared>> -> memref<640x128xf32, #tpu.memory_space<vmem_shared>>
      tpu.wait_dma2 semaphore(%run_scoped3A : memref<!tpu.dma_semaphore, #tpu.memory_space<semaphore_mem>>) src(%dma_wait3A_169 : memref<640x128xf32, #tpu.memory_space<vmem_shared>>) dst(%dma_wait3A_167 : memref<640x128xf32, #tpu.memory_space<hbm>>)
      tpu.yield
    }) : () -> ()
    return
  }
}

module attributes {stable_mosaic.version = 14 : i64} {
  func.func @_tc_prep_body(%arg0: i32, %arg1: memref<2048x128xf32, #tpu.memory_space<vmem>>, %arg2: memref<2x2048x128xf32, #tpu.memory_space<vmem>>, %arg3: memref<128x128xf32, #tpu.memory_space<vmem>>, %arg4: memref<2048x128xf32, #tpu.memory_space<vmem>>, %arg5: memref<2048x128xf32, #tpu.memory_space<vmem>>) attributes {dimension_semantics = [#tpu.dimension_semantics<arbitrary>], iteration_bounds = array<i64: 5>, scalar_prefetch = 0 : i64, scratch_operands = 0 : i64, tpu.core_type = #tpu.core_type<tc>, window_params = [{transform_indices = @transform_0, window_bounds = array<i64: 2048, 128>}, {transform_indices = @transform_1, window_bounds = array<i64: 2, 2048, 128>}, {pipeline_mode = #tpu.pipeline_mode<synchronous>, transform_indices = @transform_2, window_bounds = array<i64: 128, 128>}, {transform_indices = @transform_3, window_bounds = array<i64: 2048, 128>}, {transform_indices = @transform_4, window_bounds = array<i64: 2048, 128>}]} {
    %get3A = arith.constant 0 : index
    %get3A_0 = arith.constant 0 : index
    %get3A_1 = arith.constant 0 : index
    %get3A_2 = vector.load %arg2[%get3A, %get3A_0, %get3A_1] : memref<2x2048x128xf32, #tpu.memory_space<vmem>>, vector<2x2048x128xf32>
    %slice3A = vector.extract_strided_slice %get3A_2 {offsets = [0, 0, 0], sizes = [1, 2048, 1], strides = [1, 1, 1]} : vector<2x2048x128xf32> to vector<1x2048x1xf32>
    %squeeze3A = vector.shape_cast %slice3A : vector<1x2048x1xf32> to vector<2048x1xf32>
    %slice3A_3 = vector.extract_strided_slice %get3A_2 {offsets = [1, 0, 0], sizes = [1, 2048, 1], strides = [1, 1, 1]} : vector<2x2048x128xf32> to vector<1x2048x1xf32>
    %squeeze3A_4 = vector.shape_cast %slice3A_3 : vector<1x2048x1xf32> to vector<2048x1xf32>
    %add3A = arith.addf %squeeze3A, %squeeze3A_4 : vector<2048x1xf32>
    %add3A_5 = arith.constant 1.000000e+00 : f32
    %add3A_6 = vector.broadcast %add3A_5 : f32 to vector<2048x1xf32>
    %add3A_7 = arith.addf %add3A, %add3A_6 : vector<2048x1xf32>
    %rsqrt3A = math.rsqrt %add3A_7 : vector<2048x1xf32>
    %broadcast_in_dim3A = vector.shape_cast %rsqrt3A : vector<2048x1xf32> to vector<2048x1xf32>
    %broadcast_in_dim3A_8 = vector.broadcast %broadcast_in_dim3A : vector<2048x1xf32> to vector<2048x128xf32>
    %swap3A = arith.constant 0 : index
    %swap3A_9 = arith.constant 0 : index
    %swap3A_10 = vector.load %arg5[%swap3A, %swap3A_9] : memref<2048x128xf32, #tpu.memory_space<vmem>>, vector<2048x128xf32>
    tpu.vector_store %arg5[%swap3A, %swap3A_9], %broadcast_in_dim3A_8 {strides = array<i32>} : memref<2048x128xf32, #tpu.memory_space<vmem>>, vector<2048x128xf32>,
    %get3A_11 = arith.constant 0 : index
    %get3A_12 = arith.constant 0 : index
    %get3A_13 = vector.load %arg1[%get3A_11, %get3A_12] : memref<2048x128xf32, #tpu.memory_space<vmem>>, vector<2048x128xf32>
    %get3A_14 = arith.constant 0 : index
    %get3A_15 = arith.constant 0 : index
    %get3A_16 = vector.load %arg3[%get3A_14, %get3A_15] : memref<128x128xf32, #tpu.memory_space<vmem>>, vector<128x128xf32>
    %dot_general3A = arith.constant dense<0.000000e+00> : vector<2048x128xf32>
    %dot_general3A_17 = tpu.matmul %get3A_13, %get3A_16, %dot_general3A {dimension_numbers = #tpu.dot_dimension_numbers<[1], [0], [0], [1], [0, 0, 1, 1], [], []>, transpose_lhs_hint = false} : vector<2048x128xf32>, vector<128x128xf32>, vector<2048x128xf32> -> vector<2048x128xf32>
    %mul3A = arith.mulf %broadcast_in_dim3A_8, %dot_general3A_17 : vector<2048x128xf32>
    %swap3A_18 = arith.constant 0 : index
    %swap3A_19 = arith.constant 0 : index
    %swap3A_20 = vector.load %arg4[%swap3A_18, %swap3A_19] : memref<2048x128xf32, #tpu.memory_space<vmem>>, vector<2048x128xf32>
    tpu.vector_store %arg4[%swap3A_18, %swap3A_19], %mul3A {strides = array<i32>} : memref<2048x128xf32, #tpu.memory_space<vmem>>, vector<2048x128xf32>,
    return
  }
  func.func @transform_0(%arg0: i32) -> (i32, i32) {
    %c0_i32 = arith.constant 0 : i32
    %c0_i32_0 = arith.constant 0 : i32
    return %arg0, %c0_i32 : i32, i32
  }
  func.func @transform_1(%arg0: i32) -> (i32, i32, i32) {
    %c0_i32 = arith.constant 0 : i32
    %c0_i32_0 = arith.constant 0 : i32
    %c0_i32_1 = arith.constant 0 : i32
    return %c0_i32, %arg0, %c0_i32_0 : i32, i32, i32
  }
  func.func @transform_2(%arg0: i32) -> (i32, i32) {
    %c0_i32 = arith.constant 0 : i32
    %c0_i32_0 = arith.constant 0 : i32
    %c0_i32_1 = arith.constant 0 : i32
    return %c0_i32, %c0_i32_0 : i32, i32
  }
  func.func @transform_3(%arg0: i32) -> (i32, i32) {
    %c0_i32 = arith.constant 0 : i32
    %c0_i32_0 = arith.constant 0 : i32
    return %arg0, %c0_i32 : i32, i32
  }
  func.func @transform_4(%arg0: i32) -> (i32, i32) {
    %c0_i32 = arith.constant 0 : i32
    %c0_i32_0 = arith.constant 0 : i32
    return %arg0, %c0_i32 : i32, i32
  }
}

module attributes {stable_mosaic.version = 14 : i64} {
  func.func @_tc_mid_body(%arg0: i32, %arg1: memref<2x2048x128xf32, #tpu.memory_space<vmem>>, %arg2: memref<2048x128xf32, #tpu.memory_space<vmem>>, %arg3: memref<2048x128xf32, #tpu.memory_space<vmem>>, %arg4: memref<1x128xf32, #tpu.memory_space<vmem>>, %arg5: memref<128x128xf32, #tpu.memory_space<vmem>>, %arg6: memref<2048x128xf32, #tpu.memory_space<vmem>>) attributes {dimension_semantics = [#tpu.dimension_semantics<arbitrary>], iteration_bounds = array<i64: 5>, scalar_prefetch = 0 : i64, scratch_operands = 0 : i64, tpu.core_type = #tpu.core_type<tc>, window_params = [{transform_indices = @transform_0, window_bounds = array<i64: 2, 2048, 128>}, {transform_indices = @transform_1, window_bounds = array<i64: 2048, 128>}, {transform_indices = @transform_2, window_bounds = array<i64: 2048, 128>}, {pipeline_mode = #tpu.pipeline_mode<synchronous>, transform_indices = @transform_3, window_bounds = array<i64: 1, 128>}, {pipeline_mode = #tpu.pipeline_mode<synchronous>, transform_indices = @transform_4, window_bounds = array<i64: 128, 128>}, {transform_indices = @transform_5, window_bounds = array<i64: 2048, 128>}]} {
    %get3A = arith.constant 0 : index
    %get3A_0 = arith.constant 0 : index
    %get3A_1 = arith.constant 0 : index
    %get3A_2 = vector.load %arg1[%get3A, %get3A_0, %get3A_1] : memref<2x2048x128xf32, #tpu.memory_space<vmem>>, vector<2x2048x128xf32>
    %get3A_3 = arith.constant 0 : index
    %get3A_4 = arith.constant 0 : index
    %get3A_5 = vector.load %arg3[%get3A_3, %get3A_4] : memref<2048x128xf32, #tpu.memory_space<vmem>>, vector<2048x128xf32>
    %slice3A = vector.extract_strided_slice %get3A_2 {offsets = [0, 0, 0], sizes = [1, 2048, 128], strides = [1, 1, 1]} : vector<2x2048x128xf32> to vector<1x2048x128xf32>
    %squeeze3A = vector.shape_cast %slice3A : vector<1x2048x128xf32> to vector<2048x128xf32>
    %slice3A_6 = vector.extract_strided_slice %get3A_2 {offsets = [1, 0, 0], sizes = [1, 2048, 128], strides = [1, 1, 1]} : vector<2x2048x128xf32> to vector<1x2048x128xf32>
    %squeeze3A_7 = vector.shape_cast %slice3A_6 : vector<1x2048x128xf32> to vector<2048x128xf32>
    %add3A = arith.addf %squeeze3A, %squeeze3A_7 : vector<2048x128xf32>
    %get3A_8 = arith.constant 0 : index
    %get3A_9 = arith.constant 0 : index
    %get3A_10 = vector.load %arg2[%get3A_8, %get3A_9] : memref<2048x128xf32, #tpu.memory_space<vmem>>, vector<2048x128xf32>
    %add3A_11 = arith.addf %add3A, %get3A_10 : vector<2048x128xf32>
    %mul3A = arith.mulf %get3A_5, %add3A_11 : vector<2048x128xf32>
    %get3A_12 = arith.constant 0 : index
    %get3A_13 = arith.constant 0 : index
    %get3A_14 = vector.load %arg4[%get3A_12, %get3A_13] : memref<1x128xf32, #tpu.memory_space<vmem>>, vector<1x128xf32>
    %add3A_15 = vector.broadcast %get3A_14 : vector<1x128xf32> to vector<2048x128xf32>
    %add3A_16 = arith.addf %mul3A, %add3A_15 : vector<2048x128xf32>
    %max3A = arith.constant 0.000000e+00 : f32
    %max3A_17 = vector.broadcast %max3A : f32 to vector<2048x128xf32>
    %max3A_18 = arith.maximumf %add3A_16, %max3A_17 : vector<2048x128xf32>
    %get3A_19 = arith.constant 0 : index
    %get3A_20 = arith.constant 0 : index
    %get3A_21 = vector.load %arg5[%get3A_19, %get3A_20] : memref<128x128xf32, #tpu.memory_space<vmem>>, vector<128x128xf32>
    %dot_general3A = arith.constant dense<0.000000e+00> : vector<2048x128xf32>
    %dot_general3A_22 = tpu.matmul %max3A_18, %get3A_21, %dot_general3A {dimension_numbers = #tpu.dot_dimension_numbers<[1], [0], [0], [1], [0, 0, 1, 1], [], []>, transpose_lhs_hint = false} : vector<2048x128xf32>, vector<128x128xf32>, vector<2048x128xf32> -> vector<2048x128xf32>
    %mul3A_23 = arith.mulf %get3A_5, %dot_general3A_22 : vector<2048x128xf32>
    %swap3A = arith.constant 0 : index
    %swap3A_24 = arith.constant 0 : index
    %swap3A_25 = vector.load %arg6[%swap3A, %swap3A_24] : memref<2048x128xf32, #tpu.memory_space<vmem>>, vector<2048x128xf32>
    tpu.vector_store %arg6[%swap3A, %swap3A_24], %mul3A_23 {strides = array<i32>} : memref<2048x128xf32, #tpu.memory_space<vmem>>, vector<2048x128xf32>,
    return
  }
  func.func @transform_0(%arg0: i32) -> (i32, i32, i32) {
    %c0_i32 = arith.constant 0 : i32
    %c0_i32_0 = arith.constant 0 : i32
    %c0_i32_1 = arith.constant 0 : i32
    return %c0_i32, %arg0, %c0_i32_0 : i32, i32, i32
  }
  func.func @transform_1(%arg0: i32) -> (i32, i32) {
    %c0_i32 = arith.constant 0 : i32
    %c0_i32_0 = arith.constant 0 : i32
    return %arg0, %c0_i32 : i32, i32
  }
  func.func @transform_2(%arg0: i32) -> (i32, i32) {
    %c0_i32 = arith.constant 0 : i32
    %c0_i32_0 = arith.constant 0 : i32
    return %arg0, %c0_i32 : i32, i32
  }
  func.func @transform_3(%arg0: i32) -> (i32, i32) {
    %c0_i32 = arith.constant 0 : i32
    %c0_i32_0 = arith.constant 0 : i32
    %c0_i32_1 = arith.constant 0 : i32
    return %c0_i32, %c0_i32_0 : i32, i32
  }
  func.func @transform_4(%arg0: i32) -> (i32, i32) {
    %c0_i32 = arith.constant 0 : i32
    %c0_i32_0 = arith.constant 0 : i32
    %c0_i32_1 = arith.constant 0 : i32
    return %c0_i32, %c0_i32_0 : i32, i32
  }
  func.func @transform_5(%arg0: i32) -> (i32, i32) {
    %c0_i32 = arith.constant 0 : i32
    %c0_i32_0 = arith.constant 0 : i32
    return %arg0, %c0_i32 : i32, i32
  }
}

module attributes {stable_mosaic.version = 14 : i64} {
  func.func @_tc_final_body(%arg0: i32, %arg1: memref<2x2048x128xf32, #tpu.memory_space<vmem>>, %arg2: memref<2048x128xf32, #tpu.memory_space<vmem>>, %arg3: memref<2048x128xf32, #tpu.memory_space<vmem>>, %arg4: memref<1x128xf32, #tpu.memory_space<vmem>>, %arg5: memref<2048x1xi32, #tpu.memory_space<vmem>>, %arg6: memref<128x256xf32, #tpu.memory_space<vmem>>, %arg7: memref<1x256xf32, #tpu.memory_space<vmem>>, %arg8: memref<256x64xf32, #tpu.memory_space<vmem>>, %arg9: memref<1x64xf32, #tpu.memory_space<vmem>>, %arg10: memref<16x64xf32, #tpu.memory_space<vmem>>, %arg11: memref<16x128xf32, #tpu.memory_space<vmem>>, %arg12: memref<16x128xf32, #tpu.memory_space<vmem>>) attributes {dimension_semantics = [#tpu.dimension_semantics<arbitrary>], iteration_bounds = array<i64: 5>, scalar_prefetch = 0 : i64, scratch_operands = 2 : i64, tpu.core_type = #tpu.core_type<tc>, window_params = [{transform_indices = @transform_0, window_bounds = array<i64: 2, 2048, 128>}, {transform_indices = @transform_1, window_bounds = array<i64: 2048, 128>}, {transform_indices = @transform_2, window_bounds = array<i64: 2048, 128>}, {pipeline_mode = #tpu.pipeline_mode<synchronous>, transform_indices = @transform_3, window_bounds = array<i64: 1, 128>}, {transform_indices = @transform_4, window_bounds = array<i64: 2048, 1>}, {pipeline_mode = #tpu.pipeline_mode<synchronous>, transform_indices = @transform_5, window_bounds = array<i64: 128, 256>}, {pipeline_mode = #tpu.pipeline_mode<synchronous>, transform_indices = @transform_6, window_bounds = array<i64: 1, 256>}, {pipeline_mode = #tpu.pipeline_mode<synchronous>, transform_indices = @transform_7, window_bounds = array<i64: 256, 64>}, {pipeline_mode = #tpu.pipeline_mode<synchronous>, transform_indices = @transform_8, window_bounds = array<i64: 1, 64>}, {pipeline_mode = #tpu.pipeline_mode<synchronous>, transform_indices = @transform_9, window_bounds = array<i64: 16, 64>}]} {
    %eq3A = arith.constant 0 : i32
    %eq3A_0 = arith.cmpi eq, %arg0, %eq3A : i32
    %convert_element_type3A = arith.extui %eq3A_0 : i1 to i32
    %cond3A = arith.constant 0 : i32
    %cond3A_1 = arith.cmpi ne, %convert_element_type3A, %cond3A : i32
    scf.if %cond3A_1 {
      %broadcast_in_dim3A_50 = arith.constant 0.000000e+00 : f32
      %broadcast_in_dim3A_51 = vector.broadcast %broadcast_in_dim3A_50 : f32 to vector<16x128xf32>
      %swap3A_52 = arith.constant 0 : index
      %swap3A_53 = arith.constant 0 : index
      %swap3A_54 = vector.load %arg11[%swap3A_52, %swap3A_53] : memref<16x128xf32, #tpu.memory_space<vmem>>, vector<16x128xf32>
      tpu.vector_store %arg11[%swap3A_52, %swap3A_53], %broadcast_in_dim3A_51 {strides = array<i32>} : memref<16x128xf32, #tpu.memory_space<vmem>>, vector<16x128xf32>,
      %broadcast_in_dim3A_55 = arith.constant 0.000000e+00 : f32
      %broadcast_in_dim3A_56 = vector.broadcast %broadcast_in_dim3A_55 : f32 to vector<16x128xf32>
      %swap3A_57 = arith.constant 0 : index
      %swap3A_58 = arith.constant 0 : index
      %swap3A_59 = vector.load %arg12[%swap3A_57, %swap3A_58] : memref<16x128xf32, #tpu.memory_space<vmem>>, vector<16x128xf32>
      tpu.vector_store %arg12[%swap3A_57, %swap3A_58], %broadcast_in_dim3A_56 {strides = array<i32>} : memref<16x128xf32, #tpu.memory_space<vmem>>, vector<16x128xf32>,
    } else {
    }
    %get3A = arith.constant 0 : index
    %get3A_2 = arith.constant 0 : index
    %get3A_3 = arith.constant 0 : index
    %get3A_4 = vector.load %arg1[%get3A, %get3A_2, %get3A_3] : memref<2x2048x128xf32, #tpu.memory_space<vmem>>, vector<2x2048x128xf32>
    %get3A_5 = arith.constant 0 : index
    %get3A_6 = arith.constant 0 : index
    %get3A_7 = vector.load %arg3[%get3A_5, %get3A_6] : memref<2048x128xf32, #tpu.memory_space<vmem>>, vector<2048x128xf32>
    %slice3A = vector.extract_strided_slice %get3A_4 {offsets = [0, 0, 0], sizes = [1, 2048, 128], strides = [1, 1, 1]} : vector<2x2048x128xf32> to vector<1x2048x128xf32>
    %squeeze3A = vector.shape_cast %slice3A : vector<1x2048x128xf32> to vector<2048x128xf32>
    %slice3A_8 = vector.extract_strided_slice %get3A_4 {offsets = [1, 0, 0], sizes = [1, 2048, 128], strides = [1, 1, 1]} : vector<2x2048x128xf32> to vector<1x2048x128xf32>
    %squeeze3A_9 = vector.shape_cast %slice3A_8 : vector<1x2048x128xf32> to vector<2048x128xf32>
    %add3A = arith.addf %squeeze3A, %squeeze3A_9 : vector<2048x128xf32>
    %get3A_10 = arith.constant 0 : index
    %get3A_11 = arith.constant 0 : index
    %get3A_12 = vector.load %arg2[%get3A_10, %get3A_11] : memref<2048x128xf32, #tpu.memory_space<vmem>>, vector<2048x128xf32>
    %add3A_13 = arith.addf %add3A, %get3A_12 : vector<2048x128xf32>
    %mul3A = arith.mulf %get3A_7, %add3A_13 : vector<2048x128xf32>
    %get3A_14 = arith.constant 0 : index
    %get3A_15 = arith.constant 0 : index
    %get3A_16 = vector.load %arg4[%get3A_14, %get3A_15] : memref<1x128xf32, #tpu.memory_space<vmem>>, vector<1x128xf32>
    %add3A_17 = vector.broadcast %get3A_16 : vector<1x128xf32> to vector<2048x128xf32>
    %add3A_18 = arith.addf %mul3A, %add3A_17 : vector<2048x128xf32>
    %max3A = arith.constant 0.000000e+00 : f32
    %max3A_19 = vector.broadcast %max3A : f32 to vector<2048x128xf32>
    %max3A_20 = arith.maximumf %add3A_18, %max3A_19 : vector<2048x128xf32>
    %iota3A = tpu.iota {dimensions = array<i32: 1>} : vector<2048x16xi32>
    %get3A_21 = arith.constant 0 : index
    %get3A_22 = arith.constant 0 : index
    %get3A_23 = vector.load %arg5[%get3A_21, %get3A_22] : memref<2048x1xi32, #tpu.memory_space<vmem>>, vector<2048x1xi32>
    %eq3A_24 = vector.broadcast %get3A_23 : vector<2048x1xi32> to vector<2048x16xi32>
    %eq3A_25 = arith.cmpi eq, %eq3A_24, %iota3A : vector<2048x16xi32>
    %convert_element_type3A_26 = arith.extui %eq3A_25 : vector<2048x16xi1> to vector<2048x16xi32>
    %convert_element_type3A_27 = arith.sitofp %convert_element_type3A_26 : vector<2048x16xi32> to vector<2048x16xf32>
    %get3A_28 = arith.constant 0 : index
    %get3A_29 = arith.constant 0 : index
    %get3A_30 = vector.load %arg11[%get3A_28, %get3A_29] : memref<16x128xf32, #tpu.memory_space<vmem>>, vector<16x128xf32>
    %dot_general3A = arith.constant dense<0.000000e+00> : vector<16x128xf32>
    %dot_general3A_31 = tpu.matmul %convert_element_type3A_27, %max3A_20, %dot_general3A {dimension_numbers = #tpu.dot_dimension_numbers<[0], [0], [1], [1], [0, 1, 1, 1], [], []>, transpose_lhs_hint = false} : vector<2048x16xf32>, vector<2048x128xf32>, vector<16x128xf32> -> vector<16x128xf32>
    %add3A_32 = arith.addf %get3A_30, %dot_general3A_31 : vector<16x128xf32>
    %swap3A = arith.constant 0 : index
    %swap3A_33 = arith.constant 0 : index
    %swap3A_34 = vector.load %arg11[%swap3A, %swap3A_33] : memref<16x128xf32, #tpu.memory_space<vmem>>, vector<16x128xf32>
    tpu.vector_store %arg11[%swap3A, %swap3A_33], %add3A_32 {strides = array<i32>} : memref<16x128xf32, #tpu.memory_space<vmem>>, vector<16x128xf32>,
    %get3A_35 = arith.constant 0 : index
    %get3A_36 = arith.constant 0 : index
    %get3A_37 = vector.load %arg12[%get3A_35, %get3A_36] : memref<16x128xf32, #tpu.memory_space<vmem>>, vector<16x128xf32>
    %broadcast_in_dim3A = arith.constant 1.000000e+00 : f32
    %broadcast_in_dim3A_38 = vector.broadcast %broadcast_in_dim3A : f32 to vector<2048x128xf32>
    %dot_general3A_39 = arith.constant dense<0.000000e+00> : vector<16x128xf32>
    %dot_general3A_40 = tpu.matmul %convert_element_type3A_27, %broadcast_in_dim3A_38, %dot_general3A_39 {dimension_numbers = #tpu.dot_dimension_numbers<[0], [0], [1], [1], [0, 1, 1, 1], [], []>, transpose_lhs_hint = false} : vector<2048x16xf32>, vector<2048x128xf32>, vector<16x128xf32> -> vector<16x128xf32>
    %add3A_41 = arith.addf %get3A_37, %dot_general3A_40 : vector<16x128xf32>
    %swap3A_42 = arith.constant 0 : index
    %swap3A_43 = arith.constant 0 : index
    %swap3A_44 = vector.load %arg12[%swap3A_42, %swap3A_43] : memref<16x128xf32, #tpu.memory_space<vmem>>, vector<16x128xf32>
    tpu.vector_store %arg12[%swap3A_42, %swap3A_43], %add3A_41 {strides = array<i32>} : memref<16x128xf32, #tpu.memory_space<vmem>>, vector<16x128xf32>,
    %eq3A_45 = arith.constant 4 : i32
    %eq3A_46 = arith.cmpi eq, %arg0, %eq3A_45 : i32
    %convert_element_type3A_47 = arith.extui %eq3A_46 : i1 to i32
    %cond3A_48 = arith.constant 0 : i32
    %cond3A_49 = arith.cmpi ne, %convert_element_type3A_47, %cond3A_48 : i32
    scf.if %cond3A_49 {
      %get3A_50 = arith.constant 0 : index
      %get3A_51 = arith.constant 0 : index
      %get3A_52 = vector.load %arg11[%get3A_50, %get3A_51] : memref<16x128xf32, #tpu.memory_space<vmem>>, vector<16x128xf32>
      %get3A_53 = arith.constant 0 : index
      %get3A_54 = arith.constant 0 : index
      %get3A_55 = vector.load %arg12[%get3A_53, %get3A_54] : memref<16x128xf32, #tpu.memory_space<vmem>>, vector<16x128xf32>
      %max3A_56 = arith.constant 1.000000e+00 : f32
      %max3A_57 = vector.broadcast %max3A_56 : f32 to vector<16x128xf32>
      %max3A_58 = arith.maximumf %get3A_55, %max3A_57 : vector<16x128xf32>
      %div3A = arith.divf %get3A_52, %max3A_58 : vector<16x128xf32>
      %get3A_59 = arith.constant 0 : index
      %get3A_60 = arith.constant 0 : index
      %get3A_61 = vector.load %arg6[%get3A_59, %get3A_60] : memref<128x256xf32, #tpu.memory_space<vmem>>, vector<128x256xf32>
      %dot_general3A_62 = arith.constant dense<0.000000e+00> : vector<16x256xf32>
      %dot_general3A_63 = tpu.matmul %div3A, %get3A_61, %dot_general3A_62 {dimension_numbers = #tpu.dot_dimension_numbers<[1], [0], [0], [1], [0, 0, 1, 1], [], []>, transpose_lhs_hint = false} : vector<16x128xf32>, vector<128x256xf32>, vector<16x256xf32> -> vector<16x256xf32>
      %get3A_64 = arith.constant 0 : index
      %get3A_65 = arith.constant 0 : index
      %get3A_66 = vector.load %arg7[%get3A_64, %get3A_65] : memref<1x256xf32, #tpu.memory_space<vmem>>, vector<1x256xf32>
      %add3A_67 = vector.broadcast %get3A_66 : vector<1x256xf32> to vector<16x256xf32>
      %add3A_68 = arith.addf %dot_general3A_63, %add3A_67 : vector<16x256xf32>
      %max3A_69 = arith.constant 0.000000e+00 : f32
      %max3A_70 = vector.broadcast %max3A_69 : f32 to vector<16x256xf32>
      %max3A_71 = arith.maximumf %add3A_68, %max3A_70 : vector<16x256xf32>
      %get3A_72 = arith.constant 0 : index
      %get3A_73 = arith.constant 0 : index
      %get3A_74 = vector.load %arg8[%get3A_72, %get3A_73] : memref<256x64xf32, #tpu.memory_space<vmem>>, vector<256x64xf32>
      %dot_general3A_75 = arith.constant dense<0.000000e+00> : vector<16x64xf32>
      %dot_general3A_76 = tpu.matmul %max3A_71, %get3A_74, %dot_general3A_75 {dimension_numbers = #tpu.dot_dimension_numbers<[1], [0], [0], [1], [0, 0, 1, 1], [], []>, transpose_lhs_hint = false} : vector<16x256xf32>, vector<256x64xf32>, vector<16x64xf32> -> vector<16x64xf32>
      %get3A_77 = arith.constant 0 : index
      %get3A_78 = arith.constant 0 : index
      %get3A_79 = vector.load %arg9[%get3A_77, %get3A_78] : memref<1x64xf32, #tpu.memory_space<vmem>>, vector<1x64xf32>
      %add3A_80 = vector.broadcast %get3A_79 : vector<1x64xf32> to vector<16x64xf32>
      %add3A_81 = arith.addf %dot_general3A_76, %add3A_80 : vector<16x64xf32>
      %swap3A_82 = arith.constant 0 : index
      %swap3A_83 = arith.constant 0 : index
      %swap3A_84 = vector.load %arg10[%swap3A_82, %swap3A_83] : memref<16x64xf32, #tpu.memory_space<vmem>>, vector<16x64xf32>
      tpu.vector_store %arg10[%swap3A_82, %swap3A_83], %add3A_81 {strides = array<i32>} : memref<16x64xf32, #tpu.memory_space<vmem>>, vector<16x64xf32>,
    } else {
    }
    return
  }
  func.func @transform_0(%arg0: i32) -> (i32, i32, i32) {
    %c0_i32 = arith.constant 0 : i32
    %c0_i32_0 = arith.constant 0 : i32
    %c0_i32_1 = arith.constant 0 : i32
    return %c0_i32, %arg0, %c0_i32_0 : i32, i32, i32
  }
  func.func @transform_1(%arg0: i32) -> (i32, i32) {
    %c0_i32 = arith.constant 0 : i32
    %c0_i32_0 = arith.constant 0 : i32
    return %arg0, %c0_i32 : i32, i32
  }
  func.func @transform_2(%arg0: i32) -> (i32, i32) {
    %c0_i32 = arith.constant 0 : i32
    %c0_i32_0 = arith.constant 0 : i32
    return %arg0, %c0_i32 : i32, i32
  }
  func.func @transform_3(%arg0: i32) -> (i32, i32) {
    %c0_i32 = arith.constant 0 : i32
    %c0_i32_0 = arith.constant 0 : i32
    %c0_i32_1 = arith.constant 0 : i32
    return %c0_i32, %c0_i32_0 : i32, i32
  }
  func.func @transform_4(%arg0: i32) -> (i32, i32) {
    %c0_i32 = arith.constant 0 : i32
    %c0_i32_0 = arith.constant 0 : i32
    return %arg0, %c0_i32 : i32, i32
  }
  func.func @transform_5(%arg0: i32) -> (i32, i32) {
    %c0_i32 = arith.constant 0 : i32
    %c0_i32_0 = arith.constant 0 : i32
    %c0_i32_1 = arith.constant 0 : i32
    return %c0_i32, %c0_i32_0 : i32, i32
  }
  func.func @transform_6(%arg0: i32) -> (i32, i32) {
    %c0_i32 = arith.constant 0 : i32
    %c0_i32_0 = arith.constant 0 : i32
    %c0_i32_1 = arith.constant 0 : i32
    return %c0_i32, %c0_i32_0 : i32, i32
  }
  func.func @transform_7(%arg0: i32) -> (i32, i32) {
    %c0_i32 = arith.constant 0 : i32
    %c0_i32_0 = arith.constant 0 : i32
    %c0_i32_1 = arith.constant 0 : i32
    return %c0_i32, %c0_i32_0 : i32, i32
  }
  func.func @transform_8(%arg0: i32) -> (i32, i32) {
    %c0_i32 = arith.constant 0 : i32
    %c0_i32_0 = arith.constant 0 : i32
    %c0_i32_1 = arith.constant 0 : i32
    return %c0_i32, %c0_i32_0 : i32, i32
  }
  func.func @transform_9(%arg0: i32) -> (i32, i32) {
    %c0_i32 = arith.constant 0 : i32
    %c0_i32_0 = arith.constant 0 : i32
    %c0_i32_1 = arith.constant 0 : i32
    return %c0_i32, %c0_i32_0 : i32, i32
  }
}

</mosaic_0001>

<sc_bundles>
// kernel: kernel.10.cloned.1.call-start
scs
__scs_entry_jumppad:
0x0: {  	(pc) =	sbr.rel $0x88, $3  }
0x1: {  	(tag) =	ssettag $0x0;
	lr =	simm.s32 $0x1  }
0x2: {  	[smem:$0x3F94] =	sst lr;
	_ =	strace $0xD0000000  }
0x3: {  	_ = 	snop  }
0x4: {  	_ = 	snop  }
0x5: {  	_ = 	snop  }
0x6: {  	_ = 	snop  }
0x7: {  	_ = 	snop  }
__scs_overlays_trampoline_lowered:
0x8: {  	[smem:$0x3FA3] =	sst s0  }
0x9: {  	[smem:$0x3FA4] =	sst s1  }
0xa: {  	[smem:$0x3FA5] =	sst s2  }
0xb: {  	[smem:$0x3FA6] =	sst s3  }
0xc: {  	[smem:$0x3FA7] =	sst s4  }
0xd: {  	[smem:$0x3FA8] =	sst s5  }
0xe: {  	[smem:$0x3FA9] =	sst s6  }
0xf: {  	[smem:$0x3FAA] =	sst s7  }
0x10: {  	[smem:$0x3FAB] =	sst s8  }
0x11: {  	[smem:$0x3FAC] =	sst s9;
	s0 =	simm.s32 @!p0 $0x0  }
0x12: {  	s1 =	sld [smem:$0x3F92];
	s0 =	simm.s32 @p0 $0x1  }
0x13: {  	[smem:$0x3FAD] =	sst s0;
	s0 =	simm.s32 @!p1 $0x0  }
0x14: {  	s2 =	sld [smem:$0x3F91];
	s0 =	simm.s32 @p1 $0x1  }
0x15: {  	[smem:$0x3FAE] =	sst s0;
	s0 =	simm.s32 @!p2 $0x0  }
0x16: {  	s3 =	sld [smem:$0x3FDB];
	s0 =	simm.s32 @p2 $0x1  }
0x17: {  	s4 =	simm.s32 $0x1BF5;
	[smem:$0x3FB0] =	sst s0  }
0x18: {  	s0 =	sld [smem:$0x3F93];
	_ =	swait.ge [sflag:s4], $0x0  }
0x19: {  	s7 =	sld [smem:$0x3F94]  }
0x1a: {  	s8 =	sadd.s32 $0xFFFFE003, lr  }
0x1b: {  	s9 =	sadd.s32 $0xFFFFFEF7, lr;
	s5 =	simm.s32 $0xFFFFFFFF;
	p2 =	slt.u32 s8, $0xFFFFF086  }
0x1c: {  	p1 =	slt.u32 s9, $0xF7A;
	s5 =	simm.s32 @!p2 $0x0  }
0x1d: {  	s5 =	simm.s32 @p1 $0x1;
	p0 =	seq.s32 s7, s2  }
0x1e: {  	s7 =	smul.u32 @!p0 $0xF7A, s2;
	p2 =	seq.s32 @!p0 s5, $0x0  }
0x1f: {  	s9 =	smul.u32 $0xF7A, s1;
	s8 =	simm.s32 @!p0 $0x1BF5;
	p2 =	por !p2, p0  }
0x20: {  	[sflag:s8] =	ssyncset.s32 @!p0 $0xFFFFF086;
	s6 =	sadd.s32 @!p0 s3, s7;
	s7 =	simm.s32 @!p0 $0x108  }
0x21: {  	s3 =	sadd.s32 s3, s9;
	s6 =	sadd.s32 @!p0 $0x88, s6;
	s7 =	simm.s32 @p2 $0x1082  }
0x22: {  	[simem:s7], [sflag:s8] =	dma.local @!p0 [hbm:s6], $0xF7A  }
0x23: {  	s9 =	sor.u32 $0xD0000000, s2;
	s6 =	simm.s32 $0x108;
	_ =	swait.ge @!p0 [sflag:s8], $0x0  }
0x24: {  	s3 =	sadd.s32 $0x88, s3;
	s6 =	simm.s32 @!p1 $0x1082;
	[sflag:s4] =	ssyncset.s32 $0xFFFFF086  }
0x25: {  	[simem:s6], [sflag:s4] =	dma.local [hbm:s3], $0xF7A  }
0x26: {  	[smem:$0x3F94] =	sst s1;
	(tag) =	ssettag s2;
	_ =	strace s9  }
0x27: {  	s1 =	sld [smem:$0x3FA4]  }
0x28: {  	s2 =	sld [smem:$0x3FA5]  }
0x29: {  	s4 =	sld [smem:$0x3FA7]  }
0x2a: {  	p0 =	seq.s32 s5, $0x0;
	s5 =	sld [smem:$0x3FA8]  }
0x2b: {  	s6 =	sld [smem:$0x3FA9]  }
0x2c: {  	s7 =	sld [smem:$0x3FAA]  }
0x2d: {  	s3 =	simm.s32 $0x108;
	s8 =	sld [smem:$0x3FAB]  }
0x2e: {  	s3 =	simm.s32 @!p0 $0x1082;
	s9 =	sld [smem:$0x3FAC]  }
0x2f: {  	lr =	sadd.s32 s0, s3;
	s0 =	sld [smem:$0x3FA3]  }
0x30: {  	s3 =	sld [smem:$0x3FA6]  }
0x31: {  	[smem:$0x3FAF] =	sst s10  }
0x32: {  	s10 =	sld [smem:$0x3FAD];
	_ =	sdelay $0x3  }
0x33: {  	p0 =	seq.s32 s10, $0x1;
	s10 =	sld [smem:$0x3FAF];
	_ =	sdelay $0x3  }
0x34: {  	[smem:$0x3FAF] =	sst s10  }
0x35: {  	s10 =	sld [smem:$0x3FAE];
	_ =	sdelay $0x3  }
0x36: {  	p1 =	seq.s32 s10, $0x1;
	s10 =	sld [smem:$0x3FAF];
	_ =	sdelay $0x3  }
0x37: {  	[smem:$0x3FAF] =	sst s10  }
0x38: {  	s10 =	sld [smem:$0x3FB0]  }
0x39: {  	_ = 	snop;
	(pc) =	sbr.ind lr, $3  }
0x3a: {  	_ = 	snop  }
0x3b: {  	_ = 	snop  }
0x3c: {  	p2 =	seq.s32 s10, $0x1;
	s10 =	sld [smem:$0x3FAF]  }
0x3d: {  	_ =	shalt  }
0x3e: {  	_ =	shalt  }
0x3f: {  	_ =	shalt  }
0x40: {  	_ =	shalt  }
0x41: {  	_ =	shalt  }
0x42: {  	_ =	shalt  }
0x43: {  	_ =	shalt  }
0x44: {  	_ =	shalt  }
0x45: {  	_ =	shalt  }
0x46: {  	_ =	shalt  }
0x47: {  	_ =	shalt  }
0x48: {  	_ =	shalt  }
0x49: {  	_ =	shalt  }
0x4a: {  	_ =	shalt  }
0x4b: {  	_ =	shalt  }
0x4c: {  	_ =	shalt  }
0x4d: {  	_ =	shalt  }
0x4e: {  	_ =	shalt  }
0x4f: {  	_ =	shalt  }
0x50: {  	_ =	shalt  }
0x51: {  	_ =	shalt  }
0x52: {  	_ =	shalt  }
0x53: {  	_ =	shalt  }
0x54: {  	_ =	shalt  }
0x55: {  	_ =	shalt  }
0x56: {  	_ =	shalt  }
0x57: {  	_ =	shalt  }
0x58: {  	_ =	shalt  }
0x59: {  	_ =	shalt  }
0x5a: {  	_ =	shalt  }
0x5b: {  	_ =	shalt  }
0x5c: {  	_ =	shalt  }
0x5d: {  	_ =	shalt  }
0x5e: {  	_ =	shalt  }
0x5f: {  	_ =	shalt  }
0x60: {  	_ =	shalt  }
0x61: {  	_ =	shalt  }
0x62: {  	_ =	shalt  }
0x63: {  	_ =	shalt  }
0x64: {  	_ =	shalt  }
0x65: {  	_ =	shalt  }
0x66: {  	_ =	shalt  }
0x67: {  	_ =	shalt  }
0x68: {  	_ =	shalt  }
0x69: {  	_ =	shalt  }
0x6a: {  	_ =	shalt  }
0x6b: {  	_ =	shalt  }
0x6c: {  	_ =	shalt  }
0x6d: {  	_ =	shalt  }
0x6e: {  	_ =	shalt  }
0x6f: {  	_ =	shalt  }
0x70: {  	_ =	shalt  }
0x71: {  	_ =	shalt  }
0x72: {  	_ =	shalt  }
0x73: {  	_ =	shalt  }
0x74: {  	_ =	shalt  }
0x75: {  	_ =	shalt  }
0x76: {  	_ =	shalt  }
0x77: {  	_ =	shalt  }
0x78: {  	_ =	shalt  }
0x79: {  	_ =	shalt  }
0x7a: {  	_ =	shalt  }
0x7b: {  	_ =	shalt  }
0x7c: {  	_ =	shalt  }
0x7d: {  	_ =	shalt  }
0x7e: {  	_ =	shalt  }
0x7f: {  	_ =	shalt  }
0x80: {  	_ =	shalt  }
0x81: {  	_ =	shalt  }
0x82: {  	_ =	shalt  }
0x83: {  	_ =	shalt  }
0x84: {  	_ =	shalt  }
0x85: {  	_ =	shalt  }
0x86: {  	_ =	shalt  }
0x87: {  	_ =	shalt  }
.Lfunc_end0:
.L_simem_size_0:
called_computation_lowered:
.L_overlay_start_0:
0x88: {  	s2 =	sld [smem:$0x3FD9]  }
0x89: {  	s3 =	sld [smem:$0x3FFE];
	_ =	sdelay $0x1  }
0x8a: {  	s1 =	srdreg.scid  }
0x8b: {  	s0 =	sand.u32 $0x1, s1  }
0x8c: {  	s16 =	sshll.u32 s0, $0xA;
	s2 =	sadd.s32 s3, s2  }
0x8d: {  	s2 =	sadd.s32 s2, s16  }
0x8e: {  	[smem:$0x3FBB] =	sst s2  }
0x8f: {  	_ = 	snop  }
0x90: {  	(tm) =	ssettm $0x1  }
0x91: {  	s17 =	sld [smem:$0x3FFB];
	_ =	sdelay $0x3  }
0x92: {  	_ =	strace s17  }
0x93: {  	s2 =	sld [smem:$0x3FFC];
	_ =	sdelay $0x3  }
0x94: {  	_ =	strace s2  }
0x95: {  	s2 =	sld [smem:$0x3FFD];
	_ =	sdelay $0x3  }
0x96: {  	_ =	strace s2  }
0x97: {  	_ =	strace $0x8FFFFFFF  }
0x98: {  	s18 =	sld [smem:$0x3FDB];
	_ =	sdelay $0x1  }
0x99: {  	s19 =	simm.s32 $_scs_section_size  }
0x9a: {  	s4 =	simm.s32 $_size__tile_overlayer_lowered;
	s5 =	simm.s32 $_tile_overlayer_lowered  }
0x9b: {  	s22 =	simm.s32 $0x1BFF;
	s21 =	sshll.u32 s5, $0x1;
	s2 =	sadd.s32 s19, s18  }
0x9c: {  	s6 =	simm.s32 $0x0;
	s20 =	sshll.u32 s4, $0x1;
	s4 =	sadd.s32 s21, s2  }
0x9d: {  	[timem:s6], [sflag:s22] =	dma.local [hbm:s4], s20  }
0x9e: {  	_ =	swait.ge [sflag:s22], s20  }
0x9f: {  	s3 =	ssub.s32 $0x0, s20;
	[sflag:s22] =	ssyncset.done $0x0  }
0xa0: {  	[sflag:s22] =	ssyncadd.s32 s3;
	_ =	sdelay $0x1  }
0xa1: {  	s23 =	simm.s32 $0x1B8B  }
0xa2: {  	_ =	swait.ge [sflag:s23], $0x1  }
0xa3: {  	[sflag:s23] =	ssyncset.done $0x0  }
0xa4: {  	s25 =	simm.s32 $0x1B8E;
	s24 =	sld [smem:$0x3FFE];
	[sflag:s23] =	ssyncadd.s32 $0xFFFFFFFF  }
0xa5: {  	s26 =	simm.s32 $execute0_lowered;
	[smem:$0x3FD2] =	sst s25  }
0xa6: {  	s4 =	sshll.u32 s26, $0x1;
	_ =	strace $0x80000046;
	[dreg:$0x1] =	wrdreg $0xFFFFFFFF  }
0xa7: {  	s28 =	simm.s32 $_size_execute0_lowered;
	s2 =	sadd.s32 s2, s4;
	[dreg:$0x0] =	wrdreg $0x0  }
0xa8: {  	s4 =	sshll.u32 s28, $0x1;
	[dreg:$0x2] =	wrdreg s2  }
0xa9: {  	[dreg:$0x3] =	wrdreg s4  }
0xaa: {  	[dreg:$0x4] =	wrdreg $0xC0  }
0xab: {  	_ =	task [dreg:s6], $0x5FFFF  }
0xac: {  	[dreg:$0x1] =	wrdreg $0xFFFFFFFF  }
0xad: {  	[dreg:$0x0] =	wrdreg $0x60  }
0xae: {  	[dreg:$0x2] =	wrdreg s24  }
0xaf: {  	[dreg:$0x3] =	wrdreg $0x68000  }
0xb0: {  	[dreg:$0x4] =	wrdreg $0x9  }
0xb1: {  	_ =	task.clear_ibuf [dreg:s6], $0x5FFFF;
	_ =	strace $0x90000046  }
0xb2: {  	s29 =	simm.s32 $0x9;
	_ =	strace $0x80000048  }
0xb3: {  	_ =	swait.ge [sflag:s29], $0x1  }
0xb4: {  	[sflag:s29] =	ssyncadd.s32 $0xFFFFFFFF  }
0xb5: {  	_ =	strace $0x90000048  }
0xb6: {  	_ =	sfence  }
0xb7: {  	s30 =	sld [smem:$0x0];
	_ =	sdelay $0x2  }
0xb8: {  	s31 =	sshll.u32 s1, $0xD;
	s1 =	sshrl.u32 s1, $0x2  }
0xb9: {  	s3 =	sand.u32 $0x4000, s31;
	s1 =	sadd.s32 s1, s30  }
0xba: {  	s0 =	sor.u32 s3, s0;
	s1 =	sshll.u32 s1, $0x11  }
0xbb: {  	s0 =	sor.u32 s1, s0  }
0xbc: {  	s0 =	sadd.s32 $0x8F2B, s0  }
0xbd: {  	[sflag:s0] =	ssyncadd.remote.s32 $0x1  }
0xbe: {  	_ =	sfence.sel $0xFFFF  }
0xbf: {  	[dreg:$0x0] =	wrdreg $0xFFFFFFFF;
	(pc) =	sbr.abs _section_cstart, $3  }
0xc0: {  	[dreg:$0x1] =	wrdreg $0xFFFFFFFF  }
0xc1: {  	_ =	task.clear_ibuf [dreg:s6], $0x2FFFF;
	_ =	strace $0x9FFFFFFF  }
0xc2: {  	(tm) =	ssettm $0x7FFFFFFF  }
0xc3: {  	_ =	shalt  }
tec
execute0_lowered:
.L_overlay_start_1:
0x0: {  	(tag) =	ssettag $0x1  }
0x1: {  	s0 =	srdreg.scid;
	s6 =	rddreg [dreg:$0x0]  }
0x2: {  	s2 =	rddreg [dreg:$0x1];
	s5 =	sand.u32 $0x1, s0;
	s0 =	stileid.u32  }
0x3: {  	s3 =	simm.s32 $0x0;
	s14 =	simm.s32 $0x0;
	s7 =	smul.u32 $0x14000, s0  }
0x4: {  	[smem:$0x7FF] =	sst s3;
	s1 =	sshll.u32 s5, $0x4;
	s8 =	smul.u32 $0x140000, s5  }
0x5: {  	s5 =	ssub.s32 $0x2, s5;
	s29 =	smul.u32 $0x50000, s0;
	s31 =	sshll.u32 s0, $0x6  }
0x6: {  	s4 =	sor.u32 s0, s1;
	s1 =	rddreg [dreg:$0x2];
	_ =	strace $0x80000047  }
0x7: {  	s11 =	sshrl.u32 s5, $0x1;
	s4 =	smul.u32 $0x500, s4;
	s10 =	sshrl.u32 s7, $0x3  }
0x8: {  	s7 =	sadd.s32 s7, s8;
	s11 =	ssub.s32 s5, s11;
	s30 =	sshrl.u32 s29, $0x2  }
0x9: {  	s10 =	sadd.s32 s10, s6;
	s7 =	sshrl.u32 s7, $0x3;
	s13 =	sadd.s32 s30, s2  }
0xa: {  	s9 =	sadd.s32 s4, s6;
	s4 =	sadd.s32 $0x40000, s6;
	s12 =	sadd.s32 s7, s6  }
0xb: {  	s5 =	sadd.s32 $0x18000, s10;
	s6 =	sor.u32 $0x1C01, s31;
	s10 =	sshrl.u32 s13, $0x3  }
0xc: {  	s13 =	simm.s32 $0x80;
	s7 =	sadd.s32 $0xDE00, s9;
	s8 =	sadd.s32 $0x40800, s12  }
0xd: {  	s9 =	smax.u32 s11, $0x1;
	s11 =	simm.s32 $0x1;
	s12 =	simm.s32 $0x2800  }
.LBB2_1:
0xe: {  	[spmem:s10], [sflag:s6] =	dma.local [hbm:s5], $0x2800  }
0xf: {  	_ =	swait.ge [sflag:s11], $0x2800  }
0x10: {  	[sflag:s11] =	ssyncset.done $0x0  }
0x11: {  	[sflag:s11] =	ssyncadd.s32 $0xFFFFD800  }
0x12: {  	[tilespmem:s3], [sflag:$0x1] =	stream.linear.gather [hbm4b:s7+s3], $0x2800, $0x38;
	[tilespmem:$0x1A800] =	vst v63  }
0x13: {  	_ =	swait.ge [sflag:s11], $0x2800  }
0x14: {  	[sflag:s11] =	ssyncset.done $0x0  }
0x15: {  	[sflag:s11] =	ssyncadd.s32 $0xFFFFD800  }
0x16: {  	[tilespmem:s12], [sflag:$0x1] =	stream.linear.gather [hbm4b:s4+s3], $0x4000, $0x38;
	[tilespmem:$0x1A800] =	vst v63  }
0x17: {  	_ =	swait.ge [sflag:s11], $0x4000  }
0x18: {  	[sflag:s11] =	ssyncset.done $0x0  }
0x19: {  	[sflag:s11] =	ssyncadd.s32 $0xFFFFC000  }
0x1a: {  	s15 =	simm.s32 $0x0;
	[bflag:$0x0] =	sbarrier.arrive $0xFFFF  }
0x1b: {  	[spmem:s2] =	stream.indirect.scatter.add.f32 [tilespmem:s12], [sflag:$0x1], $0x80, s15, s13, $0xb8;
	[tilespmem:$0x1A800] =	vst v63  }
0x1c: {  	_ =	swait.ge [sflag:s11], $0x4000  }
0x1d: {  	[sflag:s11] =	ssyncset.done $0x0  }
0x1e: {  	s24 =	simm.s32 $0x80;
	[sflag:s11] =	ssyncadd.s32 $0xFFFFC000  }
0x1f: {  	[spmem:s2] =	stream.indirect.scatter.add.f32 [tilespmem:s12], [sflag:$0x1], $0x80, s24, s13, $0xb8;
	[tilespmem:$0x1A800] =	vst v63  }
0x20: {  	_ =	swait.ge [sflag:s11], $0x4000  }
0x21: {  	[sflag:s11] =	ssyncset.done $0x0  }
0x22: {  	s25 =	simm.s32 $0x100;
	[sflag:s11] =	ssyncadd.s32 $0xFFFFC000  }
0x23: {  	[spmem:s2] =	stream.indirect.scatter.add.f32 [tilespmem:s12], [sflag:$0x1], $0x80, s25, s13, $0xb8;
	[tilespmem:$0x1A800] =	vst v63  }
0x24: {  	_ =	swait.ge [sflag:s11], $0x4000  }
0x25: {  	[sflag:s11] =	ssyncset.done $0x0  }
0x26: {  	s26 =	simm.s32 $0x180;
	[sflag:s11] =	ssyncadd.s32 $0xFFFFC000  }
0x27: {  	[spmem:s2] =	stream.indirect.scatter.add.f32 [tilespmem:s12], [sflag:$0x1], $0x80, s26, s13, $0xb8;
	[tilespmem:$0x1A800] =	vst v63  }
0x28: {  	_ =	swait.ge [sflag:s11], $0x4000  }
0x29: {  	[sflag:s11] =	ssyncset.done $0x0  }
0x2a: {  	s28 =	simm.s32 $0x200;
	[sflag:s11] =	ssyncadd.s32 $0xFFFFC000  }
0x2b: {  	[spmem:s2] =	stream.indirect.scatter.add.f32 [tilespmem:s12], [sflag:$0x1], $0x80, s28, s13, $0xb8;
	[tilespmem:$0x1A800] =	vst v63  }
0x2c: {  	_ =	swait.ge [sflag:s11], $0x4000  }
0x2d: {  	[sflag:s11] =	ssyncset.done $0x0  }
0x2e: {  	s29 =	simm.s32 $0x280;
	[sflag:s11] =	ssyncadd.s32 $0xFFFFC000  }
0x2f: {  	[spmem:s2] =	stream.indirect.scatter.add.f32 [tilespmem:s12], [sflag:$0x1], $0x80, s29, s13, $0xb8;
	[tilespmem:$0x1A800] =	vst v63  }
0x30: {  	_ =	swait.ge [sflag:s11], $0x4000  }
0x31: {  	[sflag:s11] =	ssyncset.done $0x0  }
0x32: {  	s30 =	simm.s32 $0x300;
	[sflag:s11] =	ssyncadd.s32 $0xFFFFC000  }
0x33: {  	[spmem:s2] =	stream.indirect.scatter.add.f32 [tilespmem:s12], [sflag:$0x1], $0x80, s30, s13, $0xb8;
	[tilespmem:$0x1A800] =	vst v63  }
0x34: {  	_ =	swait.ge [sflag:s11], $0x4000  }
0x35: {  	[sflag:s11] =	ssyncset.done $0x0  }
0x36: {  	s31 =	simm.s32 $0x380;
	[sflag:s11] =	ssyncadd.s32 $0xFFFFC000  }
0x37: {  	[spmem:s2] =	stream.indirect.scatter.add.f32 [tilespmem:s12], [sflag:$0x1], $0x80, s31, s13, $0xb8;
	[tilespmem:$0x1A800] =	vst v63  }
0x38: {  	_ =	swait.ge [sflag:s11], $0x4000  }
0x39: {  	s18 =	simm.s32 $0x2000;
	s15 =	simm.s32 $0x1000;
	[sflag:s11] =	ssyncset.done $0x0  }
.LBB2_2:
0x3a: {  	s17 =	sshra.s32 s15, $0x2  }
0x3b: {  	[sflag:s11] =	ssyncadd.s32 $0xFFFFC000;
	s15 =	smov.u32 s18;
	s16 =	sadd.s32 $0x1000, s18  }
0x3c: {  	[spmem:s2] =	stream.indirect.scatter.add.f32 [tilespmem:s12], [sflag:$0x1], $0x80, s17, s13, $0xb8;
	[tilespmem:$0x1A800] =	vst v63  }
0x3d: {  	p0 =	sne.s32 s18, $0x9000;
	_ =	swait.ge [sflag:s11], $0x4000  }
0x3e: {  	[sflag:s11] =	ssyncset.done $0x0  }
0x3f: {  	s18 =	sadd.s32 $0x80, s17;
	[sflag:s11] =	ssyncadd.s32 $0xFFFFC000  }
0x40: {  	[spmem:s2] =	stream.indirect.scatter.add.f32 [tilespmem:s12], [sflag:$0x1], $0x80, s18, s13, $0xb8;
	[tilespmem:$0x1A800] =	vst v63  }
0x41: {  	_ =	swait.ge [sflag:s11], $0x4000  }
0x42: {  	[sflag:s11] =	ssyncset.done $0x0  }
0x43: {  	s18 =	sadd.s32 $0x100, s17;
	[sflag:s11] =	ssyncadd.s32 $0xFFFFC000  }
0x44: {  	[spmem:s2] =	stream.indirect.scatter.add.f32 [tilespmem:s12], [sflag:$0x1], $0x80, s18, s13, $0xb8;
	[tilespmem:$0x1A800] =	vst v63  }
0x45: {  	_ =	swait.ge [sflag:s11], $0x4000  }
0x46: {  	[sflag:s11] =	ssyncset.done $0x0  }
0x47: {  	s18 =	sadd.s32 $0x180, s17;
	[sflag:s11] =	ssyncadd.s32 $0xFFFFC000  }
0x48: {  	[spmem:s2] =	stream.indirect.scatter.add.f32 [tilespmem:s12], [sflag:$0x1], $0x80, s18, s13, $0xb8;
	[tilespmem:$0x1A800] =	vst v63  }
0x49: {  	_ =	swait.ge [sflag:s11], $0x4000  }
0x4a: {  	[sflag:s11] =	ssyncset.done $0x0  }
0x4b: {  	s18 =	sadd.s32 $0x200, s17;
	[sflag:s11] =	ssyncadd.s32 $0xFFFFC000  }
0x4c: {  	[spmem:s2] =	stream.indirect.scatter.add.f32 [tilespmem:s12], [sflag:$0x1], $0x80, s18, s13, $0xb8;
	[tilespmem:$0x1A800] =	vst v63  }
0x4d: {  	_ =	swait.ge [sflag:s11], $0x4000  }
0x4e: {  	[sflag:s11] =	ssyncset.done $0x0  }
0x4f: {  	s18 =	sadd.s32 $0x280, s17;
	[sflag:s11] =	ssyncadd.s32 $0xFFFFC000  }
0x50: {  	[spmem:s2] =	stream.indirect.scatter.add.f32 [tilespmem:s12], [sflag:$0x1], $0x80, s18, s13, $0xb8;
	[tilespmem:$0x1A800] =	vst v63  }
0x51: {  	_ =	swait.ge [sflag:s11], $0x4000  }
0x52: {  	[sflag:s11] =	ssyncset.done $0x0  }
0x53: {  	s18 =	sadd.s32 $0x300, s17;
	[sflag:s11] =	ssyncadd.s32 $0xFFFFC000  }
0x54: {  	[spmem:s2] =	stream.indirect.scatter.add.f32 [tilespmem:s12], [sflag:$0x1], $0x80, s18, s13, $0xb8;
	[tilespmem:$0x1A800] =	vst v63  }
0x55: {  	_ =	swait.ge [sflag:s11], $0x4000  }
.Ltmp0:
0x56: {  	[sflag:s11] =	ssyncset.done $0x0;
	(pc) =	sbr.rel @p0 .LBB2_2-.Ltmp0, $4  }
0x57: {  	s17 =	sadd.s32 $0x380, s17;
	[sflag:s11] =	ssyncadd.s32 $0xFFFFC000  }
0x58: {  	[spmem:s2] =	stream.indirect.scatter.add.f32 [tilespmem:s12], [sflag:$0x1], $0x80, s17, s13, $0xb8;
	[tilespmem:$0x1A800] =	vst v63  }
0x59: {  	_ =	swait.ge [sflag:s11], $0x4000  }
0x5a: {  	s18 =	smov.u32 s16;
	[sflag:s11] =	ssyncset.done $0x0  }
0x5b: {  	s15 =	sshra.s32 s15, $0x2;
	[sflag:s11] =	ssyncadd.s32 $0xFFFFC000  }
0x5c: {  	[spmem:s2] =	stream.indirect.scatter.add.f32 [tilespmem:s12], [sflag:$0x1], $0x80, s15, s13, $0xb8;
	[tilespmem:$0x1A800] =	vst v63  }
0x5d: {  	_ =	swait.ge [sflag:s11], $0x4000  }
0x5e: {  	[sflag:s11] =	ssyncset.done $0x0  }
0x5f: {  	s16 =	sadd.s32 $0x80, s15;
	[sflag:s11] =	ssyncadd.s32 $0xFFFFC000  }
0x60: {  	[spmem:s2] =	stream.indirect.scatter.add.f32 [tilespmem:s12], [sflag:$0x1], $0x80, s16, s13, $0xb8;
	[tilespmem:$0x1A800] =	vst v63  }
0x61: {  	_ =	swait.ge [sflag:s11], $0x4000  }
0x62: {  	[sflag:s11] =	ssyncset.done $0x0  }
0x63: {  	s26 =	sadd.s32 $0x100, s15;
	[sflag:s11] =	ssyncadd.s32 $0xFFFFC000  }
0x64: {  	[spmem:s2] =	stream.indirect.scatter.add.f32 [tilespmem:s12], [sflag:$0x1], $0x80, s26, s13, $0xb8;
	[tilespmem:$0x1A800] =	vst v63  }
0x65: {  	_ =	swait.ge [sflag:s11], $0x4000  }
0x66: {  	[sflag:s11] =	ssyncset.done $0x0  }
0x67: {  	s28 =	sadd.s32 $0x180, s15;
	[sflag:s11] =	ssyncadd.s32 $0xFFFFC000  }
0x68: {  	[spmem:s2] =	stream.indirect.scatter.add.f32 [tilespmem:s12], [sflag:$0x1], $0x80, s28, s13, $0xb8;
	[tilespmem:$0x1A800] =	vst v63  }
0x69: {  	_ =	swait.ge [sflag:s11], $0x4000  }
0x6a: {  	[sflag:s11] =	ssyncset.done $0x0  }
0x6b: {  	s29 =	sadd.s32 $0x200, s15;
	[sflag:s11] =	ssyncadd.s32 $0xFFFFC000  }
0x6c: {  	[spmem:s2] =	stream.indirect.scatter.add.f32 [tilespmem:s12], [sflag:$0x1], $0x80, s29, s13, $0xb8;
	[tilespmem:$0x1A800] =	vst v63  }
0x6d: {  	_ =	swait.ge [sflag:s11], $0x4000  }
0x6e: {  	[sflag:s11] =	ssyncset.done $0x0  }
0x6f: {  	s30 =	sadd.s32 $0x280, s15;
	[sflag:s11] =	ssyncadd.s32 $0xFFFFC000  }
0x70: {  	[spmem:s2] =	stream.indirect.scatter.add.f32 [tilespmem:s12], [sflag:$0x1], $0x80, s30, s13, $0xb8;
	[tilespmem:$0x1A800] =	vst v63  }
0x71: {  	_ =	swait.ge [sflag:s11], $0x4000  }
0x72: {  	[sflag:s11] =	ssyncset.done $0x0  }
0x73: {  	s31 =	sadd.s32 $0x300, s15;
	[sflag:s11] =	ssyncadd.s32 $0xFFFFC000  }
0x74: {  	[spmem:s2] =	stream.indirect.scatter.add.f32 [tilespmem:s12], [sflag:$0x1], $0x80, s31, s13, $0xb8;
	[tilespmem:$0x1A800] =	vst v63  }
0x75: {  	_ =	swait.ge [sflag:s11], $0x4000  }
0x76: {  	[sflag:s11] =	ssyncset.done $0x0  }
0x77: {  	s15 =	sadd.s32 $0x380, s15;
	[sflag:s11] =	ssyncadd.s32 $0xFFFFC000  }
0x78: {  	[spmem:s2] =	stream.indirect.scatter.add.f32 [tilespmem:s12], [sflag:$0x1], $0x80, s15, s13, $0xb8;
	[tilespmem:$0x1A800] =	vst v63  }
0x79: {  	_ =	swait.ge [sflag:s11], $0x4000  }
0x7a: {  	s14 =	sadd.s32 $0x1, s14;
	[sflag:s11] =	ssyncset.done $0x0  }
0x7b: {  	p0 =	sne.s32 s14, s9;
	[sflag:s11] =	ssyncadd.s32 $0xFFFFC000  }
.Ltmp1:
0x7c: {  	[bflag:$0x0] =	sbarrier.arrive $0xFFFF;
	(pc) =	sbr.rel @p0 .LBB2_1-.Ltmp1, $4  }
0x7d: {  	[hbm:s8], [sflag:s6] =	dma.local [spmem:s10], $0x2800  }
0x7e: {  	_ =	swait.ge [sflag:s11], $0x2800  }
0x7f: {  	[sflag:s11] =	ssyncset.done $0x0  }
0x80: {  	[sflag:s11] =	ssyncadd.s32 $0xFFFFD800  }
0x81: {  	_ =	sfence.sel $0x180000  }
0x82: {  	[bflag:$0x0] =	sbarrier.arrive $0xFFFF  }
0x83: {  	p0 =	sne.s32 s0, $0x0;
	_ =	strace $0x90000047  }
0x84: {  	s0 =	sadd.s32 @!p0 $0x100000, s1;
	[bflag:$0x2] =	sbarrier.arrive $0xFFFF  }
0x85: {  	[sflag:s0] =	ssyncadd.tile.s32 @!p0 $0x1;
	_ =	shalt  }
.Lfunc_end2:
_tile_overlayer_lowered:
.L_overlay_start_2:
0x86: {  	(tag) =	ssettag $0x2  }
0x87: {  	s0 =	rddreg [dreg:$0x0];
	s2 =	stileid.u32  }
0x88: {  	s1 =	rddreg [dreg:$0x1];
	p0 =	sne.s32 s2, $0x0  }
0x89: {  	s3 =	rddreg [dreg:$0x2];
	[bflag:$0x3] =	sbarrier.arrive $0xFFFF;
	s2 =	simm.s32 @!p0 $0x1C01  }
0x8a: {  	[timem:s3], [sflag:s2] =	dma.local @!p0 [hbm:s0], s1  }
0x8b: {  	s0 =	simm.s32 @!p0 $0x1  }
0x8c: {  	_ =	swait.ge @!p0 [sflag:s0], s1  }
0x8d: {  	s1 =	ssub.s32 @!p0 $0x0, s1;
	[sflag:s0] =	ssyncset.done @!p0 $0x0  }
0x8e: {  	[sflag:s0] =	ssyncadd.s32 @!p0 s1  }
0x8f: {  	[bflag:$0x3] =	sbarrier.arrive $0xFFFF  }
0x90: {  	_ =	shalt  }

// kernel: kernel.13.cloned.1.call-start
scs
__scs_entry_jumppad:
0x0: {  	(pc) =	sbr.rel $0x88, $3  }
0x1: {  	(tag) =	ssettag $0x0;
	lr =	simm.s32 $0x1  }
0x2: {  	[smem:$0x3F94] =	sst lr;
	_ =	strace $0xD0000000  }
0x3: {  	_ = 	snop  }
0x4: {  	_ = 	snop  }
0x5: {  	_ = 	snop  }
0x6: {  	_ = 	snop  }
0x7: {  	_ = 	snop  }
__scs_overlays_trampoline_lowered:
0x8: {  	[smem:$0x3FA3] =	sst s0  }
0x9: {  	[smem:$0x3FA4] =	sst s1  }
0xa: {  	[smem:$0x3FA5] =	sst s2  }
0xb: {  	[smem:$0x3FA6] =	sst s3  }
0xc: {  	[smem:$0x3FA7] =	sst s4  }
0xd: {  	[smem:$0x3FA8] =	sst s5  }
0xe: {  	[smem:$0x3FA9] =	sst s6  }
0xf: {  	[smem:$0x3FAA] =	sst s7  }
0x10: {  	[smem:$0x3FAB] =	sst s8  }
0x11: {  	[smem:$0x3FAC] =	sst s9;
	s0 =	simm.s32 @!p0 $0x0  }
0x12: {  	s1 =	sld [smem:$0x3F92];
	s0 =	simm.s32 @p0 $0x1  }
0x13: {  	[smem:$0x3FAD] =	sst s0;
	s0 =	simm.s32 @!p1 $0x0  }
0x14: {  	s2 =	sld [smem:$0x3F91];
	s0 =	simm.s32 @p1 $0x1  }
0x15: {  	[smem:$0x3FAE] =	sst s0;
	s0 =	simm.s32 @!p2 $0x0  }
0x16: {  	s3 =	sld [smem:$0x3FDB];
	s0 =	simm.s32 @p2 $0x1  }
0x17: {  	s4 =	simm.s32 $0x1BF5;
	[smem:$0x3FB0] =	sst s0  }
0x18: {  	s0 =	sld [smem:$0x3F93];
	_ =	swait.ge [sflag:s4], $0x0  }
0x19: {  	s7 =	sld [smem:$0x3F94]  }
0x1a: {  	s8 =	sadd.s32 $0xFFFFE003, lr  }
0x1b: {  	s9 =	sadd.s32 $0xFFFFFEF7, lr;
	s5 =	simm.s32 $0xFFFFFFFF;
	p2 =	slt.u32 s8, $0xFFFFF086  }
0x1c: {  	p1 =	slt.u32 s9, $0xF7A;
	s5 =	simm.s32 @!p2 $0x0  }
0x1d: {  	s5 =	simm.s32 @p1 $0x1;
	p0 =	seq.s32 s7, s2  }
0x1e: {  	s7 =	smul.u32 @!p0 $0xF7A, s2;
	p2 =	seq.s32 @!p0 s5, $0x0  }
0x1f: {  	s9 =	smul.u32 $0xF7A, s1;
	s8 =	simm.s32 @!p0 $0x1BF5;
	p2 =	por !p2, p0  }
0x20: {  	[sflag:s8] =	ssyncset.s32 @!p0 $0xFFFFF086;
	s6 =	sadd.s32 @!p0 s3, s7;
	s7 =	simm.s32 @!p0 $0x108  }
0x21: {  	s3 =	sadd.s32 s3, s9;
	s6 =	sadd.s32 @!p0 $0x88, s6;
	s7 =	simm.s32 @p2 $0x1082  }
0x22: {  	[simem:s7], [sflag:s8] =	dma.local @!p0 [hbm:s6], $0xF7A  }
0x23: {  	s9 =	sor.u32 $0xD0000000, s2;
	s6 =	simm.s32 $0x108;
	_ =	swait.ge @!p0 [sflag:s8], $0x0  }
0x24: {  	s3 =	sadd.s32 $0x88, s3;
	s6 =	simm.s32 @!p1 $0x1082;
	[sflag:s4] =	ssyncset.s32 $0xFFFFF086  }
0x25: {  	[simem:s6], [sflag:s4] =	dma.local [hbm:s3], $0xF7A  }
0x26: {  	[smem:$0x3F94] =	sst s1;
	(tag) =	ssettag s2;
	_ =	strace s9  }
0x27: {  	s1 =	sld [smem:$0x3FA4]  }
0x28: {  	s2 =	sld [smem:$0x3FA5]  }
0x29: {  	s4 =	sld [smem:$0x3FA7]  }
0x2a: {  	p0 =	seq.s32 s5, $0x0;
	s5 =	sld [smem:$0x3FA8]  }
0x2b: {  	s6 =	sld [smem:$0x3FA9]  }
0x2c: {  	s7 =	sld [smem:$0x3FAA]  }
0x2d: {  	s3 =	simm.s32 $0x108;
	s8 =	sld [smem:$0x3FAB]  }
0x2e: {  	s3 =	simm.s32 @!p0 $0x1082;
	s9 =	sld [smem:$0x3FAC]  }
0x2f: {  	lr =	sadd.s32 s0, s3;
	s0 =	sld [smem:$0x3FA3]  }
0x30: {  	s3 =	sld [smem:$0x3FA6]  }
0x31: {  	[smem:$0x3FAF] =	sst s10  }
0x32: {  	s10 =	sld [smem:$0x3FAD];
	_ =	sdelay $0x3  }
0x33: {  	p0 =	seq.s32 s10, $0x1;
	s10 =	sld [smem:$0x3FAF];
	_ =	sdelay $0x3  }
0x34: {  	[smem:$0x3FAF] =	sst s10  }
0x35: {  	s10 =	sld [smem:$0x3FAE];
	_ =	sdelay $0x3  }
0x36: {  	p1 =	seq.s32 s10, $0x1;
	s10 =	sld [smem:$0x3FAF];
	_ =	sdelay $0x3  }
0x37: {  	[smem:$0x3FAF] =	sst s10  }
0x38: {  	s10 =	sld [smem:$0x3FB0]  }
0x39: {  	_ = 	snop;
	(pc) =	sbr.ind lr, $3  }
0x3a: {  	_ = 	snop  }
0x3b: {  	_ = 	snop  }
0x3c: {  	p2 =	seq.s32 s10, $0x1;
	s10 =	sld [smem:$0x3FAF]  }
0x3d: {  	_ =	shalt  }
0x3e: {  	_ =	shalt  }
0x3f: {  	_ =	shalt  }
0x40: {  	_ =	shalt  }
0x41: {  	_ =	shalt  }
0x42: {  	_ =	shalt  }
0x43: {  	_ =	shalt  }
0x44: {  	_ =	shalt  }
0x45: {  	_ =	shalt  }
0x46: {  	_ =	shalt  }
0x47: {  	_ =	shalt  }
0x48: {  	_ =	shalt  }
0x49: {  	_ =	shalt  }
0x4a: {  	_ =	shalt  }
0x4b: {  	_ =	shalt  }
0x4c: {  	_ =	shalt  }
0x4d: {  	_ =	shalt  }
0x4e: {  	_ =	shalt  }
0x4f: {  	_ =	shalt  }
0x50: {  	_ =	shalt  }
0x51: {  	_ =	shalt  }
0x52: {  	_ =	shalt  }
0x53: {  	_ =	shalt  }
0x54: {  	_ =	shalt  }
0x55: {  	_ =	shalt  }
0x56: {  	_ =	shalt  }
0x57: {  	_ =	shalt  }
0x58: {  	_ =	shalt  }
0x59: {  	_ =	shalt  }
0x5a: {  	_ =	shalt  }
0x5b: {  	_ =	shalt  }
0x5c: {  	_ =	shalt  }
0x5d: {  	_ =	shalt  }
0x5e: {  	_ =	shalt  }
0x5f: {  	_ =	shalt  }
0x60: {  	_ =	shalt  }
0x61: {  	_ =	shalt  }
0x62: {  	_ =	shalt  }
0x63: {  	_ =	shalt  }
0x64: {  	_ =	shalt  }
0x65: {  	_ =	shalt  }
0x66: {  	_ =	shalt  }
0x67: {  	_ =	shalt  }
0x68: {  	_ =	shalt  }
0x69: {  	_ =	shalt  }
0x6a: {  	_ =	shalt  }
0x6b: {  	_ =	shalt  }
0x6c: {  	_ =	shalt  }
0x6d: {  	_ =	shalt  }
0x6e: {  	_ =	shalt  }
0x6f: {  	_ =	shalt  }
0x70: {  	_ =	shalt  }
0x71: {  	_ =	shalt  }
0x72: {  	_ =	shalt  }
0x73: {  	_ =	shalt  }
0x74: {  	_ =	shalt  }
0x75: {  	_ =	shalt  }
0x76: {  	_ =	shalt  }
0x77: {  	_ =	shalt  }
0x78: {  	_ =	shalt  }
0x79: {  	_ =	shalt  }
0x7a: {  	_ =	shalt  }
0x7b: {  	_ =	shalt  }
0x7c: {  	_ =	shalt  }
0x7d: {  	_ =	shalt  }
0x7e: {  	_ =	shalt  }
0x7f: {  	_ =	shalt  }
0x80: {  	_ =	shalt  }
0x81: {  	_ =	shalt  }
0x82: {  	_ =	shalt  }
0x83: {  	_ =	shalt  }
0x84: {  	_ =	shalt  }
0x85: {  	_ =	shalt  }
0x86: {  	_ =	shalt  }
0x87: {  	_ =	shalt  }
.Lfunc_end0:
.L_simem_size_0:
called_computation.1_lowered:
.L_overlay_start_0:
0x88: {  	s2 =	sld [smem:$0x3FD9]  }
0x89: {  	s3 =	sld [smem:$0x3FFE];
	_ =	sdelay $0x1  }
0x8a: {  	s1 =	srdreg.scid  }
0x8b: {  	s0 =	sand.u32 $0x1, s1  }
0x8c: {  	s16 =	sshll.u32 s0, $0xA;
	s2 =	sadd.s32 s3, s2  }
0x8d: {  	s2 =	sadd.s32 s2, s16  }
0x8e: {  	[smem:$0x3FBB] =	sst s2  }
0x8f: {  	_ = 	snop  }
0x90: {  	(tm) =	ssettm $0x1  }
0x91: {  	s17 =	sld [smem:$0x3FFB];
	_ =	sdelay $0x3  }
0x92: {  	_ =	strace s17  }
0x93: {  	s2 =	sld [smem:$0x3FFC];
	_ =	sdelay $0x3  }
0x94: {  	_ =	strace s2  }
0x95: {  	s2 =	sld [smem:$0x3FFD];
	_ =	sdelay $0x3  }
0x96: {  	_ =	strace s2  }
0x97: {  	_ =	strace $0x8FFFFFFF  }
0x98: {  	s18 =	sld [smem:$0x3FDB];
	_ =	sdelay $0x1  }
0x99: {  	s19 =	simm.s32 $_scs_section_size  }
0x9a: {  	s4 =	simm.s32 $_size__tile_overlayer_lowered;
	s5 =	simm.s32 $_tile_overlayer_lowered  }
0x9b: {  	s22 =	simm.s32 $0x1BFF;
	s21 =	sshll.u32 s5, $0x1;
	s2 =	sadd.s32 s19, s18  }
0x9c: {  	s6 =	simm.s32 $0x0;
	s20 =	sshll.u32 s4, $0x1;
	s4 =	sadd.s32 s21, s2  }
0x9d: {  	[timem:s6], [sflag:s22] =	dma.local [hbm:s4], s20  }
0x9e: {  	_ =	swait.ge [sflag:s22], s20  }
0x9f: {  	s3 =	ssub.s32 $0x0, s20;
	[sflag:s22] =	ssyncset.done $0x0  }
0xa0: {  	[sflag:s22] =	ssyncadd.s32 s3;
	_ =	sdelay $0x1  }
0xa1: {  	s23 =	simm.s32 $0x1B8B  }
0xa2: {  	_ =	swait.ge [sflag:s23], $0x1  }
0xa3: {  	[sflag:s23] =	ssyncset.done $0x0  }
0xa4: {  	s25 =	simm.s32 $0x1B8E;
	s24 =	sld [smem:$0x3FFE];
	[sflag:s23] =	ssyncadd.s32 $0xFFFFFFFF  }
0xa5: {  	s26 =	simm.s32 $execute0_lowered;
	[smem:$0x3FD2] =	sst s25  }
0xa6: {  	s4 =	sshll.u32 s26, $0x1;
	_ =	strace $0x80000049;
	[dreg:$0x1] =	wrdreg $0xFFFFFFFF  }
0xa7: {  	s28 =	simm.s32 $_size_execute0_lowered;
	s2 =	sadd.s32 s2, s4;
	[dreg:$0x0] =	wrdreg $0x0  }
0xa8: {  	s4 =	sshll.u32 s28, $0x1;
	[dreg:$0x2] =	wrdreg s2  }
0xa9: {  	[dreg:$0x3] =	wrdreg s4  }
0xaa: {  	[dreg:$0x4] =	wrdreg $0xC0  }
0xab: {  	_ =	task [dreg:s6], $0x5FFFF  }
0xac: {  	[dreg:$0x1] =	wrdreg $0xFFFFFFFF  }
0xad: {  	[dreg:$0x0] =	wrdreg $0x60  }
0xae: {  	[dreg:$0x2] =	wrdreg s24  }
0xaf: {  	[dreg:$0x3] =	wrdreg $0x88000  }
0xb0: {  	[dreg:$0x4] =	wrdreg $0x9  }
0xb1: {  	_ =	task.clear_ibuf [dreg:s6], $0x5FFFF;
	_ =	strace $0x90000049  }
0xb2: {  	s29 =	simm.s32 $0x9;
	_ =	strace $0x8000004B  }
0xb3: {  	_ =	swait.ge [sflag:s29], $0x1  }
0xb4: {  	[sflag:s29] =	ssyncadd.s32 $0xFFFFFFFF  }
0xb5: {  	_ =	strace $0x9000004B  }
0xb6: {  	_ =	sfence  }
0xb7: {  	s30 =	sld [smem:$0x0];
	_ =	sdelay $0x2  }
0xb8: {  	s31 =	sshll.u32 s1, $0xD;
	s1 =	sshrl.u32 s1, $0x2  }
0xb9: {  	s3 =	sand.u32 $0x4000, s31;
	s1 =	sadd.s32 s1, s30  }
0xba: {  	s0 =	sor.u32 s3, s0;
	s1 =	sshll.u32 s1, $0x11  }
0xbb: {  	s0 =	sor.u32 s1, s0  }
0xbc: {  	s0 =	sadd.s32 $0x8F2B, s0  }
0xbd: {  	[sflag:s0] =	ssyncadd.remote.s32 $0x1  }
0xbe: {  	_ =	sfence.sel $0xFFFF  }
0xbf: {  	[dreg:$0x0] =	wrdreg $0xFFFFFFFF;
	(pc) =	sbr.abs _section_cstart, $3  }
0xc0: {  	[dreg:$0x1] =	wrdreg $0xFFFFFFFF  }
0xc1: {  	_ =	task.clear_ibuf [dreg:s6], $0x2FFFF;
	_ =	strace $0x9FFFFFFF  }
0xc2: {  	(tm) =	ssettm $0x7FFFFFFF  }
0xc3: {  	_ =	shalt  }
tec
execute0_lowered:
.L_overlay_start_1:
0x0: {  	(tag) =	ssettag $0x1  }
0x1: {  	s0 =	rddreg [dreg:$0x0]  }
0x2: {  	s2 =	rddreg [dreg:$0x1];
	s3 =	simm.s32 $0x0  }
0x3: {  	s13 =	stileid.u32;
	s1 =	srdreg.scid;
	s28 =	simm.s32 $0x1  }
0x4: {  	s29 =	simm.s32 $0x80;
	s30 =	simm.s32 $0x2;
	s31 =	simm.s32 $0x0  }
0x5: {  	[smem:$0x7FF] =	sst s3;
	s7 =	smul.u32 $0x14000, s13;
	s1 =	sand.u32 $0x1, s1  }
0x6: {  	s4 =	sadd.s32 $0x40000, s0;
	s5 =	sadd.s32 $0x3C00, s0;
	s10 =	smul.u32 $0x50000, s13  }
0x7: {  	s6 =	sadd.s32 $0xDE00, s0;
	s20 =	sshll.u32 s13, $0x6;
	s17 =	smul.u32 $0x500, s13  }
0x8: {  	_ =	strace $0x8000004A;
	s8 =	smul.u32 $0x140000, s1;
	s18 =	sshll.u32 s1, $0x4  }
0x9: {  	s19 =	ssub.s32 $0x2, s1;
	s1 =	smul.u32 $0x5000, s1;
	s9 =	sshrl.u32 s7, $0x3  }
0xa: {  	s11 =	sshrl.u32 s19, $0x1;
	s10 =	sshrl.u32 s10, $0x2;
	s9 =	sadd.s32 s9, s0  }
0xb: {  	s7 =	sadd.s32 s7, s8;
	s8 =	sor.u32 s13, s18;
	s10 =	sadd.s32 s10, s2  }
0xc: {  	s26 =	sadd.s32 s17, s1;
	s18 =	simm.s32 $0x4;
	s7 =	sshrl.u32 s7, $0x3  }
0xd: {  	s12 =	smul.u32 $0x500, s8;
	s9 =	sadd.s32 $0x18000, s9;
	s8 =	sor.u32 $0x1C04, s20  }
0xe: {  	[dreg:$0x3] =	wrdreg s26;
	s17 =	sshrl.u32 s10, $0x3;
	s20 =	simm.s32 $0x800  }
0xf: {  	s26 =	simm.s32 $0x3;
	s0 =	sadd.s32 s7, s0;
	s7 =	ssub.s32 s19, s11  }
0x10: {  	[dreg:$0x4] =	wrdreg s9;
	s21 =	sadd.s32 s5, s12;
	s22 =	sadd.s32 s6, s12  }
0x11: {  	s23 =	sor.u32 $0x60, s12;
	s14 =	sor.u32 $0x70, s12;
	[dreg:$0x5] =	wrdreg s21  }
0x12: {  	s15 =	sadd.s32 $0x68000, s0;
	s16 =	smax.u32 s7, $0x1;
	[dreg:$0x6] =	wrdreg s22  }
0x13: {  	s24 =	sadd.s32 s5, s23;
	s25 =	sadd.s32 s5, s14;
	s13 =	sadd.s32 s6, s23  }
0x14: {  	s14 =	sadd.s32 s6, s14;
	s21 =	simm.s32 $0x4800;
	[dreg:$0x7] =	wrdreg s24  }
0x15: {  	[dreg:$0x8] =	wrdreg s25;
	s24 =	simm.s32 $0x700;
	s25 =	simm.s32 $0x780  }
.LBB2_1:
0x16: {  	s0 =	rddreg [dreg:$0x4]  }
0x17: {  	[spmem:s17], [sflag:s8] =	dma.local [hbm:s0], $0x2800  }
0x18: {  	_ =	swait.ge [sflag:s18], $0x2800  }
0x19: {  	[sflag:s18] =	ssyncset.done $0x0  }
0x1a: {  	[sflag:s18] =	ssyncadd.s32 $0xFFFFD800  }
0x1b: {  	[bflag:$0x0] =	sbarrier.arrive $0xFFFF  }
0x1c: {  	s7 =	rddreg [dreg:$0x5]  }
0x1d: {  	[tilespmem:s3], [sflag:$0x4] =	stream.linear.gather [hbm4b:s7+s3], $0x400, $0x38;
	[tilespmem:$0x1C800] =	vst v63  }
0x1e: {  	_ =	swait.ge [sflag:s18], $0x400  }
0x1f: {  	[sflag:s18] =	ssyncset.done $0x0  }
0x20: {  	s1 =	simm.s32 $0x400;
	s9 =	rddreg [dreg:$0x6];
	[sflag:s18] =	ssyncadd.s32 $0xFFFFFC00  }
0x21: {  	[tilespmem:s1], [sflag:$0x4] =	stream.linear.gather [hbm4b:s9+s3], $0x400, $0x38;
	[tilespmem:$0x1C800] =	vst v63  }
0x22: {  	_ =	swait.ge [sflag:s18], $0x400  }
0x23: {  	[sflag:s18] =	ssyncset.done $0x0  }
0x24: {  	[sflag:s18] =	ssyncadd.s32 $0xFFFFFC00  }
0x25: {  	[tilespmem:s20], [sflag:$0x1] =	stream.indirect.gather [hbm4b:s4+s29], $0x80, s3, s29, $0xb8;
	[tilespmem:$0x1C800] =	vst v63  }
0x26: {  	_ = 	snop  }
0x27: {  	[tilespmem:s21], [sflag:$0x2] =	stream.indirect.gather [hbm4b:s4+s29], $0x80, s29, s29, $0xb8;
	[tilespmem:$0x1C800] =	vst v63  }
0x28: {  	s11 =	simm.s32 $0x300;
	s10 =	rddreg [dreg:$0x7]  }
0x29: {  	[tilespmem:s11], [sflag:$0x3] =	stream.linear.gather [hbm4b:s10+s3], $0x80, $0x38;
	[tilespmem:$0x1C800] =	vst v63  }
0x2a: {  	s19 =	simm.s32 $0x380;
	s12 =	rddreg [dreg:$0x8]  }
0x2b: {  	[tilespmem:s19], [sflag:$0x3] =	stream.linear.gather [hbm4b:s12+s3], $0x80, $0x38;
	[tilespmem:$0x1C800] =	vst v63  }
0x2c: {  	_ = 	snop  }
0x2d: {  	[tilespmem:s24], [sflag:$0x3] =	stream.linear.gather [hbm4b:s13+s3], $0x80, $0x38;
	[tilespmem:$0x1C800] =	vst v63  }
0x2e: {  	_ = 	snop  }
0x2f: {  	[tilespmem:s25], [sflag:$0x3] =	stream.linear.gather [hbm4b:s14+s3], $0x80, $0x38;
	[tilespmem:$0x1C800] =	vst v63  }
0x30: {  	_ =	swait.ge [sflag:s26], $0x80  }
0x31: {  	[sflag:s26] =	ssyncset.done $0x0  }
0x32: {  	[sflag:s26] =	ssyncadd.s32 $0xFFFFFF80  }
0x33: {  	_ =	swait.ge [sflag:s26], $0x80  }
0x34: {  	[sflag:s26] =	ssyncset.done $0x0  }
0x35: {  	[sflag:s26] =	ssyncadd.s32 $0xFFFFFF80  }
0x36: {  	_ =	swait.ge [sflag:s26], $0x80  }
0x37: {  	[sflag:s26] =	ssyncset.done $0x0  }
0x38: {  	[sflag:s26] =	ssyncadd.s32 $0xFFFFFF80  }
0x39: {  	_ =	swait.ge [sflag:s26], $0x80  }
0x3a: {  	[sflag:s26] =	ssyncset.done $0x0  }
0x3b: {  	[sflag:s26] =	ssyncadd.s32 $0xFFFFFF80  }
0x3c: {  	s22 =	simm.s32 $0x0;
	_ =	swait.ge [sflag:s28], $0x4000  }
0x3d: {  	s0 =	sand.u32 $0x300, s22;
	[sflag:s28] =	ssyncset.done $0x0  }
0x3e: {  	s23 =	sor.u32 $0x400, s0;
	[sflag:s28] =	ssyncadd.s32 $0xFFFFC000  }
0x3f: {  	[spmem:s2] =	stream.indirect.scatter.add.f32 [tilespmem:s20], [sflag:$0x4], $0x80, s23, s29, $0xb8;
	[tilespmem:$0x1C800] =	vst v63  }
0x40: {  	s7 =	simm.s32 $0x400;
	_ =	swait.ge [sflag:s18], $0x4000  }
0x41: {  	s7 =	sand.u32 $0xC00, s7;
	[sflag:s18] =	ssyncset.done $0x0;
	s9 =	rddreg [dreg:$0x3]  }
0x42: {  	s7 =	sshrl.u32 s7, $0x2;
	[sflag:s18] =	ssyncadd.s32 $0xFFFFC000;
	s10 =	sadd.s32 $0x0, s9  }
0x43: {  	[tilespmem:s20], [sflag:$0x1] =	stream.indirect.gather [hbm4b:s4+s29], $0x80, s7, s29, $0xb8;
	[tilespmem:$0x1C800] =	vst v63  }
0x44: {  	s7 =	sand.u32 $0xFFFFF80, s10  }
0x45: {  	s11 =	sand.u32 $0x60, s3;
	s10 =	sadd.s32 $0x80, s7  }
0x46: {  	s7 =	sor.u32 s11, s10  }
0x47: {  	s12 =	sadd.s32 s5, s7  }
0x48: {  	[tilespmem:s0], [sflag:$0x3] =	stream.linear.gather [hbm4b:s12+s3], $0x80, $0x38;
	[tilespmem:$0x1C800] =	vst v63  }
0x49: {  	s19 =	sadd.s32 s6, s7  }
0x4a: {  	[tilespmem:s23], [sflag:$0x3] =	stream.linear.gather [hbm4b:s19+s3], $0x80, $0x38;
	[tilespmem:$0x1C800] =	vst v63  }
0x4b: {  	s22 =	simm.s32 $0x600;
	_ =	swait.ge [sflag:s30], $0x4000  }
0x4c: {  	s1 =	sand.u32 $0xE00, s22;
	s7 =	sand.u32 $0x380, s29;
	[sflag:s30] =	ssyncset.done $0x0  }
0x4d: {  	s9 =	sor.u32 $0x400, s7;
	s19 =	simm.s32 $0x10;
	[sflag:s30] =	ssyncadd.s32 $0xFFFFC000  }
0x4e: {  	[spmem:s2] =	stream.indirect.scatter.add.f32 [tilespmem:s21], [sflag:$0x4], $0x80, s9, s29, $0xb8;
	[tilespmem:$0x1C800] =	vst v63  }
0x4f: {  	s0 =	simm.s32 $0xA00;
	s19 =	sand.u32 $0x70, s19;
	_ =	swait.ge [sflag:s18], $0x4000  }
0x50: {  	s23 =	sor.u32 s19, s10;
	s10 =	sshrl.u32 s1, $0x2;
	[sflag:s18] =	ssyncset.done $0x0  }
0x51: {  	s1 =	simm.s32 $0x0;
	s19 =	simm.s32 $0x80;
	[sflag:s18] =	ssyncadd.s32 $0xFFFFC000  }
.LBB2_2:
0x52: {  	[tilespmem:s21], [sflag:$0x2] =	stream.indirect.gather [hbm4b:s4+s29], $0x80, s10, s29, $0xb8;
	[tilespmem:$0x1C800] =	vst v63  }
0x53: {  	s11 =	sadd.s32 s5, s23  }
0x54: {  	[tilespmem:s7], [sflag:$0x3] =	stream.linear.gather [hbm4b:s11+s3], $0x80, $0x38;
	[tilespmem:$0x1C800] =	vst v63  }
0x55: {  	s23 =	sadd.s32 s6, s23  }
0x56: {  	[tilespmem:s9], [sflag:$0x3] =	stream.linear.gather [hbm4b:s23+s3], $0x80, $0x38;
	[tilespmem:$0x1C800] =	vst v63  }
0x57: {  	_ =	swait.ge [sflag:s26], $0x80  }
0x58: {  	[sflag:s26] =	ssyncset.done $0x0  }
0x59: {  	[sflag:s26] =	ssyncadd.s32 $0xFFFFFF80  }
0x5a: {  	_ =	swait.ge [sflag:s26], $0x80  }
0x5b: {  	[sflag:s26] =	ssyncset.done $0x0  }
0x5c: {  	[sflag:s26] =	ssyncadd.s32 $0xFFFFFF80  }
0x5d: {  	_ =	swait.ge [sflag:s26], $0x80  }
0x5e: {  	[sflag:s26] =	ssyncset.done $0x0  }
0x5f: {  	[sflag:s26] =	ssyncadd.s32 $0xFFFFFF80  }
0x60: {  	_ =	swait.ge [sflag:s26], $0x80  }
0x61: {  	[sflag:s26] =	ssyncset.done $0x0  }
0x62: {  	s19 =	sadd.s32 $0x100, s19;
	[sflag:s26] =	ssyncadd.s32 $0xFFFFFF80  }
0x63: {  	s11 =	sadd.s32 $0xFFFFFF80, s19;
	_ =	swait.ge [sflag:s28], $0x4000  }
0x64: {  	s7 =	sand.u32 $0x300, s11;
	[sflag:s28] =	ssyncset.done $0x0  }
0x65: {  	s22 =	smov.u32 s0;
	s9 =	sor.u32 $0x400, s7;
	[sflag:s28] =	ssyncadd.s32 $0xFFFFC000  }
0x66: {  	[spmem:s2] =	stream.indirect.scatter.add.f32 [tilespmem:s20], [sflag:$0x4], $0x80, s9, s29, $0xb8;
	[tilespmem:$0x1C800] =	vst v63  }
0x67: {  	s1 =	sadd.s32 $0x20, s1;
	s12 =	sadd.s32 $0xFFFFFE00, s22;
	_ =	swait.ge [sflag:s18], $0x4000  }
0x68: {  	s10 =	sand.u32 $0xC00, s12;
	[sflag:s18] =	ssyncset.done $0x0;
	s23 =	rddreg [dreg:$0x3]  }
0x69: {  	s10 =	sshrl.u32 s10, $0x2;
	[sflag:s18] =	ssyncadd.s32 $0xFFFFC000;
	s12 =	sadd.s32 s1, s23  }
0x6a: {  	[tilespmem:s20], [sflag:$0x1] =	stream.indirect.gather [hbm4b:s4+s29], $0x80, s10, s29, $0xb8;
	[tilespmem:$0x1C800] =	vst v63  }
0x6b: {  	s10 =	sand.u32 $0xFFFFF80, s12  }
0x6c: {  	s23 =	sadd.s32 $0x10, s1;
	s12 =	sand.u32 $0x60, s1;
	s10 =	sadd.s32 $0x80, s10  }
0x6d: {  	s11 =	sand.u32 $0x70, s23;
	s12 =	sor.u32 s12, s10  }
0x6e: {  	s23 =	sor.u32 s11, s10;
	s11 =	sadd.s32 s5, s12  }
0x6f: {  	[tilespmem:s7], [sflag:$0x3] =	stream.linear.gather [hbm4b:s11+s3], $0x80, $0x38;
	[tilespmem:$0x1C800] =	vst v63  }
0x70: {  	s12 =	sadd.s32 s6, s12  }
0x71: {  	[tilespmem:s9], [sflag:$0x3] =	stream.linear.gather [hbm4b:s12+s3], $0x80, $0x38;
	[tilespmem:$0x1C800] =	vst v63  }
0x72: {  	_ =	swait.ge [sflag:s30], $0x4000  }
0x73: {  	p0 =	sne.s32 s0, $0x9E00;
	s7 =	sand.u32 $0x380, s19;
	[sflag:s30] =	ssyncset.done $0x0  }
.Ltmp0:
0x74: {  	s9 =	sor.u32 $0x400, s7;
	[sflag:s30] =	ssyncadd.s32 $0xFFFFC000;
	(pc) =	sbr.rel @p0 .LBB2_2-.Ltmp0, $4  }
0x75: {  	[spmem:s2] =	stream.indirect.scatter.add.f32 [tilespmem:s21], [sflag:$0x4], $0x80, s9, s29, $0xb8;
	[tilespmem:$0x1C800] =	vst v63  }
0x76: {  	_ =	swait.ge [sflag:s18], $0x4000  }
0x77: {  	s22 =	sand.u32 $0xE00, s22;
	[sflag:s18] =	ssyncset.done $0x0  }
0x78: {  	s0 =	sadd.s32 $0x400, s0;
	s10 =	sshrl.u32 s22, $0x2;
	[sflag:s18] =	ssyncadd.s32 $0xFFFFC000  }
0x79: {  	[tilespmem:s21], [sflag:$0x2] =	stream.indirect.gather [hbm4b:s4+s29], $0x80, s10, s29, $0xb8;
	[tilespmem:$0x1C800] =	vst v63  }
0x7a: {  	s0 =	sadd.s32 s5, s23  }
0x7b: {  	[tilespmem:s7], [sflag:$0x3] =	stream.linear.gather [hbm4b:s0+s3], $0x80, $0x38;
	[tilespmem:$0x1C800] =	vst v63  }
0x7c: {  	s23 =	sadd.s32 s6, s23  }
0x7d: {  	[tilespmem:s9], [sflag:$0x3] =	stream.linear.gather [hbm4b:s23+s3], $0x80, $0x38;
	[tilespmem:$0x1C800] =	vst v63  }
0x7e: {  	_ =	swait.ge [sflag:s26], $0x80  }
0x7f: {  	[sflag:s26] =	ssyncset.done $0x0  }
0x80: {  	[sflag:s26] =	ssyncadd.s32 $0xFFFFFF80  }
0x81: {  	_ =	swait.ge [sflag:s26], $0x80  }
0x82: {  	[sflag:s26] =	ssyncset.done $0x0  }
0x83: {  	[sflag:s26] =	ssyncadd.s32 $0xFFFFFF80  }
0x84: {  	_ =	swait.ge [sflag:s26], $0x80  }
0x85: {  	[sflag:s26] =	ssyncset.done $0x0  }
0x86: {  	[sflag:s26] =	ssyncadd.s32 $0xFFFFFF80  }
0x87: {  	_ =	swait.ge [sflag:s26], $0x80  }
0x88: {  	[sflag:s26] =	ssyncset.done $0x0  }
0x89: {  	[sflag:s26] =	ssyncadd.s32 $0xFFFFFF80  }
0x8a: {  	_ =	swait.ge [sflag:s28], $0x4000  }
0x8b: {  	[sflag:s28] =	ssyncset.done $0x0  }
0x8c: {  	[sflag:s28] =	ssyncadd.s32 $0xFFFFC000  }
0x8d: {  	[spmem:s2] =	stream.indirect.scatter.add.f32 [tilespmem:s20], [sflag:$0x4], $0x80, s24, s29, $0xb8;
	[tilespmem:$0x1C800] =	vst v63  }
0x8e: {  	_ =	swait.ge [sflag:s18], $0x4000  }
0x8f: {  	[sflag:s18] =	ssyncset.done $0x0  }
0x90: {  	[sflag:s18] =	ssyncadd.s32 $0xFFFFC000  }
0x91: {  	_ =	swait.ge [sflag:s30], $0x4000  }
0x92: {  	[sflag:s30] =	ssyncset.done $0x0  }
0x93: {  	[sflag:s30] =	ssyncadd.s32 $0xFFFFC000  }
0x94: {  	[spmem:s2] =	stream.indirect.scatter.add.f32 [tilespmem:s21], [sflag:$0x4], $0x80, s25, s29, $0xb8;
	[tilespmem:$0x1C800] =	vst v63  }
0x95: {  	_ =	swait.ge [sflag:s18], $0x4000  }
0x96: {  	s31 =	sadd.s32 $0x1, s31;
	[sflag:s18] =	ssyncset.done $0x0  }
0x97: {  	p0 =	sne.s32 s31, s16;
	[sflag:s18] =	ssyncadd.s32 $0xFFFFC000  }
.Ltmp1:
0x98: {  	[bflag:$0x0] =	sbarrier.arrive $0xFFFF;
	(pc) =	sbr.rel @p0 .LBB2_1-.Ltmp1, $4  }
0x99: {  	[hbm:s15], [sflag:s8] =	dma.local [spmem:s17], $0x2800  }
0x9a: {  	_ =	swait.ge [sflag:s18], $0x2800  }
0x9b: {  	[sflag:s18] =	ssyncset.done $0x0  }
0x9c: {  	[sflag:s18] =	ssyncadd.s32 $0xFFFFD800  }
0x9d: {  	_ =	sfence.sel $0x180000  }
0x9e: {  	[bflag:$0x0] =	sbarrier.arrive $0xFFFF  }
0x9f: {  	_ =	strace $0x9000004A  }
0xa0: {  	s0 =	stileid.u32;
	[bflag:$0x2] =	sbarrier.arrive $0xFFFF  }
0xa1: {  	p0 =	sne.s32 s0, $0x0;
	s0 =	rddreg [dreg:$0x2]  }
0xa2: {  	s0 =	sadd.s32 @!p0 $0x100000, s0  }
0xa3: {  	[sflag:s0] =	ssyncadd.tile.s32 @!p0 $0x1;
	_ =	shalt  }
.Lfunc_end2:
_tile_overlayer_lowered:
.L_overlay_start_2:
0xa4: {  	(tag) =	ssettag $0x2  }
0xa5: {  	s0 =	rddreg [dreg:$0x0];
	s2 =	stileid.u32  }
0xa6: {  	s1 =	rddreg [dreg:$0x1];
	p0 =	sne.s32 s2, $0x0  }
0xa7: {  	s3 =	rddreg [dreg:$0x2];
	[bflag:$0x3] =	sbarrier.arrive $0xFFFF;
	s2 =	simm.s32 @!p0 $0x1C04  }
0xa8: {  	[timem:s3], [sflag:s2] =	dma.local @!p0 [hbm:s0], s1  }
0xa9: {  	s0 =	simm.s32 @!p0 $0x4  }
0xaa: {  	_ =	swait.ge @!p0 [sflag:s0], s1  }
0xab: {  	s1 =	ssub.s32 @!p0 $0x0, s1;
	[sflag:s0] =	ssyncset.done @!p0 $0x0  }
0xac: {  	[sflag:s0] =	ssyncadd.s32 @!p0 s1  }
0xad: {  	[bflag:$0x3] =	sbarrier.arrive $0xFFFF  }
0xae: {  	_ =	shalt  }

// kernel: kernel.16.cloned.1.call-start
scs
__scs_entry_jumppad:
0x0: {  	(pc) =	sbr.rel $0x88, $3  }
0x1: {  	(tag) =	ssettag $0x0;
	lr =	simm.s32 $0x1  }
0x2: {  	[smem:$0x3F94] =	sst lr;
	_ =	strace $0xD0000000  }
0x3: {  	_ = 	snop  }
0x4: {  	_ = 	snop  }
0x5: {  	_ = 	snop  }
0x6: {  	_ = 	snop  }
0x7: {  	_ = 	snop  }
__scs_overlays_trampoline_lowered:
0x8: {  	[smem:$0x3FA3] =	sst s0  }
0x9: {  	[smem:$0x3FA4] =	sst s1  }
0xa: {  	[smem:$0x3FA5] =	sst s2  }
0xb: {  	[smem:$0x3FA6] =	sst s3  }
0xc: {  	[smem:$0x3FA7] =	sst s4  }
0xd: {  	[smem:$0x3FA8] =	sst s5  }
0xe: {  	[smem:$0x3FA9] =	sst s6  }
0xf: {  	[smem:$0x3FAA] =	sst s7  }
0x10: {  	[smem:$0x3FAB] =	sst s8  }
0x11: {  	[smem:$0x3FAC] =	sst s9;
	s0 =	simm.s32 @!p0 $0x0  }
0x12: {  	s1 =	sld [smem:$0x3F92];
	s0 =	simm.s32 @p0 $0x1  }
0x13: {  	[smem:$0x3FAD] =	sst s0;
	s0 =	simm.s32 @!p1 $0x0  }
0x14: {  	s2 =	sld [smem:$0x3F91];
	s0 =	simm.s32 @p1 $0x1  }
0x15: {  	[smem:$0x3FAE] =	sst s0;
	s0 =	simm.s32 @!p2 $0x0  }
0x16: {  	s3 =	sld [smem:$0x3FDB];
	s0 =	simm.s32 @p2 $0x1  }
0x17: {  	s4 =	simm.s32 $0x1BF5;
	[smem:$0x3FB0] =	sst s0  }
0x18: {  	s0 =	sld [smem:$0x3F93];
	_ =	swait.ge [sflag:s4], $0x0  }
0x19: {  	s7 =	sld [smem:$0x3F94]  }
0x1a: {  	s8 =	sadd.s32 $0xFFFFE003, lr  }
0x1b: {  	s9 =	sadd.s32 $0xFFFFFEF7, lr;
	s5 =	simm.s32 $0xFFFFFFFF;
	p2 =	slt.u32 s8, $0xFFFFF086  }
0x1c: {  	p1 =	slt.u32 s9, $0xF7A;
	s5 =	simm.s32 @!p2 $0x0  }
0x1d: {  	s5 =	simm.s32 @p1 $0x1;
	p0 =	seq.s32 s7, s2  }
0x1e: {  	s7 =	smul.u32 @!p0 $0xF7A, s2;
	p2 =	seq.s32 @!p0 s5, $0x0  }
0x1f: {  	s9 =	smul.u32 $0xF7A, s1;
	s8 =	simm.s32 @!p0 $0x1BF5;
	p2 =	por !p2, p0  }
0x20: {  	[sflag:s8] =	ssyncset.s32 @!p0 $0xFFFFF086;
	s6 =	sadd.s32 @!p0 s3, s7;
	s7 =	simm.s32 @!p0 $0x108  }
0x21: {  	s3 =	sadd.s32 s3, s9;
	s6 =	sadd.s32 @!p0 $0x88, s6;
	s7 =	simm.s32 @p2 $0x1082  }
0x22: {  	[simem:s7], [sflag:s8] =	dma.local @!p0 [hbm:s6], $0xF7A  }
0x23: {  	s9 =	sor.u32 $0xD0000000, s2;
	s6 =	simm.s32 $0x108;
	_ =	swait.ge @!p0 [sflag:s8], $0x0  }
0x24: {  	s3 =	sadd.s32 $0x88, s3;
	s6 =	simm.s32 @!p1 $0x1082;
	[sflag:s4] =	ssyncset.s32 $0xFFFFF086  }
0x25: {  	[simem:s6], [sflag:s4] =	dma.local [hbm:s3], $0xF7A  }
0x26: {  	[smem:$0x3F94] =	sst s1;
	(tag) =	ssettag s2;
	_ =	strace s9  }
0x27: {  	s1 =	sld [smem:$0x3FA4]  }
0x28: {  	s2 =	sld [smem:$0x3FA5]  }
0x29: {  	s4 =	sld [smem:$0x3FA7]  }
0x2a: {  	p0 =	seq.s32 s5, $0x0;
	s5 =	sld [smem:$0x3FA8]  }
0x2b: {  	s6 =	sld [smem:$0x3FA9]  }
0x2c: {  	s7 =	sld [smem:$0x3FAA]  }
0x2d: {  	s3 =	simm.s32 $0x108;
	s8 =	sld [smem:$0x3FAB]  }
0x2e: {  	s3 =	simm.s32 @!p0 $0x1082;
	s9 =	sld [smem:$0x3FAC]  }
0x2f: {  	lr =	sadd.s32 s0, s3;
	s0 =	sld [smem:$0x3FA3]  }
0x30: {  	s3 =	sld [smem:$0x3FA6]  }
0x31: {  	[smem:$0x3FAF] =	sst s10  }
0x32: {  	s10 =	sld [smem:$0x3FAD];
	_ =	sdelay $0x3  }
0x33: {  	p0 =	seq.s32 s10, $0x1;
	s10 =	sld [smem:$0x3FAF];
	_ =	sdelay $0x3  }
0x34: {  	[smem:$0x3FAF] =	sst s10  }
0x35: {  	s10 =	sld [smem:$0x3FAE];
	_ =	sdelay $0x3  }
0x36: {  	p1 =	seq.s32 s10, $0x1;
	s10 =	sld [smem:$0x3FAF];
	_ =	sdelay $0x3  }
0x37: {  	[smem:$0x3FAF] =	sst s10  }
0x38: {  	s10 =	sld [smem:$0x3FB0]  }
0x39: {  	_ = 	snop;
	(pc) =	sbr.ind lr, $3  }
0x3a: {  	_ = 	snop  }
0x3b: {  	_ = 	snop  }
0x3c: {  	p2 =	seq.s32 s10, $0x1;
	s10 =	sld [smem:$0x3FAF]  }
0x3d: {  	_ =	shalt  }
0x3e: {  	_ =	shalt  }
0x3f: {  	_ =	shalt  }
0x40: {  	_ =	shalt  }
0x41: {  	_ =	shalt  }
0x42: {  	_ =	shalt  }
0x43: {  	_ =	shalt  }
0x44: {  	_ =	shalt  }
0x45: {  	_ =	shalt  }
0x46: {  	_ =	shalt  }
0x47: {  	_ =	shalt  }
0x48: {  	_ =	shalt  }
0x49: {  	_ =	shalt  }
0x4a: {  	_ =	shalt  }
0x4b: {  	_ =	shalt  }
0x4c: {  	_ =	shalt  }
0x4d: {  	_ =	shalt  }
0x4e: {  	_ =	shalt  }
0x4f: {  	_ =	shalt  }
0x50: {  	_ =	shalt  }
0x51: {  	_ =	shalt  }
0x52: {  	_ =	shalt  }
0x53: {  	_ =	shalt  }
0x54: {  	_ =	shalt  }
0x55: {  	_ =	shalt  }
0x56: {  	_ =	shalt  }
0x57: {  	_ =	shalt  }
0x58: {  	_ =	shalt  }
0x59: {  	_ =	shalt  }
0x5a: {  	_ =	shalt  }
0x5b: {  	_ =	shalt  }
0x5c: {  	_ =	shalt  }
0x5d: {  	_ =	shalt  }
0x5e: {  	_ =	shalt  }
0x5f: {  	_ =	shalt  }
0x60: {  	_ =	shalt  }
0x61: {  	_ =	shalt  }
0x62: {  	_ =	shalt  }
0x63: {  	_ =	shalt  }
0x64: {  	_ =	shalt  }
0x65: {  	_ =	shalt  }
0x66: {  	_ =	shalt  }
0x67: {  	_ =	shalt  }
0x68: {  	_ =	shalt  }
0x69: {  	_ =	shalt  }
0x6a: {  	_ =	shalt  }
0x6b: {  	_ =	shalt  }
0x6c: {  	_ =	shalt  }
0x6d: {  	_ =	shalt  }
0x6e: {  	_ =	shalt  }
0x6f: {  	_ =	shalt  }
0x70: {  	_ =	shalt  }
0x71: {  	_ =	shalt  }
0x72: {  	_ =	shalt  }
0x73: {  	_ =	shalt  }
0x74: {  	_ =	shalt  }
0x75: {  	_ =	shalt  }
0x76: {  	_ =	shalt  }
0x77: {  	_ =	shalt  }
0x78: {  	_ =	shalt  }
0x79: {  	_ =	shalt  }
0x7a: {  	_ =	shalt  }
0x7b: {  	_ =	shalt  }
0x7c: {  	_ =	shalt  }
0x7d: {  	_ =	shalt  }
0x7e: {  	_ =	shalt  }
0x7f: {  	_ =	shalt  }
0x80: {  	_ =	shalt  }
0x81: {  	_ =	shalt  }
0x82: {  	_ =	shalt  }
0x83: {  	_ =	shalt  }
0x84: {  	_ =	shalt  }
0x85: {  	_ =	shalt  }
0x86: {  	_ =	shalt  }
0x87: {  	_ =	shalt  }
.Lfunc_end0:
.L_simem_size_0:
called_computation.2_lowered:
.L_overlay_start_0:
0x88: {  	s2 =	sld [smem:$0x3FD9]  }
0x89: {  	s3 =	sld [smem:$0x3FFE];
	_ =	sdelay $0x1  }
0x8a: {  	s1 =	srdreg.scid  }
0x8b: {  	s0 =	sand.u32 $0x1, s1  }
0x8c: {  	s16 =	sshll.u32 s0, $0xA;
	s2 =	sadd.s32 s3, s2  }
0x8d: {  	s2 =	sadd.s32 s2, s16  }
0x8e: {  	[smem:$0x3FBB] =	sst s2  }
0x8f: {  	_ = 	snop  }
0x90: {  	(tm) =	ssettm $0x1  }
0x91: {  	s17 =	sld [smem:$0x3FFB];
	_ =	sdelay $0x3  }
0x92: {  	_ =	strace s17  }
0x93: {  	s2 =	sld [smem:$0x3FFC];
	_ =	sdelay $0x3  }
0x94: {  	_ =	strace s2  }
0x95: {  	s2 =	sld [smem:$0x3FFD];
	_ =	sdelay $0x3  }
0x96: {  	_ =	strace s2  }
0x97: {  	_ =	strace $0x8FFFFFFF  }
0x98: {  	s18 =	sld [smem:$0x3FDB];
	_ =	sdelay $0x1  }
0x99: {  	s19 =	simm.s32 $_scs_section_size  }
0x9a: {  	s4 =	simm.s32 $_size__tile_overlayer_lowered;
	s5 =	simm.s32 $_tile_overlayer_lowered  }
0x9b: {  	s22 =	simm.s32 $0x1BFF;
	s21 =	sshll.u32 s5, $0x1;
	s2 =	sadd.s32 s19, s18  }
0x9c: {  	s6 =	simm.s32 $0x0;
	s20 =	sshll.u32 s4, $0x1;
	s4 =	sadd.s32 s21, s2  }
0x9d: {  	[timem:s6], [sflag:s22] =	dma.local [hbm:s4], s20  }
0x9e: {  	_ =	swait.ge [sflag:s22], s20  }
0x9f: {  	s3 =	ssub.s32 $0x0, s20;
	[sflag:s22] =	ssyncset.done $0x0  }
0xa0: {  	[sflag:s22] =	ssyncadd.s32 s3;
	_ =	sdelay $0x1  }
0xa1: {  	s23 =	simm.s32 $0x1B8B  }
0xa2: {  	_ =	swait.ge [sflag:s23], $0x1  }
0xa3: {  	[sflag:s23] =	ssyncset.done $0x0  }
0xa4: {  	s25 =	simm.s32 $0x1B8E;
	s24 =	sld [smem:$0x3FFE];
	[sflag:s23] =	ssyncadd.s32 $0xFFFFFFFF  }
0xa5: {  	s26 =	simm.s32 $execute0_lowered;
	[smem:$0x3FD2] =	sst s25  }
0xa6: {  	s4 =	sshll.u32 s26, $0x1;
	_ =	strace $0x8000004C;
	[dreg:$0x1] =	wrdreg $0xFFFFFFFF  }
0xa7: {  	s28 =	simm.s32 $_size_execute0_lowered;
	s2 =	sadd.s32 s2, s4;
	[dreg:$0x0] =	wrdreg $0x0  }
0xa8: {  	s4 =	sshll.u32 s28, $0x1;
	[dreg:$0x2] =	wrdreg s2  }
0xa9: {  	[dreg:$0x3] =	wrdreg s4  }
0xaa: {  	[dreg:$0x4] =	wrdreg $0xC0  }
0xab: {  	_ =	task [dreg:s6], $0x5FFFF  }
0xac: {  	[dreg:$0x1] =	wrdreg $0xFFFFFFFF  }
0xad: {  	[dreg:$0x0] =	wrdreg $0x60  }
0xae: {  	[dreg:$0x2] =	wrdreg s24  }
0xaf: {  	[dreg:$0x3] =	wrdreg $0x88000  }
0xb0: {  	[dreg:$0x4] =	wrdreg $0x9  }
0xb1: {  	_ =	task.clear_ibuf [dreg:s6], $0x5FFFF;
	_ =	strace $0x9000004C  }
0xb2: {  	s29 =	simm.s32 $0x9;
	_ =	strace $0x8000004E  }
0xb3: {  	_ =	swait.ge [sflag:s29], $0x1  }
0xb4: {  	[sflag:s29] =	ssyncadd.s32 $0xFFFFFFFF  }
0xb5: {  	_ =	strace $0x9000004E  }
0xb6: {  	_ =	sfence  }
0xb7: {  	s30 =	sld [smem:$0x0];
	_ =	sdelay $0x2  }
0xb8: {  	s31 =	sshll.u32 s1, $0xD;
	s1 =	sshrl.u32 s1, $0x2  }
0xb9: {  	s3 =	sand.u32 $0x4000, s31;
	s1 =	sadd.s32 s1, s30  }
0xba: {  	s0 =	sor.u32 s3, s0;
	s1 =	sshll.u32 s1, $0x11  }
0xbb: {  	s0 =	sor.u32 s1, s0  }
0xbc: {  	s0 =	sadd.s32 $0x8F2B, s0  }
0xbd: {  	[sflag:s0] =	ssyncadd.remote.s32 $0x1  }
0xbe: {  	_ =	sfence.sel $0xFFFF  }
0xbf: {  	[dreg:$0x0] =	wrdreg $0xFFFFFFFF;
	(pc) =	sbr.abs _section_cstart, $3  }
0xc0: {  	[dreg:$0x1] =	wrdreg $0xFFFFFFFF  }
0xc1: {  	_ =	task.clear_ibuf [dreg:s6], $0x2FFFF;
	_ =	strace $0x9FFFFFFF  }
0xc2: {  	(tm) =	ssettm $0x7FFFFFFF  }
0xc3: {  	_ =	shalt  }
tec
execute0_lowered:
.L_overlay_start_1:
0x0: {  	(tag) =	ssettag $0x1  }
0x1: {  	s0 =	rddreg [dreg:$0x0]  }
0x2: {  	s2 =	rddreg [dreg:$0x1];
	s3 =	simm.s32 $0x0  }
0x3: {  	s13 =	stileid.u32;
	s1 =	srdreg.scid;
	s28 =	simm.s32 $0x1  }
0x4: {  	s29 =	simm.s32 $0x80;
	s30 =	simm.s32 $0x2;
	s31 =	simm.s32 $0x0  }
0x5: {  	[smem:$0x7FF] =	sst s3;
	s7 =	smul.u32 $0x14000, s13;
	s1 =	sand.u32 $0x1, s1  }
0x6: {  	s4 =	sadd.s32 $0x40000, s0;
	s5 =	sadd.s32 $0x3C00, s0;
	s10 =	smul.u32 $0x50000, s13  }
0x7: {  	s6 =	sadd.s32 $0xDE00, s0;
	s20 =	sshll.u32 s13, $0x6;
	s17 =	smul.u32 $0x500, s13  }
0x8: {  	_ =	strace $0x8000004D;
	s8 =	smul.u32 $0x140000, s1;
	s18 =	sshll.u32 s1, $0x4  }
0x9: {  	s19 =	ssub.s32 $0x2, s1;
	s1 =	smul.u32 $0x5000, s1;
	s9 =	sshrl.u32 s7, $0x3  }
0xa: {  	s11 =	sshrl.u32 s19, $0x1;
	s10 =	sshrl.u32 s10, $0x2;
	s9 =	sadd.s32 s9, s0  }
0xb: {  	s7 =	sadd.s32 s7, s8;
	s8 =	sor.u32 s13, s18;
	s10 =	sadd.s32 s10, s2  }
0xc: {  	s26 =	sadd.s32 s17, s1;
	s18 =	simm.s32 $0x4;
	s7 =	sshrl.u32 s7, $0x3  }
0xd: {  	s12 =	smul.u32 $0x500, s8;
	s9 =	sadd.s32 $0x18000, s9;
	s8 =	sor.u32 $0x1C04, s20  }
0xe: {  	[dreg:$0x3] =	wrdreg s26;
	s17 =	sshrl.u32 s10, $0x3;
	s20 =	simm.s32 $0x800  }
0xf: {  	s26 =	simm.s32 $0x3;
	s0 =	sadd.s32 s7, s0;
	s7 =	ssub.s32 s19, s11  }
0x10: {  	[dreg:$0x4] =	wrdreg s9;
	s21 =	sadd.s32 s5, s12;
	s22 =	sadd.s32 s6, s12  }
0x11: {  	s23 =	sor.u32 $0x60, s12;
	s14 =	sor.u32 $0x70, s12;
	[dreg:$0x5] =	wrdreg s21  }
0x12: {  	s15 =	sadd.s32 $0x68000, s0;
	s16 =	smax.u32 s7, $0x1;
	[dreg:$0x6] =	wrdreg s22  }
0x13: {  	s24 =	sadd.s32 s5, s23;
	s25 =	sadd.s32 s5, s14;
	s13 =	sadd.s32 s6, s23  }
0x14: {  	s14 =	sadd.s32 s6, s14;
	s21 =	simm.s32 $0x4800;
	[dreg:$0x7] =	wrdreg s24  }
0x15: {  	[dreg:$0x8] =	wrdreg s25;
	s24 =	simm.s32 $0x700;
	s25 =	simm.s32 $0x780  }
.LBB2_1:
0x16: {  	s0 =	rddreg [dreg:$0x4]  }
0x17: {  	[spmem:s17], [sflag:s8] =	dma.local [hbm:s0], $0x2800  }
0x18: {  	_ =	swait.ge [sflag:s18], $0x2800  }
0x19: {  	[sflag:s18] =	ssyncset.done $0x0  }
0x1a: {  	[sflag:s18] =	ssyncadd.s32 $0xFFFFD800  }
0x1b: {  	[bflag:$0x0] =	sbarrier.arrive $0xFFFF  }
0x1c: {  	s7 =	rddreg [dreg:$0x5]  }
0x1d: {  	[tilespmem:s3], [sflag:$0x4] =	stream.linear.gather [hbm4b:s7+s3], $0x400, $0x38;
	[tilespmem:$0x1C800] =	vst v63  }
0x1e: {  	_ =	swait.ge [sflag:s18], $0x400  }
0x1f: {  	[sflag:s18] =	ssyncset.done $0x0  }
0x20: {  	s1 =	simm.s32 $0x400;
	s9 =	rddreg [dreg:$0x6];
	[sflag:s18] =	ssyncadd.s32 $0xFFFFFC00  }
0x21: {  	[tilespmem:s1], [sflag:$0x4] =	stream.linear.gather [hbm4b:s9+s3], $0x400, $0x38;
	[tilespmem:$0x1C800] =	vst v63  }
0x22: {  	_ =	swait.ge [sflag:s18], $0x400  }
0x23: {  	[sflag:s18] =	ssyncset.done $0x0  }
0x24: {  	[sflag:s18] =	ssyncadd.s32 $0xFFFFFC00  }
0x25: {  	[tilespmem:s20], [sflag:$0x1] =	stream.indirect.gather [hbm4b:s4+s29], $0x80, s3, s29, $0xb8;
	[tilespmem:$0x1C800] =	vst v63  }
0x26: {  	_ = 	snop  }
0x27: {  	[tilespmem:s21], [sflag:$0x2] =	stream.indirect.gather [hbm4b:s4+s29], $0x80, s29, s29, $0xb8;
	[tilespmem:$0x1C800] =	vst v63  }
0x28: {  	s11 =	simm.s32 $0x300;
	s10 =	rddreg [dreg:$0x7]  }
0x29: {  	[tilespmem:s11], [sflag:$0x3] =	stream.linear.gather [hbm4b:s10+s3], $0x80, $0x38;
	[tilespmem:$0x1C800] =	vst v63  }
0x2a: {  	s19 =	simm.s32 $0x380;
	s12 =	rddreg [dreg:$0x8]  }
0x2b: {  	[tilespmem:s19], [sflag:$0x3] =	stream.linear.gather [hbm4b:s12+s3], $0x80, $0x38;
	[tilespmem:$0x1C800] =	vst v63  }
0x2c: {  	_ = 	snop  }
0x2d: {  	[tilespmem:s24], [sflag:$0x3] =	stream.linear.gather [hbm4b:s13+s3], $0x80, $0x38;
	[tilespmem:$0x1C800] =	vst v63  }
0x2e: {  	_ = 	snop  }
0x2f: {  	[tilespmem:s25], [sflag:$0x3] =	stream.linear.gather [hbm4b:s14+s3], $0x80, $0x38;
	[tilespmem:$0x1C800] =	vst v63  }
0x30: {  	_ =	swait.ge [sflag:s26], $0x80  }
0x31: {  	[sflag:s26] =	ssyncset.done $0x0  }
0x32: {  	[sflag:s26] =	ssyncadd.s32 $0xFFFFFF80  }
0x33: {  	_ =	swait.ge [sflag:s26], $0x80  }
0x34: {  	[sflag:s26] =	ssyncset.done $0x0  }
0x35: {  	[sflag:s26] =	ssyncadd.s32 $0xFFFFFF80  }
0x36: {  	_ =	swait.ge [sflag:s26], $0x80  }
0x37: {  	[sflag:s26] =	ssyncset.done $0x0  }
0x38: {  	[sflag:s26] =	ssyncadd.s32 $0xFFFFFF80  }
0x39: {  	_ =	swait.ge [sflag:s26], $0x80  }
0x3a: {  	[sflag:s26] =	ssyncset.done $0x0  }
0x3b: {  	[sflag:s26] =	ssyncadd.s32 $0xFFFFFF80  }
0x3c: {  	s22 =	simm.s32 $0x0;
	_ =	swait.ge [sflag:s28], $0x4000  }
0x3d: {  	s0 =	sand.u32 $0x300, s22;
	[sflag:s28] =	ssyncset.done $0x0  }
0x3e: {  	s23 =	sor.u32 $0x400, s0;
	[sflag:s28] =	ssyncadd.s32 $0xFFFFC000  }
0x3f: {  	[spmem:s2] =	stream.indirect.scatter.add.f32 [tilespmem:s20], [sflag:$0x4], $0x80, s23, s29, $0xb8;
	[tilespmem:$0x1C800] =	vst v63  }
0x40: {  	s7 =	simm.s32 $0x400;
	_ =	swait.ge [sflag:s18], $0x4000  }
0x41: {  	s7 =	sand.u32 $0xC00, s7;
	[sflag:s18] =	ssyncset.done $0x0;
	s9 =	rddreg [dreg:$0x3]  }
0x42: {  	s7 =	sshrl.u32 s7, $0x2;
	[sflag:s18] =	ssyncadd.s32 $0xFFFFC000;
	s10 =	sadd.s32 $0x0, s9  }
0x43: {  	[tilespmem:s20], [sflag:$0x1] =	stream.indirect.gather [hbm4b:s4+s29], $0x80, s7, s29, $0xb8;
	[tilespmem:$0x1C800] =	vst v63  }
0x44: {  	s7 =	sand.u32 $0xFFFFF80, s10  }
0x45: {  	s11 =	sand.u32 $0x60, s3;
	s10 =	sadd.s32 $0x80, s7  }
0x46: {  	s7 =	sor.u32 s11, s10  }
0x47: {  	s12 =	sadd.s32 s5, s7  }
0x48: {  	[tilespmem:s0], [sflag:$0x3] =	stream.linear.gather [hbm4b:s12+s3], $0x80, $0x38;
	[tilespmem:$0x1C800] =	vst v63  }
0x49: {  	s19 =	sadd.s32 s6, s7  }
0x4a: {  	[tilespmem:s23], [sflag:$0x3] =	stream.linear.gather [hbm4b:s19+s3], $0x80, $0x38;
	[tilespmem:$0x1C800] =	vst v63  }
0x4b: {  	s22 =	simm.s32 $0x600;
	_ =	swait.ge [sflag:s30], $0x4000  }
0x4c: {  	s1 =	sand.u32 $0xE00, s22;
	s7 =	sand.u32 $0x380, s29;
	[sflag:s30] =	ssyncset.done $0x0  }
0x4d: {  	s9 =	sor.u32 $0x400, s7;
	s19 =	simm.s32 $0x10;
	[sflag:s30] =	ssyncadd.s32 $0xFFFFC000  }
0x4e: {  	[spmem:s2] =	stream.indirect.scatter.add.f32 [tilespmem:s21], [sflag:$0x4], $0x80, s9, s29, $0xb8;
	[tilespmem:$0x1C800] =	vst v63  }
0x4f: {  	s0 =	simm.s32 $0xA00;
	s19 =	sand.u32 $0x70, s19;
	_ =	swait.ge [sflag:s18], $0x4000  }
0x50: {  	s23 =	sor.u32 s19, s10;
	s10 =	sshrl.u32 s1, $0x2;
	[sflag:s18] =	ssyncset.done $0x0  }
0x51: {  	s1 =	simm.s32 $0x0;
	s19 =	simm.s32 $0x80;
	[sflag:s18] =	ssyncadd.s32 $0xFFFFC000  }
.LBB2_2:
0x52: {  	[tilespmem:s21], [sflag:$0x2] =	stream.indirect.gather [hbm4b:s4+s29], $0x80, s10, s29, $0xb8;
	[tilespmem:$0x1C800] =	vst v63  }
0x53: {  	s11 =	sadd.s32 s5, s23  }
0x54: {  	[tilespmem:s7], [sflag:$0x3] =	stream.linear.gather [hbm4b:s11+s3], $0x80, $0x38;
	[tilespmem:$0x1C800] =	vst v63  }
0x55: {  	s23 =	sadd.s32 s6, s23  }
0x56: {  	[tilespmem:s9], [sflag:$0x3] =	stream.linear.gather [hbm4b:s23+s3], $0x80, $0x38;
	[tilespmem:$0x1C800] =	vst v63  }
0x57: {  	_ =	swait.ge [sflag:s26], $0x80  }
0x58: {  	[sflag:s26] =	ssyncset.done $0x0  }
0x59: {  	[sflag:s26] =	ssyncadd.s32 $0xFFFFFF80  }
0x5a: {  	_ =	swait.ge [sflag:s26], $0x80  }
0x5b: {  	[sflag:s26] =	ssyncset.done $0x0  }
0x5c: {  	[sflag:s26] =	ssyncadd.s32 $0xFFFFFF80  }
0x5d: {  	_ =	swait.ge [sflag:s26], $0x80  }
0x5e: {  	[sflag:s26] =	ssyncset.done $0x0  }
0x5f: {  	[sflag:s26] =	ssyncadd.s32 $0xFFFFFF80  }
0x60: {  	_ =	swait.ge [sflag:s26], $0x80  }
0x61: {  	[sflag:s26] =	ssyncset.done $0x0  }
0x62: {  	s19 =	sadd.s32 $0x100, s19;
	[sflag:s26] =	ssyncadd.s32 $0xFFFFFF80  }
0x63: {  	s11 =	sadd.s32 $0xFFFFFF80, s19;
	_ =	swait.ge [sflag:s28], $0x4000  }
0x64: {  	s7 =	sand.u32 $0x300, s11;
	[sflag:s28] =	ssyncset.done $0x0  }
0x65: {  	s22 =	smov.u32 s0;
	s9 =	sor.u32 $0x400, s7;
	[sflag:s28] =	ssyncadd.s32 $0xFFFFC000  }
0x66: {  	[spmem:s2] =	stream.indirect.scatter.add.f32 [tilespmem:s20], [sflag:$0x4], $0x80, s9, s29, $0xb8;
	[tilespmem:$0x1C800] =	vst v63  }
0x67: {  	s1 =	sadd.s32 $0x20, s1;
	s12 =	sadd.s32 $0xFFFFFE00, s22;
	_ =	swait.ge [sflag:s18], $0x4000  }
0x68: {  	s10 =	sand.u32 $0xC00, s12;
	[sflag:s18] =	ssyncset.done $0x0;
	s23 =	rddreg [dreg:$0x3]  }
0x69: {  	s10 =	sshrl.u32 s10, $0x2;
	[sflag:s18] =	ssyncadd.s32 $0xFFFFC000;
	s12 =	sadd.s32 s1, s23  }
0x6a: {  	[tilespmem:s20], [sflag:$0x1] =	stream.indirect.gather [hbm4b:s4+s29], $0x80, s10, s29, $0xb8;
	[tilespmem:$0x1C800] =	vst v63  }
0x6b: {  	s10 =	sand.u32 $0xFFFFF80, s12  }
0x6c: {  	s23 =	sadd.s32 $0x10, s1;
	s12 =	sand.u32 $0x60, s1;
	s10 =	sadd.s32 $0x80, s10  }
0x6d: {  	s11 =	sand.u32 $0x70, s23;
	s12 =	sor.u32 s12, s10  }
0x6e: {  	s23 =	sor.u32 s11, s10;
	s11 =	sadd.s32 s5, s12  }
0x6f: {  	[tilespmem:s7], [sflag:$0x3] =	stream.linear.gather [hbm4b:s11+s3], $0x80, $0x38;
	[tilespmem:$0x1C800] =	vst v63  }
0x70: {  	s12 =	sadd.s32 s6, s12  }
0x71: {  	[tilespmem:s9], [sflag:$0x3] =	stream.linear.gather [hbm4b:s12+s3], $0x80, $0x38;
	[tilespmem:$0x1C800] =	vst v63  }
0x72: {  	_ =	swait.ge [sflag:s30], $0x4000  }
0x73: {  	p0 =	sne.s32 s0, $0x9E00;
	s7 =	sand.u32 $0x380, s19;
	[sflag:s30] =	ssyncset.done $0x0  }
.Ltmp0:
0x74: {  	s9 =	sor.u32 $0x400, s7;
	[sflag:s30] =	ssyncadd.s32 $0xFFFFC000;
	(pc) =	sbr.rel @p0 .LBB2_2-.Ltmp0, $4  }
0x75: {  	[spmem:s2] =	stream.indirect.scatter.add.f32 [tilespmem:s21], [sflag:$0x4], $0x80, s9, s29, $0xb8;
	[tilespmem:$0x1C800] =	vst v63  }
0x76: {  	_ =	swait.ge [sflag:s18], $0x4000  }
0x77: {  	s22 =	sand.u32 $0xE00, s22;
	[sflag:s18] =	ssyncset.done $0x0  }
0x78: {  	s0 =	sadd.s32 $0x400, s0;
	s10 =	sshrl.u32 s22, $0x2;
	[sflag:s18] =	ssyncadd.s32 $0xFFFFC000  }
0x79: {  	[tilespmem:s21], [sflag:$0x2] =	stream.indirect.gather [hbm4b:s4+s29], $0x80, s10, s29, $0xb8;
	[tilespmem:$0x1C800] =	vst v63  }
0x7a: {  	s0 =	sadd.s32 s5, s23  }
0x7b: {  	[tilespmem:s7], [sflag:$0x3] =	stream.linear.gather [hbm4b:s0+s3], $0x80, $0x38;
	[tilespmem:$0x1C800] =	vst v63  }
0x7c: {  	s23 =	sadd.s32 s6, s23  }
0x7d: {  	[tilespmem:s9], [sflag:$0x3] =	stream.linear.gather [hbm4b:s23+s3], $0x80, $0x38;
	[tilespmem:$0x1C800] =	vst v63  }
0x7e: {  	_ =	swait.ge [sflag:s26], $0x80  }
0x7f: {  	[sflag:s26] =	ssyncset.done $0x0  }
0x80: {  	[sflag:s26] =	ssyncadd.s32 $0xFFFFFF80  }
0x81: {  	_ =	swait.ge [sflag:s26], $0x80  }
0x82: {  	[sflag:s26] =	ssyncset.done $0x0  }
0x83: {  	[sflag:s26] =	ssyncadd.s32 $0xFFFFFF80  }
0x84: {  	_ =	swait.ge [sflag:s26], $0x80  }
0x85: {  	[sflag:s26] =	ssyncset.done $0x0  }
0x86: {  	[sflag:s26] =	ssyncadd.s32 $0xFFFFFF80  }
0x87: {  	_ =	swait.ge [sflag:s26], $0x80  }
0x88: {  	[sflag:s26] =	ssyncset.done $0x0  }
0x89: {  	[sflag:s26] =	ssyncadd.s32 $0xFFFFFF80  }
0x8a: {  	_ =	swait.ge [sflag:s28], $0x4000  }
0x8b: {  	[sflag:s28] =	ssyncset.done $0x0  }
0x8c: {  	[sflag:s28] =	ssyncadd.s32 $0xFFFFC000  }
0x8d: {  	[spmem:s2] =	stream.indirect.scatter.add.f32 [tilespmem:s20], [sflag:$0x4], $0x80, s24, s29, $0xb8;
	[tilespmem:$0x1C800] =	vst v63  }
0x8e: {  	_ =	swait.ge [sflag:s18], $0x4000  }
0x8f: {  	[sflag:s18] =	ssyncset.done $0x0  }
0x90: {  	[sflag:s18] =	ssyncadd.s32 $0xFFFFC000  }
0x91: {  	_ =	swait.ge [sflag:s30], $0x4000  }
0x92: {  	[sflag:s30] =	ssyncset.done $0x0  }
0x93: {  	[sflag:s30] =	ssyncadd.s32 $0xFFFFC000  }
0x94: {  	[spmem:s2] =	stream.indirect.scatter.add.f32 [tilespmem:s21], [sflag:$0x4], $0x80, s25, s29, $0xb8;
	[tilespmem:$0x1C800] =	vst v63  }
0x95: {  	_ =	swait.ge [sflag:s18], $0x4000  }
0x96: {  	s31 =	sadd.s32 $0x1, s31;
	[sflag:s18] =	ssyncset.done $0x0  }
0x97: {  	p0 =	sne.s32 s31, s16;
	[sflag:s18] =	ssyncadd.s32 $0xFFFFC000  }
.Ltmp1:
0x98: {  	[bflag:$0x0] =	sbarrier.arrive $0xFFFF;
	(pc) =	sbr.rel @p0 .LBB2_1-.Ltmp1, $4  }
0x99: {  	[hbm:s15], [sflag:s8] =	dma.local [spmem:s17], $0x2800  }
0x9a: {  	_ =	swait.ge [sflag:s18], $0x2800  }
0x9b: {  	[sflag:s18] =	ssyncset.done $0x0  }
0x9c: {  	[sflag:s18] =	ssyncadd.s32 $0xFFFFD800  }
0x9d: {  	_ =	sfence.sel $0x180000  }
0x9e: {  	[bflag:$0x0] =	sbarrier.arrive $0xFFFF  }
0x9f: {  	_ =	strace $0x9000004D  }
0xa0: {  	s0 =	stileid.u32;
	[bflag:$0x2] =	sbarrier.arrive $0xFFFF  }
0xa1: {  	p0 =	sne.s32 s0, $0x0;
	s0 =	rddreg [dreg:$0x2]  }
0xa2: {  	s0 =	sadd.s32 @!p0 $0x100000, s0  }
0xa3: {  	[sflag:s0] =	ssyncadd.tile.s32 @!p0 $0x1;
	_ =	shalt  }
.Lfunc_end2:
_tile_overlayer_lowered:
.L_overlay_start_2:
0xa4: {  	(tag) =	ssettag $0x2  }
0xa5: {  	s0 =	rddreg [dreg:$0x0];
	s2 =	stileid.u32  }
0xa6: {  	s1 =	rddreg [dreg:$0x1];
	p0 =	sne.s32 s2, $0x0  }
0xa7: {  	s3 =	rddreg [dreg:$0x2];
	[bflag:$0x3] =	sbarrier.arrive $0xFFFF;
	s2 =	simm.s32 @!p0 $0x1C04  }
0xa8: {  	[timem:s3], [sflag:s2] =	dma.local @!p0 [hbm:s0], s1  }
0xa9: {  	s0 =	simm.s32 @!p0 $0x4  }
0xaa: {  	_ =	swait.ge @!p0 [sflag:s0], s1  }
0xab: {  	s1 =	ssub.s32 @!p0 $0x0, s1;
	[sflag:s0] =	ssyncset.done @!p0 $0x0  }
0xac: {  	[sflag:s0] =	ssyncadd.s32 @!p0 s1  }
0xad: {  	[bflag:$0x3] =	sbarrier.arrive $0xFFFF  }
0xae: {  	_ =	shalt  }

// kernel: kernel.19.cloned.1.call-start
scs
__scs_entry_jumppad:
0x0: {  	(pc) =	sbr.rel $0x88, $3  }
0x1: {  	(tag) =	ssettag $0x0;
	lr =	simm.s32 $0x1  }
0x2: {  	[smem:$0x3F94] =	sst lr;
	_ =	strace $0xD0000000  }
0x3: {  	_ = 	snop  }
0x4: {  	_ = 	snop  }
0x5: {  	_ = 	snop  }
0x6: {  	_ = 	snop  }
0x7: {  	_ = 	snop  }
__scs_overlays_trampoline_lowered:
0x8: {  	[smem:$0x3FA3] =	sst s0  }
0x9: {  	[smem:$0x3FA4] =	sst s1  }
0xa: {  	[smem:$0x3FA5] =	sst s2  }
0xb: {  	[smem:$0x3FA6] =	sst s3  }
0xc: {  	[smem:$0x3FA7] =	sst s4  }
0xd: {  	[smem:$0x3FA8] =	sst s5  }
0xe: {  	[smem:$0x3FA9] =	sst s6  }
0xf: {  	[smem:$0x3FAA] =	sst s7  }
0x10: {  	[smem:$0x3FAB] =	sst s8  }
0x11: {  	[smem:$0x3FAC] =	sst s9;
	s0 =	simm.s32 @!p0 $0x0  }
0x12: {  	s1 =	sld [smem:$0x3F92];
	s0 =	simm.s32 @p0 $0x1  }
0x13: {  	[smem:$0x3FAD] =	sst s0;
	s0 =	simm.s32 @!p1 $0x0  }
0x14: {  	s2 =	sld [smem:$0x3F91];
	s0 =	simm.s32 @p1 $0x1  }
0x15: {  	[smem:$0x3FAE] =	sst s0;
	s0 =	simm.s32 @!p2 $0x0  }
0x16: {  	s3 =	sld [smem:$0x3FDB];
	s0 =	simm.s32 @p2 $0x1  }
0x17: {  	s4 =	simm.s32 $0x1BF5;
	[smem:$0x3FB0] =	sst s0  }
0x18: {  	s0 =	sld [smem:$0x3F93];
	_ =	swait.ge [sflag:s4], $0x0  }
0x19: {  	s7 =	sld [smem:$0x3F94]  }
0x1a: {  	s8 =	sadd.s32 $0xFFFFE003, lr  }
0x1b: {  	s9 =	sadd.s32 $0xFFFFFEF7, lr;
	s5 =	simm.s32 $0xFFFFFFFF;
	p2 =	slt.u32 s8, $0xFFFFF086  }
0x1c: {  	p1 =	slt.u32 s9, $0xF7A;
	s5 =	simm.s32 @!p2 $0x0  }
0x1d: {  	s5 =	simm.s32 @p1 $0x1;
	p0 =	seq.s32 s7, s2  }
0x1e: {  	s7 =	smul.u32 @!p0 $0xF7A, s2;
	p2 =	seq.s32 @!p0 s5, $0x0  }
0x1f: {  	s9 =	smul.u32 $0xF7A, s1;
	s8 =	simm.s32 @!p0 $0x1BF5;
	p2 =	por !p2, p0  }
0x20: {  	[sflag:s8] =	ssyncset.s32 @!p0 $0xFFFFF086;
	s6 =	sadd.s32 @!p0 s3, s7;
	s7 =	simm.s32 @!p0 $0x108  }
0x21: {  	s3 =	sadd.s32 s3, s9;
	s6 =	sadd.s32 @!p0 $0x88, s6;
	s7 =	simm.s32 @p2 $0x1082  }
0x22: {  	[simem:s7], [sflag:s8] =	dma.local @!p0 [hbm:s6], $0xF7A  }
0x23: {  	s9 =	sor.u32 $0xD0000000, s2;
	s6 =	simm.s32 $0x108;
	_ =	swait.ge @!p0 [sflag:s8], $0x0  }
0x24: {  	s3 =	sadd.s32 $0x88, s3;
	s6 =	simm.s32 @!p1 $0x1082;
	[sflag:s4] =	ssyncset.s32 $0xFFFFF086  }
0x25: {  	[simem:s6], [sflag:s4] =	dma.local [hbm:s3], $0xF7A  }
0x26: {  	[smem:$0x3F94] =	sst s1;
	(tag) =	ssettag s2;
	_ =	strace s9  }
0x27: {  	s1 =	sld [smem:$0x3FA4]  }
0x28: {  	s2 =	sld [smem:$0x3FA5]  }
0x29: {  	s4 =	sld [smem:$0x3FA7]  }
0x2a: {  	p0 =	seq.s32 s5, $0x0;
	s5 =	sld [smem:$0x3FA8]  }
0x2b: {  	s6 =	sld [smem:$0x3FA9]  }
0x2c: {  	s7 =	sld [smem:$0x3FAA]  }
0x2d: {  	s3 =	simm.s32 $0x108;
	s8 =	sld [smem:$0x3FAB]  }
0x2e: {  	s3 =	simm.s32 @!p0 $0x1082;
	s9 =	sld [smem:$0x3FAC]  }
0x2f: {  	lr =	sadd.s32 s0, s3;
	s0 =	sld [smem:$0x3FA3]  }
0x30: {  	s3 =	sld [smem:$0x3FA6]  }
0x31: {  	[smem:$0x3FAF] =	sst s10  }
0x32: {  	s10 =	sld [smem:$0x3FAD];
	_ =	sdelay $0x3  }
0x33: {  	p0 =	seq.s32 s10, $0x1;
	s10 =	sld [smem:$0x3FAF];
	_ =	sdelay $0x3  }
0x34: {  	[smem:$0x3FAF] =	sst s10  }
0x35: {  	s10 =	sld [smem:$0x3FAE];
	_ =	sdelay $0x3  }
0x36: {  	p1 =	seq.s32 s10, $0x1;
	s10 =	sld [smem:$0x3FAF];
	_ =	sdelay $0x3  }
0x37: {  	[smem:$0x3FAF] =	sst s10  }
0x38: {  	s10 =	sld [smem:$0x3FB0]  }
0x39: {  	_ = 	snop;
	(pc) =	sbr.ind lr, $3  }
0x3a: {  	_ = 	snop  }
0x3b: {  	_ = 	snop  }
0x3c: {  	p2 =	seq.s32 s10, $0x1;
	s10 =	sld [smem:$0x3FAF]  }
0x3d: {  	_ =	shalt  }
0x3e: {  	_ =	shalt  }
0x3f: {  	_ =	shalt  }
0x40: {  	_ =	shalt  }
0x41: {  	_ =	shalt  }
0x42: {  	_ =	shalt  }
0x43: {  	_ =	shalt  }
0x44: {  	_ =	shalt  }
0x45: {  	_ =	shalt  }
0x46: {  	_ =	shalt  }
0x47: {  	_ =	shalt  }
0x48: {  	_ =	shalt  }
0x49: {  	_ =	shalt  }
0x4a: {  	_ =	shalt  }
0x4b: {  	_ =	shalt  }
0x4c: {  	_ =	shalt  }
0x4d: {  	_ =	shalt  }
0x4e: {  	_ =	shalt  }
0x4f: {  	_ =	shalt  }
0x50: {  	_ =	shalt  }
0x51: {  	_ =	shalt  }
0x52: {  	_ =	shalt  }
0x53: {  	_ =	shalt  }
0x54: {  	_ =	shalt  }
0x55: {  	_ =	shalt  }
0x56: {  	_ =	shalt  }
0x57: {  	_ =	shalt  }
0x58: {  	_ =	shalt  }
0x59: {  	_ =	shalt  }
0x5a: {  	_ =	shalt  }
0x5b: {  	_ =	shalt  }
0x5c: {  	_ =	shalt  }
0x5d: {  	_ =	shalt  }
0x5e: {  	_ =	shalt  }
0x5f: {  	_ =	shalt  }
0x60: {  	_ =	shalt  }
0x61: {  	_ =	shalt  }
0x62: {  	_ =	shalt  }
0x63: {  	_ =	shalt  }
0x64: {  	_ =	shalt  }
0x65: {  	_ =	shalt  }
0x66: {  	_ =	shalt  }
0x67: {  	_ =	shalt  }
0x68: {  	_ =	shalt  }
0x69: {  	_ =	shalt  }
0x6a: {  	_ =	shalt  }
0x6b: {  	_ =	shalt  }
0x6c: {  	_ =	shalt  }
0x6d: {  	_ =	shalt  }
0x6e: {  	_ =	shalt  }
0x6f: {  	_ =	shalt  }
0x70: {  	_ =	shalt  }
0x71: {  	_ =	shalt  }
0x72: {  	_ =	shalt  }
0x73: {  	_ =	shalt  }
0x74: {  	_ =	shalt  }
0x75: {  	_ =	shalt  }
0x76: {  	_ =	shalt  }
0x77: {  	_ =	shalt  }
0x78: {  	_ =	shalt  }
0x79: {  	_ =	shalt  }
0x7a: {  	_ =	shalt  }
0x7b: {  	_ =	shalt  }
0x7c: {  	_ =	shalt  }
0x7d: {  	_ =	shalt  }
0x7e: {  	_ =	shalt  }
0x7f: {  	_ =	shalt  }
0x80: {  	_ =	shalt  }
0x81: {  	_ =	shalt  }
0x82: {  	_ =	shalt  }
0x83: {  	_ =	shalt  }
0x84: {  	_ =	shalt  }
0x85: {  	_ =	shalt  }
0x86: {  	_ =	shalt  }
0x87: {  	_ =	shalt  }
.Lfunc_end0:
.L_simem_size_0:
called_computation.3_lowered:
.L_overlay_start_0:
0x88: {  	s2 =	sld [smem:$0x3FD9]  }
0x89: {  	s3 =	sld [smem:$0x3FFE];
	_ =	sdelay $0x1  }
0x8a: {  	s1 =	srdreg.scid  }
0x8b: {  	s0 =	sand.u32 $0x1, s1  }
0x8c: {  	s16 =	sshll.u32 s0, $0xA;
	s2 =	sadd.s32 s3, s2  }
0x8d: {  	s2 =	sadd.s32 s2, s16  }
0x8e: {  	[smem:$0x3FBB] =	sst s2  }
0x8f: {  	_ = 	snop  }
0x90: {  	(tm) =	ssettm $0x1  }
0x91: {  	s17 =	sld [smem:$0x3FFB];
	_ =	sdelay $0x3  }
0x92: {  	_ =	strace s17  }
0x93: {  	s2 =	sld [smem:$0x3FFC];
	_ =	sdelay $0x3  }
0x94: {  	_ =	strace s2  }
0x95: {  	s2 =	sld [smem:$0x3FFD];
	_ =	sdelay $0x3  }
0x96: {  	_ =	strace s2  }
0x97: {  	_ =	strace $0x8FFFFFFF  }
0x98: {  	s18 =	sld [smem:$0x3FDB];
	_ =	sdelay $0x1  }
0x99: {  	s19 =	simm.s32 $_scs_section_size  }
0x9a: {  	s4 =	simm.s32 $_size__tile_overlayer_lowered;
	s5 =	simm.s32 $_tile_overlayer_lowered  }
0x9b: {  	s22 =	simm.s32 $0x1BFF;
	s21 =	sshll.u32 s5, $0x1;
	s2 =	sadd.s32 s19, s18  }
0x9c: {  	s6 =	simm.s32 $0x0;
	s20 =	sshll.u32 s4, $0x1;
	s4 =	sadd.s32 s21, s2  }
0x9d: {  	[timem:s6], [sflag:s22] =	dma.local [hbm:s4], s20  }
0x9e: {  	_ =	swait.ge [sflag:s22], s20  }
0x9f: {  	s3 =	ssub.s32 $0x0, s20;
	[sflag:s22] =	ssyncset.done $0x0  }
0xa0: {  	[sflag:s22] =	ssyncadd.s32 s3;
	_ =	sdelay $0x1  }
0xa1: {  	s23 =	simm.s32 $0x1B8B  }
0xa2: {  	_ =	swait.ge [sflag:s23], $0x1  }
0xa3: {  	[sflag:s23] =	ssyncset.done $0x0  }
0xa4: {  	s25 =	simm.s32 $0x1B8E;
	s24 =	sld [smem:$0x3FFE];
	[sflag:s23] =	ssyncadd.s32 $0xFFFFFFFF  }
0xa5: {  	s26 =	simm.s32 $execute0_lowered;
	[smem:$0x3FD2] =	sst s25  }
0xa6: {  	s4 =	sshll.u32 s26, $0x1;
	_ =	strace $0x8000004F;
	[dreg:$0x1] =	wrdreg $0xFFFFFFFF  }
0xa7: {  	s28 =	simm.s32 $_size_execute0_lowered;
	s2 =	sadd.s32 s2, s4;
	[dreg:$0x0] =	wrdreg $0x0  }
0xa8: {  	s4 =	sshll.u32 s28, $0x1;
	[dreg:$0x2] =	wrdreg s2  }
0xa9: {  	[dreg:$0x3] =	wrdreg s4  }
0xaa: {  	[dreg:$0x4] =	wrdreg $0xC0  }
0xab: {  	_ =	task [dreg:s6], $0x5FFFF  }
0xac: {  	[dreg:$0x1] =	wrdreg $0xFFFFFFFF  }
0xad: {  	[dreg:$0x0] =	wrdreg $0x60  }
0xae: {  	[dreg:$0x2] =	wrdreg s24  }
0xaf: {  	[dreg:$0x3] =	wrdreg $0x88000  }
0xb0: {  	[dreg:$0x4] =	wrdreg $0x9  }
0xb1: {  	_ =	task.clear_ibuf [dreg:s6], $0x5FFFF;
	_ =	strace $0x9000004F  }
0xb2: {  	s29 =	simm.s32 $0x9;
	_ =	strace $0x80000051  }
0xb3: {  	_ =	swait.ge [sflag:s29], $0x1  }
0xb4: {  	[sflag:s29] =	ssyncadd.s32 $0xFFFFFFFF  }
0xb5: {  	_ =	strace $0x90000051  }
0xb6: {  	_ =	sfence  }
0xb7: {  	s30 =	sld [smem:$0x0];
	_ =	sdelay $0x2  }
0xb8: {  	s31 =	sshll.u32 s1, $0xD;
	s1 =	sshrl.u32 s1, $0x2  }
0xb9: {  	s3 =	sand.u32 $0x4000, s31;
	s1 =	sadd.s32 s1, s30  }
0xba: {  	s0 =	sor.u32 s3, s0;
	s1 =	sshll.u32 s1, $0x11  }
0xbb: {  	s0 =	sor.u32 s1, s0  }
0xbc: {  	s0 =	sadd.s32 $0x8F2B, s0  }
0xbd: {  	[sflag:s0] =	ssyncadd.remote.s32 $0x1  }
0xbe: {  	_ =	sfence.sel $0xFFFF  }
0xbf: {  	[dreg:$0x0] =	wrdreg $0xFFFFFFFF;
	(pc) =	sbr.abs _section_cstart, $3  }
0xc0: {  	[dreg:$0x1] =	wrdreg $0xFFFFFFFF  }
0xc1: {  	_ =	task.clear_ibuf [dreg:s6], $0x2FFFF;
	_ =	strace $0x9FFFFFFF  }
0xc2: {  	(tm) =	ssettm $0x7FFFFFFF  }
0xc3: {  	_ =	shalt  }
tec
execute0_lowered:
.L_overlay_start_1:
0x0: {  	(tag) =	ssettag $0x1  }
0x1: {  	s0 =	rddreg [dreg:$0x0]  }
0x2: {  	s2 =	rddreg [dreg:$0x1];
	s3 =	simm.s32 $0x0  }
0x3: {  	s13 =	stileid.u32;
	s1 =	srdreg.scid;
	s28 =	simm.s32 $0x1  }
0x4: {  	s29 =	simm.s32 $0x80;
	s30 =	simm.s32 $0x2;
	s31 =	simm.s32 $0x0  }
0x5: {  	[smem:$0x7FF] =	sst s3;
	s7 =	smul.u32 $0x14000, s13;
	s1 =	sand.u32 $0x1, s1  }
0x6: {  	s4 =	sadd.s32 $0x40000, s0;
	s5 =	sadd.s32 $0x3C00, s0;
	s10 =	smul.u32 $0x50000, s13  }
0x7: {  	s6 =	sadd.s32 $0xDE00, s0;
	s20 =	sshll.u32 s13, $0x6;
	s17 =	smul.u32 $0x500, s13  }
0x8: {  	_ =	strace $0x80000050;
	s8 =	smul.u32 $0x140000, s1;
	s18 =	sshll.u32 s1, $0x4  }
0x9: {  	s19 =	ssub.s32 $0x2, s1;
	s1 =	smul.u32 $0x5000, s1;
	s9 =	sshrl.u32 s7, $0x3  }
0xa: {  	s11 =	sshrl.u32 s19, $0x1;
	s10 =	sshrl.u32 s10, $0x2;
	s9 =	sadd.s32 s9, s0  }
0xb: {  	s7 =	sadd.s32 s7, s8;
	s8 =	sor.u32 s13, s18;
	s10 =	sadd.s32 s10, s2  }
0xc: {  	s26 =	sadd.s32 s17, s1;
	s18 =	simm.s32 $0x4;
	s7 =	sshrl.u32 s7, $0x3  }
0xd: {  	s12 =	smul.u32 $0x500, s8;
	s9 =	sadd.s32 $0x18000, s9;
	s8 =	sor.u32 $0x1C04, s20  }
0xe: {  	[dreg:$0x3] =	wrdreg s26;
	s17 =	sshrl.u32 s10, $0x3;
	s20 =	simm.s32 $0x800  }
0xf: {  	s26 =	simm.s32 $0x3;
	s0 =	sadd.s32 s7, s0;
	s7 =	ssub.s32 s19, s11  }
0x10: {  	[dreg:$0x4] =	wrdreg s9;
	s21 =	sadd.s32 s5, s12;
	s22 =	sadd.s32 s6, s12  }
0x11: {  	s23 =	sor.u32 $0x60, s12;
	s14 =	sor.u32 $0x70, s12;
	[dreg:$0x5] =	wrdreg s21  }
0x12: {  	s15 =	sadd.s32 $0x68000, s0;
	s16 =	smax.u32 s7, $0x1;
	[dreg:$0x6] =	wrdreg s22  }
0x13: {  	s24 =	sadd.s32 s5, s23;
	s25 =	sadd.s32 s5, s14;
	s13 =	sadd.s32 s6, s23  }
0x14: {  	s14 =	sadd.s32 s6, s14;
	s21 =	simm.s32 $0x4800;
	[dreg:$0x7] =	wrdreg s24  }
0x15: {  	[dreg:$0x8] =	wrdreg s25;
	s24 =	simm.s32 $0x700;
	s25 =	simm.s32 $0x780  }
.LBB2_1:
0x16: {  	s0 =	rddreg [dreg:$0x4]  }
0x17: {  	[spmem:s17], [sflag:s8] =	dma.local [hbm:s0], $0x2800  }
0x18: {  	_ =	swait.ge [sflag:s18], $0x2800  }
0x19: {  	[sflag:s18] =	ssyncset.done $0x0  }
0x1a: {  	[sflag:s18] =	ssyncadd.s32 $0xFFFFD800  }
0x1b: {  	[bflag:$0x0] =	sbarrier.arrive $0xFFFF  }
0x1c: {  	s7 =	rddreg [dreg:$0x5]  }
0x1d: {  	[tilespmem:s3], [sflag:$0x4] =	stream.linear.gather [hbm4b:s7+s3], $0x400, $0x38;
	[tilespmem:$0x1C800] =	vst v63  }
0x1e: {  	_ =	swait.ge [sflag:s18], $0x400  }
0x1f: {  	[sflag:s18] =	ssyncset.done $0x0  }
0x20: {  	s1 =	simm.s32 $0x400;
	s9 =	rddreg [dreg:$0x6];
	[sflag:s18] =	ssyncadd.s32 $0xFFFFFC00  }
0x21: {  	[tilespmem:s1], [sflag:$0x4] =	stream.linear.gather [hbm4b:s9+s3], $0x400, $0x38;
	[tilespmem:$0x1C800] =	vst v63  }
0x22: {  	_ =	swait.ge [sflag:s18], $0x400  }
0x23: {  	[sflag:s18] =	ssyncset.done $0x0  }
0x24: {  	[sflag:s18] =	ssyncadd.s32 $0xFFFFFC00  }
0x25: {  	[tilespmem:s20], [sflag:$0x1] =	stream.indirect.gather [hbm4b:s4+s29], $0x80, s3, s29, $0xb8;
	[tilespmem:$0x1C800] =	vst v63  }
0x26: {  	_ = 	snop  }
0x27: {  	[tilespmem:s21], [sflag:$0x2] =	stream.indirect.gather [hbm4b:s4+s29], $0x80, s29, s29, $0xb8;
	[tilespmem:$0x1C800] =	vst v63  }
0x28: {  	s11 =	simm.s32 $0x300;
	s10 =	rddreg [dreg:$0x7]  }
0x29: {  	[tilespmem:s11], [sflag:$0x3] =	stream.linear.gather [hbm4b:s10+s3], $0x80, $0x38;
	[tilespmem:$0x1C800] =	vst v63  }
0x2a: {  	s19 =	simm.s32 $0x380;
	s12 =	rddreg [dreg:$0x8]  }
0x2b: {  	[tilespmem:s19], [sflag:$0x3] =	stream.linear.gather [hbm4b:s12+s3], $0x80, $0x38;
	[tilespmem:$0x1C800] =	vst v63  }
0x2c: {  	_ = 	snop  }
0x2d: {  	[tilespmem:s24], [sflag:$0x3] =	stream.linear.gather [hbm4b:s13+s3], $0x80, $0x38;
	[tilespmem:$0x1C800] =	vst v63  }
0x2e: {  	_ = 	snop  }
0x2f: {  	[tilespmem:s25], [sflag:$0x3] =	stream.linear.gather [hbm4b:s14+s3], $0x80, $0x38;
	[tilespmem:$0x1C800] =	vst v63  }
0x30: {  	_ =	swait.ge [sflag:s26], $0x80  }
0x31: {  	[sflag:s26] =	ssyncset.done $0x0  }
0x32: {  	[sflag:s26] =	ssyncadd.s32 $0xFFFFFF80  }
0x33: {  	_ =	swait.ge [sflag:s26], $0x80  }
0x34: {  	[sflag:s26] =	ssyncset.done $0x0  }
0x35: {  	[sflag:s26] =	ssyncadd.s32 $0xFFFFFF80  }
0x36: {  	_ =	swait.ge [sflag:s26], $0x80  }
0x37: {  	[sflag:s26] =	ssyncset.done $0x0  }
0x38: {  	[sflag:s26] =	ssyncadd.s32 $0xFFFFFF80  }
0x39: {  	_ =	swait.ge [sflag:s26], $0x80  }
0x3a: {  	[sflag:s26] =	ssyncset.done $0x0  }
0x3b: {  	[sflag:s26] =	ssyncadd.s32 $0xFFFFFF80  }
0x3c: {  	s22 =	simm.s32 $0x0;
	_ =	swait.ge [sflag:s28], $0x4000  }
0x3d: {  	s0 =	sand.u32 $0x300, s22;
	[sflag:s28] =	ssyncset.done $0x0  }
0x3e: {  	s23 =	sor.u32 $0x400, s0;
	[sflag:s28] =	ssyncadd.s32 $0xFFFFC000  }
0x3f: {  	[spmem:s2] =	stream.indirect.scatter.add.f32 [tilespmem:s20], [sflag:$0x4], $0x80, s23, s29, $0xb8;
	[tilespmem:$0x1C800] =	vst v63  }
0x40: {  	s7 =	simm.s32 $0x400;
	_ =	swait.ge [sflag:s18], $0x4000  }
0x41: {  	s7 =	sand.u32 $0xC00, s7;
	[sflag:s18] =	ssyncset.done $0x0;
	s9 =	rddreg [dreg:$0x3]  }
0x42: {  	s7 =	sshrl.u32 s7, $0x2;
	[sflag:s18] =	ssyncadd.s32 $0xFFFFC000;
	s10 =	sadd.s32 $0x0, s9  }
0x43: {  	[tilespmem:s20], [sflag:$0x1] =	stream.indirect.gather [hbm4b:s4+s29], $0x80, s7, s29, $0xb8;
	[tilespmem:$0x1C800] =	vst v63  }
0x44: {  	s7 =	sand.u32 $0xFFFFF80, s10  }
0x45: {  	s11 =	sand.u32 $0x60, s3;
	s10 =	sadd.s32 $0x80, s7  }
0x46: {  	s7 =	sor.u32 s11, s10  }
0x47: {  	s12 =	sadd.s32 s5, s7  }
0x48: {  	[tilespmem:s0], [sflag:$0x3] =	stream.linear.gather [hbm4b:s12+s3], $0x80, $0x38;
	[tilespmem:$0x1C800] =	vst v63  }
0x49: {  	s19 =	sadd.s32 s6, s7  }
0x4a: {  	[tilespmem:s23], [sflag:$0x3] =	stream.linear.gather [hbm4b:s19+s3], $0x80, $0x38;
	[tilespmem:$0x1C800] =	vst v63  }
0x4b: {  	s22 =	simm.s32 $0x600;
	_ =	swait.ge [sflag:s30], $0x4000  }
0x4c: {  	s1 =	sand.u32 $0xE00, s22;
	s7 =	sand.u32 $0x380, s29;
	[sflag:s30] =	ssyncset.done $0x0  }
0x4d: {  	s9 =	sor.u32 $0x400, s7;
	s19 =	simm.s32 $0x10;
	[sflag:s30] =	ssyncadd.s32 $0xFFFFC000  }
0x4e: {  	[spmem:s2] =	stream.indirect.scatter.add.f32 [tilespmem:s21], [sflag:$0x4], $0x80, s9, s29, $0xb8;
	[tilespmem:$0x1C800] =	vst v63  }
0x4f: {  	s0 =	simm.s32 $0xA00;
	s19 =	sand.u32 $0x70, s19;
	_ =	swait.ge [sflag:s18], $0x4000  }
0x50: {  	s23 =	sor.u32 s19, s10;
	s10 =	sshrl.u32 s1, $0x2;
	[sflag:s18] =	ssyncset.done $0x0  }
0x51: {  	s1 =	simm.s32 $0x0;
	s19 =	simm.s32 $0x80;
	[sflag:s18] =	ssyncadd.s32 $0xFFFFC000  }
.LBB2_2:
0x52: {  	[tilespmem:s21], [sflag:$0x2] =	stream.indirect.gather [hbm4b:s4+s29], $0x80, s10, s29, $0xb8;
	[tilespmem:$0x1C800] =	vst v63  }
0x53: {  	s11 =	sadd.s32 s5, s23  }
0x54: {  	[tilespmem:s7], [sflag:$0x3] =	stream.linear.gather [hbm4b:s11+s3], $0x80, $0x38;
	[tilespmem:$0x1C800] =	vst v63  }
0x55: {  	s23 =	sadd.s32 s6, s23  }
0x56: {  	[tilespmem:s9], [sflag:$0x3] =	stream.linear.gather [hbm4b:s23+s3], $0x80, $0x38;
	[tilespmem:$0x1C800] =	vst v63  }
0x57: {  	_ =	swait.ge [sflag:s26], $0x80  }
0x58: {  	[sflag:s26] =	ssyncset.done $0x0  }
0x59: {  	[sflag:s26] =	ssyncadd.s32 $0xFFFFFF80  }
0x5a: {  	_ =	swait.ge [sflag:s26], $0x80  }
0x5b: {  	[sflag:s26] =	ssyncset.done $0x0  }
0x5c: {  	[sflag:s26] =	ssyncadd.s32 $0xFFFFFF80  }
0x5d: {  	_ =	swait.ge [sflag:s26], $0x80  }
0x5e: {  	[sflag:s26] =	ssyncset.done $0x0  }
0x5f: {  	[sflag:s26] =	ssyncadd.s32 $0xFFFFFF80  }
0x60: {  	_ =	swait.ge [sflag:s26], $0x80  }
0x61: {  	[sflag:s26] =	ssyncset.done $0x0  }
0x62: {  	s19 =	sadd.s32 $0x100, s19;
	[sflag:s26] =	ssyncadd.s32 $0xFFFFFF80  }
0x63: {  	s11 =	sadd.s32 $0xFFFFFF80, s19;
	_ =	swait.ge [sflag:s28], $0x4000  }
0x64: {  	s7 =	sand.u32 $0x300, s11;
	[sflag:s28] =	ssyncset.done $0x0  }
0x65: {  	s22 =	smov.u32 s0;
	s9 =	sor.u32 $0x400, s7;
	[sflag:s28] =	ssyncadd.s32 $0xFFFFC000  }
0x66: {  	[spmem:s2] =	stream.indirect.scatter.add.f32 [tilespmem:s20], [sflag:$0x4], $0x80, s9, s29, $0xb8;
	[tilespmem:$0x1C800] =	vst v63  }
0x67: {  	s1 =	sadd.s32 $0x20, s1;
	s12 =	sadd.s32 $0xFFFFFE00, s22;
	_ =	swait.ge [sflag:s18], $0x4000  }
0x68: {  	s10 =	sand.u32 $0xC00, s12;
	[sflag:s18] =	ssyncset.done $0x0;
	s23 =	rddreg [dreg:$0x3]  }
0x69: {  	s10 =	sshrl.u32 s10, $0x2;
	[sflag:s18] =	ssyncadd.s32 $0xFFFFC000;
	s12 =	sadd.s32 s1, s23  }
0x6a: {  	[tilespmem:s20], [sflag:$0x1] =	stream.indirect.gather [hbm4b:s4+s29], $0x80, s10, s29, $0xb8;
	[tilespmem:$0x1C800] =	vst v63  }
0x6b: {  	s10 =	sand.u32 $0xFFFFF80, s12  }
0x6c: {  	s23 =	sadd.s32 $0x10, s1;
	s12 =	sand.u32 $0x60, s1;
	s10 =	sadd.s32 $0x80, s10  }
0x6d: {  	s11 =	sand.u32 $0x70, s23;
	s12 =	sor.u32 s12, s10  }
0x6e: {  	s23 =	sor.u32 s11, s10;
	s11 =	sadd.s32 s5, s12  }
0x6f: {  	[tilespmem:s7], [sflag:$0x3] =	stream.linear.gather [hbm4b:s11+s3], $0x80, $0x38;
	[tilespmem:$0x1C800] =	vst v63  }
0x70: {  	s12 =	sadd.s32 s6, s12  }
0x71: {  	[tilespmem:s9], [sflag:$0x3] =	stream.linear.gather [hbm4b:s12+s3], $0x80, $0x38;
	[tilespmem:$0x1C800] =	vst v63  }
0x72: {  	_ =	swait.ge [sflag:s30], $0x4000  }
0x73: {  	p0 =	sne.s32 s0, $0x9E00;
	s7 =	sand.u32 $0x380, s19;
	[sflag:s30] =	ssyncset.done $0x0  }
.Ltmp0:
0x74: {  	s9 =	sor.u32 $0x400, s7;
	[sflag:s30] =	ssyncadd.s32 $0xFFFFC000;
	(pc) =	sbr.rel @p0 .LBB2_2-.Ltmp0, $4  }
0x75: {  	[spmem:s2] =	stream.indirect.scatter.add.f32 [tilespmem:s21], [sflag:$0x4], $0x80, s9, s29, $0xb8;
	[tilespmem:$0x1C800] =	vst v63  }
0x76: {  	_ =	swait.ge [sflag:s18], $0x4000  }
0x77: {  	s22 =	sand.u32 $0xE00, s22;
	[sflag:s18] =	ssyncset.done $0x0  }
0x78: {  	s0 =	sadd.s32 $0x400, s0;
	s10 =	sshrl.u32 s22, $0x2;
	[sflag:s18] =	ssyncadd.s32 $0xFFFFC000  }
0x79: {  	[tilespmem:s21], [sflag:$0x2] =	stream.indirect.gather [hbm4b:s4+s29], $0x80, s10, s29, $0xb8;
	[tilespmem:$0x1C800] =	vst v63  }
0x7a: {  	s0 =	sadd.s32 s5, s23  }
0x7b: {  	[tilespmem:s7], [sflag:$0x3] =	stream.linear.gather [hbm4b:s0+s3], $0x80, $0x38;
	[tilespmem:$0x1C800] =	vst v63  }
0x7c: {  	s23 =	sadd.s32 s6, s23  }
0x7d: {  	[tilespmem:s9], [sflag:$0x3] =	stream.linear.gather [hbm4b:s23+s3], $0x80, $0x38;
	[tilespmem:$0x1C800] =	vst v63  }
0x7e: {  	_ =	swait.ge [sflag:s26], $0x80  }
0x7f: {  	[sflag:s26] =	ssyncset.done $0x0  }
0x80: {  	[sflag:s26] =	ssyncadd.s32 $0xFFFFFF80  }
0x81: {  	_ =	swait.ge [sflag:s26], $0x80  }
0x82: {  	[sflag:s26] =	ssyncset.done $0x0  }
0x83: {  	[sflag:s26] =	ssyncadd.s32 $0xFFFFFF80  }
0x84: {  	_ =	swait.ge [sflag:s26], $0x80  }
0x85: {  	[sflag:s26] =	ssyncset.done $0x0  }
0x86: {  	[sflag:s26] =	ssyncadd.s32 $0xFFFFFF80  }
0x87: {  	_ =	swait.ge [sflag:s26], $0x80  }
0x88: {  	[sflag:s26] =	ssyncset.done $0x0  }
0x89: {  	[sflag:s26] =	ssyncadd.s32 $0xFFFFFF80  }
0x8a: {  	_ =	swait.ge [sflag:s28], $0x4000  }
0x8b: {  	[sflag:s28] =	ssyncset.done $0x0  }
0x8c: {  	[sflag:s28] =	ssyncadd.s32 $0xFFFFC000  }
0x8d: {  	[spmem:s2] =	stream.indirect.scatter.add.f32 [tilespmem:s20], [sflag:$0x4], $0x80, s24, s29, $0xb8;
	[tilespmem:$0x1C800] =	vst v63  }
0x8e: {  	_ =	swait.ge [sflag:s18], $0x4000  }
0x8f: {  	[sflag:s18] =	ssyncset.done $0x0  }
0x90: {  	[sflag:s18] =	ssyncadd.s32 $0xFFFFC000  }
0x91: {  	_ =	swait.ge [sflag:s30], $0x4000  }
0x92: {  	[sflag:s30] =	ssyncset.done $0x0  }
0x93: {  	[sflag:s30] =	ssyncadd.s32 $0xFFFFC000  }
0x94: {  	[spmem:s2] =	stream.indirect.scatter.add.f32 [tilespmem:s21], [sflag:$0x4], $0x80, s25, s29, $0xb8;
	[tilespmem:$0x1C800] =	vst v63  }
0x95: {  	_ =	swait.ge [sflag:s18], $0x4000  }
0x96: {  	s31 =	sadd.s32 $0x1, s31;
	[sflag:s18] =	ssyncset.done $0x0  }
0x97: {  	p0 =	sne.s32 s31, s16;
	[sflag:s18] =	ssyncadd.s32 $0xFFFFC000  }
.Ltmp1:
0x98: {  	[bflag:$0x0] =	sbarrier.arrive $0xFFFF;
	(pc) =	sbr.rel @p0 .LBB2_1-.Ltmp1, $4  }
0x99: {  	[hbm:s15], [sflag:s8] =	dma.local [spmem:s17], $0x2800  }
0x9a: {  	_ =	swait.ge [sflag:s18], $0x2800  }
0x9b: {  	[sflag:s18] =	ssyncset.done $0x0  }
0x9c: {  	[sflag:s18] =	ssyncadd.s32 $0xFFFFD800  }
0x9d: {  	_ =	sfence.sel $0x180000  }
0x9e: {  	[bflag:$0x0] =	sbarrier.arrive $0xFFFF  }
0x9f: {  	_ =	strace $0x90000050  }
0xa0: {  	s0 =	stileid.u32;
	[bflag:$0x2] =	sbarrier.arrive $0xFFFF  }
0xa1: {  	p0 =	sne.s32 s0, $0x0;
	s0 =	rddreg [dreg:$0x2]  }
0xa2: {  	s0 =	sadd.s32 @!p0 $0x100000, s0  }
0xa3: {  	[sflag:s0] =	ssyncadd.tile.s32 @!p0 $0x1;
	_ =	shalt  }
.Lfunc_end2:
_tile_overlayer_lowered:
.L_overlay_start_2:
0xa4: {  	(tag) =	ssettag $0x2  }
0xa5: {  	s0 =	rddreg [dreg:$0x0];
	s2 =	stileid.u32  }
0xa6: {  	s1 =	rddreg [dreg:$0x1];
	p0 =	sne.s32 s2, $0x0  }
0xa7: {  	s3 =	rddreg [dreg:$0x2];
	[bflag:$0x3] =	sbarrier.arrive $0xFFFF;
	s2 =	simm.s32 @!p0 $0x1C04  }
0xa8: {  	[timem:s3], [sflag:s2] =	dma.local @!p0 [hbm:s0], s1  }
0xa9: {  	s0 =	simm.s32 @!p0 $0x4  }
0xaa: {  	_ =	swait.ge @!p0 [sflag:s0], s1  }
0xab: {  	s1 =	ssub.s32 @!p0 $0x0, s1;
	[sflag:s0] =	ssyncset.done @!p0 $0x0  }
0xac: {  	[sflag:s0] =	ssyncadd.s32 @!p0 s1  }
0xad: {  	[bflag:$0x3] =	sbarrier.arrive $0xFFFF  }
0xae: {  	_ =	shalt  }

</sc_bundles>
